<compile_context>
chip_gen: v7x
topology: tpu7x:2x2x1
jax: 0.10.2.dev20260603
libtpu: 0.0.44.dev20260713+nightly
codegen_flags: <defaults>
</compile_context>

<pallas_src>
import functools

import jax
import jax.numpy as jnp
from jax import lax
from jax.experimental import pallas as pl
from jax.experimental.pallas import tpu as pltpu
from jax.experimental.pallas import tpu_sc as plsc

B = 128
N = 32768
A = 4
NC = 2
NS = 16
NW = NC * NS
BPW = B // NW
L = 16
GRP = 512
NG = N // GRP
VPG = GRP // L
CHK = 8192
CPB = N // CHK
GPC = CHK // GRP
STEPS = BPW * CPB
BIG = 1 << 20


def _sreduce(vec, init, op):
    acc = init
    for i in range(L):
        acc = op(acc, vec[i])
    return acc


def _planner_body(ev_hbm, act_hbm, out_hbm, buf0_v, buf1_v, buf2_v, buf3_v,
                  cbuf_v, gbuf_v, obuf_v, mg_v, gs_v,
                  sem0, sem1, sem2, sem3, csem, gsem):
    wid = lax.axis_index("s") * NC + lax.axis_index("c")
    iota = lax.iota(jnp.int32, L)
    bufs = (buf0_v, buf1_v, buf2_v, buf3_v)
    sems = (sem0, sem1, sem2, sem3)
    b0 = wid * BPW

    def start(c, p):
        src = (b0 + lax.shift_right_logical(c, 2)) * N \
            + lax.bitwise_and(c, CPB - 1) * CHK
        pltpu.async_copy(
            ev_hbm.at[pl.ds(pl.multiple_of(src, L), CHK)], bufs[p], sems[p])

    for pp in range(4):
        start(jnp.int32(pp), pp)

    def super_body(s, carry):
        macc, gacc = carry
        for p in range(4):
            c = s * 4 + p
            pltpu.make_async_copy(
                ev_hbm.at[pl.ds(0, CHK)], bufs[p], sems[p]).wait()
            buf = bufs[p]

            def group_body(j, carry, buf=buf, c=c):
                macc, gacc = carry
                base = j * GRP
                m0 = buf[pl.ds(base, L)]
                m1 = buf[pl.ds(base + L, L)]
                m2 = buf[pl.ds(base + 2 * L, L)]
                m3 = buf[pl.ds(base + 3 * L, L)]
                for t in range(4, VPG, 4):
                    m0 = jnp.maximum(m0, buf[pl.ds(base + t * L, L)])
                    m1 = jnp.maximum(m1, buf[pl.ds(base + (t + 1) * L, L)])
                    m2 = jnp.maximum(m2, buf[pl.ds(base + (t + 2) * L, L)])
                    m3 = jnp.maximum(m3, buf[pl.ds(base + (t + 3) * L, L)])
                mm = jnp.maximum(jnp.maximum(m0, m1), jnp.maximum(m2, m3))
                upd = mm > macc
                g = lax.bitwise_and(c, CPB - 1) * GPC + j
                return jnp.where(upd, mm, macc), jnp.where(upd, g, gacc)

            macc, gacc = lax.fori_loop(0, GPC, group_body, (macc, gacc))

            @pl.when(c + 4 < STEPS)
            def _(c=c, p=p):
                start(c + 4, p)

            boundary = lax.bitwise_and(c, CPB - 1) == CPB - 1

            @pl.when(boundary)
            def _(c=c, macc=macc, gacc=gacc):
                rr = lax.shift_right_logical(c, 2)
                m = _sreduce(macc, jnp.float32(-jnp.inf), jnp.maximum)
                gcand = jnp.where(macc == m, gacc, BIG)
                gstar = _sreduce(gcand, jnp.int32(BIG), jnp.minimum)
                mg_v[pl.ds(rr * L, L)] = m + jnp.zeros((L,), jnp.float32)
                gs_v[pl.ds(rr * L, L)] = gstar + jnp.zeros((L,), jnp.int32)
                src = (b0 + rr) * N + gstar * GRP
                pltpu.async_copy(
                    ev_hbm.at[pl.ds(pl.multiple_of(src, L), GRP)],
                    cbuf_v.at[pl.ds(rr * GRP, GRP)], csem)

            macc = jnp.where(boundary, jnp.float32(-jnp.inf), macc)
            gacc = jnp.where(boundary, jnp.int32(BIG), gacc)
        return macc, gacc

    lax.fori_loop(
        0, STEPS // 4, super_body,
        (jnp.full((L,), -jnp.inf, jnp.float32),
         jnp.full((L,), BIG, jnp.int32)))

    pltpu.make_async_copy(
        ev_hbm.at[pl.ds(0, BPW * GRP)], cbuf_v, csem).wait()
    idxs = []
    for r in range(BPW):
        mv = mg_v[pl.ds(r * L, L)]

        def cfind_body(q, acc, r=r, mv=mv):
            for u in range(4):
                j = q * 4 + u
                v = cbuf_v[pl.ds(r * GRP + j * L, L)]
                acc = jnp.where(v == mv, jnp.minimum(acc, j), acc)
            return acc

        jacc = lax.fori_loop(
            0, VPG // 4, cfind_body, jnp.full((L,), BIG, jnp.int32))
        rel = _sreduce(jacc * L + iota, jnp.int32(BIG * L * 2), jnp.minimum)
        idx = gs_v[pl.ds(r * L, L)][0] * GRP + rel
        idxs.append(idx)
        grp = (b0 + r) * (N * A) + lax.shift_right_logical(idx, 7) * 512
        pltpu.async_copy(act_hbm.at[pl.ds(pl.multiple_of(grp, L), 512)],
                         gbuf_v.at[pl.ds(r * 512, 512)], gsem)

    pltpu.make_async_copy(
        act_hbm.at[pl.ds(0, BPW * 512)], gbuf_v, gsem).wait()
    outv = jnp.zeros((L,), jnp.float32)
    for r in range(BPW):
        off = lax.bitwise_and(idxs[r], 127)
        o8 = lax.bitwise_and(off, 7)
        base8 = r * 512 + off - o8
        for a in range(A):
            va = gbuf_v[pl.ds(pl.multiple_of(base8 + a * 128, 8), L)]
            sa = va[7]
            for i in range(6, -1, -1):
                sa = jnp.where(o8 == i, va[i], sa)
            outv = jnp.where(iota == r * A + a, sa, outv)
    obuf_v[...] = outv
    pltpu.sync_copy(
        obuf_v, out_hbm.at[pl.ds(pl.multiple_of(wid * L, L), L)])


_planner = functools.partial(
    pl.kernel,
    out_type=jax.ShapeDtypeStruct((B * A,), jnp.float32),
    mesh=plsc.VectorSubcoreMesh(core_axis_name="c", subcore_axis_name="s"),
    scratch_types=[
        pltpu.VMEM((CHK,), jnp.float32),
        pltpu.VMEM((CHK,), jnp.float32),
        pltpu.VMEM((CHK,), jnp.float32),
        pltpu.VMEM((CHK,), jnp.float32),
        pltpu.VMEM((BPW * GRP,), jnp.float32),
        pltpu.VMEM((BPW * 512,), jnp.float32),
        pltpu.VMEM((L,), jnp.float32),
        pltpu.VMEM((BPW * L,), jnp.float32),
        pltpu.VMEM((BPW * L,), jnp.int32),
        pltpu.SemaphoreType.DMA,
        pltpu.SemaphoreType.DMA,
        pltpu.SemaphoreType.DMA,
        pltpu.SemaphoreType.DMA,
        pltpu.SemaphoreType.DMA,
        pltpu.SemaphoreType.DMA,
    ],
)(_planner_body)


def kernel(estimated_value, action):
    ev = estimated_value.reshape(B * N)
    act = action.reshape(B, N // 128, 128, A)
    act = act.transpose(0, 1, 3, 2).reshape(B * N * A)
    out = _planner(ev, act)
    return out.reshape(B, A)

# --- scband reference (transcript-rebuilt; emitter-appended) ---
"""Pipeline reference for scband-planning-module-44770739094187 (READ-ONLY COPY).

The authoritative reference and input builder live on the scoring server;
editing this copy changes nothing except your own understanding.
"""

import jax, jax.numpy as jnp
import numpy as np


def setup_inputs(seed: int = 0) -> dict:
    key = jax.random.key(seed)
    k1, k2 = jax.random.split(key)
    estimated_value = jax.random.normal(k1, (128, 32768, 1), dtype=jnp.float32)
    action = jax.random.normal(k2, (128, 32768, 4), dtype=jnp.float32)
    return {"estimated_value": estimated_value, "action": action}


def reference(estimated_value, action):
    # argmax over candidate axis (dim=-2), keepdim -> [B, 1, 1]
    action_index = jnp.argmax(estimated_value, axis=-2, keepdims=True)
    # expand last dim to action_dim=4 -> [B, 1, 4]
    action_index = jnp.broadcast_to(
        action_index, (action_index.shape[0], 1, action.shape[-1])
    )
    # gather along dim=-2 then squeeze -> [B, 4]
    action_sampled = jnp.take_along_axis(action, action_index, axis=-2)
    action_sampled = jnp.squeeze(action_sampled, axis=-2)
    return action_sampled

if __name__ == "__main__":
    import jax
    _d = setup_inputs()
    print(jax.jit(kernel)(*tuple(_d.values())))

</pallas_src>

<mosaic_0001>
#map = affine_map<(d0, d1) -> (0)>
module attributes {stable_mosaic.version = 14 : i64} {
  func.func @_planner_body(%arg0: i32, %arg1: i32, %arg2: memref<4194304xf32, #tpu.memory_space<hbm>>, %arg3: memref<16777216xf32, #tpu.memory_space<hbm>>, %arg4: memref<512xf32, #tpu.memory_space<hbm>>, %arg5: memref<8192xf32, #tpu.memory_space<vmem>>, %arg6: memref<8192xf32, #tpu.memory_space<vmem>>, %arg7: memref<8192xf32, #tpu.memory_space<vmem>>, %arg8: memref<8192xf32, #tpu.memory_space<vmem>>, %arg9: memref<2048xf32, #tpu.memory_space<vmem>>, %arg10: memref<2048xf32, #tpu.memory_space<vmem>>, %arg11: memref<16xf32, #tpu.memory_space<vmem>>, %arg12: memref<64xf32, #tpu.memory_space<vmem>>, %arg13: memref<64xi32, #tpu.memory_space<vmem>>, %arg14: memref<!tpu.dma_semaphore, #tpu.memory_space<semaphore_mem>>, %arg15: memref<!tpu.dma_semaphore, #tpu.memory_space<semaphore_mem>>, %arg16: memref<!tpu.dma_semaphore, #tpu.memory_space<semaphore_mem>>, %arg17: memref<!tpu.dma_semaphore, #tpu.memory_space<semaphore_mem>>, %arg18: memref<!tpu.dma_semaphore, #tpu.memory_space<semaphore_mem>>, %arg19: memref<!tpu.dma_semaphore, #tpu.memory_space<semaphore_mem>>) attributes {dimension_semantics = [#tpu.dimension_semantics<core_parallel>, #tpu.dimension_semantics<subcore_parallel>], iteration_bounds = array<i64: 2, 16>, scalar_prefetch = 0 : i64, scratch_operands = 15 : i64, tpu.core_type = #tpu.core_type<sc_vector_subcore>, window_params = [{transform_indices = #map}, {transform_indices = #map}, {transform_indices = #map}]} {
    %mul3A = arith.constant 2 : i32
    %mul3A_0 = arith.muli %arg1, %mul3A : i32
    %add3A = arith.addi %mul3A_0, %arg0 : i32
    %iota3A = tpu.iota {dimensions = array<i32: 0>} : vector<16xi32>
    %mul3A_1 = arith.constant 4 : i32
    %mul3A_2 = arith.muli %add3A, %mul3A_1 : i32
    %shift_right_logical3A = arith.constant 0 : i32
    %shift_right_logical3A_3 = arith.constant 2 : i32
    %shift_right_logical3A_4 = arith.shrui %shift_right_logical3A, %shift_right_logical3A_3 : i32
    %add3A_5 = arith.addi %mul3A_2, %shift_right_logical3A_4 : i32
    %mul3A_6 = arith.constant 32768 : i32
    %mul3A_7 = arith.muli %add3A_5, %mul3A_6 : i32
    %and3A = arith.constant 0 : i32
    %and3A_8 = arith.constant 3 : i32
    %and3A_9 = arith.andi %and3A, %and3A_8 : i32
    %mul3A_10 = arith.constant 8192 : i32
    %mul3A_11 = arith.muli %and3A_9, %mul3A_10 : i32
    %add3A_12 = arith.addi %mul3A_7, %mul3A_11 : i32
    %multiple_of3A = tpu.assume_multiple %add3A_12, 16 : i32
    %dma_start3A = tpu.memref_slice %arg2[%multiple_of3A] : memref<4194304xf32, #tpu.memory_space<hbm>> -> memref<8192xf32, #tpu.memory_space<hbm>>
    %dma_start3A_13 = tpu.memref_slice %arg2[%multiple_of3A] : memref<4194304xf32, #tpu.memory_space<hbm>> -> memref<8192xf32, #tpu.memory_space<hbm>>
    tpu.enqueue_dma source(%dma_start3A_13 : memref<8192xf32, #tpu.memory_space<hbm>>) target(%arg5 : memref<8192xf32, #tpu.memory_space<vmem>>) target_semaphore(%arg14 : memref<!tpu.dma_semaphore, #tpu.memory_space<semaphore_mem>>)
    %shift_right_logical3A_14 = arith.constant 1 : i32
    %shift_right_logical3A_15 = arith.constant 2 : i32
    %shift_right_logical3A_16 = arith.shrui %shift_right_logical3A_14, %shift_right_logical3A_15 : i32
    %add3A_17 = arith.addi %mul3A_2, %shift_right_logical3A_16 : i32
    %mul3A_18 = arith.constant 32768 : i32
    %mul3A_19 = arith.muli %add3A_17, %mul3A_18 : i32
    %and3A_20 = arith.constant 1 : i32
    %and3A_21 = arith.constant 3 : i32
    %and3A_22 = arith.andi %and3A_20, %and3A_21 : i32
    %mul3A_23 = arith.constant 8192 : i32
    %mul3A_24 = arith.muli %and3A_22, %mul3A_23 : i32
    %add3A_25 = arith.addi %mul3A_19, %mul3A_24 : i32
    %multiple_of3A_26 = tpu.assume_multiple %add3A_25, 16 : i32
    %dma_start3A_27 = tpu.memref_slice %arg2[%multiple_of3A_26] : memref<4194304xf32, #tpu.memory_space<hbm>> -> memref<8192xf32, #tpu.memory_space<hbm>>
    %dma_start3A_28 = tpu.memref_slice %arg2[%multiple_of3A_26] : memref<4194304xf32, #tpu.memory_space<hbm>> -> memref<8192xf32, #tpu.memory_space<hbm>>
    tpu.enqueue_dma source(%dma_start3A_28 : memref<8192xf32, #tpu.memory_space<hbm>>) target(%arg6 : memref<8192xf32, #tpu.memory_space<vmem>>) target_semaphore(%arg15 : memref<!tpu.dma_semaphore, #tpu.memory_space<semaphore_mem>>)
    %shift_right_logical3A_29 = arith.constant 2 : i32
    %shift_right_logical3A_30 = arith.constant 2 : i32
    %shift_right_logical3A_31 = arith.shrui %shift_right_logical3A_29, %shift_right_logical3A_30 : i32
    %add3A_32 = arith.addi %mul3A_2, %shift_right_logical3A_31 : i32
    %mul3A_33 = arith.constant 32768 : i32
    %mul3A_34 = arith.muli %add3A_32, %mul3A_33 : i32
    %and3A_35 = arith.constant 2 : i32
    %and3A_36 = arith.constant 3 : i32
    %and3A_37 = arith.andi %and3A_35, %and3A_36 : i32
    %mul3A_38 = arith.constant 8192 : i32
    %mul3A_39 = arith.muli %and3A_37, %mul3A_38 : i32
    %add3A_40 = arith.addi %mul3A_34, %mul3A_39 : i32
    %multiple_of3A_41 = tpu.assume_multiple %add3A_40, 16 : i32
    %dma_start3A_42 = tpu.memref_slice %arg2[%multiple_of3A_41] : memref<4194304xf32, #tpu.memory_space<hbm>> -> memref<8192xf32, #tpu.memory_space<hbm>>
    %dma_start3A_43 = tpu.memref_slice %arg2[%multiple_of3A_41] : memref<4194304xf32, #tpu.memory_space<hbm>> -> memref<8192xf32, #tpu.memory_space<hbm>>
    tpu.enqueue_dma source(%dma_start3A_43 : memref<8192xf32, #tpu.memory_space<hbm>>) target(%arg7 : memref<8192xf32, #tpu.memory_space<vmem>>) target_semaphore(%arg16 : memref<!tpu.dma_semaphore, #tpu.memory_space<semaphore_mem>>)
    %shift_right_logical3A_44 = arith.constant 3 : i32
    %shift_right_logical3A_45 = arith.constant 2 : i32
    %shift_right_logical3A_46 = arith.shrui %shift_right_logical3A_44, %shift_right_logical3A_45 : i32
    %add3A_47 = arith.addi %mul3A_2, %shift_right_logical3A_46 : i32
    %mul3A_48 = arith.constant 32768 : i32
    %mul3A_49 = arith.muli %add3A_47, %mul3A_48 : i32
    %and3A_50 = arith.constant 3 : i32
    %and3A_51 = arith.constant 3 : i32
    %and3A_52 = arith.andi %and3A_50, %and3A_51 : i32
    %mul3A_53 = arith.constant 8192 : i32
    %mul3A_54 = arith.muli %and3A_52, %mul3A_53 : i32
    %add3A_55 = arith.addi %mul3A_49, %mul3A_54 : i32
    %multiple_of3A_56 = tpu.assume_multiple %add3A_55, 16 : i32
    %dma_start3A_57 = tpu.memref_slice %arg2[%multiple_of3A_56] : memref<4194304xf32, #tpu.memory_space<hbm>> -> memref<8192xf32, #tpu.memory_space<hbm>>
    %dma_start3A_58 = tpu.memref_slice %arg2[%multiple_of3A_56] : memref<4194304xf32, #tpu.memory_space<hbm>> -> memref<8192xf32, #tpu.memory_space<hbm>>
    tpu.enqueue_dma source(%dma_start3A_58 : memref<8192xf32, #tpu.memory_space<hbm>>) target(%arg8 : memref<8192xf32, #tpu.memory_space<vmem>>) target_semaphore(%arg17 : memref<!tpu.dma_semaphore, #tpu.memory_space<semaphore_mem>>)
    %broadcast_in_dim3A = arith.constant 0xFF800000 : f32
    %broadcast_in_dim3A_59 = vector.broadcast %broadcast_in_dim3A : f32 to vector<16xf32>
    %broadcast_in_dim3A_60 = arith.constant 1048576 : i32
    %broadcast_in_dim3A_61 = vector.broadcast %broadcast_in_dim3A_60 : i32 to vector<16xi32>
    %scan3A = arith.constant 0 : i32
    %scan3A_62 = arith.constant 4 : i32
    %scan3A_63 = arith.addi %scan3A, %scan3A_62 : i32
    %scan3A_64 = arith.constant 1 : i32
    %scan3A_65:2 = scf.for %scan3A_1223 = %scan3A to %scan3A_63 step %scan3A_64 iter_args(%scan3A_1224 = %broadcast_in_dim3A_59, %scan3A_1225 = %broadcast_in_dim3A_61) -> (vector<16xf32>, vector<16xi32>)  : i32 {
      %mul3A_1226 = arith.constant 4 : i32
      %mul3A_1227 = arith.muli %scan3A_1223, %mul3A_1226 : i32
      %add3A_1228 = arith.constant 0 : i32
      %add3A_1229 = arith.addi %mul3A_1227, %add3A_1228 : i32
      %dma_wait3A_1230 = arith.constant 0 : i32
      %dma_wait3A_1231 = tpu.memref_slice %arg2[%dma_wait3A_1230] : memref<4194304xf32, #tpu.memory_space<hbm>> -> memref<8192xf32, #tpu.memory_space<hbm>>
      %dma_wait3A_1232 = arith.constant 0 : i32
      %dma_wait3A_1233 = tpu.memref_slice %arg2[%dma_wait3A_1232] : memref<4194304xf32, #tpu.memory_space<hbm>> -> memref<8192xf32, #tpu.memory_space<hbm>>
      tpu.wait_dma2 semaphore(%arg14 : memref<!tpu.dma_semaphore, #tpu.memory_space<semaphore_mem>>) src(%dma_wait3A_1233 : memref<8192xf32, #tpu.memory_space<hbm>>) dst(%arg5 : memref<8192xf32, #tpu.memory_space<vmem>>)
      %scan3A_1234 = arith.constant 0 : i32
      %scan3A_1235 = arith.constant 16 : i32
      %scan3A_1236 = arith.addi %scan3A_1234, %scan3A_1235 : i32
      %scan3A_1237 = arith.constant 1 : i32
      %scan3A_1238:2 = scf.for %scan3A_1358 = %scan3A_1234 to %scan3A_1236 step %scan3A_1237 iter_args(%scan3A_1359 = %scan3A_1224, %scan3A_1360 = %scan3A_1225) -> (vector<16xf32>, vector<16xi32>)  : i32 {
        %mul3A_1361 = arith.constant 512 : i32
        %mul3A_1362 = arith.muli %scan3A_1358, %mul3A_1361 : i32
        %get3A_1363 = arith.index_cast %mul3A_1362 : i32 to index
        %get3A_1364 = tpu.vector_load %arg5[%get3A_1363] {strides = array<i32>} : memref<8192xf32, #tpu.memory_space<vmem>>, vector<16xf32>,
        %get3A_1365 = vector.shape_cast %get3A_1364 : vector<16xf32> to vector<16xf32>
        %add3A_1366 = arith.constant 16 : i32
        %add3A_1367 = arith.addi %mul3A_1362, %add3A_1366 : i32
        %get3A_1368 = arith.index_cast %add3A_1367 : i32 to index
        %get3A_1369 = tpu.vector_load %arg5[%get3A_1368] {strides = array<i32>} : memref<8192xf32, #tpu.memory_space<vmem>>, vector<16xf32>,
        %get3A_1370 = vector.shape_cast %get3A_1369 : vector<16xf32> to vector<16xf32>
        %add3A_1371 = arith.constant 32 : i32
        %add3A_1372 = arith.addi %mul3A_1362, %add3A_1371 : i32
        %get3A_1373 = arith.index_cast %add3A_1372 : i32 to index
        %get3A_1374 = tpu.vector_load %arg5[%get3A_1373] {strides = array<i32>} : memref<8192xf32, #tpu.memory_space<vmem>>, vector<16xf32>,
        %get3A_1375 = vector.shape_cast %get3A_1374 : vector<16xf32> to vector<16xf32>
        %add3A_1376 = arith.constant 48 : i32
        %add3A_1377 = arith.addi %mul3A_1362, %add3A_1376 : i32
        %get3A_1378 = arith.index_cast %add3A_1377 : i32 to index
        %get3A_1379 = tpu.vector_load %arg5[%get3A_1378] {strides = array<i32>} : memref<8192xf32, #tpu.memory_space<vmem>>, vector<16xf32>,
        %get3A_1380 = vector.shape_cast %get3A_1379 : vector<16xf32> to vector<16xf32>
        %add3A_1381 = arith.constant 64 : i32
        %add3A_1382 = arith.addi %mul3A_1362, %add3A_1381 : i32
        %get3A_1383 = arith.index_cast %add3A_1382 : i32 to index
        %get3A_1384 = tpu.vector_load %arg5[%get3A_1383] {strides = array<i32>} : memref<8192xf32, #tpu.memory_space<vmem>>, vector<16xf32>,
        %get3A_1385 = vector.shape_cast %get3A_1384 : vector<16xf32> to vector<16xf32>
        %max3A = arith.maximumf %get3A_1365, %get3A_1385 : vector<16xf32>
        %add3A_1386 = arith.constant 80 : i32
        %add3A_1387 = arith.addi %mul3A_1362, %add3A_1386 : i32
        %get3A_1388 = arith.index_cast %add3A_1387 : i32 to index
        %get3A_1389 = tpu.vector_load %arg5[%get3A_1388] {strides = array<i32>} : memref<8192xf32, #tpu.memory_space<vmem>>, vector<16xf32>,
        %get3A_1390 = vector.shape_cast %get3A_1389 : vector<16xf32> to vector<16xf32>
        %max3A_1391 = arith.maximumf %get3A_1370, %get3A_1390 : vector<16xf32>
        %add3A_1392 = arith.constant 96 : i32
        %add3A_1393 = arith.addi %mul3A_1362, %add3A_1392 : i32
        %get3A_1394 = arith.index_cast %add3A_1393 : i32 to index
        %get3A_1395 = tpu.vector_load %arg5[%get3A_1394] {strides = array<i32>} : memref<8192xf32, #tpu.memory_space<vmem>>, vector<16xf32>,
        %get3A_1396 = vector.shape_cast %get3A_1395 : vector<16xf32> to vector<16xf32>
        %max3A_1397 = arith.maximumf %get3A_1375, %get3A_1396 : vector<16xf32>
        %add3A_1398 = arith.constant 112 : i32
        %add3A_1399 = arith.addi %mul3A_1362, %add3A_1398 : i32
        %get3A_1400 = arith.index_cast %add3A_1399 : i32 to index
        %get3A_1401 = tpu.vector_load %arg5[%get3A_1400] {strides = array<i32>} : memref<8192xf32, #tpu.memory_space<vmem>>, vector<16xf32>,
        %get3A_1402 = vector.shape_cast %get3A_1401 : vector<16xf32> to vector<16xf32>
        %max3A_1403 = arith.maximumf %get3A_1380, %get3A_1402 : vector<16xf32>
        %add3A_1404 = arith.constant 128 : i32
        %add3A_1405 = arith.addi %mul3A_1362, %add3A_1404 : i32
        %get3A_1406 = arith.index_cast %add3A_1405 : i32 to index
        %get3A_1407 = tpu.vector_load %arg5[%get3A_1406] {strides = array<i32>} : memref<8192xf32, #tpu.memory_space<vmem>>, vector<16xf32>,
        %get3A_1408 = vector.shape_cast %get3A_1407 : vector<16xf32> to vector<16xf32>
        %max3A_1409 = arith.maximumf %max3A, %get3A_1408 : vector<16xf32>
        %add3A_1410 = arith.constant 144 : i32
        %add3A_1411 = arith.addi %mul3A_1362, %add3A_1410 : i32
        %get3A_1412 = arith.index_cast %add3A_1411 : i32 to index
        %get3A_1413 = tpu.vector_load %arg5[%get3A_1412] {strides = array<i32>} : memref<8192xf32, #tpu.memory_space<vmem>>, vector<16xf32>,
        %get3A_1414 = vector.shape_cast %get3A_1413 : vector<16xf32> to vector<16xf32>
        %max3A_1415 = arith.maximumf %max3A_1391, %get3A_1414 : vector<16xf32>
        %add3A_1416 = arith.constant 160 : i32
        %add3A_1417 = arith.addi %mul3A_1362, %add3A_1416 : i32
        %get3A_1418 = arith.index_cast %add3A_1417 : i32 to index
        %get3A_1419 = tpu.vector_load %arg5[%get3A_1418] {strides = array<i32>} : memref<8192xf32, #tpu.memory_space<vmem>>, vector<16xf32>,
        %get3A_1420 = vector.shape_cast %get3A_1419 : vector<16xf32> to vector<16xf32>
        %max3A_1421 = arith.maximumf %max3A_1397, %get3A_1420 : vector<16xf32>
        %add3A_1422 = arith.constant 176 : i32
        %add3A_1423 = arith.addi %mul3A_1362, %add3A_1422 : i32
        %get3A_1424 = arith.index_cast %add3A_1423 : i32 to index
        %get3A_1425 = tpu.vector_load %arg5[%get3A_1424] {strides = array<i32>} : memref<8192xf32, #tpu.memory_space<vmem>>, vector<16xf32>,
        %get3A_1426 = vector.shape_cast %get3A_1425 : vector<16xf32> to vector<16xf32>
        %max3A_1427 = arith.maximumf %max3A_1403, %get3A_1426 : vector<16xf32>
        %add3A_1428 = arith.constant 192 : i32
        %add3A_1429 = arith.addi %mul3A_1362, %add3A_1428 : i32
        %get3A_1430 = arith.index_cast %add3A_1429 : i32 to index
        %get3A_1431 = tpu.vector_load %arg5[%get3A_1430] {strides = array<i32>} : memref<8192xf32, #tpu.memory_space<vmem>>, vector<16xf32>,
        %get3A_1432 = vector.shape_cast %get3A_1431 : vector<16xf32> to vector<16xf32>
        %max3A_1433 = arith.maximumf %max3A_1409, %get3A_1432 : vector<16xf32>
        %add3A_1434 = arith.constant 208 : i32
        %add3A_1435 = arith.addi %mul3A_1362, %add3A_1434 : i32
        %get3A_1436 = arith.index_cast %add3A_1435 : i32 to index
        %get3A_1437 = tpu.vector_load %arg5[%get3A_1436] {strides = array<i32>} : memref<8192xf32, #tpu.memory_space<vmem>>, vector<16xf32>,
        %get3A_1438 = vector.shape_cast %get3A_1437 : vector<16xf32> to vector<16xf32>
        %max3A_1439 = arith.maximumf %max3A_1415, %get3A_1438 : vector<16xf32>
        %add3A_1440 = arith.constant 224 : i32
        %add3A_1441 = arith.addi %mul3A_1362, %add3A_1440 : i32
        %get3A_1442 = arith.index_cast %add3A_1441 : i32 to index
        %get3A_1443 = tpu.vector_load %arg5[%get3A_1442] {strides = array<i32>} : memref<8192xf32, #tpu.memory_space<vmem>>, vector<16xf32>,
        %get3A_1444 = vector.shape_cast %get3A_1443 : vector<16xf32> to vector<16xf32>
        %max3A_1445 = arith.maximumf %max3A_1421, %get3A_1444 : vector<16xf32>
        %add3A_1446 = arith.constant 240 : i32
        %add3A_1447 = arith.addi %mul3A_1362, %add3A_1446 : i32
        %get3A_1448 = arith.index_cast %add3A_1447 : i32 to index
        %get3A_1449 = tpu.vector_load %arg5[%get3A_1448] {strides = array<i32>} : memref<8192xf32, #tpu.memory_space<vmem>>, vector<16xf32>,
        %get3A_1450 = vector.shape_cast %get3A_1449 : vector<16xf32> to vector<16xf32>
        %max3A_1451 = arith.maximumf %max3A_1427, %get3A_1450 : vector<16xf32>
        %add3A_1452 = arith.constant 256 : i32
        %add3A_1453 = arith.addi %mul3A_1362, %add3A_1452 : i32
        %get3A_1454 = arith.index_cast %add3A_1453 : i32 to index
        %get3A_1455 = tpu.vector_load %arg5[%get3A_1454] {strides = array<i32>} : memref<8192xf32, #tpu.memory_space<vmem>>, vector<16xf32>,
        %get3A_1456 = vector.shape_cast %get3A_1455 : vector<16xf32> to vector<16xf32>
        %max3A_1457 = arith.maximumf %max3A_1433, %get3A_1456 : vector<16xf32>
        %add3A_1458 = arith.constant 272 : i32
        %add3A_1459 = arith.addi %mul3A_1362, %add3A_1458 : i32
        %get3A_1460 = arith.index_cast %add3A_1459 : i32 to index
        %get3A_1461 = tpu.vector_load %arg5[%get3A_1460] {strides = array<i32>} : memref<8192xf32, #tpu.memory_space<vmem>>, vector<16xf32>,
        %get3A_1462 = vector.shape_cast %get3A_1461 : vector<16xf32> to vector<16xf32>
        %max3A_1463 = arith.maximumf %max3A_1439, %get3A_1462 : vector<16xf32>
        %add3A_1464 = arith.constant 288 : i32
        %add3A_1465 = arith.addi %mul3A_1362, %add3A_1464 : i32
        %get3A_1466 = arith.index_cast %add3A_1465 : i32 to index
        %get3A_1467 = tpu.vector_load %arg5[%get3A_1466] {strides = array<i32>} : memref<8192xf32, #tpu.memory_space<vmem>>, vector<16xf32>,
        %get3A_1468 = vector.shape_cast %get3A_1467 : vector<16xf32> to vector<16xf32>
        %max3A_1469 = arith.maximumf %max3A_1445, %get3A_1468 : vector<16xf32>
        %add3A_1470 = arith.constant 304 : i32
        %add3A_1471 = arith.addi %mul3A_1362, %add3A_1470 : i32
        %get3A_1472 = arith.index_cast %add3A_1471 : i32 to index
        %get3A_1473 = tpu.vector_load %arg5[%get3A_1472] {strides = array<i32>} : memref<8192xf32, #tpu.memory_space<vmem>>, vector<16xf32>,
        %get3A_1474 = vector.shape_cast %get3A_1473 : vector<16xf32> to vector<16xf32>
        %max3A_1475 = arith.maximumf %max3A_1451, %get3A_1474 : vector<16xf32>
        %add3A_1476 = arith.constant 320 : i32
        %add3A_1477 = arith.addi %mul3A_1362, %add3A_1476 : i32
        %get3A_1478 = arith.index_cast %add3A_1477 : i32 to index
        %get3A_1479 = tpu.vector_load %arg5[%get3A_1478] {strides = array<i32>} : memref<8192xf32, #tpu.memory_space<vmem>>, vector<16xf32>,
        %get3A_1480 = vector.shape_cast %get3A_1479 : vector<16xf32> to vector<16xf32>
        %max3A_1481 = arith.maximumf %max3A_1457, %get3A_1480 : vector<16xf32>
        %add3A_1482 = arith.constant 336 : i32
        %add3A_1483 = arith.addi %mul3A_1362, %add3A_1482 : i32
        %get3A_1484 = arith.index_cast %add3A_1483 : i32 to index
        %get3A_1485 = tpu.vector_load %arg5[%get3A_1484] {strides = array<i32>} : memref<8192xf32, #tpu.memory_space<vmem>>, vector<16xf32>,
        %get3A_1486 = vector.shape_cast %get3A_1485 : vector<16xf32> to vector<16xf32>
        %max3A_1487 = arith.maximumf %max3A_1463, %get3A_1486 : vector<16xf32>
        %add3A_1488 = arith.constant 352 : i32
        %add3A_1489 = arith.addi %mul3A_1362, %add3A_1488 : i32
        %get3A_1490 = arith.index_cast %add3A_1489 : i32 to index
        %get3A_1491 = tpu.vector_load %arg5[%get3A_1490] {strides = array<i32>} : memref<8192xf32, #tpu.memory_space<vmem>>, vector<16xf32>,
        %get3A_1492 = vector.shape_cast %get3A_1491 : vector<16xf32> to vector<16xf32>
        %max3A_1493 = arith.maximumf %max3A_1469, %get3A_1492 : vector<16xf32>
        %add3A_1494 = arith.constant 368 : i32
        %add3A_1495 = arith.addi %mul3A_1362, %add3A_1494 : i32
        %get3A_1496 = arith.index_cast %add3A_1495 : i32 to index
        %get3A_1497 = tpu.vector_load %arg5[%get3A_1496] {strides = array<i32>} : memref<8192xf32, #tpu.memory_space<vmem>>, vector<16xf32>,
        %get3A_1498 = vector.shape_cast %get3A_1497 : vector<16xf32> to vector<16xf32>
        %max3A_1499 = arith.maximumf %max3A_1475, %get3A_1498 : vector<16xf32>
        %add3A_1500 = arith.constant 384 : i32
        %add3A_1501 = arith.addi %mul3A_1362, %add3A_1500 : i32
        %get3A_1502 = arith.index_cast %add3A_1501 : i32 to index
        %get3A_1503 = tpu.vector_load %arg5[%get3A_1502] {strides = array<i32>} : memref<8192xf32, #tpu.memory_space<vmem>>, vector<16xf32>,
        %get3A_1504 = vector.shape_cast %get3A_1503 : vector<16xf32> to vector<16xf32>
        %max3A_1505 = arith.maximumf %max3A_1481, %get3A_1504 : vector<16xf32>
        %add3A_1506 = arith.constant 400 : i32
        %add3A_1507 = arith.addi %mul3A_1362, %add3A_1506 : i32
        %get3A_1508 = arith.index_cast %add3A_1507 : i32 to index
        %get3A_1509 = tpu.vector_load %arg5[%get3A_1508] {strides = array<i32>} : memref<8192xf32, #tpu.memory_space<vmem>>, vector<16xf32>,
        %get3A_1510 = vector.shape_cast %get3A_1509 : vector<16xf32> to vector<16xf32>
        %max3A_1511 = arith.maximumf %max3A_1487, %get3A_1510 : vector<16xf32>
        %add3A_1512 = arith.constant 416 : i32
        %add3A_1513 = arith.addi %mul3A_1362, %add3A_1512 : i32
        %get3A_1514 = arith.index_cast %add3A_1513 : i32 to index
        %get3A_1515 = tpu.vector_load %arg5[%get3A_1514] {strides = array<i32>} : memref<8192xf32, #tpu.memory_space<vmem>>, vector<16xf32>,
        %get3A_1516 = vector.shape_cast %get3A_1515 : vector<16xf32> to vector<16xf32>
        %max3A_1517 = arith.maximumf %max3A_1493, %get3A_1516 : vector<16xf32>
        %add3A_1518 = arith.constant 432 : i32
        %add3A_1519 = arith.addi %mul3A_1362, %add3A_1518 : i32
        %get3A_1520 = arith.index_cast %add3A_1519 : i32 to index
        %get3A_1521 = tpu.vector_load %arg5[%get3A_1520] {strides = array<i32>} : memref<8192xf32, #tpu.memory_space<vmem>>, vector<16xf32>,
        %get3A_1522 = vector.shape_cast %get3A_1521 : vector<16xf32> to vector<16xf32>
        %max3A_1523 = arith.maximumf %max3A_1499, %get3A_1522 : vector<16xf32>
        %add3A_1524 = arith.constant 448 : i32
        %add3A_1525 = arith.addi %mul3A_1362, %add3A_1524 : i32
        %get3A_1526 = arith.index_cast %add3A_1525 : i32 to index
        %get3A_1527 = tpu.vector_load %arg5[%get3A_1526] {strides = array<i32>} : memref<8192xf32, #tpu.memory_space<vmem>>, vector<16xf32>,
        %get3A_1528 = vector.shape_cast %get3A_1527 : vector<16xf32> to vector<16xf32>
        %max3A_1529 = arith.maximumf %max3A_1505, %get3A_1528 : vector<16xf32>
        %add3A_1530 = arith.constant 464 : i32
        %add3A_1531 = arith.addi %mul3A_1362, %add3A_1530 : i32
        %get3A_1532 = arith.index_cast %add3A_1531 : i32 to index
        %get3A_1533 = tpu.vector_load %arg5[%get3A_1532] {strides = array<i32>} : memref<8192xf32, #tpu.memory_space<vmem>>, vector<16xf32>,
        %get3A_1534 = vector.shape_cast %get3A_1533 : vector<16xf32> to vector<16xf32>
        %max3A_1535 = arith.maximumf %max3A_1511, %get3A_1534 : vector<16xf32>
        %add3A_1536 = arith.constant 480 : i32
        %add3A_1537 = arith.addi %mul3A_1362, %add3A_1536 : i32
        %get3A_1538 = arith.index_cast %add3A_1537 : i32 to index
        %get3A_1539 = tpu.vector_load %arg5[%get3A_1538] {strides = array<i32>} : memref<8192xf32, #tpu.memory_space<vmem>>, vector<16xf32>,
        %get3A_1540 = vector.shape_cast %get3A_1539 : vector<16xf32> to vector<16xf32>
        %max3A_1541 = arith.maximumf %max3A_1517, %get3A_1540 : vector<16xf32>
        %add3A_1542 = arith.constant 496 : i32
        %add3A_1543 = arith.addi %mul3A_1362, %add3A_1542 : i32
        %get3A_1544 = arith.index_cast %add3A_1543 : i32 to index
        %get3A_1545 = tpu.vector_load %arg5[%get3A_1544] {strides = array<i32>} : memref<8192xf32, #tpu.memory_space<vmem>>, vector<16xf32>,
        %get3A_1546 = vector.shape_cast %get3A_1545 : vector<16xf32> to vector<16xf32>
        %max3A_1547 = arith.maximumf %max3A_1523, %get3A_1546 : vector<16xf32>
        %max3A_1548 = arith.maximumf %max3A_1529, %max3A_1535 : vector<16xf32>
        %max3A_1549 = arith.maximumf %max3A_1541, %max3A_1547 : vector<16xf32>
        %max3A_1550 = arith.maximumf %max3A_1548, %max3A_1549 : vector<16xf32>
        %gt3A = arith.cmpf ogt, %max3A_1550, %scan3A_1359 : vector<16xf32>
        %and3A_1551 = arith.constant 3 : i32
        %and3A_1552 = arith.andi %add3A_1229, %and3A_1551 : i32
        %mul3A_1553 = arith.constant 16 : i32
        %mul3A_1554 = arith.muli %and3A_1552, %mul3A_1553 : i32
        %add3A_1555 = arith.addi %mul3A_1554, %scan3A_1358 : i32
        %select_n3A_1556 = arith.select %gt3A, %max3A_1550, %scan3A_1359 : vector<16xi1>, vector<16xf32>
        %broadcast_in_dim3A_1557 = vector.broadcast %add3A_1555 : i32 to vector<16xi32>
        %select_n3A_1558 = arith.select %gt3A, %broadcast_in_dim3A_1557, %scan3A_1360 : vector<16xi1>, vector<16xi32>
        scf.yield %select_n3A_1556, %select_n3A_1558 : vector<16xf32>, vector<16xi32>
      }
      %scan3A_1239 = arith.constant 16 : i32
      %add3A_1240 = arith.constant 4 : i32
      %add3A_1241 = arith.addi %add3A_1229, %add3A_1240 : i32
      %lt3A = arith.constant 16 : i32
      %lt3A_1242 = arith.cmpi slt, %add3A_1241, %lt3A : i32
      %convert_element_type3A = arith.extui %lt3A_1242 : i1 to i32
      %cond3A = arith.constant 0 : i32
      %cond3A_1243 = arith.cmpi ne, %convert_element_type3A, %cond3A : i32
      scf.if %cond3A_1243 {
        %add3A_1358 = arith.constant 4 : i32
        %add3A_1359 = arith.addi %add3A_1229, %add3A_1358 : i32
        %shift_right_logical3A_1360 = arith.constant 2 : i32
        %shift_right_logical3A_1361 = arith.shrui %add3A_1359, %shift_right_logical3A_1360 : i32
        %add3A_1362 = arith.addi %mul3A_2, %shift_right_logical3A_1361 : i32
        %mul3A_1363 = arith.constant 32768 : i32
        %mul3A_1364 = arith.muli %add3A_1362, %mul3A_1363 : i32
        %and3A_1365 = arith.constant 3 : i32
        %and3A_1366 = arith.andi %add3A_1359, %and3A_1365 : i32
        %mul3A_1367 = arith.constant 8192 : i32
        %mul3A_1368 = arith.muli %and3A_1366, %mul3A_1367 : i32
        %add3A_1369 = arith.addi %mul3A_1364, %mul3A_1368 : i32
        %multiple_of3A_1370 = tpu.assume_multiple %add3A_1369, 16 : i32
        %dma_start3A_1371 = tpu.memref_slice %arg2[%multiple_of3A_1370] : memref<4194304xf32, #tpu.memory_space<hbm>> -> memref<8192xf32, #tpu.memory_space<hbm>>
        %dma_start3A_1372 = tpu.memref_slice %arg2[%multiple_of3A_1370] : memref<4194304xf32, #tpu.memory_space<hbm>> -> memref<8192xf32, #tpu.memory_space<hbm>>
        tpu.enqueue_dma source(%dma_start3A_1372 : memref<8192xf32, #tpu.memory_space<hbm>>) target(%arg5 : memref<8192xf32, #tpu.memory_space<vmem>>) target_semaphore(%arg14 : memref<!tpu.dma_semaphore, #tpu.memory_space<semaphore_mem>>)
      } else {
      }
      %and3A_1244 = arith.constant 3 : i32
      %and3A_1245 = arith.andi %add3A_1229, %and3A_1244 : i32
      %eq3A_1246 = arith.constant 3 : i32
      %eq3A_1247 = arith.cmpi eq, %and3A_1245, %eq3A_1246 : i32
      %convert_element_type3A_1248 = arith.extui %eq3A_1247 : i1 to i32
      %cond3A_1249 = arith.constant 0 : i32
      %cond3A_1250 = arith.cmpi ne, %convert_element_type3A_1248, %cond3A_1249 : i32
      scf.if %cond3A_1250 {
        %shift_right_logical3A_1358 = arith.constant 2 : i32
        %shift_right_logical3A_1359 = arith.shrui %add3A_1229, %shift_right_logical3A_1358 : i32
        %slice3A_1360 = vector.extract_strided_slice %scan3A_1238#0 {offsets = [0], sizes = [1], strides = [1]} : vector<16xf32> to vector<1xf32>
        %squeeze3A_1361 = vector.extract %slice3A_1360[0] : f32 from vector<1xf32>
        %max3A = arith.constant 0xFF800000 : f32
        %max3A_1362 = arith.maximumf %max3A, %squeeze3A_1361 : f32
        %slice3A_1363 = vector.extract_strided_slice %scan3A_1238#0 {offsets = [1], sizes = [1], strides = [1]} : vector<16xf32> to vector<1xf32>
        %squeeze3A_1364 = vector.extract %slice3A_1363[0] : f32 from vector<1xf32>
        %max3A_1365 = arith.maximumf %max3A_1362, %squeeze3A_1364 : f32
        %slice3A_1366 = vector.extract_strided_slice %scan3A_1238#0 {offsets = [2], sizes = [1], strides = [1]} : vector<16xf32> to vector<1xf32>
        %squeeze3A_1367 = vector.extract %slice3A_1366[0] : f32 from vector<1xf32>
        %max3A_1368 = arith.maximumf %max3A_1365, %squeeze3A_1367 : f32
        %slice3A_1369 = vector.extract_strided_slice %scan3A_1238#0 {offsets = [3], sizes = [1], strides = [1]} : vector<16xf32> to vector<1xf32>
        %squeeze3A_1370 = vector.extract %slice3A_1369[0] : f32 from vector<1xf32>
        %max3A_1371 = arith.maximumf %max3A_1368, %squeeze3A_1370 : f32
        %slice3A_1372 = vector.extract_strided_slice %scan3A_1238#0 {offsets = [4], sizes = [1], strides = [1]} : vector<16xf32> to vector<1xf32>
        %squeeze3A_1373 = vector.extract %slice3A_1372[0] : f32 from vector<1xf32>
        %max3A_1374 = arith.maximumf %max3A_1371, %squeeze3A_1373 : f32
        %slice3A_1375 = vector.extract_strided_slice %scan3A_1238#0 {offsets = [5], sizes = [1], strides = [1]} : vector<16xf32> to vector<1xf32>
        %squeeze3A_1376 = vector.extract %slice3A_1375[0] : f32 from vector<1xf32>
        %max3A_1377 = arith.maximumf %max3A_1374, %squeeze3A_1376 : f32
        %slice3A_1378 = vector.extract_strided_slice %scan3A_1238#0 {offsets = [6], sizes = [1], strides = [1]} : vector<16xf32> to vector<1xf32>
        %squeeze3A_1379 = vector.extract %slice3A_1378[0] : f32 from vector<1xf32>
        %max3A_1380 = arith.maximumf %max3A_1377, %squeeze3A_1379 : f32
        %slice3A_1381 = vector.extract_strided_slice %scan3A_1238#0 {offsets = [7], sizes = [1], strides = [1]} : vector<16xf32> to vector<1xf32>
        %squeeze3A_1382 = vector.extract %slice3A_1381[0] : f32 from vector<1xf32>
        %max3A_1383 = arith.maximumf %max3A_1380, %squeeze3A_1382 : f32
        %slice3A_1384 = vector.extract_strided_slice %scan3A_1238#0 {offsets = [8], sizes = [1], strides = [1]} : vector<16xf32> to vector<1xf32>
        %squeeze3A_1385 = vector.extract %slice3A_1384[0] : f32 from vector<1xf32>
        %max3A_1386 = arith.maximumf %max3A_1383, %squeeze3A_1385 : f32
        %slice3A_1387 = vector.extract_strided_slice %scan3A_1238#0 {offsets = [9], sizes = [1], strides = [1]} : vector<16xf32> to vector<1xf32>
        %squeeze3A_1388 = vector.extract %slice3A_1387[0] : f32 from vector<1xf32>
        %max3A_1389 = arith.maximumf %max3A_1386, %squeeze3A_1388 : f32
        %slice3A_1390 = vector.extract_strided_slice %scan3A_1238#0 {offsets = [10], sizes = [1], strides = [1]} : vector<16xf32> to vector<1xf32>
        %squeeze3A_1391 = vector.extract %slice3A_1390[0] : f32 from vector<1xf32>
        %max3A_1392 = arith.maximumf %max3A_1389, %squeeze3A_1391 : f32
        %slice3A_1393 = vector.extract_strided_slice %scan3A_1238#0 {offsets = [11], sizes = [1], strides = [1]} : vector<16xf32> to vector<1xf32>
        %squeeze3A_1394 = vector.extract %slice3A_1393[0] : f32 from vector<1xf32>
        %max3A_1395 = arith.maximumf %max3A_1392, %squeeze3A_1394 : f32
        %slice3A_1396 = vector.extract_strided_slice %scan3A_1238#0 {offsets = [12], sizes = [1], strides = [1]} : vector<16xf32> to vector<1xf32>
        %squeeze3A_1397 = vector.extract %slice3A_1396[0] : f32 from vector<1xf32>
        %max3A_1398 = arith.maximumf %max3A_1395, %squeeze3A_1397 : f32
        %slice3A_1399 = vector.extract_strided_slice %scan3A_1238#0 {offsets = [13], sizes = [1], strides = [1]} : vector<16xf32> to vector<1xf32>
        %squeeze3A_1400 = vector.extract %slice3A_1399[0] : f32 from vector<1xf32>
        %max3A_1401 = arith.maximumf %max3A_1398, %squeeze3A_1400 : f32
        %slice3A_1402 = vector.extract_strided_slice %scan3A_1238#0 {offsets = [14], sizes = [1], strides = [1]} : vector<16xf32> to vector<1xf32>
        %squeeze3A_1403 = vector.extract %slice3A_1402[0] : f32 from vector<1xf32>
        %max3A_1404 = arith.maximumf %max3A_1401, %squeeze3A_1403 : f32
        %slice3A_1405 = vector.extract_strided_slice %scan3A_1238#0 {offsets = [15], sizes = [1], strides = [1]} : vector<16xf32> to vector<1xf32>
        %squeeze3A_1406 = vector.extract %slice3A_1405[0] : f32 from vector<1xf32>
        %max3A_1407 = arith.maximumf %max3A_1404, %squeeze3A_1406 : f32
        %eq3A_1408 = vector.broadcast %max3A_1407 : f32 to vector<16xf32>
        %eq3A_1409 = arith.cmpf oeq, %scan3A_1238#0, %eq3A_1408 : vector<16xf32>
        %jit3A_1410 = arith.constant 1048576 : i32
        %broadcast_in_dim3A_1411 = vector.broadcast %jit3A_1410 : i32 to vector<16xi32>
        %select_n3A_1412 = arith.select %eq3A_1409, %scan3A_1238#1, %broadcast_in_dim3A_1411 : vector<16xi1>, vector<16xi32>
        %slice3A_1413 = vector.extract_strided_slice %select_n3A_1412 {offsets = [0], sizes = [1], strides = [1]} : vector<16xi32> to vector<1xi32>
        %squeeze3A_1414 = vector.extract %slice3A_1413[0] : i32 from vector<1xi32>
        %min3A_1415 = arith.constant 1048576 : i32
        %min3A_1416 = arith.minsi %min3A_1415, %squeeze3A_1414 : i32
        %slice3A_1417 = vector.extract_strided_slice %select_n3A_1412 {offsets = [1], sizes = [1], strides = [1]} : vector<16xi32> to vector<1xi32>
        %squeeze3A_1418 = vector.extract %slice3A_1417[0] : i32 from vector<1xi32>
        %min3A_1419 = arith.minsi %min3A_1416, %squeeze3A_1418 : i32
        %slice3A_1420 = vector.extract_strided_slice %select_n3A_1412 {offsets = [2], sizes = [1], strides = [1]} : vector<16xi32> to vector<1xi32>
        %squeeze3A_1421 = vector.extract %slice3A_1420[0] : i32 from vector<1xi32>
        %min3A_1422 = arith.minsi %min3A_1419, %squeeze3A_1421 : i32
        %slice3A_1423 = vector.extract_strided_slice %select_n3A_1412 {offsets = [3], sizes = [1], strides = [1]} : vector<16xi32> to vector<1xi32>
        %squeeze3A_1424 = vector.extract %slice3A_1423[0] : i32 from vector<1xi32>
        %min3A_1425 = arith.minsi %min3A_1422, %squeeze3A_1424 : i32
        %slice3A_1426 = vector.extract_strided_slice %select_n3A_1412 {offsets = [4], sizes = [1], strides = [1]} : vector<16xi32> to vector<1xi32>
        %squeeze3A_1427 = vector.extract %slice3A_1426[0] : i32 from vector<1xi32>
        %min3A_1428 = arith.minsi %min3A_1425, %squeeze3A_1427 : i32
        %slice3A_1429 = vector.extract_strided_slice %select_n3A_1412 {offsets = [5], sizes = [1], strides = [1]} : vector<16xi32> to vector<1xi32>
        %squeeze3A_1430 = vector.extract %slice3A_1429[0] : i32 from vector<1xi32>
        %min3A_1431 = arith.minsi %min3A_1428, %squeeze3A_1430 : i32
        %slice3A_1432 = vector.extract_strided_slice %select_n3A_1412 {offsets = [6], sizes = [1], strides = [1]} : vector<16xi32> to vector<1xi32>
        %squeeze3A_1433 = vector.extract %slice3A_1432[0] : i32 from vector<1xi32>
        %min3A_1434 = arith.minsi %min3A_1431, %squeeze3A_1433 : i32
        %slice3A_1435 = vector.extract_strided_slice %select_n3A_1412 {offsets = [7], sizes = [1], strides = [1]} : vector<16xi32> to vector<1xi32>
        %squeeze3A_1436 = vector.extract %slice3A_1435[0] : i32 from vector<1xi32>
        %min3A_1437 = arith.minsi %min3A_1434, %squeeze3A_1436 : i32
        %slice3A_1438 = vector.extract_strided_slice %select_n3A_1412 {offsets = [8], sizes = [1], strides = [1]} : vector<16xi32> to vector<1xi32>
        %squeeze3A_1439 = vector.extract %slice3A_1438[0] : i32 from vector<1xi32>
        %min3A_1440 = arith.minsi %min3A_1437, %squeeze3A_1439 : i32
        %slice3A_1441 = vector.extract_strided_slice %select_n3A_1412 {offsets = [9], sizes = [1], strides = [1]} : vector<16xi32> to vector<1xi32>
        %squeeze3A_1442 = vector.extract %slice3A_1441[0] : i32 from vector<1xi32>
        %min3A_1443 = arith.minsi %min3A_1440, %squeeze3A_1442 : i32
        %slice3A_1444 = vector.extract_strided_slice %select_n3A_1412 {offsets = [10], sizes = [1], strides = [1]} : vector<16xi32> to vector<1xi32>
        %squeeze3A_1445 = vector.extract %slice3A_1444[0] : i32 from vector<1xi32>
        %min3A_1446 = arith.minsi %min3A_1443, %squeeze3A_1445 : i32
        %slice3A_1447 = vector.extract_strided_slice %select_n3A_1412 {offsets = [11], sizes = [1], strides = [1]} : vector<16xi32> to vector<1xi32>
        %squeeze3A_1448 = vector.extract %slice3A_1447[0] : i32 from vector<1xi32>
        %min3A_1449 = arith.minsi %min3A_1446, %squeeze3A_1448 : i32
        %slice3A_1450 = vector.extract_strided_slice %select_n3A_1412 {offsets = [12], sizes = [1], strides = [1]} : vector<16xi32> to vector<1xi32>
        %squeeze3A_1451 = vector.extract %slice3A_1450[0] : i32 from vector<1xi32>
        %min3A_1452 = arith.minsi %min3A_1449, %squeeze3A_1451 : i32
        %slice3A_1453 = vector.extract_strided_slice %select_n3A_1412 {offsets = [13], sizes = [1], strides = [1]} : vector<16xi32> to vector<1xi32>
        %squeeze3A_1454 = vector.extract %slice3A_1453[0] : i32 from vector<1xi32>
        %min3A_1455 = arith.minsi %min3A_1452, %squeeze3A_1454 : i32
        %slice3A_1456 = vector.extract_strided_slice %select_n3A_1412 {offsets = [14], sizes = [1], strides = [1]} : vector<16xi32> to vector<1xi32>
        %squeeze3A_1457 = vector.extract %slice3A_1456[0] : i32 from vector<1xi32>
        %min3A_1458 = arith.minsi %min3A_1455, %squeeze3A_1457 : i32
        %slice3A_1459 = vector.extract_strided_slice %select_n3A_1412 {offsets = [15], sizes = [1], strides = [1]} : vector<16xi32> to vector<1xi32>
        %squeeze3A_1460 = vector.extract %slice3A_1459[0] : i32 from vector<1xi32>
        %min3A_1461 = arith.minsi %min3A_1458, %squeeze3A_1460 : i32
        %broadcast_in_dim3A_1462 = arith.constant 0.000000e+00 : f32
        %broadcast_in_dim3A_1463 = vector.broadcast %broadcast_in_dim3A_1462 : f32 to vector<16xf32>
        %add3A_1464 = vector.broadcast %max3A_1407 : f32 to vector<16xf32>
        %add3A_1465 = arith.addf %add3A_1464, %broadcast_in_dim3A_1463 : vector<16xf32>
        %mul3A_1466 = arith.constant 16 : i32
        %mul3A_1467 = arith.muli %shift_right_logical3A_1359, %mul3A_1466 : i32
        %swap3A_1468 = arith.index_cast %mul3A_1467 : i32 to index
        %swap3A_1469 = tpu.vector_load %arg12[%swap3A_1468] {strides = array<i32>} : memref<64xf32, #tpu.memory_space<vmem>>, vector<16xf32>,
        %swap3A_1470 = vector.shape_cast %swap3A_1469 : vector<16xf32> to vector<16xf32>
        %swap3A_1471 = vector.shape_cast %add3A_1465 : vector<16xf32> to vector<16xf32>
        tpu.vector_store %arg12[%swap3A_1468], %swap3A_1471 {strides = array<i32>} : memref<64xf32, #tpu.memory_space<vmem>>, vector<16xf32>,
        %broadcast_in_dim3A_1472 = arith.constant 0 : i32
        %broadcast_in_dim3A_1473 = vector.broadcast %broadcast_in_dim3A_1472 : i32 to vector<16xi32>
        %add3A_1474 = vector.broadcast %min3A_1461 : i32 to vector<16xi32>
        %add3A_1475 = arith.addi %add3A_1474, %broadcast_in_dim3A_1473 : vector<16xi32>
        %mul3A_1476 = arith.constant 16 : i32
        %mul3A_1477 = arith.muli %shift_right_logical3A_1359, %mul3A_1476 : i32
        %swap3A_1478 = arith.index_cast %mul3A_1477 : i32 to index
        %swap3A_1479 = tpu.vector_load %arg13[%swap3A_1478] {strides = array<i32>} : memref<64xi32, #tpu.memory_space<vmem>>, vector<16xi32>,
        %swap3A_1480 = vector.shape_cast %swap3A_1479 : vector<16xi32> to vector<16xi32>
        %swap3A_1481 = vector.shape_cast %add3A_1475 : vector<16xi32> to vector<16xi32>
        tpu.vector_store %arg13[%swap3A_1478], %swap3A_1481 {strides = array<i32>} : memref<64xi32, #tpu.memory_space<vmem>>, vector<16xi32>,
        %add3A_1482 = arith.addi %mul3A_2, %shift_right_logical3A_1359 : i32
        %mul3A_1483 = arith.constant 32768 : i32
        %mul3A_1484 = arith.muli %add3A_1482, %mul3A_1483 : i32
        %mul3A_1485 = arith.constant 512 : i32
        %mul3A_1486 = arith.muli %min3A_1461, %mul3A_1485 : i32
        %add3A_1487 = arith.addi %mul3A_1484, %mul3A_1486 : i32
        %multiple_of3A_1488 = tpu.assume_multiple %add3A_1487, 16 : i32
        %mul3A_1489 = arith.constant 512 : i32
        %mul3A_1490 = arith.muli %shift_right_logical3A_1359, %mul3A_1489 : i32
        %dma_start3A_1491 = tpu.memref_slice %arg9[%mul3A_1490] : memref<2048xf32, #tpu.memory_space<vmem>> -> memref<512xf32, #tpu.memory_space<vmem>>
        %dma_start3A_1492 = tpu.memref_slice %arg2[%multiple_of3A_1488] : memref<4194304xf32, #tpu.memory_space<hbm>> -> memref<512xf32, #tpu.memory_space<hbm>>
        %dma_start3A_1493 = tpu.memref_slice %arg9[%mul3A_1490] : memref<2048xf32, #tpu.memory_space<vmem>> -> memref<512xf32, #tpu.memory_space<vmem>>
        %dma_start3A_1494 = tpu.memref_slice %arg2[%multiple_of3A_1488] : memref<4194304xf32, #tpu.memory_space<hbm>> -> memref<512xf32, #tpu.memory_space<hbm>>
        tpu.enqueue_dma source(%dma_start3A_1494 : memref<512xf32, #tpu.memory_space<hbm>>) target(%dma_start3A_1493 : memref<512xf32, #tpu.memory_space<vmem>>) target_semaphore(%arg18 : memref<!tpu.dma_semaphore, #tpu.memory_space<semaphore_mem>>)
      } else {
      }
      %jit3A = arith.constant 0xFF800000 : f32
      %broadcast_in_dim3A_1251 = vector.broadcast %jit3A : f32 to vector<16xf32>
      %select_n3A_1252 = arith.select %eq3A_1247, %broadcast_in_dim3A_1251, %scan3A_1238#0 : vector<16xf32>
      %jit3A_1253 = arith.constant 1048576 : i32
      %broadcast_in_dim3A_1254 = vector.broadcast %jit3A_1253 : i32 to vector<16xi32>
      %select_n3A_1255 = arith.select %eq3A_1247, %broadcast_in_dim3A_1254, %scan3A_1238#1 : vector<16xi32>
      %mul3A_1256 = arith.constant 4 : i32
      %mul3A_1257 = arith.muli %scan3A_1223, %mul3A_1256 : i32
      %add3A_1258 = arith.constant 1 : i32
      %add3A_1259 = arith.addi %mul3A_1257, %add3A_1258 : i32
      %dma_wait3A_1260 = arith.constant 0 : i32
      %dma_wait3A_1261 = tpu.memref_slice %arg2[%dma_wait3A_1260] : memref<4194304xf32, #tpu.memory_space<hbm>> -> memref<8192xf32, #tpu.memory_space<hbm>>
      %dma_wait3A_1262 = arith.constant 0 : i32
      %dma_wait3A_1263 = tpu.memref_slice %arg2[%dma_wait3A_1262] : memref<4194304xf32, #tpu.memory_space<hbm>> -> memref<8192xf32, #tpu.memory_space<hbm>>
      tpu.wait_dma2 semaphore(%arg15 : memref<!tpu.dma_semaphore, #tpu.memory_space<semaphore_mem>>) src(%dma_wait3A_1263 : memref<8192xf32, #tpu.memory_space<hbm>>) dst(%arg6 : memref<8192xf32, #tpu.memory_space<vmem>>)
      %scan3A_1264 = arith.constant 0 : i32
      %scan3A_1265 = arith.constant 16 : i32
      %scan3A_1266 = arith.addi %scan3A_1264, %scan3A_1265 : i32
      %scan3A_1267 = arith.constant 1 : i32
      %scan3A_1268:2 = scf.for %scan3A_1358 = %scan3A_1264 to %scan3A_1266 step %scan3A_1267 iter_args(%scan3A_1359 = %select_n3A_1252, %scan3A_1360 = %select_n3A_1255) -> (vector<16xf32>, vector<16xi32>)  : i32 {
        %mul3A_1361 = arith.constant 512 : i32
        %mul3A_1362 = arith.muli %scan3A_1358, %mul3A_1361 : i32
        %get3A_1363 = arith.index_cast %mul3A_1362 : i32 to index
        %get3A_1364 = tpu.vector_load %arg6[%get3A_1363] {strides = array<i32>} : memref<8192xf32, #tpu.memory_space<vmem>>, vector<16xf32>,
        %get3A_1365 = vector.shape_cast %get3A_1364 : vector<16xf32> to vector<16xf32>
        %add3A_1366 = arith.constant 16 : i32
        %add3A_1367 = arith.addi %mul3A_1362, %add3A_1366 : i32
        %get3A_1368 = arith.index_cast %add3A_1367 : i32 to index
        %get3A_1369 = tpu.vector_load %arg6[%get3A_1368] {strides = array<i32>} : memref<8192xf32, #tpu.memory_space<vmem>>, vector<16xf32>,
        %get3A_1370 = vector.shape_cast %get3A_1369 : vector<16xf32> to vector<16xf32>
        %add3A_1371 = arith.constant 32 : i32
        %add3A_1372 = arith.addi %mul3A_1362, %add3A_1371 : i32
        %get3A_1373 = arith.index_cast %add3A_1372 : i32 to index
        %get3A_1374 = tpu.vector_load %arg6[%get3A_1373] {strides = array<i32>} : memref<8192xf32, #tpu.memory_space<vmem>>, vector<16xf32>,
        %get3A_1375 = vector.shape_cast %get3A_1374 : vector<16xf32> to vector<16xf32>
        %add3A_1376 = arith.constant 48 : i32
        %add3A_1377 = arith.addi %mul3A_1362, %add3A_1376 : i32
        %get3A_1378 = arith.index_cast %add3A_1377 : i32 to index
        %get3A_1379 = tpu.vector_load %arg6[%get3A_1378] {strides = array<i32>} : memref<8192xf32, #tpu.memory_space<vmem>>, vector<16xf32>,
        %get3A_1380 = vector.shape_cast %get3A_1379 : vector<16xf32> to vector<16xf32>
        %add3A_1381 = arith.constant 64 : i32
        %add3A_1382 = arith.addi %mul3A_1362, %add3A_1381 : i32
        %get3A_1383 = arith.index_cast %add3A_1382 : i32 to index
        %get3A_1384 = tpu.vector_load %arg6[%get3A_1383] {strides = array<i32>} : memref<8192xf32, #tpu.memory_space<vmem>>, vector<16xf32>,
        %get3A_1385 = vector.shape_cast %get3A_1384 : vector<16xf32> to vector<16xf32>
        %max3A = arith.maximumf %get3A_1365, %get3A_1385 : vector<16xf32>
        %add3A_1386 = arith.constant 80 : i32
        %add3A_1387 = arith.addi %mul3A_1362, %add3A_1386 : i32
        %get3A_1388 = arith.index_cast %add3A_1387 : i32 to index
        %get3A_1389 = tpu.vector_load %arg6[%get3A_1388] {strides = array<i32>} : memref<8192xf32, #tpu.memory_space<vmem>>, vector<16xf32>,
        %get3A_1390 = vector.shape_cast %get3A_1389 : vector<16xf32> to vector<16xf32>
        %max3A_1391 = arith.maximumf %get3A_1370, %get3A_1390 : vector<16xf32>
        %add3A_1392 = arith.constant 96 : i32
        %add3A_1393 = arith.addi %mul3A_1362, %add3A_1392 : i32
        %get3A_1394 = arith.index_cast %add3A_1393 : i32 to index
        %get3A_1395 = tpu.vector_load %arg6[%get3A_1394] {strides = array<i32>} : memref<8192xf32, #tpu.memory_space<vmem>>, vector<16xf32>,
        %get3A_1396 = vector.shape_cast %get3A_1395 : vector<16xf32> to vector<16xf32>
        %max3A_1397 = arith.maximumf %get3A_1375, %get3A_1396 : vector<16xf32>
        %add3A_1398 = arith.constant 112 : i32
        %add3A_1399 = arith.addi %mul3A_1362, %add3A_1398 : i32
        %get3A_1400 = arith.index_cast %add3A_1399 : i32 to index
        %get3A_1401 = tpu.vector_load %arg6[%get3A_1400] {strides = array<i32>} : memref<8192xf32, #tpu.memory_space<vmem>>, vector<16xf32>,
        %get3A_1402 = vector.shape_cast %get3A_1401 : vector<16xf32> to vector<16xf32>
        %max3A_1403 = arith.maximumf %get3A_1380, %get3A_1402 : vector<16xf32>
        %add3A_1404 = arith.constant 128 : i32
        %add3A_1405 = arith.addi %mul3A_1362, %add3A_1404 : i32
        %get3A_1406 = arith.index_cast %add3A_1405 : i32 to index
        %get3A_1407 = tpu.vector_load %arg6[%get3A_1406] {strides = array<i32>} : memref<8192xf32, #tpu.memory_space<vmem>>, vector<16xf32>,
        %get3A_1408 = vector.shape_cast %get3A_1407 : vector<16xf32> to vector<16xf32>
        %max3A_1409 = arith.maximumf %max3A, %get3A_1408 : vector<16xf32>
        %add3A_1410 = arith.constant 144 : i32
        %add3A_1411 = arith.addi %mul3A_1362, %add3A_1410 : i32
        %get3A_1412 = arith.index_cast %add3A_1411 : i32 to index
        %get3A_1413 = tpu.vector_load %arg6[%get3A_1412] {strides = array<i32>} : memref<8192xf32, #tpu.memory_space<vmem>>, vector<16xf32>,
        %get3A_1414 = vector.shape_cast %get3A_1413 : vector<16xf32> to vector<16xf32>
        %max3A_1415 = arith.maximumf %max3A_1391, %get3A_1414 : vector<16xf32>
        %add3A_1416 = arith.constant 160 : i32
        %add3A_1417 = arith.addi %mul3A_1362, %add3A_1416 : i32
        %get3A_1418 = arith.index_cast %add3A_1417 : i32 to index
        %get3A_1419 = tpu.vector_load %arg6[%get3A_1418] {strides = array<i32>} : memref<8192xf32, #tpu.memory_space<vmem>>, vector<16xf32>,
        %get3A_1420 = vector.shape_cast %get3A_1419 : vector<16xf32> to vector<16xf32>
        %max3A_1421 = arith.maximumf %max3A_1397, %get3A_1420 : vector<16xf32>
        %add3A_1422 = arith.constant 176 : i32
        %add3A_1423 = arith.addi %mul3A_1362, %add3A_1422 : i32
        %get3A_1424 = arith.index_cast %add3A_1423 : i32 to index
        %get3A_1425 = tpu.vector_load %arg6[%get3A_1424] {strides = array<i32>} : memref<8192xf32, #tpu.memory_space<vmem>>, vector<16xf32>,
        %get3A_1426 = vector.shape_cast %get3A_1425 : vector<16xf32> to vector<16xf32>
        %max3A_1427 = arith.maximumf %max3A_1403, %get3A_1426 : vector<16xf32>
        %add3A_1428 = arith.constant 192 : i32
        %add3A_1429 = arith.addi %mul3A_1362, %add3A_1428 : i32
        %get3A_1430 = arith.index_cast %add3A_1429 : i32 to index
        %get3A_1431 = tpu.vector_load %arg6[%get3A_1430] {strides = array<i32>} : memref<8192xf32, #tpu.memory_space<vmem>>, vector<16xf32>,
        %get3A_1432 = vector.shape_cast %get3A_1431 : vector<16xf32> to vector<16xf32>
        %max3A_1433 = arith.maximumf %max3A_1409, %get3A_1432 : vector<16xf32>
        %add3A_1434 = arith.constant 208 : i32
        %add3A_1435 = arith.addi %mul3A_1362, %add3A_1434 : i32
        %get3A_1436 = arith.index_cast %add3A_1435 : i32 to index
        %get3A_1437 = tpu.vector_load %arg6[%get3A_1436] {strides = array<i32>} : memref<8192xf32, #tpu.memory_space<vmem>>, vector<16xf32>,
        %get3A_1438 = vector.shape_cast %get3A_1437 : vector<16xf32> to vector<16xf32>
        %max3A_1439 = arith.maximumf %max3A_1415, %get3A_1438 : vector<16xf32>
        %add3A_1440 = arith.constant 224 : i32
        %add3A_1441 = arith.addi %mul3A_1362, %add3A_1440 : i32
        %get3A_1442 = arith.index_cast %add3A_1441 : i32 to index
        %get3A_1443 = tpu.vector_load %arg6[%get3A_1442] {strides = array<i32>} : memref<8192xf32, #tpu.memory_space<vmem>>, vector<16xf32>,
        %get3A_1444 = vector.shape_cast %get3A_1443 : vector<16xf32> to vector<16xf32>
        %max3A_1445 = arith.maximumf %max3A_1421, %get3A_1444 : vector<16xf32>
        %add3A_1446 = arith.constant 240 : i32
        %add3A_1447 = arith.addi %mul3A_1362, %add3A_1446 : i32
        %get3A_1448 = arith.index_cast %add3A_1447 : i32 to index
        %get3A_1449 = tpu.vector_load %arg6[%get3A_1448] {strides = array<i32>} : memref<8192xf32, #tpu.memory_space<vmem>>, vector<16xf32>,
        %get3A_1450 = vector.shape_cast %get3A_1449 : vector<16xf32> to vector<16xf32>
        %max3A_1451 = arith.maximumf %max3A_1427, %get3A_1450 : vector<16xf32>
        %add3A_1452 = arith.constant 256 : i32
        %add3A_1453 = arith.addi %mul3A_1362, %add3A_1452 : i32
        %get3A_1454 = arith.index_cast %add3A_1453 : i32 to index
        %get3A_1455 = tpu.vector_load %arg6[%get3A_1454] {strides = array<i32>} : memref<8192xf32, #tpu.memory_space<vmem>>, vector<16xf32>,
        %get3A_1456 = vector.shape_cast %get3A_1455 : vector<16xf32> to vector<16xf32>
        %max3A_1457 = arith.maximumf %max3A_1433, %get3A_1456 : vector<16xf32>
        %add3A_1458 = arith.constant 272 : i32
        %add3A_1459 = arith.addi %mul3A_1362, %add3A_1458 : i32
        %get3A_1460 = arith.index_cast %add3A_1459 : i32 to index
        %get3A_1461 = tpu.vector_load %arg6[%get3A_1460] {strides = array<i32>} : memref<8192xf32, #tpu.memory_space<vmem>>, vector<16xf32>,
        %get3A_1462 = vector.shape_cast %get3A_1461 : vector<16xf32> to vector<16xf32>
        %max3A_1463 = arith.maximumf %max3A_1439, %get3A_1462 : vector<16xf32>
        %add3A_1464 = arith.constant 288 : i32
        %add3A_1465 = arith.addi %mul3A_1362, %add3A_1464 : i32
        %get3A_1466 = arith.index_cast %add3A_1465 : i32 to index
        %get3A_1467 = tpu.vector_load %arg6[%get3A_1466] {strides = array<i32>} : memref<8192xf32, #tpu.memory_space<vmem>>, vector<16xf32>,
        %get3A_1468 = vector.shape_cast %get3A_1467 : vector<16xf32> to vector<16xf32>
        %max3A_1469 = arith.maximumf %max3A_1445, %get3A_1468 : vector<16xf32>
        %add3A_1470 = arith.constant 304 : i32
        %add3A_1471 = arith.addi %mul3A_1362, %add3A_1470 : i32
        %get3A_1472 = arith.index_cast %add3A_1471 : i32 to index
        %get3A_1473 = tpu.vector_load %arg6[%get3A_1472] {strides = array<i32>} : memref<8192xf32, #tpu.memory_space<vmem>>, vector<16xf32>,
        %get3A_1474 = vector.shape_cast %get3A_1473 : vector<16xf32> to vector<16xf32>
        %max3A_1475 = arith.maximumf %max3A_1451, %get3A_1474 : vector<16xf32>
        %add3A_1476 = arith.constant 320 : i32
        %add3A_1477 = arith.addi %mul3A_1362, %add3A_1476 : i32
        %get3A_1478 = arith.index_cast %add3A_1477 : i32 to index
        %get3A_1479 = tpu.vector_load %arg6[%get3A_1478] {strides = array<i32>} : memref<8192xf32, #tpu.memory_space<vmem>>, vector<16xf32>,
        %get3A_1480 = vector.shape_cast %get3A_1479 : vector<16xf32> to vector<16xf32>
        %max3A_1481 = arith.maximumf %max3A_1457, %get3A_1480 : vector<16xf32>
        %add3A_1482 = arith.constant 336 : i32
        %add3A_1483 = arith.addi %mul3A_1362, %add3A_1482 : i32
        %get3A_1484 = arith.index_cast %add3A_1483 : i32 to index
        %get3A_1485 = tpu.vector_load %arg6[%get3A_1484] {strides = array<i32>} : memref<8192xf32, #tpu.memory_space<vmem>>, vector<16xf32>,
        %get3A_1486 = vector.shape_cast %get3A_1485 : vector<16xf32> to vector<16xf32>
        %max3A_1487 = arith.maximumf %max3A_1463, %get3A_1486 : vector<16xf32>
        %add3A_1488 = arith.constant 352 : i32
        %add3A_1489 = arith.addi %mul3A_1362, %add3A_1488 : i32
        %get3A_1490 = arith.index_cast %add3A_1489 : i32 to index
        %get3A_1491 = tpu.vector_load %arg6[%get3A_1490] {strides = array<i32>} : memref<8192xf32, #tpu.memory_space<vmem>>, vector<16xf32>,
        %get3A_1492 = vector.shape_cast %get3A_1491 : vector<16xf32> to vector<16xf32>
        %max3A_1493 = arith.maximumf %max3A_1469, %get3A_1492 : vector<16xf32>
        %add3A_1494 = arith.constant 368 : i32
        %add3A_1495 = arith.addi %mul3A_1362, %add3A_1494 : i32
        %get3A_1496 = arith.index_cast %add3A_1495 : i32 to index
        %get3A_1497 = tpu.vector_load %arg6[%get3A_1496] {strides = array<i32>} : memref<8192xf32, #tpu.memory_space<vmem>>, vector<16xf32>,
        %get3A_1498 = vector.shape_cast %get3A_1497 : vector<16xf32> to vector<16xf32>
        %max3A_1499 = arith.maximumf %max3A_1475, %get3A_1498 : vector<16xf32>
        %add3A_1500 = arith.constant 384 : i32
        %add3A_1501 = arith.addi %mul3A_1362, %add3A_1500 : i32
        %get3A_1502 = arith.index_cast %add3A_1501 : i32 to index
        %get3A_1503 = tpu.vector_load %arg6[%get3A_1502] {strides = array<i32>} : memref<8192xf32, #tpu.memory_space<vmem>>, vector<16xf32>,
        %get3A_1504 = vector.shape_cast %get3A_1503 : vector<16xf32> to vector<16xf32>
        %max3A_1505 = arith.maximumf %max3A_1481, %get3A_1504 : vector<16xf32>
        %add3A_1506 = arith.constant 400 : i32
        %add3A_1507 = arith.addi %mul3A_1362, %add3A_1506 : i32
        %get3A_1508 = arith.index_cast %add3A_1507 : i32 to index
        %get3A_1509 = tpu.vector_load %arg6[%get3A_1508] {strides = array<i32>} : memref<8192xf32, #tpu.memory_space<vmem>>, vector<16xf32>,
        %get3A_1510 = vector.shape_cast %get3A_1509 : vector<16xf32> to vector<16xf32>
        %max3A_1511 = arith.maximumf %max3A_1487, %get3A_1510 : vector<16xf32>
        %add3A_1512 = arith.constant 416 : i32
        %add3A_1513 = arith.addi %mul3A_1362, %add3A_1512 : i32
        %get3A_1514 = arith.index_cast %add3A_1513 : i32 to index
        %get3A_1515 = tpu.vector_load %arg6[%get3A_1514] {strides = array<i32>} : memref<8192xf32, #tpu.memory_space<vmem>>, vector<16xf32>,
        %get3A_1516 = vector.shape_cast %get3A_1515 : vector<16xf32> to vector<16xf32>
        %max3A_1517 = arith.maximumf %max3A_1493, %get3A_1516 : vector<16xf32>
        %add3A_1518 = arith.constant 432 : i32
        %add3A_1519 = arith.addi %mul3A_1362, %add3A_1518 : i32
        %get3A_1520 = arith.index_cast %add3A_1519 : i32 to index
        %get3A_1521 = tpu.vector_load %arg6[%get3A_1520] {strides = array<i32>} : memref<8192xf32, #tpu.memory_space<vmem>>, vector<16xf32>,
        %get3A_1522 = vector.shape_cast %get3A_1521 : vector<16xf32> to vector<16xf32>
        %max3A_1523 = arith.maximumf %max3A_1499, %get3A_1522 : vector<16xf32>
        %add3A_1524 = arith.constant 448 : i32
        %add3A_1525 = arith.addi %mul3A_1362, %add3A_1524 : i32
        %get3A_1526 = arith.index_cast %add3A_1525 : i32 to index
        %get3A_1527 = tpu.vector_load %arg6[%get3A_1526] {strides = array<i32>} : memref<8192xf32, #tpu.memory_space<vmem>>, vector<16xf32>,
        %get3A_1528 = vector.shape_cast %get3A_1527 : vector<16xf32> to vector<16xf32>
        %max3A_1529 = arith.maximumf %max3A_1505, %get3A_1528 : vector<16xf32>
        %add3A_1530 = arith.constant 464 : i32
        %add3A_1531 = arith.addi %mul3A_1362, %add3A_1530 : i32
        %get3A_1532 = arith.index_cast %add3A_1531 : i32 to index
        %get3A_1533 = tpu.vector_load %arg6[%get3A_1532] {strides = array<i32>} : memref<8192xf32, #tpu.memory_space<vmem>>, vector<16xf32>,
        %get3A_1534 = vector.shape_cast %get3A_1533 : vector<16xf32> to vector<16xf32>
        %max3A_1535 = arith.maximumf %max3A_1511, %get3A_1534 : vector<16xf32>
        %add3A_1536 = arith.constant 480 : i32
        %add3A_1537 = arith.addi %mul3A_1362, %add3A_1536 : i32
        %get3A_1538 = arith.index_cast %add3A_1537 : i32 to index
        %get3A_1539 = tpu.vector_load %arg6[%get3A_1538] {strides = array<i32>} : memref<8192xf32, #tpu.memory_space<vmem>>, vector<16xf32>,
        %get3A_1540 = vector.shape_cast %get3A_1539 : vector<16xf32> to vector<16xf32>
        %max3A_1541 = arith.maximumf %max3A_1517, %get3A_1540 : vector<16xf32>
        %add3A_1542 = arith.constant 496 : i32
        %add3A_1543 = arith.addi %mul3A_1362, %add3A_1542 : i32
        %get3A_1544 = arith.index_cast %add3A_1543 : i32 to index
        %get3A_1545 = tpu.vector_load %arg6[%get3A_1544] {strides = array<i32>} : memref<8192xf32, #tpu.memory_space<vmem>>, vector<16xf32>,
        %get3A_1546 = vector.shape_cast %get3A_1545 : vector<16xf32> to vector<16xf32>
        %max3A_1547 = arith.maximumf %max3A_1523, %get3A_1546 : vector<16xf32>
        %max3A_1548 = arith.maximumf %max3A_1529, %max3A_1535 : vector<16xf32>
        %max3A_1549 = arith.maximumf %max3A_1541, %max3A_1547 : vector<16xf32>
        %max3A_1550 = arith.maximumf %max3A_1548, %max3A_1549 : vector<16xf32>
        %gt3A = arith.cmpf ogt, %max3A_1550, %scan3A_1359 : vector<16xf32>
        %and3A_1551 = arith.constant 3 : i32
        %and3A_1552 = arith.andi %add3A_1259, %and3A_1551 : i32
        %mul3A_1553 = arith.constant 16 : i32
        %mul3A_1554 = arith.muli %and3A_1552, %mul3A_1553 : i32
        %add3A_1555 = arith.addi %mul3A_1554, %scan3A_1358 : i32
        %select_n3A_1556 = arith.select %gt3A, %max3A_1550, %scan3A_1359 : vector<16xi1>, vector<16xf32>
        %broadcast_in_dim3A_1557 = vector.broadcast %add3A_1555 : i32 to vector<16xi32>
        %select_n3A_1558 = arith.select %gt3A, %broadcast_in_dim3A_1557, %scan3A_1360 : vector<16xi1>, vector<16xi32>
        scf.yield %select_n3A_1556, %select_n3A_1558 : vector<16xf32>, vector<16xi32>
      }
      %scan3A_1269 = arith.constant 16 : i32
      %add3A_1270 = arith.constant 4 : i32
      %add3A_1271 = arith.addi %add3A_1259, %add3A_1270 : i32
      %lt3A_1272 = arith.constant 16 : i32
      %lt3A_1273 = arith.cmpi slt, %add3A_1271, %lt3A_1272 : i32
      %convert_element_type3A_1274 = arith.extui %lt3A_1273 : i1 to i32
      %cond3A_1275 = arith.constant 0 : i32
      %cond3A_1276 = arith.cmpi ne, %convert_element_type3A_1274, %cond3A_1275 : i32
      scf.if %cond3A_1276 {
        %add3A_1358 = arith.constant 4 : i32
        %add3A_1359 = arith.addi %add3A_1259, %add3A_1358 : i32
        %shift_right_logical3A_1360 = arith.constant 2 : i32
        %shift_right_logical3A_1361 = arith.shrui %add3A_1359, %shift_right_logical3A_1360 : i32
        %add3A_1362 = arith.addi %mul3A_2, %shift_right_logical3A_1361 : i32
        %mul3A_1363 = arith.constant 32768 : i32
        %mul3A_1364 = arith.muli %add3A_1362, %mul3A_1363 : i32
        %and3A_1365 = arith.constant 3 : i32
        %and3A_1366 = arith.andi %add3A_1359, %and3A_1365 : i32
        %mul3A_1367 = arith.constant 8192 : i32
        %mul3A_1368 = arith.muli %and3A_1366, %mul3A_1367 : i32
        %add3A_1369 = arith.addi %mul3A_1364, %mul3A_1368 : i32
        %multiple_of3A_1370 = tpu.assume_multiple %add3A_1369, 16 : i32
        %dma_start3A_1371 = tpu.memref_slice %arg2[%multiple_of3A_1370] : memref<4194304xf32, #tpu.memory_space<hbm>> -> memref<8192xf32, #tpu.memory_space<hbm>>
        %dma_start3A_1372 = tpu.memref_slice %arg2[%multiple_of3A_1370] : memref<4194304xf32, #tpu.memory_space<hbm>> -> memref<8192xf32, #tpu.memory_space<hbm>>
        tpu.enqueue_dma source(%dma_start3A_1372 : memref<8192xf32, #tpu.memory_space<hbm>>) target(%arg6 : memref<8192xf32, #tpu.memory_space<vmem>>) target_semaphore(%arg15 : memref<!tpu.dma_semaphore, #tpu.memory_space<semaphore_mem>>)
      } else {
      }
      %and3A_1277 = arith.constant 3 : i32
      %and3A_1278 = arith.andi %add3A_1259, %and3A_1277 : i32
      %eq3A_1279 = arith.constant 3 : i32
      %eq3A_1280 = arith.cmpi eq, %and3A_1278, %eq3A_1279 : i32
      %convert_element_type3A_1281 = arith.extui %eq3A_1280 : i1 to i32
      %cond3A_1282 = arith.constant 0 : i32
      %cond3A_1283 = arith.cmpi ne, %convert_element_type3A_1281, %cond3A_1282 : i32
      scf.if %cond3A_1283 {
        %shift_right_logical3A_1358 = arith.constant 2 : i32
        %shift_right_logical3A_1359 = arith.shrui %add3A_1259, %shift_right_logical3A_1358 : i32
        %slice3A_1360 = vector.extract_strided_slice %scan3A_1268#0 {offsets = [0], sizes = [1], strides = [1]} : vector<16xf32> to vector<1xf32>
        %squeeze3A_1361 = vector.extract %slice3A_1360[0] : f32 from vector<1xf32>
        %max3A = arith.constant 0xFF800000 : f32
        %max3A_1362 = arith.maximumf %max3A, %squeeze3A_1361 : f32
        %slice3A_1363 = vector.extract_strided_slice %scan3A_1268#0 {offsets = [1], sizes = [1], strides = [1]} : vector<16xf32> to vector<1xf32>
        %squeeze3A_1364 = vector.extract %slice3A_1363[0] : f32 from vector<1xf32>
        %max3A_1365 = arith.maximumf %max3A_1362, %squeeze3A_1364 : f32
        %slice3A_1366 = vector.extract_strided_slice %scan3A_1268#0 {offsets = [2], sizes = [1], strides = [1]} : vector<16xf32> to vector<1xf32>
        %squeeze3A_1367 = vector.extract %slice3A_1366[0] : f32 from vector<1xf32>
        %max3A_1368 = arith.maximumf %max3A_1365, %squeeze3A_1367 : f32
        %slice3A_1369 = vector.extract_strided_slice %scan3A_1268#0 {offsets = [3], sizes = [1], strides = [1]} : vector<16xf32> to vector<1xf32>
        %squeeze3A_1370 = vector.extract %slice3A_1369[0] : f32 from vector<1xf32>
        %max3A_1371 = arith.maximumf %max3A_1368, %squeeze3A_1370 : f32
        %slice3A_1372 = vector.extract_strided_slice %scan3A_1268#0 {offsets = [4], sizes = [1], strides = [1]} : vector<16xf32> to vector<1xf32>
        %squeeze3A_1373 = vector.extract %slice3A_1372[0] : f32 from vector<1xf32>
        %max3A_1374 = arith.maximumf %max3A_1371, %squeeze3A_1373 : f32
        %slice3A_1375 = vector.extract_strided_slice %scan3A_1268#0 {offsets = [5], sizes = [1], strides = [1]} : vector<16xf32> to vector<1xf32>
        %squeeze3A_1376 = vector.extract %slice3A_1375[0] : f32 from vector<1xf32>
        %max3A_1377 = arith.maximumf %max3A_1374, %squeeze3A_1376 : f32
        %slice3A_1378 = vector.extract_strided_slice %scan3A_1268#0 {offsets = [6], sizes = [1], strides = [1]} : vector<16xf32> to vector<1xf32>
        %squeeze3A_1379 = vector.extract %slice3A_1378[0] : f32 from vector<1xf32>
        %max3A_1380 = arith.maximumf %max3A_1377, %squeeze3A_1379 : f32
        %slice3A_1381 = vector.extract_strided_slice %scan3A_1268#0 {offsets = [7], sizes = [1], strides = [1]} : vector<16xf32> to vector<1xf32>
        %squeeze3A_1382 = vector.extract %slice3A_1381[0] : f32 from vector<1xf32>
        %max3A_1383 = arith.maximumf %max3A_1380, %squeeze3A_1382 : f32
        %slice3A_1384 = vector.extract_strided_slice %scan3A_1268#0 {offsets = [8], sizes = [1], strides = [1]} : vector<16xf32> to vector<1xf32>
        %squeeze3A_1385 = vector.extract %slice3A_1384[0] : f32 from vector<1xf32>
        %max3A_1386 = arith.maximumf %max3A_1383, %squeeze3A_1385 : f32
        %slice3A_1387 = vector.extract_strided_slice %scan3A_1268#0 {offsets = [9], sizes = [1], strides = [1]} : vector<16xf32> to vector<1xf32>
        %squeeze3A_1388 = vector.extract %slice3A_1387[0] : f32 from vector<1xf32>
        %max3A_1389 = arith.maximumf %max3A_1386, %squeeze3A_1388 : f32
        %slice3A_1390 = vector.extract_strided_slice %scan3A_1268#0 {offsets = [10], sizes = [1], strides = [1]} : vector<16xf32> to vector<1xf32>
        %squeeze3A_1391 = vector.extract %slice3A_1390[0] : f32 from vector<1xf32>
        %max3A_1392 = arith.maximumf %max3A_1389, %squeeze3A_1391 : f32
        %slice3A_1393 = vector.extract_strided_slice %scan3A_1268#0 {offsets = [11], sizes = [1], strides = [1]} : vector<16xf32> to vector<1xf32>
        %squeeze3A_1394 = vector.extract %slice3A_1393[0] : f32 from vector<1xf32>
        %max3A_1395 = arith.maximumf %max3A_1392, %squeeze3A_1394 : f32
        %slice3A_1396 = vector.extract_strided_slice %scan3A_1268#0 {offsets = [12], sizes = [1], strides = [1]} : vector<16xf32> to vector<1xf32>
        %squeeze3A_1397 = vector.extract %slice3A_1396[0] : f32 from vector<1xf32>
        %max3A_1398 = arith.maximumf %max3A_1395, %squeeze3A_1397 : f32
        %slice3A_1399 = vector.extract_strided_slice %scan3A_1268#0 {offsets = [13], sizes = [1], strides = [1]} : vector<16xf32> to vector<1xf32>
        %squeeze3A_1400 = vector.extract %slice3A_1399[0] : f32 from vector<1xf32>
        %max3A_1401 = arith.maximumf %max3A_1398, %squeeze3A_1400 : f32
        %slice3A_1402 = vector.extract_strided_slice %scan3A_1268#0 {offsets = [14], sizes = [1], strides = [1]} : vector<16xf32> to vector<1xf32>
        %squeeze3A_1403 = vector.extract %slice3A_1402[0] : f32 from vector<1xf32>
        %max3A_1404 = arith.maximumf %max3A_1401, %squeeze3A_1403 : f32
        %slice3A_1405 = vector.extract_strided_slice %scan3A_1268#0 {offsets = [15], sizes = [1], strides = [1]} : vector<16xf32> to vector<1xf32>
        %squeeze3A_1406 = vector.extract %slice3A_1405[0] : f32 from vector<1xf32>
        %max3A_1407 = arith.maximumf %max3A_1404, %squeeze3A_1406 : f32
        %eq3A_1408 = vector.broadcast %max3A_1407 : f32 to vector<16xf32>
        %eq3A_1409 = arith.cmpf oeq, %scan3A_1268#0, %eq3A_1408 : vector<16xf32>
        %jit3A_1410 = arith.constant 1048576 : i32
        %broadcast_in_dim3A_1411 = vector.broadcast %jit3A_1410 : i32 to vector<16xi32>
        %select_n3A_1412 = arith.select %eq3A_1409, %scan3A_1268#1, %broadcast_in_dim3A_1411 : vector<16xi1>, vector<16xi32>
        %slice3A_1413 = vector.extract_strided_slice %select_n3A_1412 {offsets = [0], sizes = [1], strides = [1]} : vector<16xi32> to vector<1xi32>
        %squeeze3A_1414 = vector.extract %slice3A_1413[0] : i32 from vector<1xi32>
        %min3A_1415 = arith.constant 1048576 : i32
        %min3A_1416 = arith.minsi %min3A_1415, %squeeze3A_1414 : i32
        %slice3A_1417 = vector.extract_strided_slice %select_n3A_1412 {offsets = [1], sizes = [1], strides = [1]} : vector<16xi32> to vector<1xi32>
        %squeeze3A_1418 = vector.extract %slice3A_1417[0] : i32 from vector<1xi32>
        %min3A_1419 = arith.minsi %min3A_1416, %squeeze3A_1418 : i32
        %slice3A_1420 = vector.extract_strided_slice %select_n3A_1412 {offsets = [2], sizes = [1], strides = [1]} : vector<16xi32> to vector<1xi32>
        %squeeze3A_1421 = vector.extract %slice3A_1420[0] : i32 from vector<1xi32>
        %min3A_1422 = arith.minsi %min3A_1419, %squeeze3A_1421 : i32
        %slice3A_1423 = vector.extract_strided_slice %select_n3A_1412 {offsets = [3], sizes = [1], strides = [1]} : vector<16xi32> to vector<1xi32>
        %squeeze3A_1424 = vector.extract %slice3A_1423[0] : i32 from vector<1xi32>
        %min3A_1425 = arith.minsi %min3A_1422, %squeeze3A_1424 : i32
        %slice3A_1426 = vector.extract_strided_slice %select_n3A_1412 {offsets = [4], sizes = [1], strides = [1]} : vector<16xi32> to vector<1xi32>
        %squeeze3A_1427 = vector.extract %slice3A_1426[0] : i32 from vector<1xi32>
        %min3A_1428 = arith.minsi %min3A_1425, %squeeze3A_1427 : i32
        %slice3A_1429 = vector.extract_strided_slice %select_n3A_1412 {offsets = [5], sizes = [1], strides = [1]} : vector<16xi32> to vector<1xi32>
        %squeeze3A_1430 = vector.extract %slice3A_1429[0] : i32 from vector<1xi32>
        %min3A_1431 = arith.minsi %min3A_1428, %squeeze3A_1430 : i32
        %slice3A_1432 = vector.extract_strided_slice %select_n3A_1412 {offsets = [6], sizes = [1], strides = [1]} : vector<16xi32> to vector<1xi32>
        %squeeze3A_1433 = vector.extract %slice3A_1432[0] : i32 from vector<1xi32>
        %min3A_1434 = arith.minsi %min3A_1431, %squeeze3A_1433 : i32
        %slice3A_1435 = vector.extract_strided_slice %select_n3A_1412 {offsets = [7], sizes = [1], strides = [1]} : vector<16xi32> to vector<1xi32>
        %squeeze3A_1436 = vector.extract %slice3A_1435[0] : i32 from vector<1xi32>
        %min3A_1437 = arith.minsi %min3A_1434, %squeeze3A_1436 : i32
        %slice3A_1438 = vector.extract_strided_slice %select_n3A_1412 {offsets = [8], sizes = [1], strides = [1]} : vector<16xi32> to vector<1xi32>
        %squeeze3A_1439 = vector.extract %slice3A_1438[0] : i32 from vector<1xi32>
        %min3A_1440 = arith.minsi %min3A_1437, %squeeze3A_1439 : i32
        %slice3A_1441 = vector.extract_strided_slice %select_n3A_1412 {offsets = [9], sizes = [1], strides = [1]} : vector<16xi32> to vector<1xi32>
        %squeeze3A_1442 = vector.extract %slice3A_1441[0] : i32 from vector<1xi32>
        %min3A_1443 = arith.minsi %min3A_1440, %squeeze3A_1442 : i32
        %slice3A_1444 = vector.extract_strided_slice %select_n3A_1412 {offsets = [10], sizes = [1], strides = [1]} : vector<16xi32> to vector<1xi32>
        %squeeze3A_1445 = vector.extract %slice3A_1444[0] : i32 from vector<1xi32>
        %min3A_1446 = arith.minsi %min3A_1443, %squeeze3A_1445 : i32
        %slice3A_1447 = vector.extract_strided_slice %select_n3A_1412 {offsets = [11], sizes = [1], strides = [1]} : vector<16xi32> to vector<1xi32>
        %squeeze3A_1448 = vector.extract %slice3A_1447[0] : i32 from vector<1xi32>
        %min3A_1449 = arith.minsi %min3A_1446, %squeeze3A_1448 : i32
        %slice3A_1450 = vector.extract_strided_slice %select_n3A_1412 {offsets = [12], sizes = [1], strides = [1]} : vector<16xi32> to vector<1xi32>
        %squeeze3A_1451 = vector.extract %slice3A_1450[0] : i32 from vector<1xi32>
        %min3A_1452 = arith.minsi %min3A_1449, %squeeze3A_1451 : i32
        %slice3A_1453 = vector.extract_strided_slice %select_n3A_1412 {offsets = [13], sizes = [1], strides = [1]} : vector<16xi32> to vector<1xi32>
        %squeeze3A_1454 = vector.extract %slice3A_1453[0] : i32 from vector<1xi32>
        %min3A_1455 = arith.minsi %min3A_1452, %squeeze3A_1454 : i32
        %slice3A_1456 = vector.extract_strided_slice %select_n3A_1412 {offsets = [14], sizes = [1], strides = [1]} : vector<16xi32> to vector<1xi32>
        %squeeze3A_1457 = vector.extract %slice3A_1456[0] : i32 from vector<1xi32>
        %min3A_1458 = arith.minsi %min3A_1455, %squeeze3A_1457 : i32
        %slice3A_1459 = vector.extract_strided_slice %select_n3A_1412 {offsets = [15], sizes = [1], strides = [1]} : vector<16xi32> to vector<1xi32>
        %squeeze3A_1460 = vector.extract %slice3A_1459[0] : i32 from vector<1xi32>
        %min3A_1461 = arith.minsi %min3A_1458, %squeeze3A_1460 : i32
        %broadcast_in_dim3A_1462 = arith.constant 0.000000e+00 : f32
        %broadcast_in_dim3A_1463 = vector.broadcast %broadcast_in_dim3A_1462 : f32 to vector<16xf32>
        %add3A_1464 = vector.broadcast %max3A_1407 : f32 to vector<16xf32>
        %add3A_1465 = arith.addf %add3A_1464, %broadcast_in_dim3A_1463 : vector<16xf32>
        %mul3A_1466 = arith.constant 16 : i32
        %mul3A_1467 = arith.muli %shift_right_logical3A_1359, %mul3A_1466 : i32
        %swap3A_1468 = arith.index_cast %mul3A_1467 : i32 to index
        %swap3A_1469 = tpu.vector_load %arg12[%swap3A_1468] {strides = array<i32>} : memref<64xf32, #tpu.memory_space<vmem>>, vector<16xf32>,
        %swap3A_1470 = vector.shape_cast %swap3A_1469 : vector<16xf32> to vector<16xf32>
        %swap3A_1471 = vector.shape_cast %add3A_1465 : vector<16xf32> to vector<16xf32>
        tpu.vector_store %arg12[%swap3A_1468], %swap3A_1471 {strides = array<i32>} : memref<64xf32, #tpu.memory_space<vmem>>, vector<16xf32>,
        %broadcast_in_dim3A_1472 = arith.constant 0 : i32
        %broadcast_in_dim3A_1473 = vector.broadcast %broadcast_in_dim3A_1472 : i32 to vector<16xi32>
        %add3A_1474 = vector.broadcast %min3A_1461 : i32 to vector<16xi32>
        %add3A_1475 = arith.addi %add3A_1474, %broadcast_in_dim3A_1473 : vector<16xi32>
        %mul3A_1476 = arith.constant 16 : i32
        %mul3A_1477 = arith.muli %shift_right_logical3A_1359, %mul3A_1476 : i32
        %swap3A_1478 = arith.index_cast %mul3A_1477 : i32 to index
        %swap3A_1479 = tpu.vector_load %arg13[%swap3A_1478] {strides = array<i32>} : memref<64xi32, #tpu.memory_space<vmem>>, vector<16xi32>,
        %swap3A_1480 = vector.shape_cast %swap3A_1479 : vector<16xi32> to vector<16xi32>
        %swap3A_1481 = vector.shape_cast %add3A_1475 : vector<16xi32> to vector<16xi32>
        tpu.vector_store %arg13[%swap3A_1478], %swap3A_1481 {strides = array<i32>} : memref<64xi32, #tpu.memory_space<vmem>>, vector<16xi32>,
        %add3A_1482 = arith.addi %mul3A_2, %shift_right_logical3A_1359 : i32
        %mul3A_1483 = arith.constant 32768 : i32
        %mul3A_1484 = arith.muli %add3A_1482, %mul3A_1483 : i32
        %mul3A_1485 = arith.constant 512 : i32
        %mul3A_1486 = arith.muli %min3A_1461, %mul3A_1485 : i32
        %add3A_1487 = arith.addi %mul3A_1484, %mul3A_1486 : i32
        %multiple_of3A_1488 = tpu.assume_multiple %add3A_1487, 16 : i32
        %mul3A_1489 = arith.constant 512 : i32
        %mul3A_1490 = arith.muli %shift_right_logical3A_1359, %mul3A_1489 : i32
        %dma_start3A_1491 = tpu.memref_slice %arg9[%mul3A_1490] : memref<2048xf32, #tpu.memory_space<vmem>> -> memref<512xf32, #tpu.memory_space<vmem>>
        %dma_start3A_1492 = tpu.memref_slice %arg2[%multiple_of3A_1488] : memref<4194304xf32, #tpu.memory_space<hbm>> -> memref<512xf32, #tpu.memory_space<hbm>>
        %dma_start3A_1493 = tpu.memref_slice %arg9[%mul3A_1490] : memref<2048xf32, #tpu.memory_space<vmem>> -> memref<512xf32, #tpu.memory_space<vmem>>
        %dma_start3A_1494 = tpu.memref_slice %arg2[%multiple_of3A_1488] : memref<4194304xf32, #tpu.memory_space<hbm>> -> memref<512xf32, #tpu.memory_space<hbm>>
        tpu.enqueue_dma source(%dma_start3A_1494 : memref<512xf32, #tpu.memory_space<hbm>>) target(%dma_start3A_1493 : memref<512xf32, #tpu.memory_space<vmem>>) target_semaphore(%arg18 : memref<!tpu.dma_semaphore, #tpu.memory_space<semaphore_mem>>)
      } else {
      }
      %jit3A_1284 = arith.constant 0xFF800000 : f32
      %broadcast_in_dim3A_1285 = vector.broadcast %jit3A_1284 : f32 to vector<16xf32>
      %select_n3A_1286 = arith.select %eq3A_1280, %broadcast_in_dim3A_1285, %scan3A_1268#0 : vector<16xf32>
      %jit3A_1287 = arith.constant 1048576 : i32
      %broadcast_in_dim3A_1288 = vector.broadcast %jit3A_1287 : i32 to vector<16xi32>
      %select_n3A_1289 = arith.select %eq3A_1280, %broadcast_in_dim3A_1288, %scan3A_1268#1 : vector<16xi32>
      %mul3A_1290 = arith.constant 4 : i32
      %mul3A_1291 = arith.muli %scan3A_1223, %mul3A_1290 : i32
      %add3A_1292 = arith.constant 2 : i32
      %add3A_1293 = arith.addi %mul3A_1291, %add3A_1292 : i32
      %dma_wait3A_1294 = arith.constant 0 : i32
      %dma_wait3A_1295 = tpu.memref_slice %arg2[%dma_wait3A_1294] : memref<4194304xf32, #tpu.memory_space<hbm>> -> memref<8192xf32, #tpu.memory_space<hbm>>
      %dma_wait3A_1296 = arith.constant 0 : i32
      %dma_wait3A_1297 = tpu.memref_slice %arg2[%dma_wait3A_1296] : memref<4194304xf32, #tpu.memory_space<hbm>> -> memref<8192xf32, #tpu.memory_space<hbm>>
      tpu.wait_dma2 semaphore(%arg16 : memref<!tpu.dma_semaphore, #tpu.memory_space<semaphore_mem>>) src(%dma_wait3A_1297 : memref<8192xf32, #tpu.memory_space<hbm>>) dst(%arg7 : memref<8192xf32, #tpu.memory_space<vmem>>)
      %scan3A_1298 = arith.constant 0 : i32
      %scan3A_1299 = arith.constant 16 : i32
      %scan3A_1300 = arith.addi %scan3A_1298, %scan3A_1299 : i32
      %scan3A_1301 = arith.constant 1 : i32
      %scan3A_1302:2 = scf.for %scan3A_1358 = %scan3A_1298 to %scan3A_1300 step %scan3A_1301 iter_args(%scan3A_1359 = %select_n3A_1286, %scan3A_1360 = %select_n3A_1289) -> (vector<16xf32>, vector<16xi32>)  : i32 {
        %mul3A_1361 = arith.constant 512 : i32
        %mul3A_1362 = arith.muli %scan3A_1358, %mul3A_1361 : i32
        %get3A_1363 = arith.index_cast %mul3A_1362 : i32 to index
        %get3A_1364 = tpu.vector_load %arg7[%get3A_1363] {strides = array<i32>} : memref<8192xf32, #tpu.memory_space<vmem>>, vector<16xf32>,
        %get3A_1365 = vector.shape_cast %get3A_1364 : vector<16xf32> to vector<16xf32>
        %add3A_1366 = arith.constant 16 : i32
        %add3A_1367 = arith.addi %mul3A_1362, %add3A_1366 : i32
        %get3A_1368 = arith.index_cast %add3A_1367 : i32 to index
        %get3A_1369 = tpu.vector_load %arg7[%get3A_1368] {strides = array<i32>} : memref<8192xf32, #tpu.memory_space<vmem>>, vector<16xf32>,
        %get3A_1370 = vector.shape_cast %get3A_1369 : vector<16xf32> to vector<16xf32>
        %add3A_1371 = arith.constant 32 : i32
        %add3A_1372 = arith.addi %mul3A_1362, %add3A_1371 : i32
        %get3A_1373 = arith.index_cast %add3A_1372 : i32 to index
        %get3A_1374 = tpu.vector_load %arg7[%get3A_1373] {strides = array<i32>} : memref<8192xf32, #tpu.memory_space<vmem>>, vector<16xf32>,
        %get3A_1375 = vector.shape_cast %get3A_1374 : vector<16xf32> to vector<16xf32>
        %add3A_1376 = arith.constant 48 : i32
        %add3A_1377 = arith.addi %mul3A_1362, %add3A_1376 : i32
        %get3A_1378 = arith.index_cast %add3A_1377 : i32 to index
        %get3A_1379 = tpu.vector_load %arg7[%get3A_1378] {strides = array<i32>} : memref<8192xf32, #tpu.memory_space<vmem>>, vector<16xf32>,
        %get3A_1380 = vector.shape_cast %get3A_1379 : vector<16xf32> to vector<16xf32>
        %add3A_1381 = arith.constant 64 : i32
        %add3A_1382 = arith.addi %mul3A_1362, %add3A_1381 : i32
        %get3A_1383 = arith.index_cast %add3A_1382 : i32 to index
        %get3A_1384 = tpu.vector_load %arg7[%get3A_1383] {strides = array<i32>} : memref<8192xf32, #tpu.memory_space<vmem>>, vector<16xf32>,
        %get3A_1385 = vector.shape_cast %get3A_1384 : vector<16xf32> to vector<16xf32>
        %max3A = arith.maximumf %get3A_1365, %get3A_1385 : vector<16xf32>
        %add3A_1386 = arith.constant 80 : i32
        %add3A_1387 = arith.addi %mul3A_1362, %add3A_1386 : i32
        %get3A_1388 = arith.index_cast %add3A_1387 : i32 to index
        %get3A_1389 = tpu.vector_load %arg7[%get3A_1388] {strides = array<i32>} : memref<8192xf32, #tpu.memory_space<vmem>>, vector<16xf32>,
        %get3A_1390 = vector.shape_cast %get3A_1389 : vector<16xf32> to vector<16xf32>
        %max3A_1391 = arith.maximumf %get3A_1370, %get3A_1390 : vector<16xf32>
        %add3A_1392 = arith.constant 96 : i32
        %add3A_1393 = arith.addi %mul3A_1362, %add3A_1392 : i32
        %get3A_1394 = arith.index_cast %add3A_1393 : i32 to index
        %get3A_1395 = tpu.vector_load %arg7[%get3A_1394] {strides = array<i32>} : memref<8192xf32, #tpu.memory_space<vmem>>, vector<16xf32>,
        %get3A_1396 = vector.shape_cast %get3A_1395 : vector<16xf32> to vector<16xf32>
        %max3A_1397 = arith.maximumf %get3A_1375, %get3A_1396 : vector<16xf32>
        %add3A_1398 = arith.constant 112 : i32
        %add3A_1399 = arith.addi %mul3A_1362, %add3A_1398 : i32
        %get3A_1400 = arith.index_cast %add3A_1399 : i32 to index
        %get3A_1401 = tpu.vector_load %arg7[%get3A_1400] {strides = array<i32>} : memref<8192xf32, #tpu.memory_space<vmem>>, vector<16xf32>,
        %get3A_1402 = vector.shape_cast %get3A_1401 : vector<16xf32> to vector<16xf32>
        %max3A_1403 = arith.maximumf %get3A_1380, %get3A_1402 : vector<16xf32>
        %add3A_1404 = arith.constant 128 : i32
        %add3A_1405 = arith.addi %mul3A_1362, %add3A_1404 : i32
        %get3A_1406 = arith.index_cast %add3A_1405 : i32 to index
        %get3A_1407 = tpu.vector_load %arg7[%get3A_1406] {strides = array<i32>} : memref<8192xf32, #tpu.memory_space<vmem>>, vector<16xf32>,
        %get3A_1408 = vector.shape_cast %get3A_1407 : vector<16xf32> to vector<16xf32>
        %max3A_1409 = arith.maximumf %max3A, %get3A_1408 : vector<16xf32>
        %add3A_1410 = arith.constant 144 : i32
        %add3A_1411 = arith.addi %mul3A_1362, %add3A_1410 : i32
        %get3A_1412 = arith.index_cast %add3A_1411 : i32 to index
        %get3A_1413 = tpu.vector_load %arg7[%get3A_1412] {strides = array<i32>} : memref<8192xf32, #tpu.memory_space<vmem>>, vector<16xf32>,
        %get3A_1414 = vector.shape_cast %get3A_1413 : vector<16xf32> to vector<16xf32>
        %max3A_1415 = arith.maximumf %max3A_1391, %get3A_1414 : vector<16xf32>
        %add3A_1416 = arith.constant 160 : i32
        %add3A_1417 = arith.addi %mul3A_1362, %add3A_1416 : i32
        %get3A_1418 = arith.index_cast %add3A_1417 : i32 to index
        %get3A_1419 = tpu.vector_load %arg7[%get3A_1418] {strides = array<i32>} : memref<8192xf32, #tpu.memory_space<vmem>>, vector<16xf32>,
        %get3A_1420 = vector.shape_cast %get3A_1419 : vector<16xf32> to vector<16xf32>
        %max3A_1421 = arith.maximumf %max3A_1397, %get3A_1420 : vector<16xf32>
        %add3A_1422 = arith.constant 176 : i32
        %add3A_1423 = arith.addi %mul3A_1362, %add3A_1422 : i32
        %get3A_1424 = arith.index_cast %add3A_1423 : i32 to index
        %get3A_1425 = tpu.vector_load %arg7[%get3A_1424] {strides = array<i32>} : memref<8192xf32, #tpu.memory_space<vmem>>, vector<16xf32>,
        %get3A_1426 = vector.shape_cast %get3A_1425 : vector<16xf32> to vector<16xf32>
        %max3A_1427 = arith.maximumf %max3A_1403, %get3A_1426 : vector<16xf32>
        %add3A_1428 = arith.constant 192 : i32
        %add3A_1429 = arith.addi %mul3A_1362, %add3A_1428 : i32
        %get3A_1430 = arith.index_cast %add3A_1429 : i32 to index
        %get3A_1431 = tpu.vector_load %arg7[%get3A_1430] {strides = array<i32>} : memref<8192xf32, #tpu.memory_space<vmem>>, vector<16xf32>,
        %get3A_1432 = vector.shape_cast %get3A_1431 : vector<16xf32> to vector<16xf32>
        %max3A_1433 = arith.maximumf %max3A_1409, %get3A_1432 : vector<16xf32>
        %add3A_1434 = arith.constant 208 : i32
        %add3A_1435 = arith.addi %mul3A_1362, %add3A_1434 : i32
        %get3A_1436 = arith.index_cast %add3A_1435 : i32 to index
        %get3A_1437 = tpu.vector_load %arg7[%get3A_1436] {strides = array<i32>} : memref<8192xf32, #tpu.memory_space<vmem>>, vector<16xf32>,
        %get3A_1438 = vector.shape_cast %get3A_1437 : vector<16xf32> to vector<16xf32>
        %max3A_1439 = arith.maximumf %max3A_1415, %get3A_1438 : vector<16xf32>
        %add3A_1440 = arith.constant 224 : i32
        %add3A_1441 = arith.addi %mul3A_1362, %add3A_1440 : i32
        %get3A_1442 = arith.index_cast %add3A_1441 : i32 to index
        %get3A_1443 = tpu.vector_load %arg7[%get3A_1442] {strides = array<i32>} : memref<8192xf32, #tpu.memory_space<vmem>>, vector<16xf32>,
        %get3A_1444 = vector.shape_cast %get3A_1443 : vector<16xf32> to vector<16xf32>
        %max3A_1445 = arith.maximumf %max3A_1421, %get3A_1444 : vector<16xf32>
        %add3A_1446 = arith.constant 240 : i32
        %add3A_1447 = arith.addi %mul3A_1362, %add3A_1446 : i32
        %get3A_1448 = arith.index_cast %add3A_1447 : i32 to index
        %get3A_1449 = tpu.vector_load %arg7[%get3A_1448] {strides = array<i32>} : memref<8192xf32, #tpu.memory_space<vmem>>, vector<16xf32>,
        %get3A_1450 = vector.shape_cast %get3A_1449 : vector<16xf32> to vector<16xf32>
        %max3A_1451 = arith.maximumf %max3A_1427, %get3A_1450 : vector<16xf32>
        %add3A_1452 = arith.constant 256 : i32
        %add3A_1453 = arith.addi %mul3A_1362, %add3A_1452 : i32
        %get3A_1454 = arith.index_cast %add3A_1453 : i32 to index
        %get3A_1455 = tpu.vector_load %arg7[%get3A_1454] {strides = array<i32>} : memref<8192xf32, #tpu.memory_space<vmem>>, vector<16xf32>,
        %get3A_1456 = vector.shape_cast %get3A_1455 : vector<16xf32> to vector<16xf32>
        %max3A_1457 = arith.maximumf %max3A_1433, %get3A_1456 : vector<16xf32>
        %add3A_1458 = arith.constant 272 : i32
        %add3A_1459 = arith.addi %mul3A_1362, %add3A_1458 : i32
        %get3A_1460 = arith.index_cast %add3A_1459 : i32 to index
        %get3A_1461 = tpu.vector_load %arg7[%get3A_1460] {strides = array<i32>} : memref<8192xf32, #tpu.memory_space<vmem>>, vector<16xf32>,
        %get3A_1462 = vector.shape_cast %get3A_1461 : vector<16xf32> to vector<16xf32>
        %max3A_1463 = arith.maximumf %max3A_1439, %get3A_1462 : vector<16xf32>
        %add3A_1464 = arith.constant 288 : i32
        %add3A_1465 = arith.addi %mul3A_1362, %add3A_1464 : i32
        %get3A_1466 = arith.index_cast %add3A_1465 : i32 to index
        %get3A_1467 = tpu.vector_load %arg7[%get3A_1466] {strides = array<i32>} : memref<8192xf32, #tpu.memory_space<vmem>>, vector<16xf32>,
        %get3A_1468 = vector.shape_cast %get3A_1467 : vector<16xf32> to vector<16xf32>
        %max3A_1469 = arith.maximumf %max3A_1445, %get3A_1468 : vector<16xf32>
        %add3A_1470 = arith.constant 304 : i32
        %add3A_1471 = arith.addi %mul3A_1362, %add3A_1470 : i32
        %get3A_1472 = arith.index_cast %add3A_1471 : i32 to index
        %get3A_1473 = tpu.vector_load %arg7[%get3A_1472] {strides = array<i32>} : memref<8192xf32, #tpu.memory_space<vmem>>, vector<16xf32>,
        %get3A_1474 = vector.shape_cast %get3A_1473 : vector<16xf32> to vector<16xf32>
        %max3A_1475 = arith.maximumf %max3A_1451, %get3A_1474 : vector<16xf32>
        %add3A_1476 = arith.constant 320 : i32
        %add3A_1477 = arith.addi %mul3A_1362, %add3A_1476 : i32
        %get3A_1478 = arith.index_cast %add3A_1477 : i32 to index
        %get3A_1479 = tpu.vector_load %arg7[%get3A_1478] {strides = array<i32>} : memref<8192xf32, #tpu.memory_space<vmem>>, vector<16xf32>,
        %get3A_1480 = vector.shape_cast %get3A_1479 : vector<16xf32> to vector<16xf32>
        %max3A_1481 = arith.maximumf %max3A_1457, %get3A_1480 : vector<16xf32>
        %add3A_1482 = arith.constant 336 : i32
        %add3A_1483 = arith.addi %mul3A_1362, %add3A_1482 : i32
        %get3A_1484 = arith.index_cast %add3A_1483 : i32 to index
        %get3A_1485 = tpu.vector_load %arg7[%get3A_1484] {strides = array<i32>} : memref<8192xf32, #tpu.memory_space<vmem>>, vector<16xf32>,
        %get3A_1486 = vector.shape_cast %get3A_1485 : vector<16xf32> to vector<16xf32>
        %max3A_1487 = arith.maximumf %max3A_1463, %get3A_1486 : vector<16xf32>
        %add3A_1488 = arith.constant 352 : i32
        %add3A_1489 = arith.addi %mul3A_1362, %add3A_1488 : i32
        %get3A_1490 = arith.index_cast %add3A_1489 : i32 to index
        %get3A_1491 = tpu.vector_load %arg7[%get3A_1490] {strides = array<i32>} : memref<8192xf32, #tpu.memory_space<vmem>>, vector<16xf32>,
        %get3A_1492 = vector.shape_cast %get3A_1491 : vector<16xf32> to vector<16xf32>
        %max3A_1493 = arith.maximumf %max3A_1469, %get3A_1492 : vector<16xf32>
        %add3A_1494 = arith.constant 368 : i32
        %add3A_1495 = arith.addi %mul3A_1362, %add3A_1494 : i32
        %get3A_1496 = arith.index_cast %add3A_1495 : i32 to index
        %get3A_1497 = tpu.vector_load %arg7[%get3A_1496] {strides = array<i32>} : memref<8192xf32, #tpu.memory_space<vmem>>, vector<16xf32>,
        %get3A_1498 = vector.shape_cast %get3A_1497 : vector<16xf32> to vector<16xf32>
        %max3A_1499 = arith.maximumf %max3A_1475, %get3A_1498 : vector<16xf32>
        %add3A_1500 = arith.constant 384 : i32
        %add3A_1501 = arith.addi %mul3A_1362, %add3A_1500 : i32
        %get3A_1502 = arith.index_cast %add3A_1501 : i32 to index
        %get3A_1503 = tpu.vector_load %arg7[%get3A_1502] {strides = array<i32>} : memref<8192xf32, #tpu.memory_space<vmem>>, vector<16xf32>,
        %get3A_1504 = vector.shape_cast %get3A_1503 : vector<16xf32> to vector<16xf32>
        %max3A_1505 = arith.maximumf %max3A_1481, %get3A_1504 : vector<16xf32>
        %add3A_1506 = arith.constant 400 : i32
        %add3A_1507 = arith.addi %mul3A_1362, %add3A_1506 : i32
        %get3A_1508 = arith.index_cast %add3A_1507 : i32 to index
        %get3A_1509 = tpu.vector_load %arg7[%get3A_1508] {strides = array<i32>} : memref<8192xf32, #tpu.memory_space<vmem>>, vector<16xf32>,
        %get3A_1510 = vector.shape_cast %get3A_1509 : vector<16xf32> to vector<16xf32>
        %max3A_1511 = arith.maximumf %max3A_1487, %get3A_1510 : vector<16xf32>
        %add3A_1512 = arith.constant 416 : i32
        %add3A_1513 = arith.addi %mul3A_1362, %add3A_1512 : i32
        %get3A_1514 = arith.index_cast %add3A_1513 : i32 to index
        %get3A_1515 = tpu.vector_load %arg7[%get3A_1514] {strides = array<i32>} : memref<8192xf32, #tpu.memory_space<vmem>>, vector<16xf32>,
        %get3A_1516 = vector.shape_cast %get3A_1515 : vector<16xf32> to vector<16xf32>
        %max3A_1517 = arith.maximumf %max3A_1493, %get3A_1516 : vector<16xf32>
        %add3A_1518 = arith.constant 432 : i32
        %add3A_1519 = arith.addi %mul3A_1362, %add3A_1518 : i32
        %get3A_1520 = arith.index_cast %add3A_1519 : i32 to index
        %get3A_1521 = tpu.vector_load %arg7[%get3A_1520] {strides = array<i32>} : memref<8192xf32, #tpu.memory_space<vmem>>, vector<16xf32>,
        %get3A_1522 = vector.shape_cast %get3A_1521 : vector<16xf32> to vector<16xf32>
        %max3A_1523 = arith.maximumf %max3A_1499, %get3A_1522 : vector<16xf32>
        %add3A_1524 = arith.constant 448 : i32
        %add3A_1525 = arith.addi %mul3A_1362, %add3A_1524 : i32
        %get3A_1526 = arith.index_cast %add3A_1525 : i32 to index
        %get3A_1527 = tpu.vector_load %arg7[%get3A_1526] {strides = array<i32>} : memref<8192xf32, #tpu.memory_space<vmem>>, vector<16xf32>,
        %get3A_1528 = vector.shape_cast %get3A_1527 : vector<16xf32> to vector<16xf32>
        %max3A_1529 = arith.maximumf %max3A_1505, %get3A_1528 : vector<16xf32>
        %add3A_1530 = arith.constant 464 : i32
        %add3A_1531 = arith.addi %mul3A_1362, %add3A_1530 : i32
        %get3A_1532 = arith.index_cast %add3A_1531 : i32 to index
        %get3A_1533 = tpu.vector_load %arg7[%get3A_1532] {strides = array<i32>} : memref<8192xf32, #tpu.memory_space<vmem>>, vector<16xf32>,
        %get3A_1534 = vector.shape_cast %get3A_1533 : vector<16xf32> to vector<16xf32>
        %max3A_1535 = arith.maximumf %max3A_1511, %get3A_1534 : vector<16xf32>
        %add3A_1536 = arith.constant 480 : i32
        %add3A_1537 = arith.addi %mul3A_1362, %add3A_1536 : i32
        %get3A_1538 = arith.index_cast %add3A_1537 : i32 to index
        %get3A_1539 = tpu.vector_load %arg7[%get3A_1538] {strides = array<i32>} : memref<8192xf32, #tpu.memory_space<vmem>>, vector<16xf32>,
        %get3A_1540 = vector.shape_cast %get3A_1539 : vector<16xf32> to vector<16xf32>
        %max3A_1541 = arith.maximumf %max3A_1517, %get3A_1540 : vector<16xf32>
        %add3A_1542 = arith.constant 496 : i32
        %add3A_1543 = arith.addi %mul3A_1362, %add3A_1542 : i32
        %get3A_1544 = arith.index_cast %add3A_1543 : i32 to index
        %get3A_1545 = tpu.vector_load %arg7[%get3A_1544] {strides = array<i32>} : memref<8192xf32, #tpu.memory_space<vmem>>, vector<16xf32>,
        %get3A_1546 = vector.shape_cast %get3A_1545 : vector<16xf32> to vector<16xf32>
        %max3A_1547 = arith.maximumf %max3A_1523, %get3A_1546 : vector<16xf32>
        %max3A_1548 = arith.maximumf %max3A_1529, %max3A_1535 : vector<16xf32>
        %max3A_1549 = arith.maximumf %max3A_1541, %max3A_1547 : vector<16xf32>
        %max3A_1550 = arith.maximumf %max3A_1548, %max3A_1549 : vector<16xf32>
        %gt3A = arith.cmpf ogt, %max3A_1550, %scan3A_1359 : vector<16xf32>
        %and3A_1551 = arith.constant 3 : i32
        %and3A_1552 = arith.andi %add3A_1293, %and3A_1551 : i32
        %mul3A_1553 = arith.constant 16 : i32
        %mul3A_1554 = arith.muli %and3A_1552, %mul3A_1553 : i32
        %add3A_1555 = arith.addi %mul3A_1554, %scan3A_1358 : i32
        %select_n3A_1556 = arith.select %gt3A, %max3A_1550, %scan3A_1359 : vector<16xi1>, vector<16xf32>
        %broadcast_in_dim3A_1557 = vector.broadcast %add3A_1555 : i32 to vector<16xi32>
        %select_n3A_1558 = arith.select %gt3A, %broadcast_in_dim3A_1557, %scan3A_1360 : vector<16xi1>, vector<16xi32>
        scf.yield %select_n3A_1556, %select_n3A_1558 : vector<16xf32>, vector<16xi32>
      }
      %scan3A_1303 = arith.constant 16 : i32
      %add3A_1304 = arith.constant 4 : i32
      %add3A_1305 = arith.addi %add3A_1293, %add3A_1304 : i32
      %lt3A_1306 = arith.constant 16 : i32
      %lt3A_1307 = arith.cmpi slt, %add3A_1305, %lt3A_1306 : i32
      %convert_element_type3A_1308 = arith.extui %lt3A_1307 : i1 to i32
      %cond3A_1309 = arith.constant 0 : i32
      %cond3A_1310 = arith.cmpi ne, %convert_element_type3A_1308, %cond3A_1309 : i32
      scf.if %cond3A_1310 {
        %add3A_1358 = arith.constant 4 : i32
        %add3A_1359 = arith.addi %add3A_1293, %add3A_1358 : i32
        %shift_right_logical3A_1360 = arith.constant 2 : i32
        %shift_right_logical3A_1361 = arith.shrui %add3A_1359, %shift_right_logical3A_1360 : i32
        %add3A_1362 = arith.addi %mul3A_2, %shift_right_logical3A_1361 : i32
        %mul3A_1363 = arith.constant 32768 : i32
        %mul3A_1364 = arith.muli %add3A_1362, %mul3A_1363 : i32
        %and3A_1365 = arith.constant 3 : i32
        %and3A_1366 = arith.andi %add3A_1359, %and3A_1365 : i32
        %mul3A_1367 = arith.constant 8192 : i32
        %mul3A_1368 = arith.muli %and3A_1366, %mul3A_1367 : i32
        %add3A_1369 = arith.addi %mul3A_1364, %mul3A_1368 : i32
        %multiple_of3A_1370 = tpu.assume_multiple %add3A_1369, 16 : i32
        %dma_start3A_1371 = tpu.memref_slice %arg2[%multiple_of3A_1370] : memref<4194304xf32, #tpu.memory_space<hbm>> -> memref<8192xf32, #tpu.memory_space<hbm>>
        %dma_start3A_1372 = tpu.memref_slice %arg2[%multiple_of3A_1370] : memref<4194304xf32, #tpu.memory_space<hbm>> -> memref<8192xf32, #tpu.memory_space<hbm>>
        tpu.enqueue_dma source(%dma_start3A_1372 : memref<8192xf32, #tpu.memory_space<hbm>>) target(%arg7 : memref<8192xf32, #tpu.memory_space<vmem>>) target_semaphore(%arg16 : memref<!tpu.dma_semaphore, #tpu.memory_space<semaphore_mem>>)
      } else {
      }
      %and3A_1311 = arith.constant 3 : i32
      %and3A_1312 = arith.andi %add3A_1293, %and3A_1311 : i32
      %eq3A_1313 = arith.constant 3 : i32
      %eq3A_1314 = arith.cmpi eq, %and3A_1312, %eq3A_1313 : i32
      %convert_element_type3A_1315 = arith.extui %eq3A_1314 : i1 to i32
      %cond3A_1316 = arith.constant 0 : i32
      %cond3A_1317 = arith.cmpi ne, %convert_element_type3A_1315, %cond3A_1316 : i32
      scf.if %cond3A_1317 {
        %shift_right_logical3A_1358 = arith.constant 2 : i32
        %shift_right_logical3A_1359 = arith.shrui %add3A_1293, %shift_right_logical3A_1358 : i32
        %slice3A_1360 = vector.extract_strided_slice %scan3A_1302#0 {offsets = [0], sizes = [1], strides = [1]} : vector<16xf32> to vector<1xf32>
        %squeeze3A_1361 = vector.extract %slice3A_1360[0] : f32 from vector<1xf32>
        %max3A = arith.constant 0xFF800000 : f32
        %max3A_1362 = arith.maximumf %max3A, %squeeze3A_1361 : f32
        %slice3A_1363 = vector.extract_strided_slice %scan3A_1302#0 {offsets = [1], sizes = [1], strides = [1]} : vector<16xf32> to vector<1xf32>
        %squeeze3A_1364 = vector.extract %slice3A_1363[0] : f32 from vector<1xf32>
        %max3A_1365 = arith.maximumf %max3A_1362, %squeeze3A_1364 : f32
        %slice3A_1366 = vector.extract_strided_slice %scan3A_1302#0 {offsets = [2], sizes = [1], strides = [1]} : vector<16xf32> to vector<1xf32>
        %squeeze3A_1367 = vector.extract %slice3A_1366[0] : f32 from vector<1xf32>
        %max3A_1368 = arith.maximumf %max3A_1365, %squeeze3A_1367 : f32
        %slice3A_1369 = vector.extract_strided_slice %scan3A_1302#0 {offsets = [3], sizes = [1], strides = [1]} : vector<16xf32> to vector<1xf32>
        %squeeze3A_1370 = vector.extract %slice3A_1369[0] : f32 from vector<1xf32>
        %max3A_1371 = arith.maximumf %max3A_1368, %squeeze3A_1370 : f32
        %slice3A_1372 = vector.extract_strided_slice %scan3A_1302#0 {offsets = [4], sizes = [1], strides = [1]} : vector<16xf32> to vector<1xf32>
        %squeeze3A_1373 = vector.extract %slice3A_1372[0] : f32 from vector<1xf32>
        %max3A_1374 = arith.maximumf %max3A_1371, %squeeze3A_1373 : f32
        %slice3A_1375 = vector.extract_strided_slice %scan3A_1302#0 {offsets = [5], sizes = [1], strides = [1]} : vector<16xf32> to vector<1xf32>
        %squeeze3A_1376 = vector.extract %slice3A_1375[0] : f32 from vector<1xf32>
        %max3A_1377 = arith.maximumf %max3A_1374, %squeeze3A_1376 : f32
        %slice3A_1378 = vector.extract_strided_slice %scan3A_1302#0 {offsets = [6], sizes = [1], strides = [1]} : vector<16xf32> to vector<1xf32>
        %squeeze3A_1379 = vector.extract %slice3A_1378[0] : f32 from vector<1xf32>
        %max3A_1380 = arith.maximumf %max3A_1377, %squeeze3A_1379 : f32
        %slice3A_1381 = vector.extract_strided_slice %scan3A_1302#0 {offsets = [7], sizes = [1], strides = [1]} : vector<16xf32> to vector<1xf32>
        %squeeze3A_1382 = vector.extract %slice3A_1381[0] : f32 from vector<1xf32>
        %max3A_1383 = arith.maximumf %max3A_1380, %squeeze3A_1382 : f32
        %slice3A_1384 = vector.extract_strided_slice %scan3A_1302#0 {offsets = [8], sizes = [1], strides = [1]} : vector<16xf32> to vector<1xf32>
        %squeeze3A_1385 = vector.extract %slice3A_1384[0] : f32 from vector<1xf32>
        %max3A_1386 = arith.maximumf %max3A_1383, %squeeze3A_1385 : f32
        %slice3A_1387 = vector.extract_strided_slice %scan3A_1302#0 {offsets = [9], sizes = [1], strides = [1]} : vector<16xf32> to vector<1xf32>
        %squeeze3A_1388 = vector.extract %slice3A_1387[0] : f32 from vector<1xf32>
        %max3A_1389 = arith.maximumf %max3A_1386, %squeeze3A_1388 : f32
        %slice3A_1390 = vector.extract_strided_slice %scan3A_1302#0 {offsets = [10], sizes = [1], strides = [1]} : vector<16xf32> to vector<1xf32>
        %squeeze3A_1391 = vector.extract %slice3A_1390[0] : f32 from vector<1xf32>
        %max3A_1392 = arith.maximumf %max3A_1389, %squeeze3A_1391 : f32
        %slice3A_1393 = vector.extract_strided_slice %scan3A_1302#0 {offsets = [11], sizes = [1], strides = [1]} : vector<16xf32> to vector<1xf32>
        %squeeze3A_1394 = vector.extract %slice3A_1393[0] : f32 from vector<1xf32>
        %max3A_1395 = arith.maximumf %max3A_1392, %squeeze3A_1394 : f32
        %slice3A_1396 = vector.extract_strided_slice %scan3A_1302#0 {offsets = [12], sizes = [1], strides = [1]} : vector<16xf32> to vector<1xf32>
        %squeeze3A_1397 = vector.extract %slice3A_1396[0] : f32 from vector<1xf32>
        %max3A_1398 = arith.maximumf %max3A_1395, %squeeze3A_1397 : f32
        %slice3A_1399 = vector.extract_strided_slice %scan3A_1302#0 {offsets = [13], sizes = [1], strides = [1]} : vector<16xf32> to vector<1xf32>
        %squeeze3A_1400 = vector.extract %slice3A_1399[0] : f32 from vector<1xf32>
        %max3A_1401 = arith.maximumf %max3A_1398, %squeeze3A_1400 : f32
        %slice3A_1402 = vector.extract_strided_slice %scan3A_1302#0 {offsets = [14], sizes = [1], strides = [1]} : vector<16xf32> to vector<1xf32>
        %squeeze3A_1403 = vector.extract %slice3A_1402[0] : f32 from vector<1xf32>
        %max3A_1404 = arith.maximumf %max3A_1401, %squeeze3A_1403 : f32
        %slice3A_1405 = vector.extract_strided_slice %scan3A_1302#0 {offsets = [15], sizes = [1], strides = [1]} : vector<16xf32> to vector<1xf32>
        %squeeze3A_1406 = vector.extract %slice3A_1405[0] : f32 from vector<1xf32>
        %max3A_1407 = arith.maximumf %max3A_1404, %squeeze3A_1406 : f32
        %eq3A_1408 = vector.broadcast %max3A_1407 : f32 to vector<16xf32>
        %eq3A_1409 = arith.cmpf oeq, %scan3A_1302#0, %eq3A_1408 : vector<16xf32>
        %jit3A_1410 = arith.constant 1048576 : i32
        %broadcast_in_dim3A_1411 = vector.broadcast %jit3A_1410 : i32 to vector<16xi32>
        %select_n3A_1412 = arith.select %eq3A_1409, %scan3A_1302#1, %broadcast_in_dim3A_1411 : vector<16xi1>, vector<16xi32>
        %slice3A_1413 = vector.extract_strided_slice %select_n3A_1412 {offsets = [0], sizes = [1], strides = [1]} : vector<16xi32> to vector<1xi32>
        %squeeze3A_1414 = vector.extract %slice3A_1413[0] : i32 from vector<1xi32>
        %min3A_1415 = arith.constant 1048576 : i32
        %min3A_1416 = arith.minsi %min3A_1415, %squeeze3A_1414 : i32
        %slice3A_1417 = vector.extract_strided_slice %select_n3A_1412 {offsets = [1], sizes = [1], strides = [1]} : vector<16xi32> to vector<1xi32>
        %squeeze3A_1418 = vector.extract %slice3A_1417[0] : i32 from vector<1xi32>
        %min3A_1419 = arith.minsi %min3A_1416, %squeeze3A_1418 : i32
        %slice3A_1420 = vector.extract_strided_slice %select_n3A_1412 {offsets = [2], sizes = [1], strides = [1]} : vector<16xi32> to vector<1xi32>
        %squeeze3A_1421 = vector.extract %slice3A_1420[0] : i32 from vector<1xi32>
        %min3A_1422 = arith.minsi %min3A_1419, %squeeze3A_1421 : i32
        %slice3A_1423 = vector.extract_strided_slice %select_n3A_1412 {offsets = [3], sizes = [1], strides = [1]} : vector<16xi32> to vector<1xi32>
        %squeeze3A_1424 = vector.extract %slice3A_1423[0] : i32 from vector<1xi32>
        %min3A_1425 = arith.minsi %min3A_1422, %squeeze3A_1424 : i32
        %slice3A_1426 = vector.extract_strided_slice %select_n3A_1412 {offsets = [4], sizes = [1], strides = [1]} : vector<16xi32> to vector<1xi32>
        %squeeze3A_1427 = vector.extract %slice3A_1426[0] : i32 from vector<1xi32>
        %min3A_1428 = arith.minsi %min3A_1425, %squeeze3A_1427 : i32
        %slice3A_1429 = vector.extract_strided_slice %select_n3A_1412 {offsets = [5], sizes = [1], strides = [1]} : vector<16xi32> to vector<1xi32>
        %squeeze3A_1430 = vector.extract %slice3A_1429[0] : i32 from vector<1xi32>
        %min3A_1431 = arith.minsi %min3A_1428, %squeeze3A_1430 : i32
        %slice3A_1432 = vector.extract_strided_slice %select_n3A_1412 {offsets = [6], sizes = [1], strides = [1]} : vector<16xi32> to vector<1xi32>
        %squeeze3A_1433 = vector.extract %slice3A_1432[0] : i32 from vector<1xi32>
        %min3A_1434 = arith.minsi %min3A_1431, %squeeze3A_1433 : i32
        %slice3A_1435 = vector.extract_strided_slice %select_n3A_1412 {offsets = [7], sizes = [1], strides = [1]} : vector<16xi32> to vector<1xi32>
        %squeeze3A_1436 = vector.extract %slice3A_1435[0] : i32 from vector<1xi32>
        %min3A_1437 = arith.minsi %min3A_1434, %squeeze3A_1436 : i32
        %slice3A_1438 = vector.extract_strided_slice %select_n3A_1412 {offsets = [8], sizes = [1], strides = [1]} : vector<16xi32> to vector<1xi32>
        %squeeze3A_1439 = vector.extract %slice3A_1438[0] : i32 from vector<1xi32>
        %min3A_1440 = arith.minsi %min3A_1437, %squeeze3A_1439 : i32
        %slice3A_1441 = vector.extract_strided_slice %select_n3A_1412 {offsets = [9], sizes = [1], strides = [1]} : vector<16xi32> to vector<1xi32>
        %squeeze3A_1442 = vector.extract %slice3A_1441[0] : i32 from vector<1xi32>
        %min3A_1443 = arith.minsi %min3A_1440, %squeeze3A_1442 : i32
        %slice3A_1444 = vector.extract_strided_slice %select_n3A_1412 {offsets = [10], sizes = [1], strides = [1]} : vector<16xi32> to vector<1xi32>
        %squeeze3A_1445 = vector.extract %slice3A_1444[0] : i32 from vector<1xi32>
        %min3A_1446 = arith.minsi %min3A_1443, %squeeze3A_1445 : i32
        %slice3A_1447 = vector.extract_strided_slice %select_n3A_1412 {offsets = [11], sizes = [1], strides = [1]} : vector<16xi32> to vector<1xi32>
        %squeeze3A_1448 = vector.extract %slice3A_1447[0] : i32 from vector<1xi32>
        %min3A_1449 = arith.minsi %min3A_1446, %squeeze3A_1448 : i32
        %slice3A_1450 = vector.extract_strided_slice %select_n3A_1412 {offsets = [12], sizes = [1], strides = [1]} : vector<16xi32> to vector<1xi32>
        %squeeze3A_1451 = vector.extract %slice3A_1450[0] : i32 from vector<1xi32>
        %min3A_1452 = arith.minsi %min3A_1449, %squeeze3A_1451 : i32
        %slice3A_1453 = vector.extract_strided_slice %select_n3A_1412 {offsets = [13], sizes = [1], strides = [1]} : vector<16xi32> to vector<1xi32>
        %squeeze3A_1454 = vector.extract %slice3A_1453[0] : i32 from vector<1xi32>
        %min3A_1455 = arith.minsi %min3A_1452, %squeeze3A_1454 : i32
        %slice3A_1456 = vector.extract_strided_slice %select_n3A_1412 {offsets = [14], sizes = [1], strides = [1]} : vector<16xi32> to vector<1xi32>
        %squeeze3A_1457 = vector.extract %slice3A_1456[0] : i32 from vector<1xi32>
        %min3A_1458 = arith.minsi %min3A_1455, %squeeze3A_1457 : i32
        %slice3A_1459 = vector.extract_strided_slice %select_n3A_1412 {offsets = [15], sizes = [1], strides = [1]} : vector<16xi32> to vector<1xi32>
        %squeeze3A_1460 = vector.extract %slice3A_1459[0] : i32 from vector<1xi32>
        %min3A_1461 = arith.minsi %min3A_1458, %squeeze3A_1460 : i32
        %broadcast_in_dim3A_1462 = arith.constant 0.000000e+00 : f32
        %broadcast_in_dim3A_1463 = vector.broadcast %broadcast_in_dim3A_1462 : f32 to vector<16xf32>
        %add3A_1464 = vector.broadcast %max3A_1407 : f32 to vector<16xf32>
        %add3A_1465 = arith.addf %add3A_1464, %broadcast_in_dim3A_1463 : vector<16xf32>
        %mul3A_1466 = arith.constant 16 : i32
        %mul3A_1467 = arith.muli %shift_right_logical3A_1359, %mul3A_1466 : i32
        %swap3A_1468 = arith.index_cast %mul3A_1467 : i32 to index
        %swap3A_1469 = tpu.vector_load %arg12[%swap3A_1468] {strides = array<i32>} : memref<64xf32, #tpu.memory_space<vmem>>, vector<16xf32>,
        %swap3A_1470 = vector.shape_cast %swap3A_1469 : vector<16xf32> to vector<16xf32>
        %swap3A_1471 = vector.shape_cast %add3A_1465 : vector<16xf32> to vector<16xf32>
        tpu.vector_store %arg12[%swap3A_1468], %swap3A_1471 {strides = array<i32>} : memref<64xf32, #tpu.memory_space<vmem>>, vector<16xf32>,
        %broadcast_in_dim3A_1472 = arith.constant 0 : i32
        %broadcast_in_dim3A_1473 = vector.broadcast %broadcast_in_dim3A_1472 : i32 to vector<16xi32>
        %add3A_1474 = vector.broadcast %min3A_1461 : i32 to vector<16xi32>
        %add3A_1475 = arith.addi %add3A_1474, %broadcast_in_dim3A_1473 : vector<16xi32>
        %mul3A_1476 = arith.constant 16 : i32
        %mul3A_1477 = arith.muli %shift_right_logical3A_1359, %mul3A_1476 : i32
        %swap3A_1478 = arith.index_cast %mul3A_1477 : i32 to index
        %swap3A_1479 = tpu.vector_load %arg13[%swap3A_1478] {strides = array<i32>} : memref<64xi32, #tpu.memory_space<vmem>>, vector<16xi32>,
        %swap3A_1480 = vector.shape_cast %swap3A_1479 : vector<16xi32> to vector<16xi32>
        %swap3A_1481 = vector.shape_cast %add3A_1475 : vector<16xi32> to vector<16xi32>
        tpu.vector_store %arg13[%swap3A_1478], %swap3A_1481 {strides = array<i32>} : memref<64xi32, #tpu.memory_space<vmem>>, vector<16xi32>,
        %add3A_1482 = arith.addi %mul3A_2, %shift_right_logical3A_1359 : i32
        %mul3A_1483 = arith.constant 32768 : i32
        %mul3A_1484 = arith.muli %add3A_1482, %mul3A_1483 : i32
        %mul3A_1485 = arith.constant 512 : i32
        %mul3A_1486 = arith.muli %min3A_1461, %mul3A_1485 : i32
        %add3A_1487 = arith.addi %mul3A_1484, %mul3A_1486 : i32
        %multiple_of3A_1488 = tpu.assume_multiple %add3A_1487, 16 : i32
        %mul3A_1489 = arith.constant 512 : i32
        %mul3A_1490 = arith.muli %shift_right_logical3A_1359, %mul3A_1489 : i32
        %dma_start3A_1491 = tpu.memref_slice %arg9[%mul3A_1490] : memref<2048xf32, #tpu.memory_space<vmem>> -> memref<512xf32, #tpu.memory_space<vmem>>
        %dma_start3A_1492 = tpu.memref_slice %arg2[%multiple_of3A_1488] : memref<4194304xf32, #tpu.memory_space<hbm>> -> memref<512xf32, #tpu.memory_space<hbm>>
        %dma_start3A_1493 = tpu.memref_slice %arg9[%mul3A_1490] : memref<2048xf32, #tpu.memory_space<vmem>> -> memref<512xf32, #tpu.memory_space<vmem>>
        %dma_start3A_1494 = tpu.memref_slice %arg2[%multiple_of3A_1488] : memref<4194304xf32, #tpu.memory_space<hbm>> -> memref<512xf32, #tpu.memory_space<hbm>>
        tpu.enqueue_dma source(%dma_start3A_1494 : memref<512xf32, #tpu.memory_space<hbm>>) target(%dma_start3A_1493 : memref<512xf32, #tpu.memory_space<vmem>>) target_semaphore(%arg18 : memref<!tpu.dma_semaphore, #tpu.memory_space<semaphore_mem>>)
      } else {
      }
      %jit3A_1318 = arith.constant 0xFF800000 : f32
      %broadcast_in_dim3A_1319 = vector.broadcast %jit3A_1318 : f32 to vector<16xf32>
      %select_n3A_1320 = arith.select %eq3A_1314, %broadcast_in_dim3A_1319, %scan3A_1302#0 : vector<16xf32>
      %jit3A_1321 = arith.constant 1048576 : i32
      %broadcast_in_dim3A_1322 = vector.broadcast %jit3A_1321 : i32 to vector<16xi32>
      %select_n3A_1323 = arith.select %eq3A_1314, %broadcast_in_dim3A_1322, %scan3A_1302#1 : vector<16xi32>
      %mul3A_1324 = arith.constant 4 : i32
      %mul3A_1325 = arith.muli %scan3A_1223, %mul3A_1324 : i32
      %add3A_1326 = arith.constant 3 : i32
      %add3A_1327 = arith.addi %mul3A_1325, %add3A_1326 : i32
      %dma_wait3A_1328 = arith.constant 0 : i32
      %dma_wait3A_1329 = tpu.memref_slice %arg2[%dma_wait3A_1328] : memref<4194304xf32, #tpu.memory_space<hbm>> -> memref<8192xf32, #tpu.memory_space<hbm>>
      %dma_wait3A_1330 = arith.constant 0 : i32
      %dma_wait3A_1331 = tpu.memref_slice %arg2[%dma_wait3A_1330] : memref<4194304xf32, #tpu.memory_space<hbm>> -> memref<8192xf32, #tpu.memory_space<hbm>>
      tpu.wait_dma2 semaphore(%arg17 : memref<!tpu.dma_semaphore, #tpu.memory_space<semaphore_mem>>) src(%dma_wait3A_1331 : memref<8192xf32, #tpu.memory_space<hbm>>) dst(%arg8 : memref<8192xf32, #tpu.memory_space<vmem>>)
      %scan3A_1332 = arith.constant 0 : i32
      %scan3A_1333 = arith.constant 16 : i32
      %scan3A_1334 = arith.addi %scan3A_1332, %scan3A_1333 : i32
      %scan3A_1335 = arith.constant 1 : i32
      %scan3A_1336:2 = scf.for %scan3A_1358 = %scan3A_1332 to %scan3A_1334 step %scan3A_1335 iter_args(%scan3A_1359 = %select_n3A_1320, %scan3A_1360 = %select_n3A_1323) -> (vector<16xf32>, vector<16xi32>)  : i32 {
        %mul3A_1361 = arith.constant 512 : i32
        %mul3A_1362 = arith.muli %scan3A_1358, %mul3A_1361 : i32
        %get3A_1363 = arith.index_cast %mul3A_1362 : i32 to index
        %get3A_1364 = tpu.vector_load %arg8[%get3A_1363] {strides = array<i32>} : memref<8192xf32, #tpu.memory_space<vmem>>, vector<16xf32>,
        %get3A_1365 = vector.shape_cast %get3A_1364 : vector<16xf32> to vector<16xf32>
        %add3A_1366 = arith.constant 16 : i32
        %add3A_1367 = arith.addi %mul3A_1362, %add3A_1366 : i32
        %get3A_1368 = arith.index_cast %add3A_1367 : i32 to index
        %get3A_1369 = tpu.vector_load %arg8[%get3A_1368] {strides = array<i32>} : memref<8192xf32, #tpu.memory_space<vmem>>, vector<16xf32>,
        %get3A_1370 = vector.shape_cast %get3A_1369 : vector<16xf32> to vector<16xf32>
        %add3A_1371 = arith.constant 32 : i32
        %add3A_1372 = arith.addi %mul3A_1362, %add3A_1371 : i32
        %get3A_1373 = arith.index_cast %add3A_1372 : i32 to index
        %get3A_1374 = tpu.vector_load %arg8[%get3A_1373] {strides = array<i32>} : memref<8192xf32, #tpu.memory_space<vmem>>, vector<16xf32>,
        %get3A_1375 = vector.shape_cast %get3A_1374 : vector<16xf32> to vector<16xf32>
        %add3A_1376 = arith.constant 48 : i32
        %add3A_1377 = arith.addi %mul3A_1362, %add3A_1376 : i32
        %get3A_1378 = arith.index_cast %add3A_1377 : i32 to index
        %get3A_1379 = tpu.vector_load %arg8[%get3A_1378] {strides = array<i32>} : memref<8192xf32, #tpu.memory_space<vmem>>, vector<16xf32>,
        %get3A_1380 = vector.shape_cast %get3A_1379 : vector<16xf32> to vector<16xf32>
        %add3A_1381 = arith.constant 64 : i32
        %add3A_1382 = arith.addi %mul3A_1362, %add3A_1381 : i32
        %get3A_1383 = arith.index_cast %add3A_1382 : i32 to index
        %get3A_1384 = tpu.vector_load %arg8[%get3A_1383] {strides = array<i32>} : memref<8192xf32, #tpu.memory_space<vmem>>, vector<16xf32>,
        %get3A_1385 = vector.shape_cast %get3A_1384 : vector<16xf32> to vector<16xf32>
        %max3A = arith.maximumf %get3A_1365, %get3A_1385 : vector<16xf32>
        %add3A_1386 = arith.constant 80 : i32
        %add3A_1387 = arith.addi %mul3A_1362, %add3A_1386 : i32
        %get3A_1388 = arith.index_cast %add3A_1387 : i32 to index
        %get3A_1389 = tpu.vector_load %arg8[%get3A_1388] {strides = array<i32>} : memref<8192xf32, #tpu.memory_space<vmem>>, vector<16xf32>,
        %get3A_1390 = vector.shape_cast %get3A_1389 : vector<16xf32> to vector<16xf32>
        %max3A_1391 = arith.maximumf %get3A_1370, %get3A_1390 : vector<16xf32>
        %add3A_1392 = arith.constant 96 : i32
        %add3A_1393 = arith.addi %mul3A_1362, %add3A_1392 : i32
        %get3A_1394 = arith.index_cast %add3A_1393 : i32 to index
        %get3A_1395 = tpu.vector_load %arg8[%get3A_1394] {strides = array<i32>} : memref<8192xf32, #tpu.memory_space<vmem>>, vector<16xf32>,
        %get3A_1396 = vector.shape_cast %get3A_1395 : vector<16xf32> to vector<16xf32>
        %max3A_1397 = arith.maximumf %get3A_1375, %get3A_1396 : vector<16xf32>
        %add3A_1398 = arith.constant 112 : i32
        %add3A_1399 = arith.addi %mul3A_1362, %add3A_1398 : i32
        %get3A_1400 = arith.index_cast %add3A_1399 : i32 to index
        %get3A_1401 = tpu.vector_load %arg8[%get3A_1400] {strides = array<i32>} : memref<8192xf32, #tpu.memory_space<vmem>>, vector<16xf32>,
        %get3A_1402 = vector.shape_cast %get3A_1401 : vector<16xf32> to vector<16xf32>
        %max3A_1403 = arith.maximumf %get3A_1380, %get3A_1402 : vector<16xf32>
        %add3A_1404 = arith.constant 128 : i32
        %add3A_1405 = arith.addi %mul3A_1362, %add3A_1404 : i32
        %get3A_1406 = arith.index_cast %add3A_1405 : i32 to index
        %get3A_1407 = tpu.vector_load %arg8[%get3A_1406] {strides = array<i32>} : memref<8192xf32, #tpu.memory_space<vmem>>, vector<16xf32>,
        %get3A_1408 = vector.shape_cast %get3A_1407 : vector<16xf32> to vector<16xf32>
        %max3A_1409 = arith.maximumf %max3A, %get3A_1408 : vector<16xf32>
        %add3A_1410 = arith.constant 144 : i32
        %add3A_1411 = arith.addi %mul3A_1362, %add3A_1410 : i32
        %get3A_1412 = arith.index_cast %add3A_1411 : i32 to index
        %get3A_1413 = tpu.vector_load %arg8[%get3A_1412] {strides = array<i32>} : memref<8192xf32, #tpu.memory_space<vmem>>, vector<16xf32>,
        %get3A_1414 = vector.shape_cast %get3A_1413 : vector<16xf32> to vector<16xf32>
        %max3A_1415 = arith.maximumf %max3A_1391, %get3A_1414 : vector<16xf32>
        %add3A_1416 = arith.constant 160 : i32
        %add3A_1417 = arith.addi %mul3A_1362, %add3A_1416 : i32
        %get3A_1418 = arith.index_cast %add3A_1417 : i32 to index
        %get3A_1419 = tpu.vector_load %arg8[%get3A_1418] {strides = array<i32>} : memref<8192xf32, #tpu.memory_space<vmem>>, vector<16xf32>,
        %get3A_1420 = vector.shape_cast %get3A_1419 : vector<16xf32> to vector<16xf32>
        %max3A_1421 = arith.maximumf %max3A_1397, %get3A_1420 : vector<16xf32>
        %add3A_1422 = arith.constant 176 : i32
        %add3A_1423 = arith.addi %mul3A_1362, %add3A_1422 : i32
        %get3A_1424 = arith.index_cast %add3A_1423 : i32 to index
        %get3A_1425 = tpu.vector_load %arg8[%get3A_1424] {strides = array<i32>} : memref<8192xf32, #tpu.memory_space<vmem>>, vector<16xf32>,
        %get3A_1426 = vector.shape_cast %get3A_1425 : vector<16xf32> to vector<16xf32>
        %max3A_1427 = arith.maximumf %max3A_1403, %get3A_1426 : vector<16xf32>
        %add3A_1428 = arith.constant 192 : i32
        %add3A_1429 = arith.addi %mul3A_1362, %add3A_1428 : i32
        %get3A_1430 = arith.index_cast %add3A_1429 : i32 to index
        %get3A_1431 = tpu.vector_load %arg8[%get3A_1430] {strides = array<i32>} : memref<8192xf32, #tpu.memory_space<vmem>>, vector<16xf32>,
        %get3A_1432 = vector.shape_cast %get3A_1431 : vector<16xf32> to vector<16xf32>
        %max3A_1433 = arith.maximumf %max3A_1409, %get3A_1432 : vector<16xf32>
        %add3A_1434 = arith.constant 208 : i32
        %add3A_1435 = arith.addi %mul3A_1362, %add3A_1434 : i32
        %get3A_1436 = arith.index_cast %add3A_1435 : i32 to index
        %get3A_1437 = tpu.vector_load %arg8[%get3A_1436] {strides = array<i32>} : memref<8192xf32, #tpu.memory_space<vmem>>, vector<16xf32>,
        %get3A_1438 = vector.shape_cast %get3A_1437 : vector<16xf32> to vector<16xf32>
        %max3A_1439 = arith.maximumf %max3A_1415, %get3A_1438 : vector<16xf32>
        %add3A_1440 = arith.constant 224 : i32
        %add3A_1441 = arith.addi %mul3A_1362, %add3A_1440 : i32
        %get3A_1442 = arith.index_cast %add3A_1441 : i32 to index
        %get3A_1443 = tpu.vector_load %arg8[%get3A_1442] {strides = array<i32>} : memref<8192xf32, #tpu.memory_space<vmem>>, vector<16xf32>,
        %get3A_1444 = vector.shape_cast %get3A_1443 : vector<16xf32> to vector<16xf32>
        %max3A_1445 = arith.maximumf %max3A_1421, %get3A_1444 : vector<16xf32>
        %add3A_1446 = arith.constant 240 : i32
        %add3A_1447 = arith.addi %mul3A_1362, %add3A_1446 : i32
        %get3A_1448 = arith.index_cast %add3A_1447 : i32 to index
        %get3A_1449 = tpu.vector_load %arg8[%get3A_1448] {strides = array<i32>} : memref<8192xf32, #tpu.memory_space<vmem>>, vector<16xf32>,
        %get3A_1450 = vector.shape_cast %get3A_1449 : vector<16xf32> to vector<16xf32>
        %max3A_1451 = arith.maximumf %max3A_1427, %get3A_1450 : vector<16xf32>
        %add3A_1452 = arith.constant 256 : i32
        %add3A_1453 = arith.addi %mul3A_1362, %add3A_1452 : i32
        %get3A_1454 = arith.index_cast %add3A_1453 : i32 to index
        %get3A_1455 = tpu.vector_load %arg8[%get3A_1454] {strides = array<i32>} : memref<8192xf32, #tpu.memory_space<vmem>>, vector<16xf32>,
        %get3A_1456 = vector.shape_cast %get3A_1455 : vector<16xf32> to vector<16xf32>
        %max3A_1457 = arith.maximumf %max3A_1433, %get3A_1456 : vector<16xf32>
        %add3A_1458 = arith.constant 272 : i32
        %add3A_1459 = arith.addi %mul3A_1362, %add3A_1458 : i32
        %get3A_1460 = arith.index_cast %add3A_1459 : i32 to index
        %get3A_1461 = tpu.vector_load %arg8[%get3A_1460] {strides = array<i32>} : memref<8192xf32, #tpu.memory_space<vmem>>, vector<16xf32>,
        %get3A_1462 = vector.shape_cast %get3A_1461 : vector<16xf32> to vector<16xf32>
        %max3A_1463 = arith.maximumf %max3A_1439, %get3A_1462 : vector<16xf32>
        %add3A_1464 = arith.constant 288 : i32
        %add3A_1465 = arith.addi %mul3A_1362, %add3A_1464 : i32
        %get3A_1466 = arith.index_cast %add3A_1465 : i32 to index
        %get3A_1467 = tpu.vector_load %arg8[%get3A_1466] {strides = array<i32>} : memref<8192xf32, #tpu.memory_space<vmem>>, vector<16xf32>,
        %get3A_1468 = vector.shape_cast %get3A_1467 : vector<16xf32> to vector<16xf32>
        %max3A_1469 = arith.maximumf %max3A_1445, %get3A_1468 : vector<16xf32>
        %add3A_1470 = arith.constant 304 : i32
        %add3A_1471 = arith.addi %mul3A_1362, %add3A_1470 : i32
        %get3A_1472 = arith.index_cast %add3A_1471 : i32 to index
        %get3A_1473 = tpu.vector_load %arg8[%get3A_1472] {strides = array<i32>} : memref<8192xf32, #tpu.memory_space<vmem>>, vector<16xf32>,
        %get3A_1474 = vector.shape_cast %get3A_1473 : vector<16xf32> to vector<16xf32>
        %max3A_1475 = arith.maximumf %max3A_1451, %get3A_1474 : vector<16xf32>
        %add3A_1476 = arith.constant 320 : i32
        %add3A_1477 = arith.addi %mul3A_1362, %add3A_1476 : i32
        %get3A_1478 = arith.index_cast %add3A_1477 : i32 to index
        %get3A_1479 = tpu.vector_load %arg8[%get3A_1478] {strides = array<i32>} : memref<8192xf32, #tpu.memory_space<vmem>>, vector<16xf32>,
        %get3A_1480 = vector.shape_cast %get3A_1479 : vector<16xf32> to vector<16xf32>
        %max3A_1481 = arith.maximumf %max3A_1457, %get3A_1480 : vector<16xf32>
        %add3A_1482 = arith.constant 336 : i32
        %add3A_1483 = arith.addi %mul3A_1362, %add3A_1482 : i32
        %get3A_1484 = arith.index_cast %add3A_1483 : i32 to index
        %get3A_1485 = tpu.vector_load %arg8[%get3A_1484] {strides = array<i32>} : memref<8192xf32, #tpu.memory_space<vmem>>, vector<16xf32>,
        %get3A_1486 = vector.shape_cast %get3A_1485 : vector<16xf32> to vector<16xf32>
        %max3A_1487 = arith.maximumf %max3A_1463, %get3A_1486 : vector<16xf32>
        %add3A_1488 = arith.constant 352 : i32
        %add3A_1489 = arith.addi %mul3A_1362, %add3A_1488 : i32
        %get3A_1490 = arith.index_cast %add3A_1489 : i32 to index
        %get3A_1491 = tpu.vector_load %arg8[%get3A_1490] {strides = array<i32>} : memref<8192xf32, #tpu.memory_space<vmem>>, vector<16xf32>,
        %get3A_1492 = vector.shape_cast %get3A_1491 : vector<16xf32> to vector<16xf32>
        %max3A_1493 = arith.maximumf %max3A_1469, %get3A_1492 : vector<16xf32>
        %add3A_1494 = arith.constant 368 : i32
        %add3A_1495 = arith.addi %mul3A_1362, %add3A_1494 : i32
        %get3A_1496 = arith.index_cast %add3A_1495 : i32 to index
        %get3A_1497 = tpu.vector_load %arg8[%get3A_1496] {strides = array<i32>} : memref<8192xf32, #tpu.memory_space<vmem>>, vector<16xf32>,
        %get3A_1498 = vector.shape_cast %get3A_1497 : vector<16xf32> to vector<16xf32>
        %max3A_1499 = arith.maximumf %max3A_1475, %get3A_1498 : vector<16xf32>
        %add3A_1500 = arith.constant 384 : i32
        %add3A_1501 = arith.addi %mul3A_1362, %add3A_1500 : i32
        %get3A_1502 = arith.index_cast %add3A_1501 : i32 to index
        %get3A_1503 = tpu.vector_load %arg8[%get3A_1502] {strides = array<i32>} : memref<8192xf32, #tpu.memory_space<vmem>>, vector<16xf32>,
        %get3A_1504 = vector.shape_cast %get3A_1503 : vector<16xf32> to vector<16xf32>
        %max3A_1505 = arith.maximumf %max3A_1481, %get3A_1504 : vector<16xf32>
        %add3A_1506 = arith.constant 400 : i32
        %add3A_1507 = arith.addi %mul3A_1362, %add3A_1506 : i32
        %get3A_1508 = arith.index_cast %add3A_1507 : i32 to index
        %get3A_1509 = tpu.vector_load %arg8[%get3A_1508] {strides = array<i32>} : memref<8192xf32, #tpu.memory_space<vmem>>, vector<16xf32>,
        %get3A_1510 = vector.shape_cast %get3A_1509 : vector<16xf32> to vector<16xf32>
        %max3A_1511 = arith.maximumf %max3A_1487, %get3A_1510 : vector<16xf32>
        %add3A_1512 = arith.constant 416 : i32
        %add3A_1513 = arith.addi %mul3A_1362, %add3A_1512 : i32
        %get3A_1514 = arith.index_cast %add3A_1513 : i32 to index
        %get3A_1515 = tpu.vector_load %arg8[%get3A_1514] {strides = array<i32>} : memref<8192xf32, #tpu.memory_space<vmem>>, vector<16xf32>,
        %get3A_1516 = vector.shape_cast %get3A_1515 : vector<16xf32> to vector<16xf32>
        %max3A_1517 = arith.maximumf %max3A_1493, %get3A_1516 : vector<16xf32>
        %add3A_1518 = arith.constant 432 : i32
        %add3A_1519 = arith.addi %mul3A_1362, %add3A_1518 : i32
        %get3A_1520 = arith.index_cast %add3A_1519 : i32 to index
        %get3A_1521 = tpu.vector_load %arg8[%get3A_1520] {strides = array<i32>} : memref<8192xf32, #tpu.memory_space<vmem>>, vector<16xf32>,
        %get3A_1522 = vector.shape_cast %get3A_1521 : vector<16xf32> to vector<16xf32>
        %max3A_1523 = arith.maximumf %max3A_1499, %get3A_1522 : vector<16xf32>
        %add3A_1524 = arith.constant 448 : i32
        %add3A_1525 = arith.addi %mul3A_1362, %add3A_1524 : i32
        %get3A_1526 = arith.index_cast %add3A_1525 : i32 to index
        %get3A_1527 = tpu.vector_load %arg8[%get3A_1526] {strides = array<i32>} : memref<8192xf32, #tpu.memory_space<vmem>>, vector<16xf32>,
        %get3A_1528 = vector.shape_cast %get3A_1527 : vector<16xf32> to vector<16xf32>
        %max3A_1529 = arith.maximumf %max3A_1505, %get3A_1528 : vector<16xf32>
        %add3A_1530 = arith.constant 464 : i32
        %add3A_1531 = arith.addi %mul3A_1362, %add3A_1530 : i32
        %get3A_1532 = arith.index_cast %add3A_1531 : i32 to index
        %get3A_1533 = tpu.vector_load %arg8[%get3A_1532] {strides = array<i32>} : memref<8192xf32, #tpu.memory_space<vmem>>, vector<16xf32>,
        %get3A_1534 = vector.shape_cast %get3A_1533 : vector<16xf32> to vector<16xf32>
        %max3A_1535 = arith.maximumf %max3A_1511, %get3A_1534 : vector<16xf32>
        %add3A_1536 = arith.constant 480 : i32
        %add3A_1537 = arith.addi %mul3A_1362, %add3A_1536 : i32
        %get3A_1538 = arith.index_cast %add3A_1537 : i32 to index
        %get3A_1539 = tpu.vector_load %arg8[%get3A_1538] {strides = array<i32>} : memref<8192xf32, #tpu.memory_space<vmem>>, vector<16xf32>,
        %get3A_1540 = vector.shape_cast %get3A_1539 : vector<16xf32> to vector<16xf32>
        %max3A_1541 = arith.maximumf %max3A_1517, %get3A_1540 : vector<16xf32>
        %add3A_1542 = arith.constant 496 : i32
        %add3A_1543 = arith.addi %mul3A_1362, %add3A_1542 : i32
        %get3A_1544 = arith.index_cast %add3A_1543 : i32 to index
        %get3A_1545 = tpu.vector_load %arg8[%get3A_1544] {strides = array<i32>} : memref<8192xf32, #tpu.memory_space<vmem>>, vector<16xf32>,
        %get3A_1546 = vector.shape_cast %get3A_1545 : vector<16xf32> to vector<16xf32>
        %max3A_1547 = arith.maximumf %max3A_1523, %get3A_1546 : vector<16xf32>
        %max3A_1548 = arith.maximumf %max3A_1529, %max3A_1535 : vector<16xf32>
        %max3A_1549 = arith.maximumf %max3A_1541, %max3A_1547 : vector<16xf32>
        %max3A_1550 = arith.maximumf %max3A_1548, %max3A_1549 : vector<16xf32>
        %gt3A = arith.cmpf ogt, %max3A_1550, %scan3A_1359 : vector<16xf32>
        %and3A_1551 = arith.constant 3 : i32
        %and3A_1552 = arith.andi %add3A_1327, %and3A_1551 : i32
        %mul3A_1553 = arith.constant 16 : i32
        %mul3A_1554 = arith.muli %and3A_1552, %mul3A_1553 : i32
        %add3A_1555 = arith.addi %mul3A_1554, %scan3A_1358 : i32
        %select_n3A_1556 = arith.select %gt3A, %max3A_1550, %scan3A_1359 : vector<16xi1>, vector<16xf32>
        %broadcast_in_dim3A_1557 = vector.broadcast %add3A_1555 : i32 to vector<16xi32>
        %select_n3A_1558 = arith.select %gt3A, %broadcast_in_dim3A_1557, %scan3A_1360 : vector<16xi1>, vector<16xi32>
        scf.yield %select_n3A_1556, %select_n3A_1558 : vector<16xf32>, vector<16xi32>
      }
      %scan3A_1337 = arith.constant 16 : i32
      %add3A_1338 = arith.constant 4 : i32
      %add3A_1339 = arith.addi %add3A_1327, %add3A_1338 : i32
      %lt3A_1340 = arith.constant 16 : i32
      %lt3A_1341 = arith.cmpi slt, %add3A_1339, %lt3A_1340 : i32
      %convert_element_type3A_1342 = arith.extui %lt3A_1341 : i1 to i32
      %cond3A_1343 = arith.constant 0 : i32
      %cond3A_1344 = arith.cmpi ne, %convert_element_type3A_1342, %cond3A_1343 : i32
      scf.if %cond3A_1344 {
        %add3A_1358 = arith.constant 4 : i32
        %add3A_1359 = arith.addi %add3A_1327, %add3A_1358 : i32
        %shift_right_logical3A_1360 = arith.constant 2 : i32
        %shift_right_logical3A_1361 = arith.shrui %add3A_1359, %shift_right_logical3A_1360 : i32
        %add3A_1362 = arith.addi %mul3A_2, %shift_right_logical3A_1361 : i32
        %mul3A_1363 = arith.constant 32768 : i32
        %mul3A_1364 = arith.muli %add3A_1362, %mul3A_1363 : i32
        %and3A_1365 = arith.constant 3 : i32
        %and3A_1366 = arith.andi %add3A_1359, %and3A_1365 : i32
        %mul3A_1367 = arith.constant 8192 : i32
        %mul3A_1368 = arith.muli %and3A_1366, %mul3A_1367 : i32
        %add3A_1369 = arith.addi %mul3A_1364, %mul3A_1368 : i32
        %multiple_of3A_1370 = tpu.assume_multiple %add3A_1369, 16 : i32
        %dma_start3A_1371 = tpu.memref_slice %arg2[%multiple_of3A_1370] : memref<4194304xf32, #tpu.memory_space<hbm>> -> memref<8192xf32, #tpu.memory_space<hbm>>
        %dma_start3A_1372 = tpu.memref_slice %arg2[%multiple_of3A_1370] : memref<4194304xf32, #tpu.memory_space<hbm>> -> memref<8192xf32, #tpu.memory_space<hbm>>
        tpu.enqueue_dma source(%dma_start3A_1372 : memref<8192xf32, #tpu.memory_space<hbm>>) target(%arg8 : memref<8192xf32, #tpu.memory_space<vmem>>) target_semaphore(%arg17 : memref<!tpu.dma_semaphore, #tpu.memory_space<semaphore_mem>>)
      } else {
      }
      %and3A_1345 = arith.constant 3 : i32
      %and3A_1346 = arith.andi %add3A_1327, %and3A_1345 : i32
      %eq3A_1347 = arith.constant 3 : i32
      %eq3A_1348 = arith.cmpi eq, %and3A_1346, %eq3A_1347 : i32
      %convert_element_type3A_1349 = arith.extui %eq3A_1348 : i1 to i32
      %cond3A_1350 = arith.constant 0 : i32
      %cond3A_1351 = arith.cmpi ne, %convert_element_type3A_1349, %cond3A_1350 : i32
      scf.if %cond3A_1351 {
        %shift_right_logical3A_1358 = arith.constant 2 : i32
        %shift_right_logical3A_1359 = arith.shrui %add3A_1327, %shift_right_logical3A_1358 : i32
        %slice3A_1360 = vector.extract_strided_slice %scan3A_1336#0 {offsets = [0], sizes = [1], strides = [1]} : vector<16xf32> to vector<1xf32>
        %squeeze3A_1361 = vector.extract %slice3A_1360[0] : f32 from vector<1xf32>
        %max3A = arith.constant 0xFF800000 : f32
        %max3A_1362 = arith.maximumf %max3A, %squeeze3A_1361 : f32
        %slice3A_1363 = vector.extract_strided_slice %scan3A_1336#0 {offsets = [1], sizes = [1], strides = [1]} : vector<16xf32> to vector<1xf32>
        %squeeze3A_1364 = vector.extract %slice3A_1363[0] : f32 from vector<1xf32>
        %max3A_1365 = arith.maximumf %max3A_1362, %squeeze3A_1364 : f32
        %slice3A_1366 = vector.extract_strided_slice %scan3A_1336#0 {offsets = [2], sizes = [1], strides = [1]} : vector<16xf32> to vector<1xf32>
        %squeeze3A_1367 = vector.extract %slice3A_1366[0] : f32 from vector<1xf32>
        %max3A_1368 = arith.maximumf %max3A_1365, %squeeze3A_1367 : f32
        %slice3A_1369 = vector.extract_strided_slice %scan3A_1336#0 {offsets = [3], sizes = [1], strides = [1]} : vector<16xf32> to vector<1xf32>
        %squeeze3A_1370 = vector.extract %slice3A_1369[0] : f32 from vector<1xf32>
        %max3A_1371 = arith.maximumf %max3A_1368, %squeeze3A_1370 : f32
        %slice3A_1372 = vector.extract_strided_slice %scan3A_1336#0 {offsets = [4], sizes = [1], strides = [1]} : vector<16xf32> to vector<1xf32>
        %squeeze3A_1373 = vector.extract %slice3A_1372[0] : f32 from vector<1xf32>
        %max3A_1374 = arith.maximumf %max3A_1371, %squeeze3A_1373 : f32
        %slice3A_1375 = vector.extract_strided_slice %scan3A_1336#0 {offsets = [5], sizes = [1], strides = [1]} : vector<16xf32> to vector<1xf32>
        %squeeze3A_1376 = vector.extract %slice3A_1375[0] : f32 from vector<1xf32>
        %max3A_1377 = arith.maximumf %max3A_1374, %squeeze3A_1376 : f32
        %slice3A_1378 = vector.extract_strided_slice %scan3A_1336#0 {offsets = [6], sizes = [1], strides = [1]} : vector<16xf32> to vector<1xf32>
        %squeeze3A_1379 = vector.extract %slice3A_1378[0] : f32 from vector<1xf32>
        %max3A_1380 = arith.maximumf %max3A_1377, %squeeze3A_1379 : f32
        %slice3A_1381 = vector.extract_strided_slice %scan3A_1336#0 {offsets = [7], sizes = [1], strides = [1]} : vector<16xf32> to vector<1xf32>
        %squeeze3A_1382 = vector.extract %slice3A_1381[0] : f32 from vector<1xf32>
        %max3A_1383 = arith.maximumf %max3A_1380, %squeeze3A_1382 : f32
        %slice3A_1384 = vector.extract_strided_slice %scan3A_1336#0 {offsets = [8], sizes = [1], strides = [1]} : vector<16xf32> to vector<1xf32>
        %squeeze3A_1385 = vector.extract %slice3A_1384[0] : f32 from vector<1xf32>
        %max3A_1386 = arith.maximumf %max3A_1383, %squeeze3A_1385 : f32
        %slice3A_1387 = vector.extract_strided_slice %scan3A_1336#0 {offsets = [9], sizes = [1], strides = [1]} : vector<16xf32> to vector<1xf32>
        %squeeze3A_1388 = vector.extract %slice3A_1387[0] : f32 from vector<1xf32>
        %max3A_1389 = arith.maximumf %max3A_1386, %squeeze3A_1388 : f32
        %slice3A_1390 = vector.extract_strided_slice %scan3A_1336#0 {offsets = [10], sizes = [1], strides = [1]} : vector<16xf32> to vector<1xf32>
        %squeeze3A_1391 = vector.extract %slice3A_1390[0] : f32 from vector<1xf32>
        %max3A_1392 = arith.maximumf %max3A_1389, %squeeze3A_1391 : f32
        %slice3A_1393 = vector.extract_strided_slice %scan3A_1336#0 {offsets = [11], sizes = [1], strides = [1]} : vector<16xf32> to vector<1xf32>
        %squeeze3A_1394 = vector.extract %slice3A_1393[0] : f32 from vector<1xf32>
        %max3A_1395 = arith.maximumf %max3A_1392, %squeeze3A_1394 : f32
        %slice3A_1396 = vector.extract_strided_slice %scan3A_1336#0 {offsets = [12], sizes = [1], strides = [1]} : vector<16xf32> to vector<1xf32>
        %squeeze3A_1397 = vector.extract %slice3A_1396[0] : f32 from vector<1xf32>
        %max3A_1398 = arith.maximumf %max3A_1395, %squeeze3A_1397 : f32
        %slice3A_1399 = vector.extract_strided_slice %scan3A_1336#0 {offsets = [13], sizes = [1], strides = [1]} : vector<16xf32> to vector<1xf32>
        %squeeze3A_1400 = vector.extract %slice3A_1399[0] : f32 from vector<1xf32>
        %max3A_1401 = arith.maximumf %max3A_1398, %squeeze3A_1400 : f32
        %slice3A_1402 = vector.extract_strided_slice %scan3A_1336#0 {offsets = [14], sizes = [1], strides = [1]} : vector<16xf32> to vector<1xf32>
        %squeeze3A_1403 = vector.extract %slice3A_1402[0] : f32 from vector<1xf32>
        %max3A_1404 = arith.maximumf %max3A_1401, %squeeze3A_1403 : f32
        %slice3A_1405 = vector.extract_strided_slice %scan3A_1336#0 {offsets = [15], sizes = [1], strides = [1]} : vector<16xf32> to vector<1xf32>
        %squeeze3A_1406 = vector.extract %slice3A_1405[0] : f32 from vector<1xf32>
        %max3A_1407 = arith.maximumf %max3A_1404, %squeeze3A_1406 : f32
        %eq3A_1408 = vector.broadcast %max3A_1407 : f32 to vector<16xf32>
        %eq3A_1409 = arith.cmpf oeq, %scan3A_1336#0, %eq3A_1408 : vector<16xf32>
        %jit3A_1410 = arith.constant 1048576 : i32
        %broadcast_in_dim3A_1411 = vector.broadcast %jit3A_1410 : i32 to vector<16xi32>
        %select_n3A_1412 = arith.select %eq3A_1409, %scan3A_1336#1, %broadcast_in_dim3A_1411 : vector<16xi1>, vector<16xi32>
        %slice3A_1413 = vector.extract_strided_slice %select_n3A_1412 {offsets = [0], sizes = [1], strides = [1]} : vector<16xi32> to vector<1xi32>
        %squeeze3A_1414 = vector.extract %slice3A_1413[0] : i32 from vector<1xi32>
        %min3A_1415 = arith.constant 1048576 : i32
        %min3A_1416 = arith.minsi %min3A_1415, %squeeze3A_1414 : i32
        %slice3A_1417 = vector.extract_strided_slice %select_n3A_1412 {offsets = [1], sizes = [1], strides = [1]} : vector<16xi32> to vector<1xi32>
        %squeeze3A_1418 = vector.extract %slice3A_1417[0] : i32 from vector<1xi32>
        %min3A_1419 = arith.minsi %min3A_1416, %squeeze3A_1418 : i32
        %slice3A_1420 = vector.extract_strided_slice %select_n3A_1412 {offsets = [2], sizes = [1], strides = [1]} : vector<16xi32> to vector<1xi32>
        %squeeze3A_1421 = vector.extract %slice3A_1420[0] : i32 from vector<1xi32>
        %min3A_1422 = arith.minsi %min3A_1419, %squeeze3A_1421 : i32
        %slice3A_1423 = vector.extract_strided_slice %select_n3A_1412 {offsets = [3], sizes = [1], strides = [1]} : vector<16xi32> to vector<1xi32>
        %squeeze3A_1424 = vector.extract %slice3A_1423[0] : i32 from vector<1xi32>
        %min3A_1425 = arith.minsi %min3A_1422, %squeeze3A_1424 : i32
        %slice3A_1426 = vector.extract_strided_slice %select_n3A_1412 {offsets = [4], sizes = [1], strides = [1]} : vector<16xi32> to vector<1xi32>
        %squeeze3A_1427 = vector.extract %slice3A_1426[0] : i32 from vector<1xi32>
        %min3A_1428 = arith.minsi %min3A_1425, %squeeze3A_1427 : i32
        %slice3A_1429 = vector.extract_strided_slice %select_n3A_1412 {offsets = [5], sizes = [1], strides = [1]} : vector<16xi32> to vector<1xi32>
        %squeeze3A_1430 = vector.extract %slice3A_1429[0] : i32 from vector<1xi32>
        %min3A_1431 = arith.minsi %min3A_1428, %squeeze3A_1430 : i32
        %slice3A_1432 = vector.extract_strided_slice %select_n3A_1412 {offsets = [6], sizes = [1], strides = [1]} : vector<16xi32> to vector<1xi32>
        %squeeze3A_1433 = vector.extract %slice3A_1432[0] : i32 from vector<1xi32>
        %min3A_1434 = arith.minsi %min3A_1431, %squeeze3A_1433 : i32
        %slice3A_1435 = vector.extract_strided_slice %select_n3A_1412 {offsets = [7], sizes = [1], strides = [1]} : vector<16xi32> to vector<1xi32>
        %squeeze3A_1436 = vector.extract %slice3A_1435[0] : i32 from vector<1xi32>
        %min3A_1437 = arith.minsi %min3A_1434, %squeeze3A_1436 : i32
        %slice3A_1438 = vector.extract_strided_slice %select_n3A_1412 {offsets = [8], sizes = [1], strides = [1]} : vector<16xi32> to vector<1xi32>
        %squeeze3A_1439 = vector.extract %slice3A_1438[0] : i32 from vector<1xi32>
        %min3A_1440 = arith.minsi %min3A_1437, %squeeze3A_1439 : i32
        %slice3A_1441 = vector.extract_strided_slice %select_n3A_1412 {offsets = [9], sizes = [1], strides = [1]} : vector<16xi32> to vector<1xi32>
        %squeeze3A_1442 = vector.extract %slice3A_1441[0] : i32 from vector<1xi32>
        %min3A_1443 = arith.minsi %min3A_1440, %squeeze3A_1442 : i32
        %slice3A_1444 = vector.extract_strided_slice %select_n3A_1412 {offsets = [10], sizes = [1], strides = [1]} : vector<16xi32> to vector<1xi32>
        %squeeze3A_1445 = vector.extract %slice3A_1444[0] : i32 from vector<1xi32>
        %min3A_1446 = arith.minsi %min3A_1443, %squeeze3A_1445 : i32
        %slice3A_1447 = vector.extract_strided_slice %select_n3A_1412 {offsets = [11], sizes = [1], strides = [1]} : vector<16xi32> to vector<1xi32>
        %squeeze3A_1448 = vector.extract %slice3A_1447[0] : i32 from vector<1xi32>
        %min3A_1449 = arith.minsi %min3A_1446, %squeeze3A_1448 : i32
        %slice3A_1450 = vector.extract_strided_slice %select_n3A_1412 {offsets = [12], sizes = [1], strides = [1]} : vector<16xi32> to vector<1xi32>
        %squeeze3A_1451 = vector.extract %slice3A_1450[0] : i32 from vector<1xi32>
        %min3A_1452 = arith.minsi %min3A_1449, %squeeze3A_1451 : i32
        %slice3A_1453 = vector.extract_strided_slice %select_n3A_1412 {offsets = [13], sizes = [1], strides = [1]} : vector<16xi32> to vector<1xi32>
        %squeeze3A_1454 = vector.extract %slice3A_1453[0] : i32 from vector<1xi32>
        %min3A_1455 = arith.minsi %min3A_1452, %squeeze3A_1454 : i32
        %slice3A_1456 = vector.extract_strided_slice %select_n3A_1412 {offsets = [14], sizes = [1], strides = [1]} : vector<16xi32> to vector<1xi32>
        %squeeze3A_1457 = vector.extract %slice3A_1456[0] : i32 from vector<1xi32>
        %min3A_1458 = arith.minsi %min3A_1455, %squeeze3A_1457 : i32
        %slice3A_1459 = vector.extract_strided_slice %select_n3A_1412 {offsets = [15], sizes = [1], strides = [1]} : vector<16xi32> to vector<1xi32>
        %squeeze3A_1460 = vector.extract %slice3A_1459[0] : i32 from vector<1xi32>
        %min3A_1461 = arith.minsi %min3A_1458, %squeeze3A_1460 : i32
        %broadcast_in_dim3A_1462 = arith.constant 0.000000e+00 : f32
        %broadcast_in_dim3A_1463 = vector.broadcast %broadcast_in_dim3A_1462 : f32 to vector<16xf32>
        %add3A_1464 = vector.broadcast %max3A_1407 : f32 to vector<16xf32>
        %add3A_1465 = arith.addf %add3A_1464, %broadcast_in_dim3A_1463 : vector<16xf32>
        %mul3A_1466 = arith.constant 16 : i32
        %mul3A_1467 = arith.muli %shift_right_logical3A_1359, %mul3A_1466 : i32
        %swap3A_1468 = arith.index_cast %mul3A_1467 : i32 to index
        %swap3A_1469 = tpu.vector_load %arg12[%swap3A_1468] {strides = array<i32>} : memref<64xf32, #tpu.memory_space<vmem>>, vector<16xf32>,
        %swap3A_1470 = vector.shape_cast %swap3A_1469 : vector<16xf32> to vector<16xf32>
        %swap3A_1471 = vector.shape_cast %add3A_1465 : vector<16xf32> to vector<16xf32>
        tpu.vector_store %arg12[%swap3A_1468], %swap3A_1471 {strides = array<i32>} : memref<64xf32, #tpu.memory_space<vmem>>, vector<16xf32>,
        %broadcast_in_dim3A_1472 = arith.constant 0 : i32
        %broadcast_in_dim3A_1473 = vector.broadcast %broadcast_in_dim3A_1472 : i32 to vector<16xi32>
        %add3A_1474 = vector.broadcast %min3A_1461 : i32 to vector<16xi32>
        %add3A_1475 = arith.addi %add3A_1474, %broadcast_in_dim3A_1473 : vector<16xi32>
        %mul3A_1476 = arith.constant 16 : i32
        %mul3A_1477 = arith.muli %shift_right_logical3A_1359, %mul3A_1476 : i32
        %swap3A_1478 = arith.index_cast %mul3A_1477 : i32 to index
        %swap3A_1479 = tpu.vector_load %arg13[%swap3A_1478] {strides = array<i32>} : memref<64xi32, #tpu.memory_space<vmem>>, vector<16xi32>,
        %swap3A_1480 = vector.shape_cast %swap3A_1479 : vector<16xi32> to vector<16xi32>
        %swap3A_1481 = vector.shape_cast %add3A_1475 : vector<16xi32> to vector<16xi32>
        tpu.vector_store %arg13[%swap3A_1478], %swap3A_1481 {strides = array<i32>} : memref<64xi32, #tpu.memory_space<vmem>>, vector<16xi32>,
        %add3A_1482 = arith.addi %mul3A_2, %shift_right_logical3A_1359 : i32
        %mul3A_1483 = arith.constant 32768 : i32
        %mul3A_1484 = arith.muli %add3A_1482, %mul3A_1483 : i32
        %mul3A_1485 = arith.constant 512 : i32
        %mul3A_1486 = arith.muli %min3A_1461, %mul3A_1485 : i32
        %add3A_1487 = arith.addi %mul3A_1484, %mul3A_1486 : i32
        %multiple_of3A_1488 = tpu.assume_multiple %add3A_1487, 16 : i32
        %mul3A_1489 = arith.constant 512 : i32
        %mul3A_1490 = arith.muli %shift_right_logical3A_1359, %mul3A_1489 : i32
        %dma_start3A_1491 = tpu.memref_slice %arg9[%mul3A_1490] : memref<2048xf32, #tpu.memory_space<vmem>> -> memref<512xf32, #tpu.memory_space<vmem>>
        %dma_start3A_1492 = tpu.memref_slice %arg2[%multiple_of3A_1488] : memref<4194304xf32, #tpu.memory_space<hbm>> -> memref<512xf32, #tpu.memory_space<hbm>>
        %dma_start3A_1493 = tpu.memref_slice %arg9[%mul3A_1490] : memref<2048xf32, #tpu.memory_space<vmem>> -> memref<512xf32, #tpu.memory_space<vmem>>
        %dma_start3A_1494 = tpu.memref_slice %arg2[%multiple_of3A_1488] : memref<4194304xf32, #tpu.memory_space<hbm>> -> memref<512xf32, #tpu.memory_space<hbm>>
        tpu.enqueue_dma source(%dma_start3A_1494 : memref<512xf32, #tpu.memory_space<hbm>>) target(%dma_start3A_1493 : memref<512xf32, #tpu.memory_space<vmem>>) target_semaphore(%arg18 : memref<!tpu.dma_semaphore, #tpu.memory_space<semaphore_mem>>)
      } else {
      }
      %jit3A_1352 = arith.constant 0xFF800000 : f32
      %broadcast_in_dim3A_1353 = vector.broadcast %jit3A_1352 : f32 to vector<16xf32>
      %select_n3A_1354 = arith.select %eq3A_1348, %broadcast_in_dim3A_1353, %scan3A_1336#0 : vector<16xf32>
      %jit3A_1355 = arith.constant 1048576 : i32
      %broadcast_in_dim3A_1356 = vector.broadcast %jit3A_1355 : i32 to vector<16xi32>
      %select_n3A_1357 = arith.select %eq3A_1348, %broadcast_in_dim3A_1356, %scan3A_1336#1 : vector<16xi32>
      scf.yield %select_n3A_1354, %select_n3A_1357 : vector<16xf32>, vector<16xi32>
    }
    %scan3A_66 = arith.constant 4 : i32
    %dma_wait3A = arith.constant 0 : i32
    %dma_wait3A_67 = tpu.memref_slice %arg2[%dma_wait3A] : memref<4194304xf32, #tpu.memory_space<hbm>> -> memref<2048xf32, #tpu.memory_space<hbm>>
    %dma_wait3A_68 = arith.constant 0 : i32
    %dma_wait3A_69 = tpu.memref_slice %arg2[%dma_wait3A_68] : memref<4194304xf32, #tpu.memory_space<hbm>> -> memref<2048xf32, #tpu.memory_space<hbm>>
    tpu.wait_dma2 semaphore(%arg18 : memref<!tpu.dma_semaphore, #tpu.memory_space<semaphore_mem>>) src(%dma_wait3A_69 : memref<2048xf32, #tpu.memory_space<hbm>>) dst(%arg9 : memref<2048xf32, #tpu.memory_space<vmem>>)
    %get3A = arith.constant 0 : index
    %get3A_70 = tpu.vector_load %arg12[%get3A] {strides = array<i32>} : memref<64xf32, #tpu.memory_space<vmem>>, vector<16xf32>,
    %get3A_71 = vector.shape_cast %get3A_70 : vector<16xf32> to vector<16xf32>
    %broadcast_in_dim3A_72 = arith.constant 1048576 : i32
    %broadcast_in_dim3A_73 = vector.broadcast %broadcast_in_dim3A_72 : i32 to vector<16xi32>
    %scan3A_74 = arith.constant 0 : i32
    %scan3A_75 = arith.constant 8 : i32
    %scan3A_76 = arith.addi %scan3A_74, %scan3A_75 : i32
    %scan3A_77 = arith.constant 1 : i32
    %scan3A_78 = scf.for %scan3A_1223 = %scan3A_74 to %scan3A_76 step %scan3A_77 iter_args(%scan3A_1224 = %broadcast_in_dim3A_73) -> (vector<16xi32>)  : i32 {
      %mul3A_1225 = arith.constant 4 : i32
      %mul3A_1226 = arith.muli %scan3A_1223, %mul3A_1225 : i32
      %add3A_1227 = arith.constant 0 : i32
      %add3A_1228 = arith.addi %mul3A_1226, %add3A_1227 : i32
      %mul3A_1229 = arith.constant 16 : i32
      %mul3A_1230 = arith.muli %add3A_1228, %mul3A_1229 : i32
      %add3A_1231 = arith.constant 0 : i32
      %add3A_1232 = arith.addi %add3A_1231, %mul3A_1230 : i32
      %get3A_1233 = arith.index_cast %add3A_1232 : i32 to index
      %get3A_1234 = tpu.vector_load %arg9[%get3A_1233] {strides = array<i32>} : memref<2048xf32, #tpu.memory_space<vmem>>, vector<16xf32>,
      %get3A_1235 = vector.shape_cast %get3A_1234 : vector<16xf32> to vector<16xf32>
      %eq3A_1236 = arith.cmpf oeq, %get3A_1235, %get3A_71 : vector<16xf32>
      %min3A_1237 = vector.broadcast %add3A_1228 : i32 to vector<16xi32>
      %min3A_1238 = arith.minsi %scan3A_1224, %min3A_1237 : vector<16xi32>
      %select_n3A_1239 = arith.select %eq3A_1236, %min3A_1238, %scan3A_1224 : vector<16xi1>, vector<16xi32>
      %mul3A_1240 = arith.constant 4 : i32
      %mul3A_1241 = arith.muli %scan3A_1223, %mul3A_1240 : i32
      %add3A_1242 = arith.constant 1 : i32
      %add3A_1243 = arith.addi %mul3A_1241, %add3A_1242 : i32
      %mul3A_1244 = arith.constant 16 : i32
      %mul3A_1245 = arith.muli %add3A_1243, %mul3A_1244 : i32
      %add3A_1246 = arith.constant 0 : i32
      %add3A_1247 = arith.addi %add3A_1246, %mul3A_1245 : i32
      %get3A_1248 = arith.index_cast %add3A_1247 : i32 to index
      %get3A_1249 = tpu.vector_load %arg9[%get3A_1248] {strides = array<i32>} : memref<2048xf32, #tpu.memory_space<vmem>>, vector<16xf32>,
      %get3A_1250 = vector.shape_cast %get3A_1249 : vector<16xf32> to vector<16xf32>
      %eq3A_1251 = arith.cmpf oeq, %get3A_1250, %get3A_71 : vector<16xf32>
      %min3A_1252 = vector.broadcast %add3A_1243 : i32 to vector<16xi32>
      %min3A_1253 = arith.minsi %select_n3A_1239, %min3A_1252 : vector<16xi32>
      %select_n3A_1254 = arith.select %eq3A_1251, %min3A_1253, %select_n3A_1239 : vector<16xi1>, vector<16xi32>
      %mul3A_1255 = arith.constant 4 : i32
      %mul3A_1256 = arith.muli %scan3A_1223, %mul3A_1255 : i32
      %add3A_1257 = arith.constant 2 : i32
      %add3A_1258 = arith.addi %mul3A_1256, %add3A_1257 : i32
      %mul3A_1259 = arith.constant 16 : i32
      %mul3A_1260 = arith.muli %add3A_1258, %mul3A_1259 : i32
      %add3A_1261 = arith.constant 0 : i32
      %add3A_1262 = arith.addi %add3A_1261, %mul3A_1260 : i32
      %get3A_1263 = arith.index_cast %add3A_1262 : i32 to index
      %get3A_1264 = tpu.vector_load %arg9[%get3A_1263] {strides = array<i32>} : memref<2048xf32, #tpu.memory_space<vmem>>, vector<16xf32>,
      %get3A_1265 = vector.shape_cast %get3A_1264 : vector<16xf32> to vector<16xf32>
      %eq3A_1266 = arith.cmpf oeq, %get3A_1265, %get3A_71 : vector<16xf32>
      %min3A_1267 = vector.broadcast %add3A_1258 : i32 to vector<16xi32>
      %min3A_1268 = arith.minsi %select_n3A_1254, %min3A_1267 : vector<16xi32>
      %select_n3A_1269 = arith.select %eq3A_1266, %min3A_1268, %select_n3A_1254 : vector<16xi1>, vector<16xi32>
      %mul3A_1270 = arith.constant 4 : i32
      %mul3A_1271 = arith.muli %scan3A_1223, %mul3A_1270 : i32
      %add3A_1272 = arith.constant 3 : i32
      %add3A_1273 = arith.addi %mul3A_1271, %add3A_1272 : i32
      %mul3A_1274 = arith.constant 16 : i32
      %mul3A_1275 = arith.muli %add3A_1273, %mul3A_1274 : i32
      %add3A_1276 = arith.constant 0 : i32
      %add3A_1277 = arith.addi %add3A_1276, %mul3A_1275 : i32
      %get3A_1278 = arith.index_cast %add3A_1277 : i32 to index
      %get3A_1279 = tpu.vector_load %arg9[%get3A_1278] {strides = array<i32>} : memref<2048xf32, #tpu.memory_space<vmem>>, vector<16xf32>,
      %get3A_1280 = vector.shape_cast %get3A_1279 : vector<16xf32> to vector<16xf32>
      %eq3A_1281 = arith.cmpf oeq, %get3A_1280, %get3A_71 : vector<16xf32>
      %min3A_1282 = vector.broadcast %add3A_1273 : i32 to vector<16xi32>
      %min3A_1283 = arith.minsi %select_n3A_1269, %min3A_1282 : vector<16xi32>
      %select_n3A_1284 = arith.select %eq3A_1281, %min3A_1283, %select_n3A_1269 : vector<16xi1>, vector<16xi32>
      scf.yield %select_n3A_1284 : vector<16xi32>
    }
    %scan3A_79 = arith.constant 8 : i32
    %mul3A_80 = arith.constant 16 : i32
    %mul3A_81 = vector.broadcast %mul3A_80 : i32 to vector<16xi32>
    %mul3A_82 = arith.muli %scan3A_78, %mul3A_81 : vector<16xi32>
    %add3A_83 = arith.addi %mul3A_82, %iota3A : vector<16xi32>
    %slice3A = vector.extract_strided_slice %add3A_83 {offsets = [0], sizes = [1], strides = [1]} : vector<16xi32> to vector<1xi32>
    %squeeze3A = vector.extract %slice3A[0] : i32 from vector<1xi32>
    %min3A = arith.constant 33554432 : i32
    %min3A_84 = arith.minsi %min3A, %squeeze3A : i32
    %slice3A_85 = vector.extract_strided_slice %add3A_83 {offsets = [1], sizes = [1], strides = [1]} : vector<16xi32> to vector<1xi32>
    %squeeze3A_86 = vector.extract %slice3A_85[0] : i32 from vector<1xi32>
    %min3A_87 = arith.minsi %min3A_84, %squeeze3A_86 : i32
    %slice3A_88 = vector.extract_strided_slice %add3A_83 {offsets = [2], sizes = [1], strides = [1]} : vector<16xi32> to vector<1xi32>
    %squeeze3A_89 = vector.extract %slice3A_88[0] : i32 from vector<1xi32>
    %min3A_90 = arith.minsi %min3A_87, %squeeze3A_89 : i32
    %slice3A_91 = vector.extract_strided_slice %add3A_83 {offsets = [3], sizes = [1], strides = [1]} : vector<16xi32> to vector<1xi32>
    %squeeze3A_92 = vector.extract %slice3A_91[0] : i32 from vector<1xi32>
    %min3A_93 = arith.minsi %min3A_90, %squeeze3A_92 : i32
    %slice3A_94 = vector.extract_strided_slice %add3A_83 {offsets = [4], sizes = [1], strides = [1]} : vector<16xi32> to vector<1xi32>
    %squeeze3A_95 = vector.extract %slice3A_94[0] : i32 from vector<1xi32>
    %min3A_96 = arith.minsi %min3A_93, %squeeze3A_95 : i32
    %slice3A_97 = vector.extract_strided_slice %add3A_83 {offsets = [5], sizes = [1], strides = [1]} : vector<16xi32> to vector<1xi32>
    %squeeze3A_98 = vector.extract %slice3A_97[0] : i32 from vector<1xi32>
    %min3A_99 = arith.minsi %min3A_96, %squeeze3A_98 : i32
    %slice3A_100 = vector.extract_strided_slice %add3A_83 {offsets = [6], sizes = [1], strides = [1]} : vector<16xi32> to vector<1xi32>
    %squeeze3A_101 = vector.extract %slice3A_100[0] : i32 from vector<1xi32>
    %min3A_102 = arith.minsi %min3A_99, %squeeze3A_101 : i32
    %slice3A_103 = vector.extract_strided_slice %add3A_83 {offsets = [7], sizes = [1], strides = [1]} : vector<16xi32> to vector<1xi32>
    %squeeze3A_104 = vector.extract %slice3A_103[0] : i32 from vector<1xi32>
    %min3A_105 = arith.minsi %min3A_102, %squeeze3A_104 : i32
    %slice3A_106 = vector.extract_strided_slice %add3A_83 {offsets = [8], sizes = [1], strides = [1]} : vector<16xi32> to vector<1xi32>
    %squeeze3A_107 = vector.extract %slice3A_106[0] : i32 from vector<1xi32>
    %min3A_108 = arith.minsi %min3A_105, %squeeze3A_107 : i32
    %slice3A_109 = vector.extract_strided_slice %add3A_83 {offsets = [9], sizes = [1], strides = [1]} : vector<16xi32> to vector<1xi32>
    %squeeze3A_110 = vector.extract %slice3A_109[0] : i32 from vector<1xi32>
    %min3A_111 = arith.minsi %min3A_108, %squeeze3A_110 : i32
    %slice3A_112 = vector.extract_strided_slice %add3A_83 {offsets = [10], sizes = [1], strides = [1]} : vector<16xi32> to vector<1xi32>
    %squeeze3A_113 = vector.extract %slice3A_112[0] : i32 from vector<1xi32>
    %min3A_114 = arith.minsi %min3A_111, %squeeze3A_113 : i32
    %slice3A_115 = vector.extract_strided_slice %add3A_83 {offsets = [11], sizes = [1], strides = [1]} : vector<16xi32> to vector<1xi32>
    %squeeze3A_116 = vector.extract %slice3A_115[0] : i32 from vector<1xi32>
    %min3A_117 = arith.minsi %min3A_114, %squeeze3A_116 : i32
    %slice3A_118 = vector.extract_strided_slice %add3A_83 {offsets = [12], sizes = [1], strides = [1]} : vector<16xi32> to vector<1xi32>
    %squeeze3A_119 = vector.extract %slice3A_118[0] : i32 from vector<1xi32>
    %min3A_120 = arith.minsi %min3A_117, %squeeze3A_119 : i32
    %slice3A_121 = vector.extract_strided_slice %add3A_83 {offsets = [13], sizes = [1], strides = [1]} : vector<16xi32> to vector<1xi32>
    %squeeze3A_122 = vector.extract %slice3A_121[0] : i32 from vector<1xi32>
    %min3A_123 = arith.minsi %min3A_120, %squeeze3A_122 : i32
    %slice3A_124 = vector.extract_strided_slice %add3A_83 {offsets = [14], sizes = [1], strides = [1]} : vector<16xi32> to vector<1xi32>
    %squeeze3A_125 = vector.extract %slice3A_124[0] : i32 from vector<1xi32>
    %min3A_126 = arith.minsi %min3A_123, %squeeze3A_125 : i32
    %slice3A_127 = vector.extract_strided_slice %add3A_83 {offsets = [15], sizes = [1], strides = [1]} : vector<16xi32> to vector<1xi32>
    %squeeze3A_128 = vector.extract %slice3A_127[0] : i32 from vector<1xi32>
    %min3A_129 = arith.minsi %min3A_126, %squeeze3A_128 : i32
    %get3A_130 = arith.constant 0 : index
    %get3A_131 = tpu.vector_load %arg13[%get3A_130] {strides = array<i32>} : memref<64xi32, #tpu.memory_space<vmem>>, vector<16xi32>,
    %get3A_132 = vector.shape_cast %get3A_131 : vector<16xi32> to vector<16xi32>
    %slice3A_133 = vector.extract_strided_slice %get3A_132 {offsets = [0], sizes = [1], strides = [1]} : vector<16xi32> to vector<1xi32>
    %squeeze3A_134 = vector.extract %slice3A_133[0] : i32 from vector<1xi32>
    %mul3A_135 = arith.constant 512 : i32
    %mul3A_136 = arith.muli %squeeze3A_134, %mul3A_135 : i32
    %add3A_137 = arith.addi %mul3A_136, %min3A_129 : i32
    %add3A_138 = arith.constant 0 : i32
    %add3A_139 = arith.addi %mul3A_2, %add3A_138 : i32
    %mul3A_140 = arith.constant 131072 : i32
    %mul3A_141 = arith.muli %add3A_139, %mul3A_140 : i32
    %shift_right_logical3A_142 = arith.constant 7 : i32
    %shift_right_logical3A_143 = arith.shrui %add3A_137, %shift_right_logical3A_142 : i32
    %mul3A_144 = arith.constant 512 : i32
    %mul3A_145 = arith.muli %shift_right_logical3A_143, %mul3A_144 : i32
    %add3A_146 = arith.addi %mul3A_141, %mul3A_145 : i32
    %multiple_of3A_147 = tpu.assume_multiple %add3A_146, 16 : i32
    %dma_start3A_148 = arith.constant 0 : i32
    %dma_start3A_149 = tpu.memref_slice %arg10[%dma_start3A_148] : memref<2048xf32, #tpu.memory_space<vmem>> -> memref<512xf32, #tpu.memory_space<vmem>>
    %dma_start3A_150 = tpu.memref_slice %arg3[%multiple_of3A_147] : memref<16777216xf32, #tpu.memory_space<hbm>> -> memref<512xf32, #tpu.memory_space<hbm>>
    %dma_start3A_151 = arith.constant 0 : i32
    %dma_start3A_152 = tpu.memref_slice %arg10[%dma_start3A_151] : memref<2048xf32, #tpu.memory_space<vmem>> -> memref<512xf32, #tpu.memory_space<vmem>>
    %dma_start3A_153 = tpu.memref_slice %arg3[%multiple_of3A_147] : memref<16777216xf32, #tpu.memory_space<hbm>> -> memref<512xf32, #tpu.memory_space<hbm>>
    tpu.enqueue_dma source(%dma_start3A_153 : memref<512xf32, #tpu.memory_space<hbm>>) target(%dma_start3A_152 : memref<512xf32, #tpu.memory_space<vmem>>) target_semaphore(%arg19 : memref<!tpu.dma_semaphore, #tpu.memory_space<semaphore_mem>>)
    %get3A_154 = arith.constant 16 : index
    %get3A_155 = tpu.vector_load %arg12[%get3A_154] {strides = array<i32>} : memref<64xf32, #tpu.memory_space<vmem>>, vector<16xf32>,
    %get3A_156 = vector.shape_cast %get3A_155 : vector<16xf32> to vector<16xf32>
    %broadcast_in_dim3A_157 = arith.constant 1048576 : i32
    %broadcast_in_dim3A_158 = vector.broadcast %broadcast_in_dim3A_157 : i32 to vector<16xi32>
    %scan3A_159 = arith.constant 0 : i32
    %scan3A_160 = arith.constant 8 : i32
    %scan3A_161 = arith.addi %scan3A_159, %scan3A_160 : i32
    %scan3A_162 = arith.constant 1 : i32
    %scan3A_163 = scf.for %scan3A_1223 = %scan3A_159 to %scan3A_161 step %scan3A_162 iter_args(%scan3A_1224 = %broadcast_in_dim3A_158) -> (vector<16xi32>)  : i32 {
      %mul3A_1225 = arith.constant 4 : i32
      %mul3A_1226 = arith.muli %scan3A_1223, %mul3A_1225 : i32
      %add3A_1227 = arith.constant 0 : i32
      %add3A_1228 = arith.addi %mul3A_1226, %add3A_1227 : i32
      %mul3A_1229 = arith.constant 16 : i32
      %mul3A_1230 = arith.muli %add3A_1228, %mul3A_1229 : i32
      %add3A_1231 = arith.constant 512 : i32
      %add3A_1232 = arith.addi %add3A_1231, %mul3A_1230 : i32
      %get3A_1233 = arith.index_cast %add3A_1232 : i32 to index
      %get3A_1234 = tpu.vector_load %arg9[%get3A_1233] {strides = array<i32>} : memref<2048xf32, #tpu.memory_space<vmem>>, vector<16xf32>,
      %get3A_1235 = vector.shape_cast %get3A_1234 : vector<16xf32> to vector<16xf32>
      %eq3A_1236 = arith.cmpf oeq, %get3A_1235, %get3A_156 : vector<16xf32>
      %min3A_1237 = vector.broadcast %add3A_1228 : i32 to vector<16xi32>
      %min3A_1238 = arith.minsi %scan3A_1224, %min3A_1237 : vector<16xi32>
      %select_n3A_1239 = arith.select %eq3A_1236, %min3A_1238, %scan3A_1224 : vector<16xi1>, vector<16xi32>
      %mul3A_1240 = arith.constant 4 : i32
      %mul3A_1241 = arith.muli %scan3A_1223, %mul3A_1240 : i32
      %add3A_1242 = arith.constant 1 : i32
      %add3A_1243 = arith.addi %mul3A_1241, %add3A_1242 : i32
      %mul3A_1244 = arith.constant 16 : i32
      %mul3A_1245 = arith.muli %add3A_1243, %mul3A_1244 : i32
      %add3A_1246 = arith.constant 512 : i32
      %add3A_1247 = arith.addi %add3A_1246, %mul3A_1245 : i32
      %get3A_1248 = arith.index_cast %add3A_1247 : i32 to index
      %get3A_1249 = tpu.vector_load %arg9[%get3A_1248] {strides = array<i32>} : memref<2048xf32, #tpu.memory_space<vmem>>, vector<16xf32>,
      %get3A_1250 = vector.shape_cast %get3A_1249 : vector<16xf32> to vector<16xf32>
      %eq3A_1251 = arith.cmpf oeq, %get3A_1250, %get3A_156 : vector<16xf32>
      %min3A_1252 = vector.broadcast %add3A_1243 : i32 to vector<16xi32>
      %min3A_1253 = arith.minsi %select_n3A_1239, %min3A_1252 : vector<16xi32>
      %select_n3A_1254 = arith.select %eq3A_1251, %min3A_1253, %select_n3A_1239 : vector<16xi1>, vector<16xi32>
      %mul3A_1255 = arith.constant 4 : i32
      %mul3A_1256 = arith.muli %scan3A_1223, %mul3A_1255 : i32
      %add3A_1257 = arith.constant 2 : i32
      %add3A_1258 = arith.addi %mul3A_1256, %add3A_1257 : i32
      %mul3A_1259 = arith.constant 16 : i32
      %mul3A_1260 = arith.muli %add3A_1258, %mul3A_1259 : i32
      %add3A_1261 = arith.constant 512 : i32
      %add3A_1262 = arith.addi %add3A_1261, %mul3A_1260 : i32
      %get3A_1263 = arith.index_cast %add3A_1262 : i32 to index
      %get3A_1264 = tpu.vector_load %arg9[%get3A_1263] {strides = array<i32>} : memref<2048xf32, #tpu.memory_space<vmem>>, vector<16xf32>,
      %get3A_1265 = vector.shape_cast %get3A_1264 : vector<16xf32> to vector<16xf32>
      %eq3A_1266 = arith.cmpf oeq, %get3A_1265, %get3A_156 : vector<16xf32>
      %min3A_1267 = vector.broadcast %add3A_1258 : i32 to vector<16xi32>
      %min3A_1268 = arith.minsi %select_n3A_1254, %min3A_1267 : vector<16xi32>
      %select_n3A_1269 = arith.select %eq3A_1266, %min3A_1268, %select_n3A_1254 : vector<16xi1>, vector<16xi32>
      %mul3A_1270 = arith.constant 4 : i32
      %mul3A_1271 = arith.muli %scan3A_1223, %mul3A_1270 : i32
      %add3A_1272 = arith.constant 3 : i32
      %add3A_1273 = arith.addi %mul3A_1271, %add3A_1272 : i32
      %mul3A_1274 = arith.constant 16 : i32
      %mul3A_1275 = arith.muli %add3A_1273, %mul3A_1274 : i32
      %add3A_1276 = arith.constant 512 : i32
      %add3A_1277 = arith.addi %add3A_1276, %mul3A_1275 : i32
      %get3A_1278 = arith.index_cast %add3A_1277 : i32 to index
      %get3A_1279 = tpu.vector_load %arg9[%get3A_1278] {strides = array<i32>} : memref<2048xf32, #tpu.memory_space<vmem>>, vector<16xf32>,
      %get3A_1280 = vector.shape_cast %get3A_1279 : vector<16xf32> to vector<16xf32>
      %eq3A_1281 = arith.cmpf oeq, %get3A_1280, %get3A_156 : vector<16xf32>
      %min3A_1282 = vector.broadcast %add3A_1273 : i32 to vector<16xi32>
      %min3A_1283 = arith.minsi %select_n3A_1269, %min3A_1282 : vector<16xi32>
      %select_n3A_1284 = arith.select %eq3A_1281, %min3A_1283, %select_n3A_1269 : vector<16xi1>, vector<16xi32>
      scf.yield %select_n3A_1284 : vector<16xi32>
    }
    %scan3A_164 = arith.constant 8 : i32
    %mul3A_165 = arith.constant 16 : i32
    %mul3A_166 = vector.broadcast %mul3A_165 : i32 to vector<16xi32>
    %mul3A_167 = arith.muli %scan3A_163, %mul3A_166 : vector<16xi32>
    %add3A_168 = arith.addi %mul3A_167, %iota3A : vector<16xi32>
    %slice3A_169 = vector.extract_strided_slice %add3A_168 {offsets = [0], sizes = [1], strides = [1]} : vector<16xi32> to vector<1xi32>
    %squeeze3A_170 = vector.extract %slice3A_169[0] : i32 from vector<1xi32>
    %min3A_171 = arith.constant 33554432 : i32
    %min3A_172 = arith.minsi %min3A_171, %squeeze3A_170 : i32
    %slice3A_173 = vector.extract_strided_slice %add3A_168 {offsets = [1], sizes = [1], strides = [1]} : vector<16xi32> to vector<1xi32>
    %squeeze3A_174 = vector.extract %slice3A_173[0] : i32 from vector<1xi32>
    %min3A_175 = arith.minsi %min3A_172, %squeeze3A_174 : i32
    %slice3A_176 = vector.extract_strided_slice %add3A_168 {offsets = [2], sizes = [1], strides = [1]} : vector<16xi32> to vector<1xi32>
    %squeeze3A_177 = vector.extract %slice3A_176[0] : i32 from vector<1xi32>
    %min3A_178 = arith.minsi %min3A_175, %squeeze3A_177 : i32
    %slice3A_179 = vector.extract_strided_slice %add3A_168 {offsets = [3], sizes = [1], strides = [1]} : vector<16xi32> to vector<1xi32>
    %squeeze3A_180 = vector.extract %slice3A_179[0] : i32 from vector<1xi32>
    %min3A_181 = arith.minsi %min3A_178, %squeeze3A_180 : i32
    %slice3A_182 = vector.extract_strided_slice %add3A_168 {offsets = [4], sizes = [1], strides = [1]} : vector<16xi32> to vector<1xi32>
    %squeeze3A_183 = vector.extract %slice3A_182[0] : i32 from vector<1xi32>
    %min3A_184 = arith.minsi %min3A_181, %squeeze3A_183 : i32
    %slice3A_185 = vector.extract_strided_slice %add3A_168 {offsets = [5], sizes = [1], strides = [1]} : vector<16xi32> to vector<1xi32>
    %squeeze3A_186 = vector.extract %slice3A_185[0] : i32 from vector<1xi32>
    %min3A_187 = arith.minsi %min3A_184, %squeeze3A_186 : i32
    %slice3A_188 = vector.extract_strided_slice %add3A_168 {offsets = [6], sizes = [1], strides = [1]} : vector<16xi32> to vector<1xi32>
    %squeeze3A_189 = vector.extract %slice3A_188[0] : i32 from vector<1xi32>
    %min3A_190 = arith.minsi %min3A_187, %squeeze3A_189 : i32
    %slice3A_191 = vector.extract_strided_slice %add3A_168 {offsets = [7], sizes = [1], strides = [1]} : vector<16xi32> to vector<1xi32>
    %squeeze3A_192 = vector.extract %slice3A_191[0] : i32 from vector<1xi32>
    %min3A_193 = arith.minsi %min3A_190, %squeeze3A_192 : i32
    %slice3A_194 = vector.extract_strided_slice %add3A_168 {offsets = [8], sizes = [1], strides = [1]} : vector<16xi32> to vector<1xi32>
    %squeeze3A_195 = vector.extract %slice3A_194[0] : i32 from vector<1xi32>
    %min3A_196 = arith.minsi %min3A_193, %squeeze3A_195 : i32
    %slice3A_197 = vector.extract_strided_slice %add3A_168 {offsets = [9], sizes = [1], strides = [1]} : vector<16xi32> to vector<1xi32>
    %squeeze3A_198 = vector.extract %slice3A_197[0] : i32 from vector<1xi32>
    %min3A_199 = arith.minsi %min3A_196, %squeeze3A_198 : i32
    %slice3A_200 = vector.extract_strided_slice %add3A_168 {offsets = [10], sizes = [1], strides = [1]} : vector<16xi32> to vector<1xi32>
    %squeeze3A_201 = vector.extract %slice3A_200[0] : i32 from vector<1xi32>
    %min3A_202 = arith.minsi %min3A_199, %squeeze3A_201 : i32
    %slice3A_203 = vector.extract_strided_slice %add3A_168 {offsets = [11], sizes = [1], strides = [1]} : vector<16xi32> to vector<1xi32>
    %squeeze3A_204 = vector.extract %slice3A_203[0] : i32 from vector<1xi32>
    %min3A_205 = arith.minsi %min3A_202, %squeeze3A_204 : i32
    %slice3A_206 = vector.extract_strided_slice %add3A_168 {offsets = [12], sizes = [1], strides = [1]} : vector<16xi32> to vector<1xi32>
    %squeeze3A_207 = vector.extract %slice3A_206[0] : i32 from vector<1xi32>
    %min3A_208 = arith.minsi %min3A_205, %squeeze3A_207 : i32
    %slice3A_209 = vector.extract_strided_slice %add3A_168 {offsets = [13], sizes = [1], strides = [1]} : vector<16xi32> to vector<1xi32>
    %squeeze3A_210 = vector.extract %slice3A_209[0] : i32 from vector<1xi32>
    %min3A_211 = arith.minsi %min3A_208, %squeeze3A_210 : i32
    %slice3A_212 = vector.extract_strided_slice %add3A_168 {offsets = [14], sizes = [1], strides = [1]} : vector<16xi32> to vector<1xi32>
    %squeeze3A_213 = vector.extract %slice3A_212[0] : i32 from vector<1xi32>
    %min3A_214 = arith.minsi %min3A_211, %squeeze3A_213 : i32
    %slice3A_215 = vector.extract_strided_slice %add3A_168 {offsets = [15], sizes = [1], strides = [1]} : vector<16xi32> to vector<1xi32>
    %squeeze3A_216 = vector.extract %slice3A_215[0] : i32 from vector<1xi32>
    %min3A_217 = arith.minsi %min3A_214, %squeeze3A_216 : i32
    %get3A_218 = arith.constant 16 : index
    %get3A_219 = tpu.vector_load %arg13[%get3A_218] {strides = array<i32>} : memref<64xi32, #tpu.memory_space<vmem>>, vector<16xi32>,
    %get3A_220 = vector.shape_cast %get3A_219 : vector<16xi32> to vector<16xi32>
    %slice3A_221 = vector.extract_strided_slice %get3A_220 {offsets = [0], sizes = [1], strides = [1]} : vector<16xi32> to vector<1xi32>
    %squeeze3A_222 = vector.extract %slice3A_221[0] : i32 from vector<1xi32>
    %mul3A_223 = arith.constant 512 : i32
    %mul3A_224 = arith.muli %squeeze3A_222, %mul3A_223 : i32
    %add3A_225 = arith.addi %mul3A_224, %min3A_217 : i32
    %add3A_226 = arith.constant 1 : i32
    %add3A_227 = arith.addi %mul3A_2, %add3A_226 : i32
    %mul3A_228 = arith.constant 131072 : i32
    %mul3A_229 = arith.muli %add3A_227, %mul3A_228 : i32
    %shift_right_logical3A_230 = arith.constant 7 : i32
    %shift_right_logical3A_231 = arith.shrui %add3A_225, %shift_right_logical3A_230 : i32
    %mul3A_232 = arith.constant 512 : i32
    %mul3A_233 = arith.muli %shift_right_logical3A_231, %mul3A_232 : i32
    %add3A_234 = arith.addi %mul3A_229, %mul3A_233 : i32
    %multiple_of3A_235 = tpu.assume_multiple %add3A_234, 16 : i32
    %dma_start3A_236 = arith.constant 512 : i32
    %dma_start3A_237 = tpu.memref_slice %arg10[%dma_start3A_236] : memref<2048xf32, #tpu.memory_space<vmem>> -> memref<512xf32, #tpu.memory_space<vmem>>
    %dma_start3A_238 = tpu.memref_slice %arg3[%multiple_of3A_235] : memref<16777216xf32, #tpu.memory_space<hbm>> -> memref<512xf32, #tpu.memory_space<hbm>>
    %dma_start3A_239 = arith.constant 512 : i32
    %dma_start3A_240 = tpu.memref_slice %arg10[%dma_start3A_239] : memref<2048xf32, #tpu.memory_space<vmem>> -> memref<512xf32, #tpu.memory_space<vmem>>
    %dma_start3A_241 = tpu.memref_slice %arg3[%multiple_of3A_235] : memref<16777216xf32, #tpu.memory_space<hbm>> -> memref<512xf32, #tpu.memory_space<hbm>>
    tpu.enqueue_dma source(%dma_start3A_241 : memref<512xf32, #tpu.memory_space<hbm>>) target(%dma_start3A_240 : memref<512xf32, #tpu.memory_space<vmem>>) target_semaphore(%arg19 : memref<!tpu.dma_semaphore, #tpu.memory_space<semaphore_mem>>)
    %get3A_242 = arith.constant 32 : index
    %get3A_243 = tpu.vector_load %arg12[%get3A_242] {strides = array<i32>} : memref<64xf32, #tpu.memory_space<vmem>>, vector<16xf32>,
    %get3A_244 = vector.shape_cast %get3A_243 : vector<16xf32> to vector<16xf32>
    %broadcast_in_dim3A_245 = arith.constant 1048576 : i32
    %broadcast_in_dim3A_246 = vector.broadcast %broadcast_in_dim3A_245 : i32 to vector<16xi32>
    %scan3A_247 = arith.constant 0 : i32
    %scan3A_248 = arith.constant 8 : i32
    %scan3A_249 = arith.addi %scan3A_247, %scan3A_248 : i32
    %scan3A_250 = arith.constant 1 : i32
    %scan3A_251 = scf.for %scan3A_1223 = %scan3A_247 to %scan3A_249 step %scan3A_250 iter_args(%scan3A_1224 = %broadcast_in_dim3A_246) -> (vector<16xi32>)  : i32 {
      %mul3A_1225 = arith.constant 4 : i32
      %mul3A_1226 = arith.muli %scan3A_1223, %mul3A_1225 : i32
      %add3A_1227 = arith.constant 0 : i32
      %add3A_1228 = arith.addi %mul3A_1226, %add3A_1227 : i32
      %mul3A_1229 = arith.constant 16 : i32
      %mul3A_1230 = arith.muli %add3A_1228, %mul3A_1229 : i32
      %add3A_1231 = arith.constant 1024 : i32
      %add3A_1232 = arith.addi %add3A_1231, %mul3A_1230 : i32
      %get3A_1233 = arith.index_cast %add3A_1232 : i32 to index
      %get3A_1234 = tpu.vector_load %arg9[%get3A_1233] {strides = array<i32>} : memref<2048xf32, #tpu.memory_space<vmem>>, vector<16xf32>,
      %get3A_1235 = vector.shape_cast %get3A_1234 : vector<16xf32> to vector<16xf32>
      %eq3A_1236 = arith.cmpf oeq, %get3A_1235, %get3A_244 : vector<16xf32>
      %min3A_1237 = vector.broadcast %add3A_1228 : i32 to vector<16xi32>
      %min3A_1238 = arith.minsi %scan3A_1224, %min3A_1237 : vector<16xi32>
      %select_n3A_1239 = arith.select %eq3A_1236, %min3A_1238, %scan3A_1224 : vector<16xi1>, vector<16xi32>
      %mul3A_1240 = arith.constant 4 : i32
      %mul3A_1241 = arith.muli %scan3A_1223, %mul3A_1240 : i32
      %add3A_1242 = arith.constant 1 : i32
      %add3A_1243 = arith.addi %mul3A_1241, %add3A_1242 : i32
      %mul3A_1244 = arith.constant 16 : i32
      %mul3A_1245 = arith.muli %add3A_1243, %mul3A_1244 : i32
      %add3A_1246 = arith.constant 1024 : i32
      %add3A_1247 = arith.addi %add3A_1246, %mul3A_1245 : i32
      %get3A_1248 = arith.index_cast %add3A_1247 : i32 to index
      %get3A_1249 = tpu.vector_load %arg9[%get3A_1248] {strides = array<i32>} : memref<2048xf32, #tpu.memory_space<vmem>>, vector<16xf32>,
      %get3A_1250 = vector.shape_cast %get3A_1249 : vector<16xf32> to vector<16xf32>
      %eq3A_1251 = arith.cmpf oeq, %get3A_1250, %get3A_244 : vector<16xf32>
      %min3A_1252 = vector.broadcast %add3A_1243 : i32 to vector<16xi32>
      %min3A_1253 = arith.minsi %select_n3A_1239, %min3A_1252 : vector<16xi32>
      %select_n3A_1254 = arith.select %eq3A_1251, %min3A_1253, %select_n3A_1239 : vector<16xi1>, vector<16xi32>
      %mul3A_1255 = arith.constant 4 : i32
      %mul3A_1256 = arith.muli %scan3A_1223, %mul3A_1255 : i32
      %add3A_1257 = arith.constant 2 : i32
      %add3A_1258 = arith.addi %mul3A_1256, %add3A_1257 : i32
      %mul3A_1259 = arith.constant 16 : i32
      %mul3A_1260 = arith.muli %add3A_1258, %mul3A_1259 : i32
      %add3A_1261 = arith.constant 1024 : i32
      %add3A_1262 = arith.addi %add3A_1261, %mul3A_1260 : i32
      %get3A_1263 = arith.index_cast %add3A_1262 : i32 to index
      %get3A_1264 = tpu.vector_load %arg9[%get3A_1263] {strides = array<i32>} : memref<2048xf32, #tpu.memory_space<vmem>>, vector<16xf32>,
      %get3A_1265 = vector.shape_cast %get3A_1264 : vector<16xf32> to vector<16xf32>
      %eq3A_1266 = arith.cmpf oeq, %get3A_1265, %get3A_244 : vector<16xf32>
      %min3A_1267 = vector.broadcast %add3A_1258 : i32 to vector<16xi32>
      %min3A_1268 = arith.minsi %select_n3A_1254, %min3A_1267 : vector<16xi32>
      %select_n3A_1269 = arith.select %eq3A_1266, %min3A_1268, %select_n3A_1254 : vector<16xi1>, vector<16xi32>
      %mul3A_1270 = arith.constant 4 : i32
      %mul3A_1271 = arith.muli %scan3A_1223, %mul3A_1270 : i32
      %add3A_1272 = arith.constant 3 : i32
      %add3A_1273 = arith.addi %mul3A_1271, %add3A_1272 : i32
      %mul3A_1274 = arith.constant 16 : i32
      %mul3A_1275 = arith.muli %add3A_1273, %mul3A_1274 : i32
      %add3A_1276 = arith.constant 1024 : i32
      %add3A_1277 = arith.addi %add3A_1276, %mul3A_1275 : i32
      %get3A_1278 = arith.index_cast %add3A_1277 : i32 to index
      %get3A_1279 = tpu.vector_load %arg9[%get3A_1278] {strides = array<i32>} : memref<2048xf32, #tpu.memory_space<vmem>>, vector<16xf32>,
      %get3A_1280 = vector.shape_cast %get3A_1279 : vector<16xf32> to vector<16xf32>
      %eq3A_1281 = arith.cmpf oeq, %get3A_1280, %get3A_244 : vector<16xf32>
      %min3A_1282 = vector.broadcast %add3A_1273 : i32 to vector<16xi32>
      %min3A_1283 = arith.minsi %select_n3A_1269, %min3A_1282 : vector<16xi32>
      %select_n3A_1284 = arith.select %eq3A_1281, %min3A_1283, %select_n3A_1269 : vector<16xi1>, vector<16xi32>
      scf.yield %select_n3A_1284 : vector<16xi32>
    }
    %scan3A_252 = arith.constant 8 : i32
    %mul3A_253 = arith.constant 16 : i32
    %mul3A_254 = vector.broadcast %mul3A_253 : i32 to vector<16xi32>
    %mul3A_255 = arith.muli %scan3A_251, %mul3A_254 : vector<16xi32>
    %add3A_256 = arith.addi %mul3A_255, %iota3A : vector<16xi32>
    %slice3A_257 = vector.extract_strided_slice %add3A_256 {offsets = [0], sizes = [1], strides = [1]} : vector<16xi32> to vector<1xi32>
    %squeeze3A_258 = vector.extract %slice3A_257[0] : i32 from vector<1xi32>
    %min3A_259 = arith.constant 33554432 : i32
    %min3A_260 = arith.minsi %min3A_259, %squeeze3A_258 : i32
    %slice3A_261 = vector.extract_strided_slice %add3A_256 {offsets = [1], sizes = [1], strides = [1]} : vector<16xi32> to vector<1xi32>
    %squeeze3A_262 = vector.extract %slice3A_261[0] : i32 from vector<1xi32>
    %min3A_263 = arith.minsi %min3A_260, %squeeze3A_262 : i32
    %slice3A_264 = vector.extract_strided_slice %add3A_256 {offsets = [2], sizes = [1], strides = [1]} : vector<16xi32> to vector<1xi32>
    %squeeze3A_265 = vector.extract %slice3A_264[0] : i32 from vector<1xi32>
    %min3A_266 = arith.minsi %min3A_263, %squeeze3A_265 : i32
    %slice3A_267 = vector.extract_strided_slice %add3A_256 {offsets = [3], sizes = [1], strides = [1]} : vector<16xi32> to vector<1xi32>
    %squeeze3A_268 = vector.extract %slice3A_267[0] : i32 from vector<1xi32>
    %min3A_269 = arith.minsi %min3A_266, %squeeze3A_268 : i32
    %slice3A_270 = vector.extract_strided_slice %add3A_256 {offsets = [4], sizes = [1], strides = [1]} : vector<16xi32> to vector<1xi32>
    %squeeze3A_271 = vector.extract %slice3A_270[0] : i32 from vector<1xi32>
    %min3A_272 = arith.minsi %min3A_269, %squeeze3A_271 : i32
    %slice3A_273 = vector.extract_strided_slice %add3A_256 {offsets = [5], sizes = [1], strides = [1]} : vector<16xi32> to vector<1xi32>
    %squeeze3A_274 = vector.extract %slice3A_273[0] : i32 from vector<1xi32>
    %min3A_275 = arith.minsi %min3A_272, %squeeze3A_274 : i32
    %slice3A_276 = vector.extract_strided_slice %add3A_256 {offsets = [6], sizes = [1], strides = [1]} : vector<16xi32> to vector<1xi32>
    %squeeze3A_277 = vector.extract %slice3A_276[0] : i32 from vector<1xi32>
    %min3A_278 = arith.minsi %min3A_275, %squeeze3A_277 : i32
    %slice3A_279 = vector.extract_strided_slice %add3A_256 {offsets = [7], sizes = [1], strides = [1]} : vector<16xi32> to vector<1xi32>
    %squeeze3A_280 = vector.extract %slice3A_279[0] : i32 from vector<1xi32>
    %min3A_281 = arith.minsi %min3A_278, %squeeze3A_280 : i32
    %slice3A_282 = vector.extract_strided_slice %add3A_256 {offsets = [8], sizes = [1], strides = [1]} : vector<16xi32> to vector<1xi32>
    %squeeze3A_283 = vector.extract %slice3A_282[0] : i32 from vector<1xi32>
    %min3A_284 = arith.minsi %min3A_281, %squeeze3A_283 : i32
    %slice3A_285 = vector.extract_strided_slice %add3A_256 {offsets = [9], sizes = [1], strides = [1]} : vector<16xi32> to vector<1xi32>
    %squeeze3A_286 = vector.extract %slice3A_285[0] : i32 from vector<1xi32>
    %min3A_287 = arith.minsi %min3A_284, %squeeze3A_286 : i32
    %slice3A_288 = vector.extract_strided_slice %add3A_256 {offsets = [10], sizes = [1], strides = [1]} : vector<16xi32> to vector<1xi32>
    %squeeze3A_289 = vector.extract %slice3A_288[0] : i32 from vector<1xi32>
    %min3A_290 = arith.minsi %min3A_287, %squeeze3A_289 : i32
    %slice3A_291 = vector.extract_strided_slice %add3A_256 {offsets = [11], sizes = [1], strides = [1]} : vector<16xi32> to vector<1xi32>
    %squeeze3A_292 = vector.extract %slice3A_291[0] : i32 from vector<1xi32>
    %min3A_293 = arith.minsi %min3A_290, %squeeze3A_292 : i32
    %slice3A_294 = vector.extract_strided_slice %add3A_256 {offsets = [12], sizes = [1], strides = [1]} : vector<16xi32> to vector<1xi32>
    %squeeze3A_295 = vector.extract %slice3A_294[0] : i32 from vector<1xi32>
    %min3A_296 = arith.minsi %min3A_293, %squeeze3A_295 : i32
    %slice3A_297 = vector.extract_strided_slice %add3A_256 {offsets = [13], sizes = [1], strides = [1]} : vector<16xi32> to vector<1xi32>
    %squeeze3A_298 = vector.extract %slice3A_297[0] : i32 from vector<1xi32>
    %min3A_299 = arith.minsi %min3A_296, %squeeze3A_298 : i32
    %slice3A_300 = vector.extract_strided_slice %add3A_256 {offsets = [14], sizes = [1], strides = [1]} : vector<16xi32> to vector<1xi32>
    %squeeze3A_301 = vector.extract %slice3A_300[0] : i32 from vector<1xi32>
    %min3A_302 = arith.minsi %min3A_299, %squeeze3A_301 : i32
    %slice3A_303 = vector.extract_strided_slice %add3A_256 {offsets = [15], sizes = [1], strides = [1]} : vector<16xi32> to vector<1xi32>
    %squeeze3A_304 = vector.extract %slice3A_303[0] : i32 from vector<1xi32>
    %min3A_305 = arith.minsi %min3A_302, %squeeze3A_304 : i32
    %get3A_306 = arith.constant 32 : index
    %get3A_307 = tpu.vector_load %arg13[%get3A_306] {strides = array<i32>} : memref<64xi32, #tpu.memory_space<vmem>>, vector<16xi32>,
    %get3A_308 = vector.shape_cast %get3A_307 : vector<16xi32> to vector<16xi32>
    %slice3A_309 = vector.extract_strided_slice %get3A_308 {offsets = [0], sizes = [1], strides = [1]} : vector<16xi32> to vector<1xi32>
    %squeeze3A_310 = vector.extract %slice3A_309[0] : i32 from vector<1xi32>
    %mul3A_311 = arith.constant 512 : i32
    %mul3A_312 = arith.muli %squeeze3A_310, %mul3A_311 : i32
    %add3A_313 = arith.addi %mul3A_312, %min3A_305 : i32
    %add3A_314 = arith.constant 2 : i32
    %add3A_315 = arith.addi %mul3A_2, %add3A_314 : i32
    %mul3A_316 = arith.constant 131072 : i32
    %mul3A_317 = arith.muli %add3A_315, %mul3A_316 : i32
    %shift_right_logical3A_318 = arith.constant 7 : i32
    %shift_right_logical3A_319 = arith.shrui %add3A_313, %shift_right_logical3A_318 : i32
    %mul3A_320 = arith.constant 512 : i32
    %mul3A_321 = arith.muli %shift_right_logical3A_319, %mul3A_320 : i32
    %add3A_322 = arith.addi %mul3A_317, %mul3A_321 : i32
    %multiple_of3A_323 = tpu.assume_multiple %add3A_322, 16 : i32
    %dma_start3A_324 = arith.constant 1024 : i32
    %dma_start3A_325 = tpu.memref_slice %arg10[%dma_start3A_324] : memref<2048xf32, #tpu.memory_space<vmem>> -> memref<512xf32, #tpu.memory_space<vmem>>
    %dma_start3A_326 = tpu.memref_slice %arg3[%multiple_of3A_323] : memref<16777216xf32, #tpu.memory_space<hbm>> -> memref<512xf32, #tpu.memory_space<hbm>>
    %dma_start3A_327 = arith.constant 1024 : i32
    %dma_start3A_328 = tpu.memref_slice %arg10[%dma_start3A_327] : memref<2048xf32, #tpu.memory_space<vmem>> -> memref<512xf32, #tpu.memory_space<vmem>>
    %dma_start3A_329 = tpu.memref_slice %arg3[%multiple_of3A_323] : memref<16777216xf32, #tpu.memory_space<hbm>> -> memref<512xf32, #tpu.memory_space<hbm>>
    tpu.enqueue_dma source(%dma_start3A_329 : memref<512xf32, #tpu.memory_space<hbm>>) target(%dma_start3A_328 : memref<512xf32, #tpu.memory_space<vmem>>) target_semaphore(%arg19 : memref<!tpu.dma_semaphore, #tpu.memory_space<semaphore_mem>>)
    %get3A_330 = arith.constant 48 : index
    %get3A_331 = tpu.vector_load %arg12[%get3A_330] {strides = array<i32>} : memref<64xf32, #tpu.memory_space<vmem>>, vector<16xf32>,
    %get3A_332 = vector.shape_cast %get3A_331 : vector<16xf32> to vector<16xf32>
    %broadcast_in_dim3A_333 = arith.constant 1048576 : i32
    %broadcast_in_dim3A_334 = vector.broadcast %broadcast_in_dim3A_333 : i32 to vector<16xi32>
    %scan3A_335 = arith.constant 0 : i32
    %scan3A_336 = arith.constant 8 : i32
    %scan3A_337 = arith.addi %scan3A_335, %scan3A_336 : i32
    %scan3A_338 = arith.constant 1 : i32
    %scan3A_339 = scf.for %scan3A_1223 = %scan3A_335 to %scan3A_337 step %scan3A_338 iter_args(%scan3A_1224 = %broadcast_in_dim3A_334) -> (vector<16xi32>)  : i32 {
      %mul3A_1225 = arith.constant 4 : i32
      %mul3A_1226 = arith.muli %scan3A_1223, %mul3A_1225 : i32
      %add3A_1227 = arith.constant 0 : i32
      %add3A_1228 = arith.addi %mul3A_1226, %add3A_1227 : i32
      %mul3A_1229 = arith.constant 16 : i32
      %mul3A_1230 = arith.muli %add3A_1228, %mul3A_1229 : i32
      %add3A_1231 = arith.constant 1536 : i32
      %add3A_1232 = arith.addi %add3A_1231, %mul3A_1230 : i32
      %get3A_1233 = arith.index_cast %add3A_1232 : i32 to index
      %get3A_1234 = tpu.vector_load %arg9[%get3A_1233] {strides = array<i32>} : memref<2048xf32, #tpu.memory_space<vmem>>, vector<16xf32>,
      %get3A_1235 = vector.shape_cast %get3A_1234 : vector<16xf32> to vector<16xf32>
      %eq3A_1236 = arith.cmpf oeq, %get3A_1235, %get3A_332 : vector<16xf32>
      %min3A_1237 = vector.broadcast %add3A_1228 : i32 to vector<16xi32>
      %min3A_1238 = arith.minsi %scan3A_1224, %min3A_1237 : vector<16xi32>
      %select_n3A_1239 = arith.select %eq3A_1236, %min3A_1238, %scan3A_1224 : vector<16xi1>, vector<16xi32>
      %mul3A_1240 = arith.constant 4 : i32
      %mul3A_1241 = arith.muli %scan3A_1223, %mul3A_1240 : i32
      %add3A_1242 = arith.constant 1 : i32
      %add3A_1243 = arith.addi %mul3A_1241, %add3A_1242 : i32
      %mul3A_1244 = arith.constant 16 : i32
      %mul3A_1245 = arith.muli %add3A_1243, %mul3A_1244 : i32
      %add3A_1246 = arith.constant 1536 : i32
      %add3A_1247 = arith.addi %add3A_1246, %mul3A_1245 : i32
      %get3A_1248 = arith.index_cast %add3A_1247 : i32 to index
      %get3A_1249 = tpu.vector_load %arg9[%get3A_1248] {strides = array<i32>} : memref<2048xf32, #tpu.memory_space<vmem>>, vector<16xf32>,
      %get3A_1250 = vector.shape_cast %get3A_1249 : vector<16xf32> to vector<16xf32>
      %eq3A_1251 = arith.cmpf oeq, %get3A_1250, %get3A_332 : vector<16xf32>
      %min3A_1252 = vector.broadcast %add3A_1243 : i32 to vector<16xi32>
      %min3A_1253 = arith.minsi %select_n3A_1239, %min3A_1252 : vector<16xi32>
      %select_n3A_1254 = arith.select %eq3A_1251, %min3A_1253, %select_n3A_1239 : vector<16xi1>, vector<16xi32>
      %mul3A_1255 = arith.constant 4 : i32
      %mul3A_1256 = arith.muli %scan3A_1223, %mul3A_1255 : i32
      %add3A_1257 = arith.constant 2 : i32
      %add3A_1258 = arith.addi %mul3A_1256, %add3A_1257 : i32
      %mul3A_1259 = arith.constant 16 : i32
      %mul3A_1260 = arith.muli %add3A_1258, %mul3A_1259 : i32
      %add3A_1261 = arith.constant 1536 : i32
      %add3A_1262 = arith.addi %add3A_1261, %mul3A_1260 : i32
      %get3A_1263 = arith.index_cast %add3A_1262 : i32 to index
      %get3A_1264 = tpu.vector_load %arg9[%get3A_1263] {strides = array<i32>} : memref<2048xf32, #tpu.memory_space<vmem>>, vector<16xf32>,
      %get3A_1265 = vector.shape_cast %get3A_1264 : vector<16xf32> to vector<16xf32>
      %eq3A_1266 = arith.cmpf oeq, %get3A_1265, %get3A_332 : vector<16xf32>
      %min3A_1267 = vector.broadcast %add3A_1258 : i32 to vector<16xi32>
      %min3A_1268 = arith.minsi %select_n3A_1254, %min3A_1267 : vector<16xi32>
      %select_n3A_1269 = arith.select %eq3A_1266, %min3A_1268, %select_n3A_1254 : vector<16xi1>, vector<16xi32>
      %mul3A_1270 = arith.constant 4 : i32
      %mul3A_1271 = arith.muli %scan3A_1223, %mul3A_1270 : i32
      %add3A_1272 = arith.constant 3 : i32
      %add3A_1273 = arith.addi %mul3A_1271, %add3A_1272 : i32
      %mul3A_1274 = arith.constant 16 : i32
      %mul3A_1275 = arith.muli %add3A_1273, %mul3A_1274 : i32
      %add3A_1276 = arith.constant 1536 : i32
      %add3A_1277 = arith.addi %add3A_1276, %mul3A_1275 : i32
      %get3A_1278 = arith.index_cast %add3A_1277 : i32 to index
      %get3A_1279 = tpu.vector_load %arg9[%get3A_1278] {strides = array<i32>} : memref<2048xf32, #tpu.memory_space<vmem>>, vector<16xf32>,
      %get3A_1280 = vector.shape_cast %get3A_1279 : vector<16xf32> to vector<16xf32>
      %eq3A_1281 = arith.cmpf oeq, %get3A_1280, %get3A_332 : vector<16xf32>
      %min3A_1282 = vector.broadcast %add3A_1273 : i32 to vector<16xi32>
      %min3A_1283 = arith.minsi %select_n3A_1269, %min3A_1282 : vector<16xi32>
      %select_n3A_1284 = arith.select %eq3A_1281, %min3A_1283, %select_n3A_1269 : vector<16xi1>, vector<16xi32>
      scf.yield %select_n3A_1284 : vector<16xi32>
    }
    %scan3A_340 = arith.constant 8 : i32
    %mul3A_341 = arith.constant 16 : i32
    %mul3A_342 = vector.broadcast %mul3A_341 : i32 to vector<16xi32>
    %mul3A_343 = arith.muli %scan3A_339, %mul3A_342 : vector<16xi32>
    %add3A_344 = arith.addi %mul3A_343, %iota3A : vector<16xi32>
    %slice3A_345 = vector.extract_strided_slice %add3A_344 {offsets = [0], sizes = [1], strides = [1]} : vector<16xi32> to vector<1xi32>
    %squeeze3A_346 = vector.extract %slice3A_345[0] : i32 from vector<1xi32>
    %min3A_347 = arith.constant 33554432 : i32
    %min3A_348 = arith.minsi %min3A_347, %squeeze3A_346 : i32
    %slice3A_349 = vector.extract_strided_slice %add3A_344 {offsets = [1], sizes = [1], strides = [1]} : vector<16xi32> to vector<1xi32>
    %squeeze3A_350 = vector.extract %slice3A_349[0] : i32 from vector<1xi32>
    %min3A_351 = arith.minsi %min3A_348, %squeeze3A_350 : i32
    %slice3A_352 = vector.extract_strided_slice %add3A_344 {offsets = [2], sizes = [1], strides = [1]} : vector<16xi32> to vector<1xi32>
    %squeeze3A_353 = vector.extract %slice3A_352[0] : i32 from vector<1xi32>
    %min3A_354 = arith.minsi %min3A_351, %squeeze3A_353 : i32
    %slice3A_355 = vector.extract_strided_slice %add3A_344 {offsets = [3], sizes = [1], strides = [1]} : vector<16xi32> to vector<1xi32>
    %squeeze3A_356 = vector.extract %slice3A_355[0] : i32 from vector<1xi32>
    %min3A_357 = arith.minsi %min3A_354, %squeeze3A_356 : i32
    %slice3A_358 = vector.extract_strided_slice %add3A_344 {offsets = [4], sizes = [1], strides = [1]} : vector<16xi32> to vector<1xi32>
    %squeeze3A_359 = vector.extract %slice3A_358[0] : i32 from vector<1xi32>
    %min3A_360 = arith.minsi %min3A_357, %squeeze3A_359 : i32
    %slice3A_361 = vector.extract_strided_slice %add3A_344 {offsets = [5], sizes = [1], strides = [1]} : vector<16xi32> to vector<1xi32>
    %squeeze3A_362 = vector.extract %slice3A_361[0] : i32 from vector<1xi32>
    %min3A_363 = arith.minsi %min3A_360, %squeeze3A_362 : i32
    %slice3A_364 = vector.extract_strided_slice %add3A_344 {offsets = [6], sizes = [1], strides = [1]} : vector<16xi32> to vector<1xi32>
    %squeeze3A_365 = vector.extract %slice3A_364[0] : i32 from vector<1xi32>
    %min3A_366 = arith.minsi %min3A_363, %squeeze3A_365 : i32
    %slice3A_367 = vector.extract_strided_slice %add3A_344 {offsets = [7], sizes = [1], strides = [1]} : vector<16xi32> to vector<1xi32>
    %squeeze3A_368 = vector.extract %slice3A_367[0] : i32 from vector<1xi32>
    %min3A_369 = arith.minsi %min3A_366, %squeeze3A_368 : i32
    %slice3A_370 = vector.extract_strided_slice %add3A_344 {offsets = [8], sizes = [1], strides = [1]} : vector<16xi32> to vector<1xi32>
    %squeeze3A_371 = vector.extract %slice3A_370[0] : i32 from vector<1xi32>
    %min3A_372 = arith.minsi %min3A_369, %squeeze3A_371 : i32
    %slice3A_373 = vector.extract_strided_slice %add3A_344 {offsets = [9], sizes = [1], strides = [1]} : vector<16xi32> to vector<1xi32>
    %squeeze3A_374 = vector.extract %slice3A_373[0] : i32 from vector<1xi32>
    %min3A_375 = arith.minsi %min3A_372, %squeeze3A_374 : i32
    %slice3A_376 = vector.extract_strided_slice %add3A_344 {offsets = [10], sizes = [1], strides = [1]} : vector<16xi32> to vector<1xi32>
    %squeeze3A_377 = vector.extract %slice3A_376[0] : i32 from vector<1xi32>
    %min3A_378 = arith.minsi %min3A_375, %squeeze3A_377 : i32
    %slice3A_379 = vector.extract_strided_slice %add3A_344 {offsets = [11], sizes = [1], strides = [1]} : vector<16xi32> to vector<1xi32>
    %squeeze3A_380 = vector.extract %slice3A_379[0] : i32 from vector<1xi32>
    %min3A_381 = arith.minsi %min3A_378, %squeeze3A_380 : i32
    %slice3A_382 = vector.extract_strided_slice %add3A_344 {offsets = [12], sizes = [1], strides = [1]} : vector<16xi32> to vector<1xi32>
    %squeeze3A_383 = vector.extract %slice3A_382[0] : i32 from vector<1xi32>
    %min3A_384 = arith.minsi %min3A_381, %squeeze3A_383 : i32
    %slice3A_385 = vector.extract_strided_slice %add3A_344 {offsets = [13], sizes = [1], strides = [1]} : vector<16xi32> to vector<1xi32>
    %squeeze3A_386 = vector.extract %slice3A_385[0] : i32 from vector<1xi32>
    %min3A_387 = arith.minsi %min3A_384, %squeeze3A_386 : i32
    %slice3A_388 = vector.extract_strided_slice %add3A_344 {offsets = [14], sizes = [1], strides = [1]} : vector<16xi32> to vector<1xi32>
    %squeeze3A_389 = vector.extract %slice3A_388[0] : i32 from vector<1xi32>
    %min3A_390 = arith.minsi %min3A_387, %squeeze3A_389 : i32
    %slice3A_391 = vector.extract_strided_slice %add3A_344 {offsets = [15], sizes = [1], strides = [1]} : vector<16xi32> to vector<1xi32>
    %squeeze3A_392 = vector.extract %slice3A_391[0] : i32 from vector<1xi32>
    %min3A_393 = arith.minsi %min3A_390, %squeeze3A_392 : i32
    %get3A_394 = arith.constant 48 : index
    %get3A_395 = tpu.vector_load %arg13[%get3A_394] {strides = array<i32>} : memref<64xi32, #tpu.memory_space<vmem>>, vector<16xi32>,
    %get3A_396 = vector.shape_cast %get3A_395 : vector<16xi32> to vector<16xi32>
    %slice3A_397 = vector.extract_strided_slice %get3A_396 {offsets = [0], sizes = [1], strides = [1]} : vector<16xi32> to vector<1xi32>
    %squeeze3A_398 = vector.extract %slice3A_397[0] : i32 from vector<1xi32>
    %mul3A_399 = arith.constant 512 : i32
    %mul3A_400 = arith.muli %squeeze3A_398, %mul3A_399 : i32
    %add3A_401 = arith.addi %mul3A_400, %min3A_393 : i32
    %add3A_402 = arith.constant 3 : i32
    %add3A_403 = arith.addi %mul3A_2, %add3A_402 : i32
    %mul3A_404 = arith.constant 131072 : i32
    %mul3A_405 = arith.muli %add3A_403, %mul3A_404 : i32
    %shift_right_logical3A_406 = arith.constant 7 : i32
    %shift_right_logical3A_407 = arith.shrui %add3A_401, %shift_right_logical3A_406 : i32
    %mul3A_408 = arith.constant 512 : i32
    %mul3A_409 = arith.muli %shift_right_logical3A_407, %mul3A_408 : i32
    %add3A_410 = arith.addi %mul3A_405, %mul3A_409 : i32
    %multiple_of3A_411 = tpu.assume_multiple %add3A_410, 16 : i32
    %dma_start3A_412 = arith.constant 1536 : i32
    %dma_start3A_413 = tpu.memref_slice %arg10[%dma_start3A_412] : memref<2048xf32, #tpu.memory_space<vmem>> -> memref<512xf32, #tpu.memory_space<vmem>>
    %dma_start3A_414 = tpu.memref_slice %arg3[%multiple_of3A_411] : memref<16777216xf32, #tpu.memory_space<hbm>> -> memref<512xf32, #tpu.memory_space<hbm>>
    %dma_start3A_415 = arith.constant 1536 : i32
    %dma_start3A_416 = tpu.memref_slice %arg10[%dma_start3A_415] : memref<2048xf32, #tpu.memory_space<vmem>> -> memref<512xf32, #tpu.memory_space<vmem>>
    %dma_start3A_417 = tpu.memref_slice %arg3[%multiple_of3A_411] : memref<16777216xf32, #tpu.memory_space<hbm>> -> memref<512xf32, #tpu.memory_space<hbm>>
    tpu.enqueue_dma source(%dma_start3A_417 : memref<512xf32, #tpu.memory_space<hbm>>) target(%dma_start3A_416 : memref<512xf32, #tpu.memory_space<vmem>>) target_semaphore(%arg19 : memref<!tpu.dma_semaphore, #tpu.memory_space<semaphore_mem>>)
    %dma_wait3A_418 = arith.constant 0 : i32
    %dma_wait3A_419 = tpu.memref_slice %arg3[%dma_wait3A_418] : memref<16777216xf32, #tpu.memory_space<hbm>> -> memref<2048xf32, #tpu.memory_space<hbm>>
    %dma_wait3A_420 = arith.constant 0 : i32
    %dma_wait3A_421 = tpu.memref_slice %arg3[%dma_wait3A_420] : memref<16777216xf32, #tpu.memory_space<hbm>> -> memref<2048xf32, #tpu.memory_space<hbm>>
    tpu.wait_dma2 semaphore(%arg19 : memref<!tpu.dma_semaphore, #tpu.memory_space<semaphore_mem>>) src(%dma_wait3A_421 : memref<2048xf32, #tpu.memory_space<hbm>>) dst(%arg10 : memref<2048xf32, #tpu.memory_space<vmem>>)
    %broadcast_in_dim3A_422 = arith.constant 0.000000e+00 : f32
    %broadcast_in_dim3A_423 = vector.broadcast %broadcast_in_dim3A_422 : f32 to vector<16xf32>
    %and3A_424 = arith.constant 127 : i32
    %and3A_425 = arith.andi %add3A_137, %and3A_424 : i32
    %and3A_426 = arith.constant 7 : i32
    %and3A_427 = arith.andi %and3A_425, %and3A_426 : i32
    %add3A_428 = arith.constant 0 : i32
    %add3A_429 = arith.addi %add3A_428, %and3A_425 : i32
    %sub3A = arith.subi %add3A_429, %and3A_427 : i32
    %add3A_430 = arith.constant 0 : i32
    %add3A_431 = arith.addi %sub3A, %add3A_430 : i32
    %multiple_of3A_432 = tpu.assume_multiple %add3A_431, 8 : i32
    %get3A_433 = arith.index_cast %multiple_of3A_432 : i32 to index
    %get3A_434 = tpu.vector_load %arg10[%get3A_433] {strides = array<i32>} : memref<2048xf32, #tpu.memory_space<vmem>>, vector<16xf32>,
    %get3A_435 = vector.shape_cast %get3A_434 : vector<16xf32> to vector<16xf32>
    %slice3A_436 = vector.extract_strided_slice %get3A_435 {offsets = [7], sizes = [1], strides = [1]} : vector<16xf32> to vector<1xf32>
    %squeeze3A_437 = vector.extract %slice3A_436[0] : f32 from vector<1xf32>
    %eq3A = arith.constant 6 : i32
    %eq3A_438 = arith.cmpi eq, %and3A_427, %eq3A : i32
    %slice3A_439 = vector.extract_strided_slice %get3A_435 {offsets = [6], sizes = [1], strides = [1]} : vector<16xf32> to vector<1xf32>
    %squeeze3A_440 = vector.extract %slice3A_439[0] : f32 from vector<1xf32>
    %select_n3A = arith.select %eq3A_438, %squeeze3A_440, %squeeze3A_437 : f32
    %eq3A_441 = arith.constant 5 : i32
    %eq3A_442 = arith.cmpi eq, %and3A_427, %eq3A_441 : i32
    %slice3A_443 = vector.extract_strided_slice %get3A_435 {offsets = [5], sizes = [1], strides = [1]} : vector<16xf32> to vector<1xf32>
    %squeeze3A_444 = vector.extract %slice3A_443[0] : f32 from vector<1xf32>
    %select_n3A_445 = arith.select %eq3A_442, %squeeze3A_444, %select_n3A : f32
    %eq3A_446 = arith.constant 4 : i32
    %eq3A_447 = arith.cmpi eq, %and3A_427, %eq3A_446 : i32
    %slice3A_448 = vector.extract_strided_slice %get3A_435 {offsets = [4], sizes = [1], strides = [1]} : vector<16xf32> to vector<1xf32>
    %squeeze3A_449 = vector.extract %slice3A_448[0] : f32 from vector<1xf32>
    %select_n3A_450 = arith.select %eq3A_447, %squeeze3A_449, %select_n3A_445 : f32
    %eq3A_451 = arith.constant 3 : i32
    %eq3A_452 = arith.cmpi eq, %and3A_427, %eq3A_451 : i32
    %slice3A_453 = vector.extract_strided_slice %get3A_435 {offsets = [3], sizes = [1], strides = [1]} : vector<16xf32> to vector<1xf32>
    %squeeze3A_454 = vector.extract %slice3A_453[0] : f32 from vector<1xf32>
    %select_n3A_455 = arith.select %eq3A_452, %squeeze3A_454, %select_n3A_450 : f32
    %eq3A_456 = arith.constant 2 : i32
    %eq3A_457 = arith.cmpi eq, %and3A_427, %eq3A_456 : i32
    %slice3A_458 = vector.extract_strided_slice %get3A_435 {offsets = [2], sizes = [1], strides = [1]} : vector<16xf32> to vector<1xf32>
    %squeeze3A_459 = vector.extract %slice3A_458[0] : f32 from vector<1xf32>
    %select_n3A_460 = arith.select %eq3A_457, %squeeze3A_459, %select_n3A_455 : f32
    %eq3A_461 = arith.constant 1 : i32
    %eq3A_462 = arith.cmpi eq, %and3A_427, %eq3A_461 : i32
    %slice3A_463 = vector.extract_strided_slice %get3A_435 {offsets = [1], sizes = [1], strides = [1]} : vector<16xf32> to vector<1xf32>
    %squeeze3A_464 = vector.extract %slice3A_463[0] : f32 from vector<1xf32>
    %select_n3A_465 = arith.select %eq3A_462, %squeeze3A_464, %select_n3A_460 : f32
    %eq3A_466 = arith.constant 0 : i32
    %eq3A_467 = arith.cmpi eq, %and3A_427, %eq3A_466 : i32
    %slice3A_468 = vector.extract_strided_slice %get3A_435 {offsets = [0], sizes = [1], strides = [1]} : vector<16xf32> to vector<1xf32>
    %squeeze3A_469 = vector.extract %slice3A_468[0] : f32 from vector<1xf32>
    %select_n3A_470 = arith.select %eq3A_467, %squeeze3A_469, %select_n3A_465 : f32
    %eq3A_471 = arith.constant 0 : i32
    %eq3A_472 = vector.broadcast %eq3A_471 : i32 to vector<16xi32>
    %eq3A_473 = arith.cmpi eq, %iota3A, %eq3A_472 : vector<16xi32>
    %broadcast_in_dim3A_474 = vector.broadcast %select_n3A_470 : f32 to vector<16xf32>
    %select_n3A_475 = arith.select %eq3A_473, %broadcast_in_dim3A_474, %broadcast_in_dim3A_423 : vector<16xi1>, vector<16xf32>
    %add3A_476 = arith.constant 128 : i32
    %add3A_477 = arith.addi %sub3A, %add3A_476 : i32
    %multiple_of3A_478 = tpu.assume_multiple %add3A_477, 8 : i32
    %get3A_479 = arith.index_cast %multiple_of3A_478 : i32 to index
    %get3A_480 = tpu.vector_load %arg10[%get3A_479] {strides = array<i32>} : memref<2048xf32, #tpu.memory_space<vmem>>, vector<16xf32>,
    %get3A_481 = vector.shape_cast %get3A_480 : vector<16xf32> to vector<16xf32>
    %slice3A_482 = vector.extract_strided_slice %get3A_481 {offsets = [7], sizes = [1], strides = [1]} : vector<16xf32> to vector<1xf32>
    %squeeze3A_483 = vector.extract %slice3A_482[0] : f32 from vector<1xf32>
    %eq3A_484 = arith.constant 6 : i32
    %eq3A_485 = arith.cmpi eq, %and3A_427, %eq3A_484 : i32
    %slice3A_486 = vector.extract_strided_slice %get3A_481 {offsets = [6], sizes = [1], strides = [1]} : vector<16xf32> to vector<1xf32>
    %squeeze3A_487 = vector.extract %slice3A_486[0] : f32 from vector<1xf32>
    %select_n3A_488 = arith.select %eq3A_485, %squeeze3A_487, %squeeze3A_483 : f32
    %eq3A_489 = arith.constant 5 : i32
    %eq3A_490 = arith.cmpi eq, %and3A_427, %eq3A_489 : i32
    %slice3A_491 = vector.extract_strided_slice %get3A_481 {offsets = [5], sizes = [1], strides = [1]} : vector<16xf32> to vector<1xf32>
    %squeeze3A_492 = vector.extract %slice3A_491[0] : f32 from vector<1xf32>
    %select_n3A_493 = arith.select %eq3A_490, %squeeze3A_492, %select_n3A_488 : f32
    %eq3A_494 = arith.constant 4 : i32
    %eq3A_495 = arith.cmpi eq, %and3A_427, %eq3A_494 : i32
    %slice3A_496 = vector.extract_strided_slice %get3A_481 {offsets = [4], sizes = [1], strides = [1]} : vector<16xf32> to vector<1xf32>
    %squeeze3A_497 = vector.extract %slice3A_496[0] : f32 from vector<1xf32>
    %select_n3A_498 = arith.select %eq3A_495, %squeeze3A_497, %select_n3A_493 : f32
    %eq3A_499 = arith.constant 3 : i32
    %eq3A_500 = arith.cmpi eq, %and3A_427, %eq3A_499 : i32
    %slice3A_501 = vector.extract_strided_slice %get3A_481 {offsets = [3], sizes = [1], strides = [1]} : vector<16xf32> to vector<1xf32>
    %squeeze3A_502 = vector.extract %slice3A_501[0] : f32 from vector<1xf32>
    %select_n3A_503 = arith.select %eq3A_500, %squeeze3A_502, %select_n3A_498 : f32
    %eq3A_504 = arith.constant 2 : i32
    %eq3A_505 = arith.cmpi eq, %and3A_427, %eq3A_504 : i32
    %slice3A_506 = vector.extract_strided_slice %get3A_481 {offsets = [2], sizes = [1], strides = [1]} : vector<16xf32> to vector<1xf32>
    %squeeze3A_507 = vector.extract %slice3A_506[0] : f32 from vector<1xf32>
    %select_n3A_508 = arith.select %eq3A_505, %squeeze3A_507, %select_n3A_503 : f32
    %eq3A_509 = arith.constant 1 : i32
    %eq3A_510 = arith.cmpi eq, %and3A_427, %eq3A_509 : i32
    %slice3A_511 = vector.extract_strided_slice %get3A_481 {offsets = [1], sizes = [1], strides = [1]} : vector<16xf32> to vector<1xf32>
    %squeeze3A_512 = vector.extract %slice3A_511[0] : f32 from vector<1xf32>
    %select_n3A_513 = arith.select %eq3A_510, %squeeze3A_512, %select_n3A_508 : f32
    %eq3A_514 = arith.constant 0 : i32
    %eq3A_515 = arith.cmpi eq, %and3A_427, %eq3A_514 : i32
    %slice3A_516 = vector.extract_strided_slice %get3A_481 {offsets = [0], sizes = [1], strides = [1]} : vector<16xf32> to vector<1xf32>
    %squeeze3A_517 = vector.extract %slice3A_516[0] : f32 from vector<1xf32>
    %select_n3A_518 = arith.select %eq3A_515, %squeeze3A_517, %select_n3A_513 : f32
    %eq3A_519 = arith.constant 1 : i32
    %eq3A_520 = vector.broadcast %eq3A_519 : i32 to vector<16xi32>
    %eq3A_521 = arith.cmpi eq, %iota3A, %eq3A_520 : vector<16xi32>
    %broadcast_in_dim3A_522 = vector.broadcast %select_n3A_518 : f32 to vector<16xf32>
    %select_n3A_523 = arith.select %eq3A_521, %broadcast_in_dim3A_522, %select_n3A_475 : vector<16xi1>, vector<16xf32>
    %add3A_524 = arith.constant 256 : i32
    %add3A_525 = arith.addi %sub3A, %add3A_524 : i32
    %multiple_of3A_526 = tpu.assume_multiple %add3A_525, 8 : i32
    %get3A_527 = arith.index_cast %multiple_of3A_526 : i32 to index
    %get3A_528 = tpu.vector_load %arg10[%get3A_527] {strides = array<i32>} : memref<2048xf32, #tpu.memory_space<vmem>>, vector<16xf32>,
    %get3A_529 = vector.shape_cast %get3A_528 : vector<16xf32> to vector<16xf32>
    %slice3A_530 = vector.extract_strided_slice %get3A_529 {offsets = [7], sizes = [1], strides = [1]} : vector<16xf32> to vector<1xf32>
    %squeeze3A_531 = vector.extract %slice3A_530[0] : f32 from vector<1xf32>
    %eq3A_532 = arith.constant 6 : i32
    %eq3A_533 = arith.cmpi eq, %and3A_427, %eq3A_532 : i32
    %slice3A_534 = vector.extract_strided_slice %get3A_529 {offsets = [6], sizes = [1], strides = [1]} : vector<16xf32> to vector<1xf32>
    %squeeze3A_535 = vector.extract %slice3A_534[0] : f32 from vector<1xf32>
    %select_n3A_536 = arith.select %eq3A_533, %squeeze3A_535, %squeeze3A_531 : f32
    %eq3A_537 = arith.constant 5 : i32
    %eq3A_538 = arith.cmpi eq, %and3A_427, %eq3A_537 : i32
    %slice3A_539 = vector.extract_strided_slice %get3A_529 {offsets = [5], sizes = [1], strides = [1]} : vector<16xf32> to vector<1xf32>
    %squeeze3A_540 = vector.extract %slice3A_539[0] : f32 from vector<1xf32>
    %select_n3A_541 = arith.select %eq3A_538, %squeeze3A_540, %select_n3A_536 : f32
    %eq3A_542 = arith.constant 4 : i32
    %eq3A_543 = arith.cmpi eq, %and3A_427, %eq3A_542 : i32
    %slice3A_544 = vector.extract_strided_slice %get3A_529 {offsets = [4], sizes = [1], strides = [1]} : vector<16xf32> to vector<1xf32>
    %squeeze3A_545 = vector.extract %slice3A_544[0] : f32 from vector<1xf32>
    %select_n3A_546 = arith.select %eq3A_543, %squeeze3A_545, %select_n3A_541 : f32
    %eq3A_547 = arith.constant 3 : i32
    %eq3A_548 = arith.cmpi eq, %and3A_427, %eq3A_547 : i32
    %slice3A_549 = vector.extract_strided_slice %get3A_529 {offsets = [3], sizes = [1], strides = [1]} : vector<16xf32> to vector<1xf32>
    %squeeze3A_550 = vector.extract %slice3A_549[0] : f32 from vector<1xf32>
    %select_n3A_551 = arith.select %eq3A_548, %squeeze3A_550, %select_n3A_546 : f32
    %eq3A_552 = arith.constant 2 : i32
    %eq3A_553 = arith.cmpi eq, %and3A_427, %eq3A_552 : i32
    %slice3A_554 = vector.extract_strided_slice %get3A_529 {offsets = [2], sizes = [1], strides = [1]} : vector<16xf32> to vector<1xf32>
    %squeeze3A_555 = vector.extract %slice3A_554[0] : f32 from vector<1xf32>
    %select_n3A_556 = arith.select %eq3A_553, %squeeze3A_555, %select_n3A_551 : f32
    %eq3A_557 = arith.constant 1 : i32
    %eq3A_558 = arith.cmpi eq, %and3A_427, %eq3A_557 : i32
    %slice3A_559 = vector.extract_strided_slice %get3A_529 {offsets = [1], sizes = [1], strides = [1]} : vector<16xf32> to vector<1xf32>
    %squeeze3A_560 = vector.extract %slice3A_559[0] : f32 from vector<1xf32>
    %select_n3A_561 = arith.select %eq3A_558, %squeeze3A_560, %select_n3A_556 : f32
    %eq3A_562 = arith.constant 0 : i32
    %eq3A_563 = arith.cmpi eq, %and3A_427, %eq3A_562 : i32
    %slice3A_564 = vector.extract_strided_slice %get3A_529 {offsets = [0], sizes = [1], strides = [1]} : vector<16xf32> to vector<1xf32>
    %squeeze3A_565 = vector.extract %slice3A_564[0] : f32 from vector<1xf32>
    %select_n3A_566 = arith.select %eq3A_563, %squeeze3A_565, %select_n3A_561 : f32
    %eq3A_567 = arith.constant 2 : i32
    %eq3A_568 = vector.broadcast %eq3A_567 : i32 to vector<16xi32>
    %eq3A_569 = arith.cmpi eq, %iota3A, %eq3A_568 : vector<16xi32>
    %broadcast_in_dim3A_570 = vector.broadcast %select_n3A_566 : f32 to vector<16xf32>
    %select_n3A_571 = arith.select %eq3A_569, %broadcast_in_dim3A_570, %select_n3A_523 : vector<16xi1>, vector<16xf32>
    %add3A_572 = arith.constant 384 : i32
    %add3A_573 = arith.addi %sub3A, %add3A_572 : i32
    %multiple_of3A_574 = tpu.assume_multiple %add3A_573, 8 : i32
    %get3A_575 = arith.index_cast %multiple_of3A_574 : i32 to index
    %get3A_576 = tpu.vector_load %arg10[%get3A_575] {strides = array<i32>} : memref<2048xf32, #tpu.memory_space<vmem>>, vector<16xf32>,
    %get3A_577 = vector.shape_cast %get3A_576 : vector<16xf32> to vector<16xf32>
    %slice3A_578 = vector.extract_strided_slice %get3A_577 {offsets = [7], sizes = [1], strides = [1]} : vector<16xf32> to vector<1xf32>
    %squeeze3A_579 = vector.extract %slice3A_578[0] : f32 from vector<1xf32>
    %eq3A_580 = arith.constant 6 : i32
    %eq3A_581 = arith.cmpi eq, %and3A_427, %eq3A_580 : i32
    %slice3A_582 = vector.extract_strided_slice %get3A_577 {offsets = [6], sizes = [1], strides = [1]} : vector<16xf32> to vector<1xf32>
    %squeeze3A_583 = vector.extract %slice3A_582[0] : f32 from vector<1xf32>
    %select_n3A_584 = arith.select %eq3A_581, %squeeze3A_583, %squeeze3A_579 : f32
    %eq3A_585 = arith.constant 5 : i32
    %eq3A_586 = arith.cmpi eq, %and3A_427, %eq3A_585 : i32
    %slice3A_587 = vector.extract_strided_slice %get3A_577 {offsets = [5], sizes = [1], strides = [1]} : vector<16xf32> to vector<1xf32>
    %squeeze3A_588 = vector.extract %slice3A_587[0] : f32 from vector<1xf32>
    %select_n3A_589 = arith.select %eq3A_586, %squeeze3A_588, %select_n3A_584 : f32
    %eq3A_590 = arith.constant 4 : i32
    %eq3A_591 = arith.cmpi eq, %and3A_427, %eq3A_590 : i32
    %slice3A_592 = vector.extract_strided_slice %get3A_577 {offsets = [4], sizes = [1], strides = [1]} : vector<16xf32> to vector<1xf32>
    %squeeze3A_593 = vector.extract %slice3A_592[0] : f32 from vector<1xf32>
    %select_n3A_594 = arith.select %eq3A_591, %squeeze3A_593, %select_n3A_589 : f32
    %eq3A_595 = arith.constant 3 : i32
    %eq3A_596 = arith.cmpi eq, %and3A_427, %eq3A_595 : i32
    %slice3A_597 = vector.extract_strided_slice %get3A_577 {offsets = [3], sizes = [1], strides = [1]} : vector<16xf32> to vector<1xf32>
    %squeeze3A_598 = vector.extract %slice3A_597[0] : f32 from vector<1xf32>
    %select_n3A_599 = arith.select %eq3A_596, %squeeze3A_598, %select_n3A_594 : f32
    %eq3A_600 = arith.constant 2 : i32
    %eq3A_601 = arith.cmpi eq, %and3A_427, %eq3A_600 : i32
    %slice3A_602 = vector.extract_strided_slice %get3A_577 {offsets = [2], sizes = [1], strides = [1]} : vector<16xf32> to vector<1xf32>
    %squeeze3A_603 = vector.extract %slice3A_602[0] : f32 from vector<1xf32>
    %select_n3A_604 = arith.select %eq3A_601, %squeeze3A_603, %select_n3A_599 : f32
    %eq3A_605 = arith.constant 1 : i32
    %eq3A_606 = arith.cmpi eq, %and3A_427, %eq3A_605 : i32
    %slice3A_607 = vector.extract_strided_slice %get3A_577 {offsets = [1], sizes = [1], strides = [1]} : vector<16xf32> to vector<1xf32>
    %squeeze3A_608 = vector.extract %slice3A_607[0] : f32 from vector<1xf32>
    %select_n3A_609 = arith.select %eq3A_606, %squeeze3A_608, %select_n3A_604 : f32
    %eq3A_610 = arith.constant 0 : i32
    %eq3A_611 = arith.cmpi eq, %and3A_427, %eq3A_610 : i32
    %slice3A_612 = vector.extract_strided_slice %get3A_577 {offsets = [0], sizes = [1], strides = [1]} : vector<16xf32> to vector<1xf32>
    %squeeze3A_613 = vector.extract %slice3A_612[0] : f32 from vector<1xf32>
    %select_n3A_614 = arith.select %eq3A_611, %squeeze3A_613, %select_n3A_609 : f32
    %eq3A_615 = arith.constant 3 : i32
    %eq3A_616 = vector.broadcast %eq3A_615 : i32 to vector<16xi32>
    %eq3A_617 = arith.cmpi eq, %iota3A, %eq3A_616 : vector<16xi32>
    %broadcast_in_dim3A_618 = vector.broadcast %select_n3A_614 : f32 to vector<16xf32>
    %select_n3A_619 = arith.select %eq3A_617, %broadcast_in_dim3A_618, %select_n3A_571 : vector<16xi1>, vector<16xf32>
    %and3A_620 = arith.constant 127 : i32
    %and3A_621 = arith.andi %add3A_225, %and3A_620 : i32
    %and3A_622 = arith.constant 7 : i32
    %and3A_623 = arith.andi %and3A_621, %and3A_622 : i32
    %add3A_624 = arith.constant 512 : i32
    %add3A_625 = arith.addi %add3A_624, %and3A_621 : i32
    %sub3A_626 = arith.subi %add3A_625, %and3A_623 : i32
    %add3A_627 = arith.constant 0 : i32
    %add3A_628 = arith.addi %sub3A_626, %add3A_627 : i32
    %multiple_of3A_629 = tpu.assume_multiple %add3A_628, 8 : i32
    %get3A_630 = arith.index_cast %multiple_of3A_629 : i32 to index
    %get3A_631 = tpu.vector_load %arg10[%get3A_630] {strides = array<i32>} : memref<2048xf32, #tpu.memory_space<vmem>>, vector<16xf32>,
    %get3A_632 = vector.shape_cast %get3A_631 : vector<16xf32> to vector<16xf32>
    %slice3A_633 = vector.extract_strided_slice %get3A_632 {offsets = [7], sizes = [1], strides = [1]} : vector<16xf32> to vector<1xf32>
    %squeeze3A_634 = vector.extract %slice3A_633[0] : f32 from vector<1xf32>
    %eq3A_635 = arith.constant 6 : i32
    %eq3A_636 = arith.cmpi eq, %and3A_623, %eq3A_635 : i32
    %slice3A_637 = vector.extract_strided_slice %get3A_632 {offsets = [6], sizes = [1], strides = [1]} : vector<16xf32> to vector<1xf32>
    %squeeze3A_638 = vector.extract %slice3A_637[0] : f32 from vector<1xf32>
    %select_n3A_639 = arith.select %eq3A_636, %squeeze3A_638, %squeeze3A_634 : f32
    %eq3A_640 = arith.constant 5 : i32
    %eq3A_641 = arith.cmpi eq, %and3A_623, %eq3A_640 : i32
    %slice3A_642 = vector.extract_strided_slice %get3A_632 {offsets = [5], sizes = [1], strides = [1]} : vector<16xf32> to vector<1xf32>
    %squeeze3A_643 = vector.extract %slice3A_642[0] : f32 from vector<1xf32>
    %select_n3A_644 = arith.select %eq3A_641, %squeeze3A_643, %select_n3A_639 : f32
    %eq3A_645 = arith.constant 4 : i32
    %eq3A_646 = arith.cmpi eq, %and3A_623, %eq3A_645 : i32
    %slice3A_647 = vector.extract_strided_slice %get3A_632 {offsets = [4], sizes = [1], strides = [1]} : vector<16xf32> to vector<1xf32>
    %squeeze3A_648 = vector.extract %slice3A_647[0] : f32 from vector<1xf32>
    %select_n3A_649 = arith.select %eq3A_646, %squeeze3A_648, %select_n3A_644 : f32
    %eq3A_650 = arith.constant 3 : i32
    %eq3A_651 = arith.cmpi eq, %and3A_623, %eq3A_650 : i32
    %slice3A_652 = vector.extract_strided_slice %get3A_632 {offsets = [3], sizes = [1], strides = [1]} : vector<16xf32> to vector<1xf32>
    %squeeze3A_653 = vector.extract %slice3A_652[0] : f32 from vector<1xf32>
    %select_n3A_654 = arith.select %eq3A_651, %squeeze3A_653, %select_n3A_649 : f32
    %eq3A_655 = arith.constant 2 : i32
    %eq3A_656 = arith.cmpi eq, %and3A_623, %eq3A_655 : i32
    %slice3A_657 = vector.extract_strided_slice %get3A_632 {offsets = [2], sizes = [1], strides = [1]} : vector<16xf32> to vector<1xf32>
    %squeeze3A_658 = vector.extract %slice3A_657[0] : f32 from vector<1xf32>
    %select_n3A_659 = arith.select %eq3A_656, %squeeze3A_658, %select_n3A_654 : f32
    %eq3A_660 = arith.constant 1 : i32
    %eq3A_661 = arith.cmpi eq, %and3A_623, %eq3A_660 : i32
    %slice3A_662 = vector.extract_strided_slice %get3A_632 {offsets = [1], sizes = [1], strides = [1]} : vector<16xf32> to vector<1xf32>
    %squeeze3A_663 = vector.extract %slice3A_662[0] : f32 from vector<1xf32>
    %select_n3A_664 = arith.select %eq3A_661, %squeeze3A_663, %select_n3A_659 : f32
    %eq3A_665 = arith.constant 0 : i32
    %eq3A_666 = arith.cmpi eq, %and3A_623, %eq3A_665 : i32
    %slice3A_667 = vector.extract_strided_slice %get3A_632 {offsets = [0], sizes = [1], strides = [1]} : vector<16xf32> to vector<1xf32>
    %squeeze3A_668 = vector.extract %slice3A_667[0] : f32 from vector<1xf32>
    %select_n3A_669 = arith.select %eq3A_666, %squeeze3A_668, %select_n3A_664 : f32
    %eq3A_670 = arith.constant 4 : i32
    %eq3A_671 = vector.broadcast %eq3A_670 : i32 to vector<16xi32>
    %eq3A_672 = arith.cmpi eq, %iota3A, %eq3A_671 : vector<16xi32>
    %broadcast_in_dim3A_673 = vector.broadcast %select_n3A_669 : f32 to vector<16xf32>
    %select_n3A_674 = arith.select %eq3A_672, %broadcast_in_dim3A_673, %select_n3A_619 : vector<16xi1>, vector<16xf32>
    %add3A_675 = arith.constant 128 : i32
    %add3A_676 = arith.addi %sub3A_626, %add3A_675 : i32
    %multiple_of3A_677 = tpu.assume_multiple %add3A_676, 8 : i32
    %get3A_678 = arith.index_cast %multiple_of3A_677 : i32 to index
    %get3A_679 = tpu.vector_load %arg10[%get3A_678] {strides = array<i32>} : memref<2048xf32, #tpu.memory_space<vmem>>, vector<16xf32>,
    %get3A_680 = vector.shape_cast %get3A_679 : vector<16xf32> to vector<16xf32>
    %slice3A_681 = vector.extract_strided_slice %get3A_680 {offsets = [7], sizes = [1], strides = [1]} : vector<16xf32> to vector<1xf32>
    %squeeze3A_682 = vector.extract %slice3A_681[0] : f32 from vector<1xf32>
    %eq3A_683 = arith.constant 6 : i32
    %eq3A_684 = arith.cmpi eq, %and3A_623, %eq3A_683 : i32
    %slice3A_685 = vector.extract_strided_slice %get3A_680 {offsets = [6], sizes = [1], strides = [1]} : vector<16xf32> to vector<1xf32>
    %squeeze3A_686 = vector.extract %slice3A_685[0] : f32 from vector<1xf32>
    %select_n3A_687 = arith.select %eq3A_684, %squeeze3A_686, %squeeze3A_682 : f32
    %eq3A_688 = arith.constant 5 : i32
    %eq3A_689 = arith.cmpi eq, %and3A_623, %eq3A_688 : i32
    %slice3A_690 = vector.extract_strided_slice %get3A_680 {offsets = [5], sizes = [1], strides = [1]} : vector<16xf32> to vector<1xf32>
    %squeeze3A_691 = vector.extract %slice3A_690[0] : f32 from vector<1xf32>
    %select_n3A_692 = arith.select %eq3A_689, %squeeze3A_691, %select_n3A_687 : f32
    %eq3A_693 = arith.constant 4 : i32
    %eq3A_694 = arith.cmpi eq, %and3A_623, %eq3A_693 : i32
    %slice3A_695 = vector.extract_strided_slice %get3A_680 {offsets = [4], sizes = [1], strides = [1]} : vector<16xf32> to vector<1xf32>
    %squeeze3A_696 = vector.extract %slice3A_695[0] : f32 from vector<1xf32>
    %select_n3A_697 = arith.select %eq3A_694, %squeeze3A_696, %select_n3A_692 : f32
    %eq3A_698 = arith.constant 3 : i32
    %eq3A_699 = arith.cmpi eq, %and3A_623, %eq3A_698 : i32
    %slice3A_700 = vector.extract_strided_slice %get3A_680 {offsets = [3], sizes = [1], strides = [1]} : vector<16xf32> to vector<1xf32>
    %squeeze3A_701 = vector.extract %slice3A_700[0] : f32 from vector<1xf32>
    %select_n3A_702 = arith.select %eq3A_699, %squeeze3A_701, %select_n3A_697 : f32
    %eq3A_703 = arith.constant 2 : i32
    %eq3A_704 = arith.cmpi eq, %and3A_623, %eq3A_703 : i32
    %slice3A_705 = vector.extract_strided_slice %get3A_680 {offsets = [2], sizes = [1], strides = [1]} : vector<16xf32> to vector<1xf32>
    %squeeze3A_706 = vector.extract %slice3A_705[0] : f32 from vector<1xf32>
    %select_n3A_707 = arith.select %eq3A_704, %squeeze3A_706, %select_n3A_702 : f32
    %eq3A_708 = arith.constant 1 : i32
    %eq3A_709 = arith.cmpi eq, %and3A_623, %eq3A_708 : i32
    %slice3A_710 = vector.extract_strided_slice %get3A_680 {offsets = [1], sizes = [1], strides = [1]} : vector<16xf32> to vector<1xf32>
    %squeeze3A_711 = vector.extract %slice3A_710[0] : f32 from vector<1xf32>
    %select_n3A_712 = arith.select %eq3A_709, %squeeze3A_711, %select_n3A_707 : f32
    %eq3A_713 = arith.constant 0 : i32
    %eq3A_714 = arith.cmpi eq, %and3A_623, %eq3A_713 : i32
    %slice3A_715 = vector.extract_strided_slice %get3A_680 {offsets = [0], sizes = [1], strides = [1]} : vector<16xf32> to vector<1xf32>
    %squeeze3A_716 = vector.extract %slice3A_715[0] : f32 from vector<1xf32>
    %select_n3A_717 = arith.select %eq3A_714, %squeeze3A_716, %select_n3A_712 : f32
    %eq3A_718 = arith.constant 5 : i32
    %eq3A_719 = vector.broadcast %eq3A_718 : i32 to vector<16xi32>
    %eq3A_720 = arith.cmpi eq, %iota3A, %eq3A_719 : vector<16xi32>
    %broadcast_in_dim3A_721 = vector.broadcast %select_n3A_717 : f32 to vector<16xf32>
    %select_n3A_722 = arith.select %eq3A_720, %broadcast_in_dim3A_721, %select_n3A_674 : vector<16xi1>, vector<16xf32>
    %add3A_723 = arith.constant 256 : i32
    %add3A_724 = arith.addi %sub3A_626, %add3A_723 : i32
    %multiple_of3A_725 = tpu.assume_multiple %add3A_724, 8 : i32
    %get3A_726 = arith.index_cast %multiple_of3A_725 : i32 to index
    %get3A_727 = tpu.vector_load %arg10[%get3A_726] {strides = array<i32>} : memref<2048xf32, #tpu.memory_space<vmem>>, vector<16xf32>,
    %get3A_728 = vector.shape_cast %get3A_727 : vector<16xf32> to vector<16xf32>
    %slice3A_729 = vector.extract_strided_slice %get3A_728 {offsets = [7], sizes = [1], strides = [1]} : vector<16xf32> to vector<1xf32>
    %squeeze3A_730 = vector.extract %slice3A_729[0] : f32 from vector<1xf32>
    %eq3A_731 = arith.constant 6 : i32
    %eq3A_732 = arith.cmpi eq, %and3A_623, %eq3A_731 : i32
    %slice3A_733 = vector.extract_strided_slice %get3A_728 {offsets = [6], sizes = [1], strides = [1]} : vector<16xf32> to vector<1xf32>
    %squeeze3A_734 = vector.extract %slice3A_733[0] : f32 from vector<1xf32>
    %select_n3A_735 = arith.select %eq3A_732, %squeeze3A_734, %squeeze3A_730 : f32
    %eq3A_736 = arith.constant 5 : i32
    %eq3A_737 = arith.cmpi eq, %and3A_623, %eq3A_736 : i32
    %slice3A_738 = vector.extract_strided_slice %get3A_728 {offsets = [5], sizes = [1], strides = [1]} : vector<16xf32> to vector<1xf32>
    %squeeze3A_739 = vector.extract %slice3A_738[0] : f32 from vector<1xf32>
    %select_n3A_740 = arith.select %eq3A_737, %squeeze3A_739, %select_n3A_735 : f32
    %eq3A_741 = arith.constant 4 : i32
    %eq3A_742 = arith.cmpi eq, %and3A_623, %eq3A_741 : i32
    %slice3A_743 = vector.extract_strided_slice %get3A_728 {offsets = [4], sizes = [1], strides = [1]} : vector<16xf32> to vector<1xf32>
    %squeeze3A_744 = vector.extract %slice3A_743[0] : f32 from vector<1xf32>
    %select_n3A_745 = arith.select %eq3A_742, %squeeze3A_744, %select_n3A_740 : f32
    %eq3A_746 = arith.constant 3 : i32
    %eq3A_747 = arith.cmpi eq, %and3A_623, %eq3A_746 : i32
    %slice3A_748 = vector.extract_strided_slice %get3A_728 {offsets = [3], sizes = [1], strides = [1]} : vector<16xf32> to vector<1xf32>
    %squeeze3A_749 = vector.extract %slice3A_748[0] : f32 from vector<1xf32>
    %select_n3A_750 = arith.select %eq3A_747, %squeeze3A_749, %select_n3A_745 : f32
    %eq3A_751 = arith.constant 2 : i32
    %eq3A_752 = arith.cmpi eq, %and3A_623, %eq3A_751 : i32
    %slice3A_753 = vector.extract_strided_slice %get3A_728 {offsets = [2], sizes = [1], strides = [1]} : vector<16xf32> to vector<1xf32>
    %squeeze3A_754 = vector.extract %slice3A_753[0] : f32 from vector<1xf32>
    %select_n3A_755 = arith.select %eq3A_752, %squeeze3A_754, %select_n3A_750 : f32
    %eq3A_756 = arith.constant 1 : i32
    %eq3A_757 = arith.cmpi eq, %and3A_623, %eq3A_756 : i32
    %slice3A_758 = vector.extract_strided_slice %get3A_728 {offsets = [1], sizes = [1], strides = [1]} : vector<16xf32> to vector<1xf32>
    %squeeze3A_759 = vector.extract %slice3A_758[0] : f32 from vector<1xf32>
    %select_n3A_760 = arith.select %eq3A_757, %squeeze3A_759, %select_n3A_755 : f32
    %eq3A_761 = arith.constant 0 : i32
    %eq3A_762 = arith.cmpi eq, %and3A_623, %eq3A_761 : i32
    %slice3A_763 = vector.extract_strided_slice %get3A_728 {offsets = [0], sizes = [1], strides = [1]} : vector<16xf32> to vector<1xf32>
    %squeeze3A_764 = vector.extract %slice3A_763[0] : f32 from vector<1xf32>
    %select_n3A_765 = arith.select %eq3A_762, %squeeze3A_764, %select_n3A_760 : f32
    %eq3A_766 = arith.constant 6 : i32
    %eq3A_767 = vector.broadcast %eq3A_766 : i32 to vector<16xi32>
    %eq3A_768 = arith.cmpi eq, %iota3A, %eq3A_767 : vector<16xi32>
    %broadcast_in_dim3A_769 = vector.broadcast %select_n3A_765 : f32 to vector<16xf32>
    %select_n3A_770 = arith.select %eq3A_768, %broadcast_in_dim3A_769, %select_n3A_722 : vector<16xi1>, vector<16xf32>
    %add3A_771 = arith.constant 384 : i32
    %add3A_772 = arith.addi %sub3A_626, %add3A_771 : i32
    %multiple_of3A_773 = tpu.assume_multiple %add3A_772, 8 : i32
    %get3A_774 = arith.index_cast %multiple_of3A_773 : i32 to index
    %get3A_775 = tpu.vector_load %arg10[%get3A_774] {strides = array<i32>} : memref<2048xf32, #tpu.memory_space<vmem>>, vector<16xf32>,
    %get3A_776 = vector.shape_cast %get3A_775 : vector<16xf32> to vector<16xf32>
    %slice3A_777 = vector.extract_strided_slice %get3A_776 {offsets = [7], sizes = [1], strides = [1]} : vector<16xf32> to vector<1xf32>
    %squeeze3A_778 = vector.extract %slice3A_777[0] : f32 from vector<1xf32>
    %eq3A_779 = arith.constant 6 : i32
    %eq3A_780 = arith.cmpi eq, %and3A_623, %eq3A_779 : i32
    %slice3A_781 = vector.extract_strided_slice %get3A_776 {offsets = [6], sizes = [1], strides = [1]} : vector<16xf32> to vector<1xf32>
    %squeeze3A_782 = vector.extract %slice3A_781[0] : f32 from vector<1xf32>
    %select_n3A_783 = arith.select %eq3A_780, %squeeze3A_782, %squeeze3A_778 : f32
    %eq3A_784 = arith.constant 5 : i32
    %eq3A_785 = arith.cmpi eq, %and3A_623, %eq3A_784 : i32
    %slice3A_786 = vector.extract_strided_slice %get3A_776 {offsets = [5], sizes = [1], strides = [1]} : vector<16xf32> to vector<1xf32>
    %squeeze3A_787 = vector.extract %slice3A_786[0] : f32 from vector<1xf32>
    %select_n3A_788 = arith.select %eq3A_785, %squeeze3A_787, %select_n3A_783 : f32
    %eq3A_789 = arith.constant 4 : i32
    %eq3A_790 = arith.cmpi eq, %and3A_623, %eq3A_789 : i32
    %slice3A_791 = vector.extract_strided_slice %get3A_776 {offsets = [4], sizes = [1], strides = [1]} : vector<16xf32> to vector<1xf32>
    %squeeze3A_792 = vector.extract %slice3A_791[0] : f32 from vector<1xf32>
    %select_n3A_793 = arith.select %eq3A_790, %squeeze3A_792, %select_n3A_788 : f32
    %eq3A_794 = arith.constant 3 : i32
    %eq3A_795 = arith.cmpi eq, %and3A_623, %eq3A_794 : i32
    %slice3A_796 = vector.extract_strided_slice %get3A_776 {offsets = [3], sizes = [1], strides = [1]} : vector<16xf32> to vector<1xf32>
    %squeeze3A_797 = vector.extract %slice3A_796[0] : f32 from vector<1xf32>
    %select_n3A_798 = arith.select %eq3A_795, %squeeze3A_797, %select_n3A_793 : f32
    %eq3A_799 = arith.constant 2 : i32
    %eq3A_800 = arith.cmpi eq, %and3A_623, %eq3A_799 : i32
    %slice3A_801 = vector.extract_strided_slice %get3A_776 {offsets = [2], sizes = [1], strides = [1]} : vector<16xf32> to vector<1xf32>
    %squeeze3A_802 = vector.extract %slice3A_801[0] : f32 from vector<1xf32>
    %select_n3A_803 = arith.select %eq3A_800, %squeeze3A_802, %select_n3A_798 : f32
    %eq3A_804 = arith.constant 1 : i32
    %eq3A_805 = arith.cmpi eq, %and3A_623, %eq3A_804 : i32
    %slice3A_806 = vector.extract_strided_slice %get3A_776 {offsets = [1], sizes = [1], strides = [1]} : vector<16xf32> to vector<1xf32>
    %squeeze3A_807 = vector.extract %slice3A_806[0] : f32 from vector<1xf32>
    %select_n3A_808 = arith.select %eq3A_805, %squeeze3A_807, %select_n3A_803 : f32
    %eq3A_809 = arith.constant 0 : i32
    %eq3A_810 = arith.cmpi eq, %and3A_623, %eq3A_809 : i32
    %slice3A_811 = vector.extract_strided_slice %get3A_776 {offsets = [0], sizes = [1], strides = [1]} : vector<16xf32> to vector<1xf32>
    %squeeze3A_812 = vector.extract %slice3A_811[0] : f32 from vector<1xf32>
    %select_n3A_813 = arith.select %eq3A_810, %squeeze3A_812, %select_n3A_808 : f32
    %eq3A_814 = arith.constant 7 : i32
    %eq3A_815 = vector.broadcast %eq3A_814 : i32 to vector<16xi32>
    %eq3A_816 = arith.cmpi eq, %iota3A, %eq3A_815 : vector<16xi32>
    %broadcast_in_dim3A_817 = vector.broadcast %select_n3A_813 : f32 to vector<16xf32>
    %select_n3A_818 = arith.select %eq3A_816, %broadcast_in_dim3A_817, %select_n3A_770 : vector<16xi1>, vector<16xf32>
    %and3A_819 = arith.constant 127 : i32
    %and3A_820 = arith.andi %add3A_313, %and3A_819 : i32
    %and3A_821 = arith.constant 7 : i32
    %and3A_822 = arith.andi %and3A_820, %and3A_821 : i32
    %add3A_823 = arith.constant 1024 : i32
    %add3A_824 = arith.addi %add3A_823, %and3A_820 : i32
    %sub3A_825 = arith.subi %add3A_824, %and3A_822 : i32
    %add3A_826 = arith.constant 0 : i32
    %add3A_827 = arith.addi %sub3A_825, %add3A_826 : i32
    %multiple_of3A_828 = tpu.assume_multiple %add3A_827, 8 : i32
    %get3A_829 = arith.index_cast %multiple_of3A_828 : i32 to index
    %get3A_830 = tpu.vector_load %arg10[%get3A_829] {strides = array<i32>} : memref<2048xf32, #tpu.memory_space<vmem>>, vector<16xf32>,
    %get3A_831 = vector.shape_cast %get3A_830 : vector<16xf32> to vector<16xf32>
    %slice3A_832 = vector.extract_strided_slice %get3A_831 {offsets = [7], sizes = [1], strides = [1]} : vector<16xf32> to vector<1xf32>
    %squeeze3A_833 = vector.extract %slice3A_832[0] : f32 from vector<1xf32>
    %eq3A_834 = arith.constant 6 : i32
    %eq3A_835 = arith.cmpi eq, %and3A_822, %eq3A_834 : i32
    %slice3A_836 = vector.extract_strided_slice %get3A_831 {offsets = [6], sizes = [1], strides = [1]} : vector<16xf32> to vector<1xf32>
    %squeeze3A_837 = vector.extract %slice3A_836[0] : f32 from vector<1xf32>
    %select_n3A_838 = arith.select %eq3A_835, %squeeze3A_837, %squeeze3A_833 : f32
    %eq3A_839 = arith.constant 5 : i32
    %eq3A_840 = arith.cmpi eq, %and3A_822, %eq3A_839 : i32
    %slice3A_841 = vector.extract_strided_slice %get3A_831 {offsets = [5], sizes = [1], strides = [1]} : vector<16xf32> to vector<1xf32>
    %squeeze3A_842 = vector.extract %slice3A_841[0] : f32 from vector<1xf32>
    %select_n3A_843 = arith.select %eq3A_840, %squeeze3A_842, %select_n3A_838 : f32
    %eq3A_844 = arith.constant 4 : i32
    %eq3A_845 = arith.cmpi eq, %and3A_822, %eq3A_844 : i32
    %slice3A_846 = vector.extract_strided_slice %get3A_831 {offsets = [4], sizes = [1], strides = [1]} : vector<16xf32> to vector<1xf32>
    %squeeze3A_847 = vector.extract %slice3A_846[0] : f32 from vector<1xf32>
    %select_n3A_848 = arith.select %eq3A_845, %squeeze3A_847, %select_n3A_843 : f32
    %eq3A_849 = arith.constant 3 : i32
    %eq3A_850 = arith.cmpi eq, %and3A_822, %eq3A_849 : i32
    %slice3A_851 = vector.extract_strided_slice %get3A_831 {offsets = [3], sizes = [1], strides = [1]} : vector<16xf32> to vector<1xf32>
    %squeeze3A_852 = vector.extract %slice3A_851[0] : f32 from vector<1xf32>
    %select_n3A_853 = arith.select %eq3A_850, %squeeze3A_852, %select_n3A_848 : f32
    %eq3A_854 = arith.constant 2 : i32
    %eq3A_855 = arith.cmpi eq, %and3A_822, %eq3A_854 : i32
    %slice3A_856 = vector.extract_strided_slice %get3A_831 {offsets = [2], sizes = [1], strides = [1]} : vector<16xf32> to vector<1xf32>
    %squeeze3A_857 = vector.extract %slice3A_856[0] : f32 from vector<1xf32>
    %select_n3A_858 = arith.select %eq3A_855, %squeeze3A_857, %select_n3A_853 : f32
    %eq3A_859 = arith.constant 1 : i32
    %eq3A_860 = arith.cmpi eq, %and3A_822, %eq3A_859 : i32
    %slice3A_861 = vector.extract_strided_slice %get3A_831 {offsets = [1], sizes = [1], strides = [1]} : vector<16xf32> to vector<1xf32>
    %squeeze3A_862 = vector.extract %slice3A_861[0] : f32 from vector<1xf32>
    %select_n3A_863 = arith.select %eq3A_860, %squeeze3A_862, %select_n3A_858 : f32
    %eq3A_864 = arith.constant 0 : i32
    %eq3A_865 = arith.cmpi eq, %and3A_822, %eq3A_864 : i32
    %slice3A_866 = vector.extract_strided_slice %get3A_831 {offsets = [0], sizes = [1], strides = [1]} : vector<16xf32> to vector<1xf32>
    %squeeze3A_867 = vector.extract %slice3A_866[0] : f32 from vector<1xf32>
    %select_n3A_868 = arith.select %eq3A_865, %squeeze3A_867, %select_n3A_863 : f32
    %eq3A_869 = arith.constant 8 : i32
    %eq3A_870 = vector.broadcast %eq3A_869 : i32 to vector<16xi32>
    %eq3A_871 = arith.cmpi eq, %iota3A, %eq3A_870 : vector<16xi32>
    %broadcast_in_dim3A_872 = vector.broadcast %select_n3A_868 : f32 to vector<16xf32>
    %select_n3A_873 = arith.select %eq3A_871, %broadcast_in_dim3A_872, %select_n3A_818 : vector<16xi1>, vector<16xf32>
    %add3A_874 = arith.constant 128 : i32
    %add3A_875 = arith.addi %sub3A_825, %add3A_874 : i32
    %multiple_of3A_876 = tpu.assume_multiple %add3A_875, 8 : i32
    %get3A_877 = arith.index_cast %multiple_of3A_876 : i32 to index
    %get3A_878 = tpu.vector_load %arg10[%get3A_877] {strides = array<i32>} : memref<2048xf32, #tpu.memory_space<vmem>>, vector<16xf32>,
    %get3A_879 = vector.shape_cast %get3A_878 : vector<16xf32> to vector<16xf32>
    %slice3A_880 = vector.extract_strided_slice %get3A_879 {offsets = [7], sizes = [1], strides = [1]} : vector<16xf32> to vector<1xf32>
    %squeeze3A_881 = vector.extract %slice3A_880[0] : f32 from vector<1xf32>
    %eq3A_882 = arith.constant 6 : i32
    %eq3A_883 = arith.cmpi eq, %and3A_822, %eq3A_882 : i32
    %slice3A_884 = vector.extract_strided_slice %get3A_879 {offsets = [6], sizes = [1], strides = [1]} : vector<16xf32> to vector<1xf32>
    %squeeze3A_885 = vector.extract %slice3A_884[0] : f32 from vector<1xf32>
    %select_n3A_886 = arith.select %eq3A_883, %squeeze3A_885, %squeeze3A_881 : f32
    %eq3A_887 = arith.constant 5 : i32
    %eq3A_888 = arith.cmpi eq, %and3A_822, %eq3A_887 : i32
    %slice3A_889 = vector.extract_strided_slice %get3A_879 {offsets = [5], sizes = [1], strides = [1]} : vector<16xf32> to vector<1xf32>
    %squeeze3A_890 = vector.extract %slice3A_889[0] : f32 from vector<1xf32>
    %select_n3A_891 = arith.select %eq3A_888, %squeeze3A_890, %select_n3A_886 : f32
    %eq3A_892 = arith.constant 4 : i32
    %eq3A_893 = arith.cmpi eq, %and3A_822, %eq3A_892 : i32
    %slice3A_894 = vector.extract_strided_slice %get3A_879 {offsets = [4], sizes = [1], strides = [1]} : vector<16xf32> to vector<1xf32>
    %squeeze3A_895 = vector.extract %slice3A_894[0] : f32 from vector<1xf32>
    %select_n3A_896 = arith.select %eq3A_893, %squeeze3A_895, %select_n3A_891 : f32
    %eq3A_897 = arith.constant 3 : i32
    %eq3A_898 = arith.cmpi eq, %and3A_822, %eq3A_897 : i32
    %slice3A_899 = vector.extract_strided_slice %get3A_879 {offsets = [3], sizes = [1], strides = [1]} : vector<16xf32> to vector<1xf32>
    %squeeze3A_900 = vector.extract %slice3A_899[0] : f32 from vector<1xf32>
    %select_n3A_901 = arith.select %eq3A_898, %squeeze3A_900, %select_n3A_896 : f32
    %eq3A_902 = arith.constant 2 : i32
    %eq3A_903 = arith.cmpi eq, %and3A_822, %eq3A_902 : i32
    %slice3A_904 = vector.extract_strided_slice %get3A_879 {offsets = [2], sizes = [1], strides = [1]} : vector<16xf32> to vector<1xf32>
    %squeeze3A_905 = vector.extract %slice3A_904[0] : f32 from vector<1xf32>
    %select_n3A_906 = arith.select %eq3A_903, %squeeze3A_905, %select_n3A_901 : f32
    %eq3A_907 = arith.constant 1 : i32
    %eq3A_908 = arith.cmpi eq, %and3A_822, %eq3A_907 : i32
    %slice3A_909 = vector.extract_strided_slice %get3A_879 {offsets = [1], sizes = [1], strides = [1]} : vector<16xf32> to vector<1xf32>
    %squeeze3A_910 = vector.extract %slice3A_909[0] : f32 from vector<1xf32>
    %select_n3A_911 = arith.select %eq3A_908, %squeeze3A_910, %select_n3A_906 : f32
    %eq3A_912 = arith.constant 0 : i32
    %eq3A_913 = arith.cmpi eq, %and3A_822, %eq3A_912 : i32
    %slice3A_914 = vector.extract_strided_slice %get3A_879 {offsets = [0], sizes = [1], strides = [1]} : vector<16xf32> to vector<1xf32>
    %squeeze3A_915 = vector.extract %slice3A_914[0] : f32 from vector<1xf32>
    %select_n3A_916 = arith.select %eq3A_913, %squeeze3A_915, %select_n3A_911 : f32
    %eq3A_917 = arith.constant 9 : i32
    %eq3A_918 = vector.broadcast %eq3A_917 : i32 to vector<16xi32>
    %eq3A_919 = arith.cmpi eq, %iota3A, %eq3A_918 : vector<16xi32>
    %broadcast_in_dim3A_920 = vector.broadcast %select_n3A_916 : f32 to vector<16xf32>
    %select_n3A_921 = arith.select %eq3A_919, %broadcast_in_dim3A_920, %select_n3A_873 : vector<16xi1>, vector<16xf32>
    %add3A_922 = arith.constant 256 : i32
    %add3A_923 = arith.addi %sub3A_825, %add3A_922 : i32
    %multiple_of3A_924 = tpu.assume_multiple %add3A_923, 8 : i32
    %get3A_925 = arith.index_cast %multiple_of3A_924 : i32 to index
    %get3A_926 = tpu.vector_load %arg10[%get3A_925] {strides = array<i32>} : memref<2048xf32, #tpu.memory_space<vmem>>, vector<16xf32>,
    %get3A_927 = vector.shape_cast %get3A_926 : vector<16xf32> to vector<16xf32>
    %slice3A_928 = vector.extract_strided_slice %get3A_927 {offsets = [7], sizes = [1], strides = [1]} : vector<16xf32> to vector<1xf32>
    %squeeze3A_929 = vector.extract %slice3A_928[0] : f32 from vector<1xf32>
    %eq3A_930 = arith.constant 6 : i32
    %eq3A_931 = arith.cmpi eq, %and3A_822, %eq3A_930 : i32
    %slice3A_932 = vector.extract_strided_slice %get3A_927 {offsets = [6], sizes = [1], strides = [1]} : vector<16xf32> to vector<1xf32>
    %squeeze3A_933 = vector.extract %slice3A_932[0] : f32 from vector<1xf32>
    %select_n3A_934 = arith.select %eq3A_931, %squeeze3A_933, %squeeze3A_929 : f32
    %eq3A_935 = arith.constant 5 : i32
    %eq3A_936 = arith.cmpi eq, %and3A_822, %eq3A_935 : i32
    %slice3A_937 = vector.extract_strided_slice %get3A_927 {offsets = [5], sizes = [1], strides = [1]} : vector<16xf32> to vector<1xf32>
    %squeeze3A_938 = vector.extract %slice3A_937[0] : f32 from vector<1xf32>
    %select_n3A_939 = arith.select %eq3A_936, %squeeze3A_938, %select_n3A_934 : f32
    %eq3A_940 = arith.constant 4 : i32
    %eq3A_941 = arith.cmpi eq, %and3A_822, %eq3A_940 : i32
    %slice3A_942 = vector.extract_strided_slice %get3A_927 {offsets = [4], sizes = [1], strides = [1]} : vector<16xf32> to vector<1xf32>
    %squeeze3A_943 = vector.extract %slice3A_942[0] : f32 from vector<1xf32>
    %select_n3A_944 = arith.select %eq3A_941, %squeeze3A_943, %select_n3A_939 : f32
    %eq3A_945 = arith.constant 3 : i32
    %eq3A_946 = arith.cmpi eq, %and3A_822, %eq3A_945 : i32
    %slice3A_947 = vector.extract_strided_slice %get3A_927 {offsets = [3], sizes = [1], strides = [1]} : vector<16xf32> to vector<1xf32>
    %squeeze3A_948 = vector.extract %slice3A_947[0] : f32 from vector<1xf32>
    %select_n3A_949 = arith.select %eq3A_946, %squeeze3A_948, %select_n3A_944 : f32
    %eq3A_950 = arith.constant 2 : i32
    %eq3A_951 = arith.cmpi eq, %and3A_822, %eq3A_950 : i32
    %slice3A_952 = vector.extract_strided_slice %get3A_927 {offsets = [2], sizes = [1], strides = [1]} : vector<16xf32> to vector<1xf32>
    %squeeze3A_953 = vector.extract %slice3A_952[0] : f32 from vector<1xf32>
    %select_n3A_954 = arith.select %eq3A_951, %squeeze3A_953, %select_n3A_949 : f32
    %eq3A_955 = arith.constant 1 : i32
    %eq3A_956 = arith.cmpi eq, %and3A_822, %eq3A_955 : i32
    %slice3A_957 = vector.extract_strided_slice %get3A_927 {offsets = [1], sizes = [1], strides = [1]} : vector<16xf32> to vector<1xf32>
    %squeeze3A_958 = vector.extract %slice3A_957[0] : f32 from vector<1xf32>
    %select_n3A_959 = arith.select %eq3A_956, %squeeze3A_958, %select_n3A_954 : f32
    %eq3A_960 = arith.constant 0 : i32
    %eq3A_961 = arith.cmpi eq, %and3A_822, %eq3A_960 : i32
    %slice3A_962 = vector.extract_strided_slice %get3A_927 {offsets = [0], sizes = [1], strides = [1]} : vector<16xf32> to vector<1xf32>
    %squeeze3A_963 = vector.extract %slice3A_962[0] : f32 from vector<1xf32>
    %select_n3A_964 = arith.select %eq3A_961, %squeeze3A_963, %select_n3A_959 : f32
    %eq3A_965 = arith.constant 10 : i32
    %eq3A_966 = vector.broadcast %eq3A_965 : i32 to vector<16xi32>
    %eq3A_967 = arith.cmpi eq, %iota3A, %eq3A_966 : vector<16xi32>
    %broadcast_in_dim3A_968 = vector.broadcast %select_n3A_964 : f32 to vector<16xf32>
    %select_n3A_969 = arith.select %eq3A_967, %broadcast_in_dim3A_968, %select_n3A_921 : vector<16xi1>, vector<16xf32>
    %add3A_970 = arith.constant 384 : i32
    %add3A_971 = arith.addi %sub3A_825, %add3A_970 : i32
    %multiple_of3A_972 = tpu.assume_multiple %add3A_971, 8 : i32
    %get3A_973 = arith.index_cast %multiple_of3A_972 : i32 to index
    %get3A_974 = tpu.vector_load %arg10[%get3A_973] {strides = array<i32>} : memref<2048xf32, #tpu.memory_space<vmem>>, vector<16xf32>,
    %get3A_975 = vector.shape_cast %get3A_974 : vector<16xf32> to vector<16xf32>
    %slice3A_976 = vector.extract_strided_slice %get3A_975 {offsets = [7], sizes = [1], strides = [1]} : vector<16xf32> to vector<1xf32>
    %squeeze3A_977 = vector.extract %slice3A_976[0] : f32 from vector<1xf32>
    %eq3A_978 = arith.constant 6 : i32
    %eq3A_979 = arith.cmpi eq, %and3A_822, %eq3A_978 : i32
    %slice3A_980 = vector.extract_strided_slice %get3A_975 {offsets = [6], sizes = [1], strides = [1]} : vector<16xf32> to vector<1xf32>
    %squeeze3A_981 = vector.extract %slice3A_980[0] : f32 from vector<1xf32>
    %select_n3A_982 = arith.select %eq3A_979, %squeeze3A_981, %squeeze3A_977 : f32
    %eq3A_983 = arith.constant 5 : i32
    %eq3A_984 = arith.cmpi eq, %and3A_822, %eq3A_983 : i32
    %slice3A_985 = vector.extract_strided_slice %get3A_975 {offsets = [5], sizes = [1], strides = [1]} : vector<16xf32> to vector<1xf32>
    %squeeze3A_986 = vector.extract %slice3A_985[0] : f32 from vector<1xf32>
    %select_n3A_987 = arith.select %eq3A_984, %squeeze3A_986, %select_n3A_982 : f32
    %eq3A_988 = arith.constant 4 : i32
    %eq3A_989 = arith.cmpi eq, %and3A_822, %eq3A_988 : i32
    %slice3A_990 = vector.extract_strided_slice %get3A_975 {offsets = [4], sizes = [1], strides = [1]} : vector<16xf32> to vector<1xf32>
    %squeeze3A_991 = vector.extract %slice3A_990[0] : f32 from vector<1xf32>
    %select_n3A_992 = arith.select %eq3A_989, %squeeze3A_991, %select_n3A_987 : f32
    %eq3A_993 = arith.constant 3 : i32
    %eq3A_994 = arith.cmpi eq, %and3A_822, %eq3A_993 : i32
    %slice3A_995 = vector.extract_strided_slice %get3A_975 {offsets = [3], sizes = [1], strides = [1]} : vector<16xf32> to vector<1xf32>
    %squeeze3A_996 = vector.extract %slice3A_995[0] : f32 from vector<1xf32>
    %select_n3A_997 = arith.select %eq3A_994, %squeeze3A_996, %select_n3A_992 : f32
    %eq3A_998 = arith.constant 2 : i32
    %eq3A_999 = arith.cmpi eq, %and3A_822, %eq3A_998 : i32
    %slice3A_1000 = vector.extract_strided_slice %get3A_975 {offsets = [2], sizes = [1], strides = [1]} : vector<16xf32> to vector<1xf32>
    %squeeze3A_1001 = vector.extract %slice3A_1000[0] : f32 from vector<1xf32>
    %select_n3A_1002 = arith.select %eq3A_999, %squeeze3A_1001, %select_n3A_997 : f32
    %eq3A_1003 = arith.constant 1 : i32
    %eq3A_1004 = arith.cmpi eq, %and3A_822, %eq3A_1003 : i32
    %slice3A_1005 = vector.extract_strided_slice %get3A_975 {offsets = [1], sizes = [1], strides = [1]} : vector<16xf32> to vector<1xf32>
    %squeeze3A_1006 = vector.extract %slice3A_1005[0] : f32 from vector<1xf32>
    %select_n3A_1007 = arith.select %eq3A_1004, %squeeze3A_1006, %select_n3A_1002 : f32
    %eq3A_1008 = arith.constant 0 : i32
    %eq3A_1009 = arith.cmpi eq, %and3A_822, %eq3A_1008 : i32
    %slice3A_1010 = vector.extract_strided_slice %get3A_975 {offsets = [0], sizes = [1], strides = [1]} : vector<16xf32> to vector<1xf32>
    %squeeze3A_1011 = vector.extract %slice3A_1010[0] : f32 from vector<1xf32>
    %select_n3A_1012 = arith.select %eq3A_1009, %squeeze3A_1011, %select_n3A_1007 : f32
    %eq3A_1013 = arith.constant 11 : i32
    %eq3A_1014 = vector.broadcast %eq3A_1013 : i32 to vector<16xi32>
    %eq3A_1015 = arith.cmpi eq, %iota3A, %eq3A_1014 : vector<16xi32>
    %broadcast_in_dim3A_1016 = vector.broadcast %select_n3A_1012 : f32 to vector<16xf32>
    %select_n3A_1017 = arith.select %eq3A_1015, %broadcast_in_dim3A_1016, %select_n3A_969 : vector<16xi1>, vector<16xf32>
    %and3A_1018 = arith.constant 127 : i32
    %and3A_1019 = arith.andi %add3A_401, %and3A_1018 : i32
    %and3A_1020 = arith.constant 7 : i32
    %and3A_1021 = arith.andi %and3A_1019, %and3A_1020 : i32
    %add3A_1022 = arith.constant 1536 : i32
    %add3A_1023 = arith.addi %add3A_1022, %and3A_1019 : i32
    %sub3A_1024 = arith.subi %add3A_1023, %and3A_1021 : i32
    %add3A_1025 = arith.constant 0 : i32
    %add3A_1026 = arith.addi %sub3A_1024, %add3A_1025 : i32
    %multiple_of3A_1027 = tpu.assume_multiple %add3A_1026, 8 : i32
    %get3A_1028 = arith.index_cast %multiple_of3A_1027 : i32 to index
    %get3A_1029 = tpu.vector_load %arg10[%get3A_1028] {strides = array<i32>} : memref<2048xf32, #tpu.memory_space<vmem>>, vector<16xf32>,
    %get3A_1030 = vector.shape_cast %get3A_1029 : vector<16xf32> to vector<16xf32>
    %slice3A_1031 = vector.extract_strided_slice %get3A_1030 {offsets = [7], sizes = [1], strides = [1]} : vector<16xf32> to vector<1xf32>
    %squeeze3A_1032 = vector.extract %slice3A_1031[0] : f32 from vector<1xf32>
    %eq3A_1033 = arith.constant 6 : i32
    %eq3A_1034 = arith.cmpi eq, %and3A_1021, %eq3A_1033 : i32
    %slice3A_1035 = vector.extract_strided_slice %get3A_1030 {offsets = [6], sizes = [1], strides = [1]} : vector<16xf32> to vector<1xf32>
    %squeeze3A_1036 = vector.extract %slice3A_1035[0] : f32 from vector<1xf32>
    %select_n3A_1037 = arith.select %eq3A_1034, %squeeze3A_1036, %squeeze3A_1032 : f32
    %eq3A_1038 = arith.constant 5 : i32
    %eq3A_1039 = arith.cmpi eq, %and3A_1021, %eq3A_1038 : i32
    %slice3A_1040 = vector.extract_strided_slice %get3A_1030 {offsets = [5], sizes = [1], strides = [1]} : vector<16xf32> to vector<1xf32>
    %squeeze3A_1041 = vector.extract %slice3A_1040[0] : f32 from vector<1xf32>
    %select_n3A_1042 = arith.select %eq3A_1039, %squeeze3A_1041, %select_n3A_1037 : f32
    %eq3A_1043 = arith.constant 4 : i32
    %eq3A_1044 = arith.cmpi eq, %and3A_1021, %eq3A_1043 : i32
    %slice3A_1045 = vector.extract_strided_slice %get3A_1030 {offsets = [4], sizes = [1], strides = [1]} : vector<16xf32> to vector<1xf32>
    %squeeze3A_1046 = vector.extract %slice3A_1045[0] : f32 from vector<1xf32>
    %select_n3A_1047 = arith.select %eq3A_1044, %squeeze3A_1046, %select_n3A_1042 : f32
    %eq3A_1048 = arith.constant 3 : i32
    %eq3A_1049 = arith.cmpi eq, %and3A_1021, %eq3A_1048 : i32
    %slice3A_1050 = vector.extract_strided_slice %get3A_1030 {offsets = [3], sizes = [1], strides = [1]} : vector<16xf32> to vector<1xf32>
    %squeeze3A_1051 = vector.extract %slice3A_1050[0] : f32 from vector<1xf32>
    %select_n3A_1052 = arith.select %eq3A_1049, %squeeze3A_1051, %select_n3A_1047 : f32
    %eq3A_1053 = arith.constant 2 : i32
    %eq3A_1054 = arith.cmpi eq, %and3A_1021, %eq3A_1053 : i32
    %slice3A_1055 = vector.extract_strided_slice %get3A_1030 {offsets = [2], sizes = [1], strides = [1]} : vector<16xf32> to vector<1xf32>
    %squeeze3A_1056 = vector.extract %slice3A_1055[0] : f32 from vector<1xf32>
    %select_n3A_1057 = arith.select %eq3A_1054, %squeeze3A_1056, %select_n3A_1052 : f32
    %eq3A_1058 = arith.constant 1 : i32
    %eq3A_1059 = arith.cmpi eq, %and3A_1021, %eq3A_1058 : i32
    %slice3A_1060 = vector.extract_strided_slice %get3A_1030 {offsets = [1], sizes = [1], strides = [1]} : vector<16xf32> to vector<1xf32>
    %squeeze3A_1061 = vector.extract %slice3A_1060[0] : f32 from vector<1xf32>
    %select_n3A_1062 = arith.select %eq3A_1059, %squeeze3A_1061, %select_n3A_1057 : f32
    %eq3A_1063 = arith.constant 0 : i32
    %eq3A_1064 = arith.cmpi eq, %and3A_1021, %eq3A_1063 : i32
    %slice3A_1065 = vector.extract_strided_slice %get3A_1030 {offsets = [0], sizes = [1], strides = [1]} : vector<16xf32> to vector<1xf32>
    %squeeze3A_1066 = vector.extract %slice3A_1065[0] : f32 from vector<1xf32>
    %select_n3A_1067 = arith.select %eq3A_1064, %squeeze3A_1066, %select_n3A_1062 : f32
    %eq3A_1068 = arith.constant 12 : i32
    %eq3A_1069 = vector.broadcast %eq3A_1068 : i32 to vector<16xi32>
    %eq3A_1070 = arith.cmpi eq, %iota3A, %eq3A_1069 : vector<16xi32>
    %broadcast_in_dim3A_1071 = vector.broadcast %select_n3A_1067 : f32 to vector<16xf32>
    %select_n3A_1072 = arith.select %eq3A_1070, %broadcast_in_dim3A_1071, %select_n3A_1017 : vector<16xi1>, vector<16xf32>
    %add3A_1073 = arith.constant 128 : i32
    %add3A_1074 = arith.addi %sub3A_1024, %add3A_1073 : i32
    %multiple_of3A_1075 = tpu.assume_multiple %add3A_1074, 8 : i32
    %get3A_1076 = arith.index_cast %multiple_of3A_1075 : i32 to index
    %get3A_1077 = tpu.vector_load %arg10[%get3A_1076] {strides = array<i32>} : memref<2048xf32, #tpu.memory_space<vmem>>, vector<16xf32>,
    %get3A_1078 = vector.shape_cast %get3A_1077 : vector<16xf32> to vector<16xf32>
    %slice3A_1079 = vector.extract_strided_slice %get3A_1078 {offsets = [7], sizes = [1], strides = [1]} : vector<16xf32> to vector<1xf32>
    %squeeze3A_1080 = vector.extract %slice3A_1079[0] : f32 from vector<1xf32>
    %eq3A_1081 = arith.constant 6 : i32
    %eq3A_1082 = arith.cmpi eq, %and3A_1021, %eq3A_1081 : i32
    %slice3A_1083 = vector.extract_strided_slice %get3A_1078 {offsets = [6], sizes = [1], strides = [1]} : vector<16xf32> to vector<1xf32>
    %squeeze3A_1084 = vector.extract %slice3A_1083[0] : f32 from vector<1xf32>
    %select_n3A_1085 = arith.select %eq3A_1082, %squeeze3A_1084, %squeeze3A_1080 : f32
    %eq3A_1086 = arith.constant 5 : i32
    %eq3A_1087 = arith.cmpi eq, %and3A_1021, %eq3A_1086 : i32
    %slice3A_1088 = vector.extract_strided_slice %get3A_1078 {offsets = [5], sizes = [1], strides = [1]} : vector<16xf32> to vector<1xf32>
    %squeeze3A_1089 = vector.extract %slice3A_1088[0] : f32 from vector<1xf32>
    %select_n3A_1090 = arith.select %eq3A_1087, %squeeze3A_1089, %select_n3A_1085 : f32
    %eq3A_1091 = arith.constant 4 : i32
    %eq3A_1092 = arith.cmpi eq, %and3A_1021, %eq3A_1091 : i32
    %slice3A_1093 = vector.extract_strided_slice %get3A_1078 {offsets = [4], sizes = [1], strides = [1]} : vector<16xf32> to vector<1xf32>
    %squeeze3A_1094 = vector.extract %slice3A_1093[0] : f32 from vector<1xf32>
    %select_n3A_1095 = arith.select %eq3A_1092, %squeeze3A_1094, %select_n3A_1090 : f32
    %eq3A_1096 = arith.constant 3 : i32
    %eq3A_1097 = arith.cmpi eq, %and3A_1021, %eq3A_1096 : i32
    %slice3A_1098 = vector.extract_strided_slice %get3A_1078 {offsets = [3], sizes = [1], strides = [1]} : vector<16xf32> to vector<1xf32>
    %squeeze3A_1099 = vector.extract %slice3A_1098[0] : f32 from vector<1xf32>
    %select_n3A_1100 = arith.select %eq3A_1097, %squeeze3A_1099, %select_n3A_1095 : f32
    %eq3A_1101 = arith.constant 2 : i32
    %eq3A_1102 = arith.cmpi eq, %and3A_1021, %eq3A_1101 : i32
    %slice3A_1103 = vector.extract_strided_slice %get3A_1078 {offsets = [2], sizes = [1], strides = [1]} : vector<16xf32> to vector<1xf32>
    %squeeze3A_1104 = vector.extract %slice3A_1103[0] : f32 from vector<1xf32>
    %select_n3A_1105 = arith.select %eq3A_1102, %squeeze3A_1104, %select_n3A_1100 : f32
    %eq3A_1106 = arith.constant 1 : i32
    %eq3A_1107 = arith.cmpi eq, %and3A_1021, %eq3A_1106 : i32
    %slice3A_1108 = vector.extract_strided_slice %get3A_1078 {offsets = [1], sizes = [1], strides = [1]} : vector<16xf32> to vector<1xf32>
    %squeeze3A_1109 = vector.extract %slice3A_1108[0] : f32 from vector<1xf32>
    %select_n3A_1110 = arith.select %eq3A_1107, %squeeze3A_1109, %select_n3A_1105 : f32
    %eq3A_1111 = arith.constant 0 : i32
    %eq3A_1112 = arith.cmpi eq, %and3A_1021, %eq3A_1111 : i32
    %slice3A_1113 = vector.extract_strided_slice %get3A_1078 {offsets = [0], sizes = [1], strides = [1]} : vector<16xf32> to vector<1xf32>
    %squeeze3A_1114 = vector.extract %slice3A_1113[0] : f32 from vector<1xf32>
    %select_n3A_1115 = arith.select %eq3A_1112, %squeeze3A_1114, %select_n3A_1110 : f32
    %eq3A_1116 = arith.constant 13 : i32
    %eq3A_1117 = vector.broadcast %eq3A_1116 : i32 to vector<16xi32>
    %eq3A_1118 = arith.cmpi eq, %iota3A, %eq3A_1117 : vector<16xi32>
    %broadcast_in_dim3A_1119 = vector.broadcast %select_n3A_1115 : f32 to vector<16xf32>
    %select_n3A_1120 = arith.select %eq3A_1118, %broadcast_in_dim3A_1119, %select_n3A_1072 : vector<16xi1>, vector<16xf32>
    %add3A_1121 = arith.constant 256 : i32
    %add3A_1122 = arith.addi %sub3A_1024, %add3A_1121 : i32
    %multiple_of3A_1123 = tpu.assume_multiple %add3A_1122, 8 : i32
    %get3A_1124 = arith.index_cast %multiple_of3A_1123 : i32 to index
    %get3A_1125 = tpu.vector_load %arg10[%get3A_1124] {strides = array<i32>} : memref<2048xf32, #tpu.memory_space<vmem>>, vector<16xf32>,
    %get3A_1126 = vector.shape_cast %get3A_1125 : vector<16xf32> to vector<16xf32>
    %slice3A_1127 = vector.extract_strided_slice %get3A_1126 {offsets = [7], sizes = [1], strides = [1]} : vector<16xf32> to vector<1xf32>
    %squeeze3A_1128 = vector.extract %slice3A_1127[0] : f32 from vector<1xf32>
    %eq3A_1129 = arith.constant 6 : i32
    %eq3A_1130 = arith.cmpi eq, %and3A_1021, %eq3A_1129 : i32
    %slice3A_1131 = vector.extract_strided_slice %get3A_1126 {offsets = [6], sizes = [1], strides = [1]} : vector<16xf32> to vector<1xf32>
    %squeeze3A_1132 = vector.extract %slice3A_1131[0] : f32 from vector<1xf32>
    %select_n3A_1133 = arith.select %eq3A_1130, %squeeze3A_1132, %squeeze3A_1128 : f32
    %eq3A_1134 = arith.constant 5 : i32
    %eq3A_1135 = arith.cmpi eq, %and3A_1021, %eq3A_1134 : i32
    %slice3A_1136 = vector.extract_strided_slice %get3A_1126 {offsets = [5], sizes = [1], strides = [1]} : vector<16xf32> to vector<1xf32>
    %squeeze3A_1137 = vector.extract %slice3A_1136[0] : f32 from vector<1xf32>
    %select_n3A_1138 = arith.select %eq3A_1135, %squeeze3A_1137, %select_n3A_1133 : f32
    %eq3A_1139 = arith.constant 4 : i32
    %eq3A_1140 = arith.cmpi eq, %and3A_1021, %eq3A_1139 : i32
    %slice3A_1141 = vector.extract_strided_slice %get3A_1126 {offsets = [4], sizes = [1], strides = [1]} : vector<16xf32> to vector<1xf32>
    %squeeze3A_1142 = vector.extract %slice3A_1141[0] : f32 from vector<1xf32>
    %select_n3A_1143 = arith.select %eq3A_1140, %squeeze3A_1142, %select_n3A_1138 : f32
    %eq3A_1144 = arith.constant 3 : i32
    %eq3A_1145 = arith.cmpi eq, %and3A_1021, %eq3A_1144 : i32
    %slice3A_1146 = vector.extract_strided_slice %get3A_1126 {offsets = [3], sizes = [1], strides = [1]} : vector<16xf32> to vector<1xf32>
    %squeeze3A_1147 = vector.extract %slice3A_1146[0] : f32 from vector<1xf32>
    %select_n3A_1148 = arith.select %eq3A_1145, %squeeze3A_1147, %select_n3A_1143 : f32
    %eq3A_1149 = arith.constant 2 : i32
    %eq3A_1150 = arith.cmpi eq, %and3A_1021, %eq3A_1149 : i32
    %slice3A_1151 = vector.extract_strided_slice %get3A_1126 {offsets = [2], sizes = [1], strides = [1]} : vector<16xf32> to vector<1xf32>
    %squeeze3A_1152 = vector.extract %slice3A_1151[0] : f32 from vector<1xf32>
    %select_n3A_1153 = arith.select %eq3A_1150, %squeeze3A_1152, %select_n3A_1148 : f32
    %eq3A_1154 = arith.constant 1 : i32
    %eq3A_1155 = arith.cmpi eq, %and3A_1021, %eq3A_1154 : i32
    %slice3A_1156 = vector.extract_strided_slice %get3A_1126 {offsets = [1], sizes = [1], strides = [1]} : vector<16xf32> to vector<1xf32>
    %squeeze3A_1157 = vector.extract %slice3A_1156[0] : f32 from vector<1xf32>
    %select_n3A_1158 = arith.select %eq3A_1155, %squeeze3A_1157, %select_n3A_1153 : f32
    %eq3A_1159 = arith.constant 0 : i32
    %eq3A_1160 = arith.cmpi eq, %and3A_1021, %eq3A_1159 : i32
    %slice3A_1161 = vector.extract_strided_slice %get3A_1126 {offsets = [0], sizes = [1], strides = [1]} : vector<16xf32> to vector<1xf32>
    %squeeze3A_1162 = vector.extract %slice3A_1161[0] : f32 from vector<1xf32>
    %select_n3A_1163 = arith.select %eq3A_1160, %squeeze3A_1162, %select_n3A_1158 : f32
    %eq3A_1164 = arith.constant 14 : i32
    %eq3A_1165 = vector.broadcast %eq3A_1164 : i32 to vector<16xi32>
    %eq3A_1166 = arith.cmpi eq, %iota3A, %eq3A_1165 : vector<16xi32>
    %broadcast_in_dim3A_1167 = vector.broadcast %select_n3A_1163 : f32 to vector<16xf32>
    %select_n3A_1168 = arith.select %eq3A_1166, %broadcast_in_dim3A_1167, %select_n3A_1120 : vector<16xi1>, vector<16xf32>
    %add3A_1169 = arith.constant 384 : i32
    %add3A_1170 = arith.addi %sub3A_1024, %add3A_1169 : i32
    %multiple_of3A_1171 = tpu.assume_multiple %add3A_1170, 8 : i32
    %get3A_1172 = arith.index_cast %multiple_of3A_1171 : i32 to index
    %get3A_1173 = tpu.vector_load %arg10[%get3A_1172] {strides = array<i32>} : memref<2048xf32, #tpu.memory_space<vmem>>, vector<16xf32>,
    %get3A_1174 = vector.shape_cast %get3A_1173 : vector<16xf32> to vector<16xf32>
    %slice3A_1175 = vector.extract_strided_slice %get3A_1174 {offsets = [7], sizes = [1], strides = [1]} : vector<16xf32> to vector<1xf32>
    %squeeze3A_1176 = vector.extract %slice3A_1175[0] : f32 from vector<1xf32>
    %eq3A_1177 = arith.constant 6 : i32
    %eq3A_1178 = arith.cmpi eq, %and3A_1021, %eq3A_1177 : i32
    %slice3A_1179 = vector.extract_strided_slice %get3A_1174 {offsets = [6], sizes = [1], strides = [1]} : vector<16xf32> to vector<1xf32>
    %squeeze3A_1180 = vector.extract %slice3A_1179[0] : f32 from vector<1xf32>
    %select_n3A_1181 = arith.select %eq3A_1178, %squeeze3A_1180, %squeeze3A_1176 : f32
    %eq3A_1182 = arith.constant 5 : i32
    %eq3A_1183 = arith.cmpi eq, %and3A_1021, %eq3A_1182 : i32
    %slice3A_1184 = vector.extract_strided_slice %get3A_1174 {offsets = [5], sizes = [1], strides = [1]} : vector<16xf32> to vector<1xf32>
    %squeeze3A_1185 = vector.extract %slice3A_1184[0] : f32 from vector<1xf32>
    %select_n3A_1186 = arith.select %eq3A_1183, %squeeze3A_1185, %select_n3A_1181 : f32
    %eq3A_1187 = arith.constant 4 : i32
    %eq3A_1188 = arith.cmpi eq, %and3A_1021, %eq3A_1187 : i32
    %slice3A_1189 = vector.extract_strided_slice %get3A_1174 {offsets = [4], sizes = [1], strides = [1]} : vector<16xf32> to vector<1xf32>
    %squeeze3A_1190 = vector.extract %slice3A_1189[0] : f32 from vector<1xf32>
    %select_n3A_1191 = arith.select %eq3A_1188, %squeeze3A_1190, %select_n3A_1186 : f32
    %eq3A_1192 = arith.constant 3 : i32
    %eq3A_1193 = arith.cmpi eq, %and3A_1021, %eq3A_1192 : i32
    %slice3A_1194 = vector.extract_strided_slice %get3A_1174 {offsets = [3], sizes = [1], strides = [1]} : vector<16xf32> to vector<1xf32>
    %squeeze3A_1195 = vector.extract %slice3A_1194[0] : f32 from vector<1xf32>
    %select_n3A_1196 = arith.select %eq3A_1193, %squeeze3A_1195, %select_n3A_1191 : f32
    %eq3A_1197 = arith.constant 2 : i32
    %eq3A_1198 = arith.cmpi eq, %and3A_1021, %eq3A_1197 : i32
    %slice3A_1199 = vector.extract_strided_slice %get3A_1174 {offsets = [2], sizes = [1], strides = [1]} : vector<16xf32> to vector<1xf32>
    %squeeze3A_1200 = vector.extract %slice3A_1199[0] : f32 from vector<1xf32>
    %select_n3A_1201 = arith.select %eq3A_1198, %squeeze3A_1200, %select_n3A_1196 : f32
    %eq3A_1202 = arith.constant 1 : i32
    %eq3A_1203 = arith.cmpi eq, %and3A_1021, %eq3A_1202 : i32
    %slice3A_1204 = vector.extract_strided_slice %get3A_1174 {offsets = [1], sizes = [1], strides = [1]} : vector<16xf32> to vector<1xf32>
    %squeeze3A_1205 = vector.extract %slice3A_1204[0] : f32 from vector<1xf32>
    %select_n3A_1206 = arith.select %eq3A_1203, %squeeze3A_1205, %select_n3A_1201 : f32
    %eq3A_1207 = arith.constant 0 : i32
    %eq3A_1208 = arith.cmpi eq, %and3A_1021, %eq3A_1207 : i32
    %slice3A_1209 = vector.extract_strided_slice %get3A_1174 {offsets = [0], sizes = [1], strides = [1]} : vector<16xf32> to vector<1xf32>
    %squeeze3A_1210 = vector.extract %slice3A_1209[0] : f32 from vector<1xf32>
    %select_n3A_1211 = arith.select %eq3A_1208, %squeeze3A_1210, %select_n3A_1206 : f32
    %eq3A_1212 = arith.constant 15 : i32
    %eq3A_1213 = vector.broadcast %eq3A_1212 : i32 to vector<16xi32>
    %eq3A_1214 = arith.cmpi eq, %iota3A, %eq3A_1213 : vector<16xi32>
    %broadcast_in_dim3A_1215 = vector.broadcast %select_n3A_1211 : f32 to vector<16xf32>
    %select_n3A_1216 = arith.select %eq3A_1214, %broadcast_in_dim3A_1215, %select_n3A_1168 : vector<16xi1>, vector<16xf32>
    %swap3A = arith.constant 0 : index
    %swap3A_1217 = tpu.vector_load %arg11[%swap3A] {strides = array<i32>} : memref<16xf32, #tpu.memory_space<vmem>>, vector<16xf32>,
    %swap3A_1218 = vector.shape_cast %swap3A_1217 : vector<16xf32> to vector<16xf32>
    %swap3A_1219 = vector.shape_cast %select_n3A_1216 : vector<16xf32> to vector<16xf32>
    tpu.vector_store %arg11[%swap3A], %swap3A_1219 {strides = array<i32>} : memref<16xf32, #tpu.memory_space<vmem>>, vector<16xf32>,
    %mul3A_1220 = arith.constant 16 : i32
    %mul3A_1221 = arith.muli %add3A, %mul3A_1220 : i32
    %multiple_of3A_1222 = tpu.assume_multiple %mul3A_1221, 16 : i32
    "tpu.region"() ({
      %run_scoped3A = tpu.sem_alloc : memref<!tpu.dma_semaphore, #tpu.memory_space<semaphore_mem>>
      %dma_start3A_1223 = tpu.memref_slice %arg4[%multiple_of3A_1222] : memref<512xf32, #tpu.memory_space<hbm>> -> memref<16xf32, #tpu.memory_space<hbm>>
      %dma_start3A_1224 = tpu.memref_slice %arg4[%multiple_of3A_1222] : memref<512xf32, #tpu.memory_space<hbm>> -> memref<16xf32, #tpu.memory_space<hbm>>
      tpu.enqueue_dma source(%arg11 : memref<16xf32, #tpu.memory_space<vmem>>) target(%dma_start3A_1224 : memref<16xf32, #tpu.memory_space<hbm>>) target_semaphore(%run_scoped3A : memref<!tpu.dma_semaphore, #tpu.memory_space<semaphore_mem>>)
      %dma_wait3A_1225 = tpu.memref_slice %arg4[%multiple_of3A_1222] : memref<512xf32, #tpu.memory_space<hbm>> -> memref<16xf32, #tpu.memory_space<hbm>>
      %dma_wait3A_1226 = tpu.memref_slice %arg4[%multiple_of3A_1222] : memref<512xf32, #tpu.memory_space<hbm>> -> memref<16xf32, #tpu.memory_space<hbm>>
      tpu.wait_dma2 semaphore(%run_scoped3A : memref<!tpu.dma_semaphore, #tpu.memory_space<semaphore_mem>>) src(%arg11 : memref<16xf32, #tpu.memory_space<vmem>>) dst(%dma_wait3A_1226 : memref<16xf32, #tpu.memory_space<hbm>>)
      tpu.yield
    }) : () -> ()
    return
  }
}

</mosaic_0001>

<sc_bundles>
// kernel: kernel.3.cloned.1.call-start
scs
__scs_entry_jumppad:
0x0: {  	(pc) =	sbr.rel $0x88, $3  }
0x1: {  	(tag) =	ssettag $0x0;
	lr =	simm.s32 $0x1  }
0x2: {  	[smem:$0x3F9F] =	sst lr;
	_ =	strace $0xD0000000  }
0x3: {  	_ = 	snop  }
0x4: {  	_ = 	snop  }
0x5: {  	_ = 	snop  }
0x6: {  	_ = 	snop  }
0x7: {  	_ = 	snop  }
__scs_overlays_trampoline_lowered:
0x8: {  	[smem:$0x3FAE] =	sst s0  }
0x9: {  	[smem:$0x3FAF] =	sst s1  }
0xa: {  	[smem:$0x3FB0] =	sst s2  }
0xb: {  	[smem:$0x3FB1] =	sst s3  }
0xc: {  	[smem:$0x3FB2] =	sst s4  }
0xd: {  	[smem:$0x3FB3] =	sst s5  }
0xe: {  	[smem:$0x3FB4] =	sst s6  }
0xf: {  	[smem:$0x3FB5] =	sst s7  }
0x10: {  	[smem:$0x3FB6] =	sst s8  }
0x11: {  	[smem:$0x3FB7] =	sst s9;
	s0 =	simm.s32 @!p0 $0x0  }
0x12: {  	s1 =	sld [smem:$0x3F9D];
	s0 =	simm.s32 @p0 $0x1  }
0x13: {  	[smem:$0x3FB8] =	sst s0;
	s0 =	simm.s32 @!p1 $0x0  }
0x14: {  	s2 =	sld [smem:$0x3F9C];
	s0 =	simm.s32 @p1 $0x1  }
0x15: {  	[smem:$0x3FB9] =	sst s0;
	s0 =	simm.s32 @!p2 $0x0  }
0x16: {  	s3 =	sld [smem:$0x3FDB];
	s0 =	simm.s32 @p2 $0x1  }
0x17: {  	s4 =	simm.s32 $0x1BF5;
	[smem:$0x3FBB] =	sst s0  }
0x18: {  	s0 =	sld [smem:$0x3F9E];
	_ =	swait.ge [sflag:s4], $0x0  }
0x19: {  	s7 =	sld [smem:$0x3F9F]  }
0x1a: {  	s8 =	sadd.s32 $0xFFFFE003, lr  }
0x1b: {  	s9 =	sadd.s32 $0xFFFFFEF7, lr;
	s5 =	simm.s32 $0xFFFFFFFF;
	p2 =	slt.u32 s8, $0xFFFFF086  }
0x1c: {  	p1 =	slt.u32 s9, $0xF7A;
	s5 =	simm.s32 @!p2 $0x0  }
0x1d: {  	s5 =	simm.s32 @p1 $0x1;
	p0 =	seq.s32 s7, s2  }
0x1e: {  	s7 =	smul.u32 @!p0 $0xF7A, s2;
	p2 =	seq.s32 @!p0 s5, $0x0  }
0x1f: {  	s9 =	smul.u32 $0xF7A, s1;
	s8 =	simm.s32 @!p0 $0x1BF5;
	p2 =	por !p2, p0  }
0x20: {  	[sflag:s8] =	ssyncset.s32 @!p0 $0xFFFFF086;
	s6 =	sadd.s32 @!p0 s3, s7;
	s7 =	simm.s32 @!p0 $0x108  }
0x21: {  	s3 =	sadd.s32 s3, s9;
	s6 =	sadd.s32 @!p0 $0x88, s6;
	s7 =	simm.s32 @p2 $0x1082  }
0x22: {  	[simem:s7], [sflag:s8] =	dma.local @!p0 [hbm:s6], $0xF7A  }
0x23: {  	s9 =	sor.u32 $0xD0000000, s2;
	s6 =	simm.s32 $0x108;
	_ =	swait.ge @!p0 [sflag:s8], $0x0  }
0x24: {  	s3 =	sadd.s32 $0x88, s3;
	s6 =	simm.s32 @!p1 $0x1082;
	[sflag:s4] =	ssyncset.s32 $0xFFFFF086  }
0x25: {  	[simem:s6], [sflag:s4] =	dma.local [hbm:s3], $0xF7A  }
0x26: {  	[smem:$0x3F9F] =	sst s1;
	(tag) =	ssettag s2;
	_ =	strace s9  }
0x27: {  	s1 =	sld [smem:$0x3FAF]  }
0x28: {  	s2 =	sld [smem:$0x3FB0]  }
0x29: {  	s4 =	sld [smem:$0x3FB2]  }
0x2a: {  	p0 =	seq.s32 s5, $0x0;
	s5 =	sld [smem:$0x3FB3]  }
0x2b: {  	s6 =	sld [smem:$0x3FB4]  }
0x2c: {  	s7 =	sld [smem:$0x3FB5]  }
0x2d: {  	s3 =	simm.s32 $0x108;
	s8 =	sld [smem:$0x3FB6]  }
0x2e: {  	s3 =	simm.s32 @!p0 $0x1082;
	s9 =	sld [smem:$0x3FB7]  }
0x2f: {  	lr =	sadd.s32 s0, s3;
	s0 =	sld [smem:$0x3FAE]  }
0x30: {  	s3 =	sld [smem:$0x3FB1]  }
0x31: {  	[smem:$0x3FBA] =	sst s10  }
0x32: {  	s10 =	sld [smem:$0x3FB8];
	_ =	sdelay $0x3  }
0x33: {  	p0 =	seq.s32 s10, $0x1;
	s10 =	sld [smem:$0x3FBA];
	_ =	sdelay $0x3  }
0x34: {  	[smem:$0x3FBA] =	sst s10  }
0x35: {  	s10 =	sld [smem:$0x3FB9];
	_ =	sdelay $0x3  }
0x36: {  	p1 =	seq.s32 s10, $0x1;
	s10 =	sld [smem:$0x3FBA];
	_ =	sdelay $0x3  }
0x37: {  	[smem:$0x3FBA] =	sst s10  }
0x38: {  	s10 =	sld [smem:$0x3FBB]  }
0x39: {  	_ = 	snop;
	(pc) =	sbr.ind lr, $3  }
0x3a: {  	_ = 	snop  }
0x3b: {  	_ = 	snop  }
0x3c: {  	p2 =	seq.s32 s10, $0x1;
	s10 =	sld [smem:$0x3FBA]  }
0x3d: {  	_ =	shalt  }
0x3e: {  	_ =	shalt  }
0x3f: {  	_ =	shalt  }
0x40: {  	_ =	shalt  }
0x41: {  	_ =	shalt  }
0x42: {  	_ =	shalt  }
0x43: {  	_ =	shalt  }
0x44: {  	_ =	shalt  }
0x45: {  	_ =	shalt  }
0x46: {  	_ =	shalt  }
0x47: {  	_ =	shalt  }
0x48: {  	_ =	shalt  }
0x49: {  	_ =	shalt  }
0x4a: {  	_ =	shalt  }
0x4b: {  	_ =	shalt  }
0x4c: {  	_ =	shalt  }
0x4d: {  	_ =	shalt  }
0x4e: {  	_ =	shalt  }
0x4f: {  	_ =	shalt  }
0x50: {  	_ =	shalt  }
0x51: {  	_ =	shalt  }
0x52: {  	_ =	shalt  }
0x53: {  	_ =	shalt  }
0x54: {  	_ =	shalt  }
0x55: {  	_ =	shalt  }
0x56: {  	_ =	shalt  }
0x57: {  	_ =	shalt  }
0x58: {  	_ =	shalt  }
0x59: {  	_ =	shalt  }
0x5a: {  	_ =	shalt  }
0x5b: {  	_ =	shalt  }
0x5c: {  	_ =	shalt  }
0x5d: {  	_ =	shalt  }
0x5e: {  	_ =	shalt  }
0x5f: {  	_ =	shalt  }
0x60: {  	_ =	shalt  }
0x61: {  	_ =	shalt  }
0x62: {  	_ =	shalt  }
0x63: {  	_ =	shalt  }
0x64: {  	_ =	shalt  }
0x65: {  	_ =	shalt  }
0x66: {  	_ =	shalt  }
0x67: {  	_ =	shalt  }
0x68: {  	_ =	shalt  }
0x69: {  	_ =	shalt  }
0x6a: {  	_ =	shalt  }
0x6b: {  	_ =	shalt  }
0x6c: {  	_ =	shalt  }
0x6d: {  	_ =	shalt  }
0x6e: {  	_ =	shalt  }
0x6f: {  	_ =	shalt  }
0x70: {  	_ =	shalt  }
0x71: {  	_ =	shalt  }
0x72: {  	_ =	shalt  }
0x73: {  	_ =	shalt  }
0x74: {  	_ =	shalt  }
0x75: {  	_ =	shalt  }
0x76: {  	_ =	shalt  }
0x77: {  	_ =	shalt  }
0x78: {  	_ =	shalt  }
0x79: {  	_ =	shalt  }
0x7a: {  	_ =	shalt  }
0x7b: {  	_ =	shalt  }
0x7c: {  	_ =	shalt  }
0x7d: {  	_ =	shalt  }
0x7e: {  	_ =	shalt  }
0x7f: {  	_ =	shalt  }
0x80: {  	_ =	shalt  }
0x81: {  	_ =	shalt  }
0x82: {  	_ =	shalt  }
0x83: {  	_ =	shalt  }
0x84: {  	_ =	shalt  }
0x85: {  	_ =	shalt  }
0x86: {  	_ =	shalt  }
0x87: {  	_ =	shalt  }
.Lfunc_end0:
.L_simem_size_0:
called_computation_lowered:
.L_overlay_start_0:
0x88: {  	s2 =	sld [smem:$0x3FD9]  }
0x89: {  	s3 =	sld [smem:$0x3FFE];
	_ =	sdelay $0x1  }
0x8a: {  	s1 =	srdreg.scid  }
0x8b: {  	s0 =	sand.u32 $0x1, s1  }
0x8c: {  	s18 =	sshll.u32 s0, $0xA;
	s2 =	sadd.s32 s3, s2  }
0x8d: {  	s2 =	sadd.s32 s2, s18  }
0x8e: {  	[smem:$0x3FC6] =	sst s2  }
0x8f: {  	_ = 	snop  }
0x90: {  	s2 =	sld [smem:$0x3FC9]  }
0x91: {  	s19 =	sld [smem:$0x3FC8]  }
0x92: {  	s4 =	sld [smem:$0x3FD0];
	(tm) =	ssettm $0x1  }
0x93: {  	s5 =	sld [smem:$0x3FFB];
	_ =	sdelay $0x3  }
0x94: {  	_ =	strace s5  }
0x95: {  	s5 =	sld [smem:$0x3FFC];
	_ =	sdelay $0x3  }
0x96: {  	_ =	strace s5  }
0x97: {  	s5 =	sld [smem:$0x3FFD];
	_ =	sdelay $0x3  }
0x98: {  	_ =	strace s5  }
0x99: {  	_ =	strace $0x8FFFFFFF  }
0x9a: {  	s20 =	sld [smem:$0x3FDB];
	_ =	sdelay $0x1  }
0x9b: {  	s6 =	simm.s32 $_scs_section_size  }
0x9c: {  	s7 =	simm.s32 $_size__tile_overlayer_lowered;
	s8 =	simm.s32 $_tile_overlayer_lowered  }
0x9d: {  	s23 =	simm.s32 $0x1BFF;
	s22 =	sshll.u32 s8, $0x1;
	s5 =	sadd.s32 s6, s20  }
0x9e: {  	s9 =	simm.s32 $0x0;
	s21 =	sshll.u32 s7, $0x1;
	s7 =	sadd.s32 s22, s5  }
0x9f: {  	[timem:s9], [sflag:s23] =	dma.local [hbm:s7], s21  }
0xa0: {  	_ =	swait.ge [sflag:s23], s21  }
0xa1: {  	s6 =	ssub.s32 $0x0, s21;
	[sflag:s23] =	ssyncset.done $0x0  }
0xa2: {  	[sflag:s23] =	ssyncadd.s32 s6;
	_ =	sdelay $0x1  }
0xa3: {  	s24 =	simm.s32 $0x1B8B  }
0xa4: {  	_ =	swait.ge [sflag:s24], $0x1  }
0xa5: {  	[sflag:s24] =	ssyncset.done $0x0  }
0xa6: {  	s25 =	simm.s32 $0x1B8E;
	[sflag:s24] =	ssyncadd.s32 $0xFFFFFFFF  }
0xa7: {  	s26 =	simm.s32 $execute0_lowered;
	[smem:$0x3FD2] =	sst s25  }
0xa8: {  	s6 =	sshll.u32 s26, $0x1;
	_ =	strace $0x80000046;
	[dreg:$0x1] =	wrdreg $0xFFFFFFFF  }
0xa9: {  	s28 =	simm.s32 $_size_execute0_lowered;
	s5 =	sadd.s32 s5, s6;
	[dreg:$0x0] =	wrdreg $0x0  }
0xaa: {  	s6 =	sshll.u32 s28, $0x1;
	[dreg:$0x2] =	wrdreg s5  }
0xab: {  	[dreg:$0x3] =	wrdreg s6  }
0xac: {  	[dreg:$0x4] =	wrdreg $0xC0  }
0xad: {  	_ =	task [dreg:s9], $0x5FFFF  }
0xae: {  	[dreg:$0x1] =	wrdreg $0xFFFFFFFF  }
0xaf: {  	[dreg:$0x0] =	wrdreg $0x60  }
0xb0: {  	[dreg:$0x2] =	wrdreg s2  }
0xb1: {  	[dreg:$0x3] =	wrdreg s19  }
0xb2: {  	[dreg:$0x4] =	wrdreg s4  }
0xb3: {  	[dreg:$0x5] =	wrdreg $0x9  }
0xb4: {  	_ =	task.clear_ibuf [dreg:s9], $0x6FFFF;
	_ =	strace $0x90000046  }
0xb5: {  	s29 =	simm.s32 $0x9;
	_ =	strace $0x80000048  }
0xb6: {  	_ =	swait.ge [sflag:s29], $0x1  }
0xb7: {  	[sflag:s29] =	ssyncadd.s32 $0xFFFFFFFF  }
0xb8: {  	_ =	strace $0x90000048  }
0xb9: {  	_ =	sfence  }
0xba: {  	s30 =	sld [smem:$0x0];
	_ =	sdelay $0x2  }
0xbb: {  	s31 =	sshll.u32 s1, $0xD;
	s1 =	sshrl.u32 s1, $0x2  }
0xbc: {  	s3 =	sand.u32 $0x4000, s31;
	s1 =	sadd.s32 s1, s30  }
0xbd: {  	s0 =	sor.u32 s3, s0;
	s1 =	sshll.u32 s1, $0x11  }
0xbe: {  	s0 =	sor.u32 s1, s0  }
0xbf: {  	s0 =	sadd.s32 $0x8F2B, s0  }
0xc0: {  	[sflag:s0] =	ssyncadd.remote.s32 $0x1  }
0xc1: {  	_ =	sfence.sel $0xFFFF  }
0xc2: {  	[dreg:$0x0] =	wrdreg $0xFFFFFFFF;
	(pc) =	sbr.abs _section_cstart, $3  }
0xc3: {  	[dreg:$0x1] =	wrdreg $0xFFFFFFFF  }
0xc4: {  	_ =	task.clear_ibuf [dreg:s9], $0x2FFFF;
	_ =	strace $0x9FFFFFFF  }
0xc5: {  	(tm) =	ssettm $0x7FFFFFFF  }
tec
execute0_lowered:
.L_overlay_start_1:
0x0: {  	(tag) =	ssettag $0x1  }
0x1: {  	s5 =	rddreg [dreg:$0x0]  }
0x2: {  	s9 =	rddreg [dreg:$0x1]  }
0x3: {  	s0 =	rddreg [dreg:$0x2];
	s1 =	srdreg.scid;
	s10 =	simm.s32 $0x0  }
0x4: {  	s4 =	stileid.u32;
	s1 =	sand.u32 $0x1, s1;
	[smem:$0x7FF] =	sst s10  }
0x5: {  	s4 =	sshll.u32 s4, $0x1;
	s8 =	sadd.s32 $0x400, s5;
	s11 =	sadd.s32 $0x800, s5  }
0x6: {  	s12 =	sadd.s32 $0xC00, s5;
	_ =	strace $0x80000047;
	[dreg:$0x5] =	wrdreg s8  }
0x7: {  	s2 =	ssub.s32 $0x2, s1;
	s1 =	sor.u32 s1, s4;
	[dreg:$0x8] =	wrdreg s11  }
0x8: {  	[dreg:$0xa] =	wrdreg s12;
	s26 =	sshll.u32 s1, $0x13  }
0x9: {  	s4 =	sshll.u32 s1, $0x2;
	s23 =	sshll.u32 s1, $0xE;
	[dreg:$0xb] =	wrdreg s26  }
0xa: {  	s6 =	sadd.s32 s5, s23;
	[dreg:$0x4] =	wrdreg s4  }
0xb: {  	s24 =	sadd.s32 s23, s8;
	[dreg:$0x6] =	wrdreg s6  }
0xc: {  	s3 =	sshrl.u32 s2, $0x1;
	s25 =	sadd.s32 s23, s11;
	[dreg:$0x7] =	wrdreg s24  }
0xd: {  	s2 =	ssub.s32 s2, s3;
	s3 =	sadd.s32 s23, s12;
	[dreg:$0x9] =	wrdreg s25  }
0xe: {  	s28 =	sor.u32 $0x20000, s26;
	[dreg:$0xc] =	wrdreg s3  }
0xf: {  	s29 =	sor.u32 $0x40000, s26;
	[dreg:$0xe] =	wrdreg s28  }
0x10: {  	v0 =	vlaneseq.u32;
	vm1 =	vcmask $0x704;
	vm2 =	vcmask $0xB08;
	s1 =	sshll.u32 s1, $0x1;
	s30 =	sor.u32 $0x60000, s26;
	[dreg:$0xf] =	wrdreg s29  }
0x11: {  	vm3 =	vcmask $0xF0C;
	vm4 =	vcmask $0x1310;
	vm5 =	vcmask $0x1714;
	s13 =	sor.u32 $0x1, s4;
	s0 =	sadd.s32 s0, s1;
	[dreg:$0x10] =	wrdreg s30  }
0x12: {  	vm6 =	vcmask $0x1B18;
	vm7 =	vcmask $0x1F1C;
	vm8 =	vcmask $0x2320;
	s26 =	simm.s32 $0x4;
	[dreg:$0x11] =	wrdreg s0;
	s31 =	smax.u32 s2, $0x1  }
0x13: {  	vm9 =	vcmask $0x2724;
	vm10 =	vcmask $0x2B28;
	vm11 =	vcmask $0x2F2C;
	s6 =	simm.s32 $0x1;
	s24 =	simm.s32 $0x2;
	[dreg:$0xd] =	wrdreg s13  }
0x14: {  	vm12 =	vcmask $0x3330;
	vm13 =	vcmask $0x3734;
	vm14 =	vcmask $0x3B38;
	s25 =	simm.s32 $0x3;
	s2 =	simm.s32 $0x0;
	[dreg:$0x12] =	wrdreg s31  }
.LBB2_1:
0x15: {  	[dreg:$0x13] =	wrdreg s2  }
0x16: {  	s0 =	rddreg [dreg:$0x6]  }
0x17: {  	[tilespmem:s10], [sflag:$0x1] =	stream.linear.gather [hbm4b:s0+s10], $0x2000, $0x38;
	[tilespmem:$0x9180] =	vst v63  }
0x18: {  	s22 =	rddreg [dreg:$0x7];
	s1 =	simm.s32 $0x2000  }
0x19: {  	[tilespmem:s1], [sflag:$0x2] =	stream.linear.gather [hbm4b:s22+s10], $0x2000, $0x38;
	[tilespmem:$0x9180] =	vst v63  }
0x1a: {  	s23 =	rddreg [dreg:$0x9];
	s28 =	simm.s32 $0x4000  }
0x1b: {  	[tilespmem:s28], [sflag:$0x3] =	stream.linear.gather [hbm4b:s23+s10], $0x2000, $0x38;
	[tilespmem:$0x9180] =	vst v63  }
0x1c: {  	s30 =	rddreg [dreg:$0xc];
	s31 =	simm.s32 $0x6000;
	s29 =	simm.s32 $0x0  }
0x1d: {  	[tilespmem:s31], [sflag:$0x4] =	stream.linear.gather [hbm4b:s30+s10], $0x2000, $0x38;
	[tilespmem:$0x9180] =	vst v63  }
.LBB2_2:
0x1e: {  	_ =	swait.ge [sflag:s6], $0x2000  }
0x1f: {  	[sflag:s6] =	ssyncset.done $0x0  }
0x20: {  	s2 =	simm.s32 $0x100;
	[sflag:s6] =	ssyncadd.s32 $0xFFFFE000  }
0x21: {  	v3 =	vld [tilespmem:s2+$0xC0]  }
0x22: {  	v4 =	vld [tilespmem:s2+$0xD0]  }
0x23: {  	v8 =	vld [tilespmem:s2+$0xE0]  }
0x24: {  	v6 =	vld [tilespmem:s2+$0x80]  }
0x25: {  	v14 =	vld [tilespmem:s2+$0x90]  }
0x26: {  	v16 =	vld [tilespmem:s2+$0xA0]  }
0x27: {  	v17 =	vld [tilespmem:s2+$0x40]  }
0x28: {  	v18 =	vld [tilespmem:s2+$0x50]  }
0x29: {  	v23 =	vld [tilespmem:s2+$0x0]  }
0x2a: {  	v20 =	vld [tilespmem:s2+$0x10]  }
0x2b: {  	v24 =	vld [tilespmem:s2+$0x20]  }
0x2c: {  	v28 =	vld [tilespmem:s2+$0xFFFFFFC0]  }
0x2d: {  	v30 =	vld [tilespmem:s2+$0xFFFFFFD0]  }
0x2e: {  	v26 =	vld [tilespmem:s2+$0xFFFFFFE0]  }
0x2f: {  	v31 =	vld [tilespmem:s2+$0xFFFFFF80]  }
0x30: {  	v32 =	vld [tilespmem:s2+$0xFFFFFF90]  }
0x31: {  	v27 =	vld [tilespmem:s2+$0xFFFFFF00]  }
0x32: {  	v29 =	vld [tilespmem:s2+$0xFFFFFF10]  }
0x33: {  	v33 =	vld [tilespmem:s2+$0xFFFFFF20]  }
0x34: {  	v34 =	vld [tilespmem:s2+$0xFFFFFF30]  }
0x35: {  	v39 =	vld [tilespmem:s2+$0xFFFFFF40]  }
0x36: {  	v37 =	vld [tilespmem:s2+$0xFFFFFF50]  }
0x37: {  	v38 =	vld [tilespmem:s2+$0xFFFFFF60]  }
0x38: {  	v40 =	vld [tilespmem:s2+$0xFFFFFF70]  }
0x39: {  	v35 =	vld [tilespmem:s2+$0xFFFFFFA0]  }
0x3a: {  	s0 =	simm.s32 $0x0;
	v10 =	vimm.f32 $-Inf;
	v12 =	vimm.s32 $0x100000;
	s1 =	simm.s32 $0x1;
	v36 =	vld [tilespmem:s2+$0xFFFFFFB0]  }
.LBB2_3:
0x3b: {  	p0 =	sne.s32 s1, $0xF;
	v1 =	vld [tilespmem:s2+$0xFFFFFFF0]  }
0x3c: {  	v2 =	vmax.f32 v27, v39;
	v5 =	vld [tilespmem:s2+$0x30]  }
0x3d: {  	v7 =	vmax.f32 v29, v37;
	v9 =	vmax.f32 v33, v38;
	v11 =	vmax.f32 v34, v40;
	v13 =	vld [tilespmem:s2+$0x60]  }
0x3e: {  	v2 =	vmax.f32 v2, v31;
	v7 =	vmax.f32 v7, v32;
	v9 =	vmax.f32 v9, v35;
	v15 =	vld [tilespmem:s2+$0x70]  }
0x3f: {  	v2 =	vmax.f32 v2, v28;
	v7 =	vmax.f32 v7, v30;
	v11 =	vmax.f32 v11, v36;
	v19 =	vld [tilespmem:s2+$0xB0]  }
0x40: {  	v2 =	vmax.f32 v2, v23;
	v9 =	vmax.f32 v9, v26;
	v1 =	vmax.f32 v11, v1;
	v11 =	vld [tilespmem:s2+$0xF0];
	s2 =	sadd.s32 $0x200, s2  }
0x41: {  	v7 =	vmax.f32 v7, v20;
	v9 =	vmax.f32 v9, v24;
	v21 =	vld [tilespmem:s2+$0xC0];
	v1 =	vmax.f32 v1, v5  }
0x42: {  	v2 =	vmax.f32 v2, v17;
	v7 =	vmax.f32 v7, v18;
	v5 =	vld [tilespmem:s2+$0xD0];
	v9 =	vmax.f32 v9, v13  }
0x43: {  	v2 =	vmax.f32 v2, v6;
	v7 =	vmax.f32 v7, v14;
	v13 =	vld [tilespmem:s2+$0xE0];
	v1 =	vmax.f32 v1, v15  }
0x44: {  	v2 =	vmax.f32 v2, v3;
	v9 =	vmax.f32 v9, v16;
	v6 =	vld [tilespmem:s2+$0x80];
	v1 =	vmax.f32 v1, v19  }
0x45: {  	v7 =	vmax.f32 v7, v4;
	v8 =	vmax.f32 v9, v8;
	v14 =	vld [tilespmem:s2+$0x90];
	v1 =	vmax.f32 v1, v11  }
0x46: {  	v2 =	vmax.f32 v2, v7;
	v16 =	vld [tilespmem:s2+$0xA0];
	v1 =	vmax.f32 v8, v1;
	v3 =	vmov v21  }
0x47: {  	v17 =	vld [tilespmem:s2+$0x40];
	v1 =	vmax.f32 v2, v1;
	v4 =	vmov v5  }
0x48: {  	v18 =	vld [tilespmem:s2+$0x50];
	vm15 =	vgt.f32 v1, v10;
	v8 =	vmov v13  }
0x49: {  	v23 =	vld [tilespmem:s2+$0x0];
	v10 =	vsel vm15, v1, v10;
	v12 =	vsel vm15, s0, v12;
	s0 =	smov.u32 s1  }
0x4a: {  	v20 =	vld [tilespmem:s2+$0x10]  }
0x4b: {  	v24 =	vld [tilespmem:s2+$0x20]  }
0x4c: {  	v28 =	vld [tilespmem:s2+$0xFFFFFFC0]  }
0x4d: {  	v30 =	vld [tilespmem:s2+$0xFFFFFFD0]  }
0x4e: {  	v26 =	vld [tilespmem:s2+$0xFFFFFFE0]  }
0x4f: {  	v31 =	vld [tilespmem:s2+$0xFFFFFF80]  }
0x50: {  	v32 =	vld [tilespmem:s2+$0xFFFFFF90]  }
0x51: {  	v27 =	vld [tilespmem:s2+$0xFFFFFF00]  }
0x52: {  	v29 =	vld [tilespmem:s2+$0xFFFFFF10]  }
0x53: {  	v33 =	vld [tilespmem:s2+$0xFFFFFF20]  }
0x54: {  	v34 =	vld [tilespmem:s2+$0xFFFFFF30]  }
0x55: {  	v39 =	vld [tilespmem:s2+$0xFFFFFF40]  }
.Ltmp0:
0x56: {  	v37 =	vld [tilespmem:s2+$0xFFFFFF50];
	(pc) =	sbr.rel @p0 .LBB2_3-.Ltmp0, $4  }
0x57: {  	v38 =	vld [tilespmem:s2+$0xFFFFFF60]  }
0x58: {  	v40 =	vld [tilespmem:s2+$0xFFFFFF70]  }
0x59: {  	v35 =	vld [tilespmem:s2+$0xFFFFFFA0]  }
0x5a: {  	s1 =	sadd.s32 $0x1, s1;
	v36 =	vld [tilespmem:s2+$0xFFFFFFB0]  }
0x5b: {  	v41 =	vld [tilespmem:s2+$0xFFFFFFF0]  }
0x5c: {  	v42 =	vld [tilespmem:s2+$0x30];
	p0 =	seq.s32 s29, $0x3  }
0x5d: {  	v43 =	vld [tilespmem:s2+$0x60];
	s1 =	sadd.s32 @!p0 s29, s13  }
0x5e: {  	v44 =	vld [tilespmem:s2+$0x70];
	s1 =	sshll.u32 @!p0 s1, $0xC  }
0x5f: {  	v45 =	vld [tilespmem:s2+$0xB0];
	s30 =	sand.u32 @!p0 $0x1FFFF000, s1  }
0x60: {  	v46 =	vld [tilespmem:s2+$0xF0];
	s2 =	simm.s32 @!p0 $0x0;
	s1 =	sadd.s32 @!p0 s5, s30  }
0x61: {  	[tilespmem:s2], [sflag:$0x1] =	stream.linear.gather @!p0 [hbm4b:s1+s2], $0x2000, $0x38;
	[tilespmem:$0x9180] =	vst v63  }
0x62: {  	_ =	swait.ge [sflag:s24], $0x2000  }
0x63: {  	[sflag:s24] =	ssyncset.done $0x0  }
0x64: {  	s7 =	simm.s32 $0x2100;
	[sflag:s24] =	ssyncadd.s32 $0xFFFFE000  }
0x65: {  	v1 =	vld [tilespmem:s7+$0xC0]  }
0x66: {  	v2 =	vld [tilespmem:s7+$0xD0]  }
0x67: {  	v7 =	vld [tilespmem:s7+$0xE0]  }
0x68: {  	v5 =	vld [tilespmem:s7+$0x80]  }
0x69: {  	v9 =	vld [tilespmem:s7+$0x90]  }
0x6a: {  	v11 =	vld [tilespmem:s7+$0xA0]  }
0x6b: {  	v13 =	vld [tilespmem:s7+$0x40]  }
0x6c: {  	v15 =	vld [tilespmem:s7+$0x50]  }
0x6d: {  	v21 =	vld [tilespmem:s7+$0x0]  }
0x6e: {  	v19 =	vld [tilespmem:s7+$0x10]  }
0x6f: {  	v22 =	vld [tilespmem:s7+$0x20]  }
0x70: {  	v25 =	vld [tilespmem:s7+$0xFFFFFFC0]  }
0x71: {  	v39 =	vmax.f32 v27, v39;
	v27 =	vld [tilespmem:s7+$0xFFFFFFD0]  }
0x72: {  	v37 =	vmax.f32 v29, v37;
	v33 =	vmax.f32 v33, v38;
	v62 =	vmax.f32 v39, v31;
	v29 =	vld [tilespmem:s7+$0xFFFFFFE0]  }
0x73: {  	v32 =	vmax.f32 v37, v32;
	v34 =	vmax.f32 v34, v40;
	v28 =	vmax.f32 v62, v28;
	v31 =	vld [tilespmem:s7+$0xFFFFFF80]  }
0x74: {  	v30 =	vmax.f32 v32, v30;
	v33 =	vmax.f32 v33, v35;
	v23 =	vmax.f32 v28, v23;
	v32 =	vld [tilespmem:s7+$0xFFFFFF90]  }
0x75: {  	v20 =	vmax.f32 v30, v20;
	v34 =	vmax.f32 v34, v36;
	v26 =	vmax.f32 v33, v26;
	v28 =	vld [tilespmem:s7+$0xFFFFFF00]  }
0x76: {  	v17 =	vmax.f32 v23, v17;
	v18 =	vmax.f32 v20, v18;
	v63 =	vmax.f32 v34, v41;
	v30 =	vld [tilespmem:s7+$0xFFFFFF10]  }
0x77: {  	v24 =	vmax.f32 v26, v24;
	v6 =	vmax.f32 v17, v6;
	v26 =	vmax.f32 v63, v42;
	v33 =	vld [tilespmem:s7+$0xFFFFFF20]  }
0x78: {  	v14 =	vmax.f32 v18, v14;
	v20 =	vmax.f32 v24, v43;
	v23 =	vmax.f32 v26, v44;
	v34 =	vld [tilespmem:s7+$0xFFFFFF30]  }
0x79: {  	v3 =	vmax.f32 v6, v3;
	v16 =	vmax.f32 v20, v16;
	v17 =	vmax.f32 v23, v45;
	v35 =	vld [tilespmem:s7+$0xFFFFFF40]  }
0x7a: {  	v4 =	vmax.f32 v14, v4;
	v6 =	vmax.f32 v16, v8;
	v8 =	vmax.f32 v17, v46;
	v36 =	vld [tilespmem:s7+$0xFFFFFF50]  }
0x7b: {  	v3 =	vmax.f32 v3, v4;
	v39 =	vld [tilespmem:s7+$0xFFFFFF60];
	v4 =	vmax.f32 v6, v8  }
0x7c: {  	v40 =	vld [tilespmem:s7+$0xFFFFFF70];
	v3 =	vmax.f32 v3, v4  }
0x7d: {  	v37 =	vld [tilespmem:s7+$0xFFFFFFA0];
	vm15 =	vgt.f32 v3, v10  }
0x7e: {  	s1 =	simm.s32 $0x11;
	v38 =	vld [tilespmem:s7+$0xFFFFFFB0];
	v17 =	vsel vm15, v3, v10;
	v18 =	vsel vm15, s0, v12;
	s0 =	simm.s32 $0x10  }
.LBB2_5:
0x7f: {  	p1 =	sne.s32 s1, $0x1F;
	v3 =	vld [tilespmem:s7+$0xFFFFFFF0]  }
0x80: {  	v4 =	vmax.f32 v28, v35;
	v6 =	vld [tilespmem:s7+$0x30]  }
0x81: {  	v8 =	vmax.f32 v30, v36;
	v10 =	vmax.f32 v33, v39;
	v12 =	vmax.f32 v34, v40;
	v14 =	vld [tilespmem:s7+$0x60]  }
0x82: {  	v4 =	vmax.f32 v4, v31;
	v8 =	vmax.f32 v8, v32;
	v10 =	vmax.f32 v10, v37;
	v16 =	vld [tilespmem:s7+$0x70]  }
0x83: {  	v4 =	vmax.f32 v4, v25;
	v8 =	vmax.f32 v8, v27;
	v12 =	vmax.f32 v12, v38;
	v20 =	vld [tilespmem:s7+$0xB0]  }
0x84: {  	v4 =	vmax.f32 v4, v21;
	v10 =	vmax.f32 v10, v29;
	v3 =	vmax.f32 v12, v3;
	v12 =	vld [tilespmem:s7+$0xF0];
	s7 =	sadd.s32 $0x200, s7  }
0x85: {  	v8 =	vmax.f32 v8, v19;
	v10 =	vmax.f32 v10, v22;
	v21 =	vld [tilespmem:s7+$0xC0];
	v3 =	vmax.f32 v3, v6  }
0x86: {  	v4 =	vmax.f32 v4, v13;
	v8 =	vmax.f32 v8, v15;
	v6 =	vld [tilespmem:s7+$0xD0];
	v10 =	vmax.f32 v10, v14  }
0x87: {  	v4 =	vmax.f32 v4, v5;
	v8 =	vmax.f32 v8, v9;
	v14 =	vld [tilespmem:s7+$0xE0];
	v3 =	vmax.f32 v3, v16  }
0x88: {  	v13 =	vmax.f32 v4, v1;
	v10 =	vmax.f32 v10, v11;
	v5 =	vld [tilespmem:s7+$0x80];
	v3 =	vmax.f32 v3, v20  }
0x89: {  	v8 =	vmax.f32 v8, v2;
	v4 =	vmax.f32 v10, v7;
	v9 =	vld [tilespmem:s7+$0x90];
	v3 =	vmax.f32 v3, v12  }
0x8a: {  	v8 =	vmax.f32 v13, v8;
	v11 =	vld [tilespmem:s7+$0xA0];
	v3 =	vmax.f32 v4, v3;
	v1 =	vmov v21  }
0x8b: {  	v13 =	vld [tilespmem:s7+$0x40];
	v3 =	vmax.f32 v8, v3;
	v2 =	vmov v6  }
0x8c: {  	v15 =	vld [tilespmem:s7+$0x50];
	vm15 =	vgt.f32 v3, v17;
	v7 =	vmov v14  }
0x8d: {  	v21 =	vld [tilespmem:s7+$0x0];
	v17 =	vsel vm15, v3, v17;
	v18 =	vsel vm15, s0, v18;
	s0 =	smov.u32 s1  }
0x8e: {  	v19 =	vld [tilespmem:s7+$0x10]  }
0x8f: {  	v22 =	vld [tilespmem:s7+$0x20]  }
0x90: {  	v25 =	vld [tilespmem:s7+$0xFFFFFFC0]  }
0x91: {  	v27 =	vld [tilespmem:s7+$0xFFFFFFD0]  }
0x92: {  	v29 =	vld [tilespmem:s7+$0xFFFFFFE0]  }
0x93: {  	v31 =	vld [tilespmem:s7+$0xFFFFFF80]  }
0x94: {  	v32 =	vld [tilespmem:s7+$0xFFFFFF90]  }
0x95: {  	v28 =	vld [tilespmem:s7+$0xFFFFFF00]  }
0x96: {  	v30 =	vld [tilespmem:s7+$0xFFFFFF10]  }
0x97: {  	v33 =	vld [tilespmem:s7+$0xFFFFFF20]  }
0x98: {  	v34 =	vld [tilespmem:s7+$0xFFFFFF30]  }
0x99: {  	v35 =	vld [tilespmem:s7+$0xFFFFFF40]  }
.Ltmp1:
0x9a: {  	v36 =	vld [tilespmem:s7+$0xFFFFFF50];
	(pc) =	sbr.rel @p1 .LBB2_5-.Ltmp1, $4  }
0x9b: {  	v39 =	vld [tilespmem:s7+$0xFFFFFF60]  }
0x9c: {  	v40 =	vld [tilespmem:s7+$0xFFFFFF70]  }
0x9d: {  	v37 =	vld [tilespmem:s7+$0xFFFFFFA0]  }
0x9e: {  	s1 =	sadd.s32 $0x1, s1;
	v38 =	vld [tilespmem:s7+$0xFFFFFFB0]  }
0x9f: {  	v41 =	vld [tilespmem:s7+$0xFFFFFFF0]  }
0xa0: {  	v42 =	vld [tilespmem:s7+$0x30]  }
0xa1: {  	v43 =	vld [tilespmem:s7+$0x60]  }
0xa2: {  	v44 =	vld [tilespmem:s7+$0x70]  }
0xa3: {  	v45 =	vld [tilespmem:s7+$0xB0];
	s1 =	sadd.s32 @!p0 s30, s8;
	s2 =	simm.s32 @!p0 $0x0;
	s3 =	simm.s32 @!p0 $0x2000  }
0xa4: {  	v46 =	vld [tilespmem:s7+$0xF0];
	[tilespmem:s3], [sflag:$0x2] =	stream.linear.gather @!p0 [hbm4b:s1+s2], $0x2000, $0x38  }
0xa5: {  	_ =	swait.ge [sflag:s25], $0x2000  }
0xa6: {  	[sflag:s25] =	ssyncset.done $0x0  }
0xa7: {  	s7 =	simm.s32 $0x4100;
	[sflag:s25] =	ssyncadd.s32 $0xFFFFE000  }
0xa8: {  	v3 =	vld [tilespmem:s7+$0xC0]  }
0xa9: {  	v4 =	vld [tilespmem:s7+$0xD0]  }
0xaa: {  	v8 =	vld [tilespmem:s7+$0xE0]  }
0xab: {  	v6 =	vld [tilespmem:s7+$0x80]  }
0xac: {  	v10 =	vld [tilespmem:s7+$0x90]  }
0xad: {  	v12 =	vld [tilespmem:s7+$0xA0]  }
0xae: {  	v14 =	vld [tilespmem:s7+$0x40]  }
0xaf: {  	v16 =	vld [tilespmem:s7+$0x50]  }
0xb0: {  	v23 =	vld [tilespmem:s7+$0x0]  }
0xb1: {  	v20 =	vld [tilespmem:s7+$0x10]  }
0xb2: {  	v24 =	vld [tilespmem:s7+$0x20]  }
0xb3: {  	v26 =	vld [tilespmem:s7+$0xFFFFFFC0]  }
0xb4: {  	v35 =	vmax.f32 v28, v35;
	v28 =	vld [tilespmem:s7+$0xFFFFFFD0]  }
0xb5: {  	v36 =	vmax.f32 v30, v36;
	v33 =	vmax.f32 v33, v39;
	v35 =	vmax.f32 v35, v31;
	v30 =	vld [tilespmem:s7+$0xFFFFFFE0]  }
0xb6: {  	v32 =	vmax.f32 v36, v32;
	v34 =	vmax.f32 v34, v40;
	v25 =	vmax.f32 v35, v25;
	v31 =	vld [tilespmem:s7+$0xFFFFFF80]  }
0xb7: {  	v62 =	vmax.f32 v32, v27;
	v33 =	vmax.f32 v33, v37;
	v21 =	vmax.f32 v25, v21;
	v32 =	vld [tilespmem:s7+$0xFFFFFF90]  }
0xb8: {  	v19 =	vmax.f32 v62, v19;
	v34 =	vmax.f32 v34, v38;
	v29 =	vmax.f32 v33, v29;
	v27 =	vld [tilespmem:s7+$0xFFFFFF00]  }
0xb9: {  	v13 =	vmax.f32 v21, v13;
	v63 =	vmax.f32 v34, v41;
	v22 =	vmax.f32 v29, v22;
	v29 =	vld [tilespmem:s7+$0xFFFFFF10]  }
0xba: {  	v15 =	vmax.f32 v19, v15;
	v33 =	vld [tilespmem:s7+$0xFFFFFF20];
	v5 =	vmax.f32 v13, v5;
	v25 =	vmax.f32 v63, v42  }
0xbb: {  	v9 =	vmax.f32 v15, v9;
	v34 =	vld [tilespmem:s7+$0xFFFFFF30];
	v19 =	vmax.f32 v22, v43;
	v21 =	vmax.f32 v25, v44  }
0xbc: {  	v35 =	vld [tilespmem:s7+$0xFFFFFF40];
	v1 =	vmax.f32 v5, v1;
	v11 =	vmax.f32 v19, v11;
	v13 =	vmax.f32 v21, v45  }
0xbd: {  	v36 =	vld [tilespmem:s7+$0xFFFFFF50];
	v2 =	vmax.f32 v9, v2;
	v5 =	vmax.f32 v11, v7;
	v7 =	vmax.f32 v13, v46  }
0xbe: {  	v39 =	vld [tilespmem:s7+$0xFFFFFF60];
	v1 =	vmax.f32 v1, v2;
	v2 =	vmax.f32 v5, v7  }
0xbf: {  	v40 =	vld [tilespmem:s7+$0xFFFFFF70];
	v1 =	vmax.f32 v1, v2  }
0xc0: {  	v37 =	vld [tilespmem:s7+$0xFFFFFFA0];
	vm15 =	vgt.f32 v1, v17  }
0xc1: {  	s1 =	simm.s32 $0x21;
	v38 =	vld [tilespmem:s7+$0xFFFFFFB0];
	v1 =	vsel vm15, v1, v17;
	v13 =	vsel vm15, s0, v18;
	s0 =	simm.s32 $0x20  }
.LBB2_7:
0xc2: {  	p1 =	sne.s32 s1, $0x2F;
	v2 =	vld [tilespmem:s7+$0xFFFFFFF0]  }
0xc3: {  	v5 =	vmax.f32 v27, v35;
	v7 =	vld [tilespmem:s7+$0x30]  }
0xc4: {  	v9 =	vmax.f32 v29, v36;
	v11 =	vmax.f32 v33, v39;
	v15 =	vmax.f32 v34, v40;
	v17 =	vld [tilespmem:s7+$0x60]  }
0xc5: {  	v5 =	vmax.f32 v5, v31;
	v9 =	vmax.f32 v9, v32;
	v11 =	vmax.f32 v11, v37;
	v18 =	vld [tilespmem:s7+$0x70]  }
0xc6: {  	v5 =	vmax.f32 v5, v26;
	v9 =	vmax.f32 v9, v28;
	v15 =	vmax.f32 v15, v38;
	v19 =	vld [tilespmem:s7+$0xB0]  }
0xc7: {  	v5 =	vmax.f32 v5, v23;
	v11 =	vmax.f32 v11, v30;
	v2 =	vmax.f32 v15, v2;
	v15 =	vld [tilespmem:s7+$0xF0];
	s7 =	sadd.s32 $0x200, s7  }
0xc8: {  	v9 =	vmax.f32 v9, v20;
	v11 =	vmax.f32 v11, v24;
	v21 =	vld [tilespmem:s7+$0xC0];
	v2 =	vmax.f32 v2, v7  }
0xc9: {  	v5 =	vmax.f32 v5, v14;
	v9 =	vmax.f32 v9, v16;
	v7 =	vld [tilespmem:s7+$0xD0];
	v11 =	vmax.f32 v11, v17  }
0xca: {  	v5 =	vmax.f32 v5, v6;
	v9 =	vmax.f32 v9, v10;
	v17 =	vld [tilespmem:s7+$0xE0];
	v2 =	vmax.f32 v2, v18  }
0xcb: {  	v14 =	vmax.f32 v5, v3;
	v11 =	vmax.f32 v11, v12;
	v6 =	vld [tilespmem:s7+$0x80];
	v2 =	vmax.f32 v2, v19  }
0xcc: {  	v9 =	vmax.f32 v9, v4;
	v5 =	vmax.f32 v11, v8;
	v10 =	vld [tilespmem:s7+$0x90];
	v2 =	vmax.f32 v2, v15  }
0xcd: {  	v9 =	vmax.f32 v14, v9;
	v12 =	vld [tilespmem:s7+$0xA0];
	v2 =	vmax.f32 v5, v2;
	v3 =	vmov v21  }
0xce: {  	v14 =	vld [tilespmem:s7+$0x40];
	v2 =	vmax.f32 v9, v2;
	v4 =	vmov v7  }
0xcf: {  	v16 =	vld [tilespmem:s7+$0x50];
	vm15 =	vgt.f32 v2, v1;
	v8 =	vmov v17  }
0xd0: {  	v23 =	vld [tilespmem:s7+$0x0];
	v1 =	vsel vm15, v2, v1;
	v13 =	vsel vm15, s0, v13;
	s0 =	smov.u32 s1  }
0xd1: {  	v20 =	vld [tilespmem:s7+$0x10]  }
0xd2: {  	v24 =	vld [tilespmem:s7+$0x20]  }
0xd3: {  	v26 =	vld [tilespmem:s7+$0xFFFFFFC0]  }
0xd4: {  	v28 =	vld [tilespmem:s7+$0xFFFFFFD0]  }
0xd5: {  	v30 =	vld [tilespmem:s7+$0xFFFFFFE0]  }
0xd6: {  	v31 =	vld [tilespmem:s7+$0xFFFFFF80]  }
0xd7: {  	v32 =	vld [tilespmem:s7+$0xFFFFFF90]  }
0xd8: {  	v27 =	vld [tilespmem:s7+$0xFFFFFF00]  }
0xd9: {  	v29 =	vld [tilespmem:s7+$0xFFFFFF10]  }
0xda: {  	v33 =	vld [tilespmem:s7+$0xFFFFFF20]  }
0xdb: {  	v34 =	vld [tilespmem:s7+$0xFFFFFF30]  }
0xdc: {  	v35 =	vld [tilespmem:s7+$0xFFFFFF40]  }
.Ltmp2:
0xdd: {  	v36 =	vld [tilespmem:s7+$0xFFFFFF50];
	(pc) =	sbr.rel @p1 .LBB2_7-.Ltmp2, $4  }
0xde: {  	v39 =	vld [tilespmem:s7+$0xFFFFFF60]  }
0xdf: {  	v40 =	vld [tilespmem:s7+$0xFFFFFF70]  }
0xe0: {  	v37 =	vld [tilespmem:s7+$0xFFFFFFA0]  }
0xe1: {  	s1 =	sadd.s32 $0x1, s1;
	v38 =	vld [tilespmem:s7+$0xFFFFFFB0]  }
0xe2: {  	v41 =	vld [tilespmem:s7+$0xFFFFFFF0]  }
0xe3: {  	v42 =	vld [tilespmem:s7+$0x30]  }
0xe4: {  	v43 =	vld [tilespmem:s7+$0x60]  }
0xe5: {  	v44 =	vld [tilespmem:s7+$0x70]  }
0xe6: {  	v45 =	vld [tilespmem:s7+$0xB0];
	s1 =	sadd.s32 @!p0 s30, s11;
	s2 =	simm.s32 @!p0 $0x0;
	s3 =	simm.s32 @!p0 $0x4000  }
0xe7: {  	v46 =	vld [tilespmem:s7+$0xF0];
	[tilespmem:s3], [sflag:$0x3] =	stream.linear.gather @!p0 [hbm4b:s1+s2], $0x2000, $0x38  }
0xe8: {  	_ =	swait.ge [sflag:s26], $0x2000  }
0xe9: {  	[sflag:s26] =	ssyncset.done $0x0  }
0xea: {  	s7 =	simm.s32 $0x6100;
	[sflag:s26] =	ssyncadd.s32 $0xFFFFE000  }
0xeb: {  	v2 =	vld [tilespmem:s7+$0xC0]  }
0xec: {  	v7 =	vld [tilespmem:s7+$0xD0]  }
0xed: {  	v9 =	vld [tilespmem:s7+$0xE0]  }
0xee: {  	v5 =	vld [tilespmem:s7+$0x80]  }
0xef: {  	v11 =	vld [tilespmem:s7+$0x90]  }
0xf0: {  	v15 =	vld [tilespmem:s7+$0xA0]  }
0xf1: {  	v17 =	vld [tilespmem:s7+$0x40]  }
0xf2: {  	v18 =	vld [tilespmem:s7+$0x50]  }
0xf3: {  	v21 =	vld [tilespmem:s7+$0x0]  }
0xf4: {  	v19 =	vld [tilespmem:s7+$0x10]  }
0xf5: {  	v22 =	vld [tilespmem:s7+$0x20]  }
0xf6: {  	v25 =	vld [tilespmem:s7+$0xFFFFFFC0]  }
0xf7: {  	v35 =	vmax.f32 v27, v35;
	v27 =	vld [tilespmem:s7+$0xFFFFFFD0]  }
0xf8: {  	v36 =	vmax.f32 v29, v36;
	v33 =	vmax.f32 v33, v39;
	v35 =	vmax.f32 v35, v31;
	v29 =	vld [tilespmem:s7+$0xFFFFFFE0]  }
0xf9: {  	v32 =	vmax.f32 v36, v32;
	v34 =	vmax.f32 v34, v40;
	v35 =	vmax.f32 v35, v26;
	v31 =	vld [tilespmem:s7+$0xFFFFFF80]  }
0xfa: {  	v28 =	vmax.f32 v32, v28;
	v33 =	vmax.f32 v33, v37;
	v62 =	vmax.f32 v35, v23;
	v26 =	vld [tilespmem:s7+$0xFFFFFF90]  }
0xfb: {  	v28 =	vmax.f32 v28, v20;
	v34 =	vmax.f32 v34, v38;
	v30 =	vmax.f32 v33, v30;
	v23 =	vld [tilespmem:s7+$0xFFFFFF00]  }
0xfc: {  	v63 =	vmax.f32 v62, v14;
	v16 =	vmax.f32 v28, v16;
	v61 =	vmax.f32 v34, v41;
	v20 =	vld [tilespmem:s7+$0xFFFFFF10]  }
0xfd: {  	v24 =	vmax.f32 v30, v24;
	v14 =	vld [tilespmem:s7+$0xFFFFFF20];
	v16 =	vmax.f32 v16, v10;
	v30 =	vmax.f32 v61, v42  }
0xfe: {  	v10 =	vld [tilespmem:s7+$0xFFFFFF40];
	v24 =	vmax.f32 v24, v43;
	v16 =	vmax.f32 v16, v4;
	v28 =	vmax.f32 v30, v44  }
0xff: {  	v4 =	vld [tilespmem:s7+$0xFFFFFF50];
	v30 =	vmax.f32 v63, v6;
	v12 =	vmax.f32 v24, v12;
	v24 =	vmax.f32 v28, v45  }
0x100: {  	v6 =	vld [tilespmem:s7+$0xFFFFFF30];
	v3 =	vmax.f32 v30, v3;
	v8 =	vmax.f32 v12, v8;
	v12 =	vmax.f32 v24, v46  }
0x101: {  	v3 =	vmax.f32 v3, v16;
	v16 =	vld [tilespmem:s7+$0xFFFFFF60];
	v8 =	vmax.f32 v8, v12  }
0x102: {  	v24 =	vld [tilespmem:s7+$0xFFFFFF70];
	v3 =	vmax.f32 v3, v8  }
0x103: {  	v8 =	vld [tilespmem:s7+$0xFFFFFFA0];
	vm15 =	vgt.f32 v3, v1  }
0x104: {  	s1 =	simm.s32 $0x31;
	v12 =	vld [tilespmem:s7+$0xFFFFFFB0];
	v3 =	vsel vm15, v3, v1;
	v1 =	vsel vm15, s0, v13;
	s0 =	simm.s32 $0x30  }
.LBB2_9:
0x105: {  	p1 =	sne.s32 s1, $0x3F;
	v13 =	vld [tilespmem:s7+$0xFFFFFFF0]  }
0x106: {  	v10 =	vmax.f32 v23, v10;
	v23 =	vld [tilespmem:s7+$0x30]  }
0x107: {  	v4 =	vmax.f32 v20, v4;
	v14 =	vmax.f32 v14, v16;
	v6 =	vmax.f32 v6, v24;
	v16 =	vld [tilespmem:s7+$0x60]  }
0x108: {  	v10 =	vmax.f32 v10, v31;
	v4 =	vmax.f32 v4, v26;
	v8 =	vmax.f32 v14, v8;
	v14 =	vld [tilespmem:s7+$0x70]  }
0x109: {  	v10 =	vmax.f32 v10, v25;
	v4 =	vmax.f32 v4, v27;
	v6 =	vmax.f32 v6, v12;
	v12 =	vld [tilespmem:s7+$0xB0]  }
0x10a: {  	v10 =	vmax.f32 v10, v21;
	v8 =	vmax.f32 v8, v29;
	v6 =	vmax.f32 v6, v13;
	v13 =	vld [tilespmem:s7+$0xF0];
	s7 =	sadd.s32 $0x200, s7  }
0x10b: {  	v4 =	vmax.f32 v4, v19;
	v8 =	vmax.f32 v8, v22;
	v20 =	vld [tilespmem:s7+$0xC0];
	v6 =	vmax.f32 v6, v23  }
0x10c: {  	v10 =	vmax.f32 v10, v17;
	v4 =	vmax.f32 v4, v18;
	v19 =	vld [tilespmem:s7+$0xD0];
	v8 =	vmax.f32 v8, v16  }
0x10d: {  	v10 =	vmax.f32 v10, v5;
	v4 =	vmax.f32 v4, v11;
	v16 =	vld [tilespmem:s7+$0xE0];
	v6 =	vmax.f32 v6, v14  }
0x10e: {  	v10 =	vmax.f32 v10, v2;
	v8 =	vmax.f32 v8, v15;
	v5 =	vld [tilespmem:s7+$0x80];
	v6 =	vmax.f32 v6, v12  }
0x10f: {  	v4 =	vmax.f32 v4, v7;
	v8 =	vmax.f32 v8, v9;
	v11 =	vld [tilespmem:s7+$0x90];
	v6 =	vmax.f32 v6, v13  }
0x110: {  	v4 =	vmax.f32 v10, v4;
	v15 =	vld [tilespmem:s7+$0xA0];
	v6 =	vmax.f32 v8, v6;
	v2 =	vmov v20  }
0x111: {  	v17 =	vld [tilespmem:s7+$0x40];
	v4 =	vmax.f32 v4, v6;
	v7 =	vmov v19  }
0x112: {  	v18 =	vld [tilespmem:s7+$0x50];
	vm15 =	vgt.f32 v4, v3;
	v9 =	vmov v16  }
0x113: {  	v21 =	vld [tilespmem:s7+$0x0];
	v3 =	vsel vm15, v4, v3;
	v1 =	vsel vm15, s0, v1;
	s0 =	smov.u32 s1  }
0x114: {  	v19 =	vld [tilespmem:s7+$0x10]  }
0x115: {  	v22 =	vld [tilespmem:s7+$0x20]  }
0x116: {  	v25 =	vld [tilespmem:s7+$0xFFFFFFC0]  }
0x117: {  	v27 =	vld [tilespmem:s7+$0xFFFFFFD0]  }
0x118: {  	v29 =	vld [tilespmem:s7+$0xFFFFFFE0]  }
0x119: {  	v31 =	vld [tilespmem:s7+$0xFFFFFF80]  }
0x11a: {  	v26 =	vld [tilespmem:s7+$0xFFFFFF90]  }
0x11b: {  	v23 =	vld [tilespmem:s7+$0xFFFFFF00]  }
0x11c: {  	v20 =	vld [tilespmem:s7+$0xFFFFFF10]  }
0x11d: {  	v14 =	vld [tilespmem:s7+$0xFFFFFF20]  }
0x11e: {  	v6 =	vld [tilespmem:s7+$0xFFFFFF30]  }
0x11f: {  	v10 =	vld [tilespmem:s7+$0xFFFFFF40]  }
.Ltmp3:
0x120: {  	v4 =	vld [tilespmem:s7+$0xFFFFFF50];
	(pc) =	sbr.rel @p1 .LBB2_9-.Ltmp3, $4  }
0x121: {  	v16 =	vld [tilespmem:s7+$0xFFFFFF60]  }
0x122: {  	v24 =	vld [tilespmem:s7+$0xFFFFFF70]  }
0x123: {  	v8 =	vld [tilespmem:s7+$0xFFFFFFA0]  }
0x124: {  	s1 =	sadd.s32 $0x1, s1;
	v12 =	vld [tilespmem:s7+$0xFFFFFFB0]  }
0x125: {  	v13 =	vld [tilespmem:s7+$0xFFFFFFF0]  }
0x126: {  	v10 =	vmax.f32 v23, v10;
	v57 =	vld [tilespmem:s7+$0x30]  }
0x127: {  	v4 =	vmax.f32 v20, v4;
	v58 =	vld [tilespmem:s7+$0x60];
	v14 =	vmax.f32 v14, v16;
	v10 =	vmax.f32 v10, v31  }
0x128: {  	v59 =	vld [tilespmem:s7+$0x70];
	v4 =	vmax.f32 v4, v26;
	v6 =	vmax.f32 v6, v24;
	v10 =	vmax.f32 v10, v25  }
0x129: {  	v60 =	vld [tilespmem:s7+$0xB0];
	v4 =	vmax.f32 v4, v27;
	v8 =	vmax.f32 v14, v8;
	v10 =	vmax.f32 v10, v21  }
0x12a: {  	v61 =	vld [tilespmem:s7+$0xF0];
	v4 =	vmax.f32 v4, v19;
	v6 =	vmax.f32 v6, v12;
	v8 =	vmax.f32 v8, v29  }
0x12b: {  	v10 =	vmax.f32 v10, v17;
	v4 =	vmax.f32 v4, v18;
	v6 =	vmax.f32 v6, v13  }
0x12c: {  	v8 =	vmax.f32 v8, v22;
	v5 =	vmax.f32 v10, v5;
	v6 =	vmax.f32 v6, v57  }
0x12d: {  	v4 =	vmax.f32 v4, v11;
	v8 =	vmax.f32 v8, v58;
	v6 =	vmax.f32 v6, v59  }
0x12e: {  	v2 =	vmax.f32 v5, v2;
	v8 =	vmax.f32 v8, v15;
	v6 =	vmax.f32 v6, v60  }
0x12f: {  	v4 =	vmax.f32 v4, v7;
	v62 =	vmax.f32 v8, v9;
	v6 =	vmax.f32 v6, v61  }
0x130: {  	v2 =	vmax.f32 v2, v4;
	v63 =	vmax.f32 v62, v6  }
0x131: {  	v2 =	vmax.f32 v2, v63  }
0x132: {  	vm15 =	vgt.f32 v2, v3  }
0x133: {  	v2 =	vsel vm15, v2, v3  }
0x134: {  	(v2sf) =	vpush v2, $0x0  }
0x135: {  	(v2sf) =	vpush v2, $0x1  }
0x136: {  	(v2sf) =	vpush v2, $0x2  }
0x137: {  	(v2sf) =	vpush v2, $0x3  }
0x138: {  	(v2sf) =	vpush v2, $0x4  }
0x139: {  	(v2sf) =	vpush v2, $0x5  }
0x13a: {  	(v2sf) =	vpush v2, $0x6  }
0x13b: {  	(v2sf) =	vpush v2, $0x7  }
0x13c: {  	(v2sf) =	vpush v2, $0x8  }
0x13d: {  	(v2sf) =	vpush v2, $0x9  }
0x13e: {  	(v2sf) =	vpush v2, $0xA  }
0x13f: {  	(v2sf) =	vpush v2, $0xB  }
0x140: {  	(v2sf) =	vpush v2, $0xC  }
0x141: {  	(v2sf) =	vpush v2, $0xD  }
0x142: {  	(v2sf) =	vpush v2, $0xE  }
0x143: {  	s1 =	spop (v2sf);
	(v2sf) =	vpush v2, $0xF  }
0x144: {  	s2 =	spop (v2sf)  }
0x145: {  	s1 =	smax.f32 s1, s2;
	s22 =	spop (v2sf)  }
0x146: {  	s1 =	smax.f32 s1, s22;
	s23 =	spop (v2sf)  }
0x147: {  	s1 =	smax.f32 s1, s23;
	s28 =	spop (v2sf)  }
0x148: {  	s1 =	smax.f32 s1, s28;
	s31 =	spop (v2sf)  }
0x149: {  	s1 =	smax.f32 s1, s31;
	s3 =	spop (v2sf)  }
0x14a: {  	s1 =	smax.f32 s1, s3;
	s7 =	spop (v2sf)  }
0x14b: {  	s1 =	smax.f32 s1, s7;
	s14 =	spop (v2sf)  }
0x14c: {  	s1 =	smax.f32 s1, s14;
	s15 =	spop (v2sf)  }
0x14d: {  	s1 =	smax.f32 s1, s15;
	s16 =	spop (v2sf)  }
0x14e: {  	s1 =	smax.f32 s1, s16;
	s17 =	spop (v2sf)  }
0x14f: {  	s1 =	smax.f32 s1, s17;
	s18 =	spop (v2sf)  }
0x150: {  	s1 =	smax.f32 s1, s18;
	s19 =	spop (v2sf)  }
0x151: {  	s1 =	smax.f32 s1, s19;
	s20 =	spop (v2sf)  }
0x152: {  	s1 =	smax.f32 s1, s20;
	s21 =	spop (v2sf)  }
0x153: {  	s1 =	smax.f32 s1, s21  }
0x154: {  	v1 =	vsel vm15, s0, v1;
	vm15 =	veq.f32 v2, s1  }
0x155: {  	v1 =	vnsel vm15, $0x100000, v1  }
0x156: {  	(v2sf) =	vpush v1, $0x0  }
0x157: {  	(v2sf) =	vpush v1, $0x1;
	_ =	sdelay $0x1  }
0x158: {  	(v2sf) =	vpush v1, $0x2;
	_ =	sdelay $0x1  }
0x159: {  	(v2sf) =	vpush v1, $0x3;
	_ =	sdelay $0x1  }
0x15a: {  	(v2sf) =	vpush v1, $0x4;
	_ =	sdelay $0x1  }
0x15b: {  	(v2sf) =	vpush v1, $0x5;
	_ =	sdelay $0x1  }
0x15c: {  	(v2sf) =	vpush v1, $0x6;
	_ =	sdelay $0x1  }
0x15d: {  	s0 =	sadd.s32 @!p0 s30, s12;
	s2 =	simm.s32 @!p0 $0x0;
	s3 =	simm.s32 @!p0 $0x6000;
	(v2sf) =	vpush v1, $0x7  }
0x15e: {  	[tilespmem:s3], [sflag:$0x4] =	stream.linear.gather @!p0 [hbm4b:s0+s2], $0x2000, $0x38;
	[tilespmem:$0x9180] =	vst v63  }
0x15f: {  	s0 =	spop (v2sf);
	(v2sf) =	vpush v1, $0x8  }
0x160: {  	s2 =	spop (v2sf)  }
0x161: {  	(v2sf) =	vpush v1, $0x9;
	p0 =	slt.s32 s0, s2  }
0x162: {  	s2 =	smov.u32 @p0 s0;
	s0 =	spop (v2sf)  }
0x163: {  	(v2sf) =	vpush v1, $0xA;
	p0 =	slt.s32 s2, s0  }
0x164: {  	s0 =	smov.u32 @p0 s2;
	s2 =	spop (v2sf)  }
0x165: {  	(v2sf) =	vpush v1, $0xB;
	p0 =	slt.s32 s0, s2  }
0x166: {  	s2 =	smov.u32 @p0 s0;
	s0 =	spop (v2sf)  }
0x167: {  	(v2sf) =	vpush v1, $0xC;
	p0 =	slt.s32 s2, s0  }
0x168: {  	s0 =	smov.u32 @p0 s2;
	s2 =	spop (v2sf)  }
0x169: {  	(v2sf) =	vpush v1, $0xD;
	p0 =	slt.s32 s0, s2  }
0x16a: {  	s2 =	smov.u32 @p0 s0;
	s0 =	spop (v2sf)  }
0x16b: {  	(v2sf) =	vpush v1, $0xE;
	p0 =	slt.s32 s2, s0  }
0x16c: {  	s0 =	smov.u32 @p0 s2;
	s2 =	spop (v2sf)  }
0x16d: {  	(v2sf) =	vpush v1, $0xF;
	p0 =	slt.s32 s0, s2  }
0x16e: {  	s3 =	spop (v2sf);
	s2 =	smov.u32 @p0 s0  }
0x16f: {  	p0 =	slt.s32 s2, s3  }
0x170: {  	s0 =	spop (v2sf);
	s3 =	smov.u32 @p0 s2  }
0x171: {  	p0 =	slt.s32 s3, s0  }
0x172: {  	s2 =	spop (v2sf);
	s0 =	smov.u32 @p0 s3  }
0x173: {  	p0 =	slt.s32 s0, s2  }
0x174: {  	s3 =	spop (v2sf);
	s2 =	smov.u32 @p0 s0  }
0x175: {  	p0 =	slt.s32 s2, s3  }
0x176: {  	s0 =	spop (v2sf);
	s3 =	smov.u32 @p0 s2  }
0x177: {  	p0 =	slt.s32 s3, s0  }
0x178: {  	s2 =	spop (v2sf);
	s0 =	smov.u32 @p0 s3  }
0x179: {  	p0 =	slt.s32 s0, s2  }
0x17a: {  	s3 =	spop (v2sf);
	s2 =	smov.u32 @p0 s0  }
0x17b: {  	p0 =	slt.s32 s2, s3  }
0x17c: {  	s0 =	spop (v2sf);
	s3 =	smov.u32 @p0 s2  }
0x17d: {  	p0 =	slt.s32 s3, s0  }
0x17e: {  	s30 =	sshll.u32 s29, $0x9;
	s22 =	sadd.s32 s4, s29;
	s0 =	smov.u32 @p0 s3  }
0x17f: {  	s28 =	sshll.u32 s29, $0x4;
	s29 =	sadd.s32 $0x1, s29;
	p0 =	slt.s32 s0, $0x100000  }
0x180: {  	v1 =	vmov s1;
	s0 =	simm.s32 @!p0 $0x100000;
	p0 =	sne.s32 s29, $0x4  }
.Ltmp4:
0x181: {  	s1 =	sshll.u32 s22, $0xF;
	v1 =	vadd.f32 $0.0e+00, v1;
	s23 =	sshll.u32 s0, $0x9;
	(pc) =	sbr.rel @p0 .LBB2_2-.Ltmp4, $4  }
0x182: {  	s1 =	sadd.s32 s1, s23  }
0x183: {  	s31 =	sand.u32 $0x3FFFFE00, s30;
	[tilespmem:s28+$0x9080] =	vst v1;
	v2 =	vmov s0;
	s1 =	sshrl.u32 s1, $0x3  }
0x184: {  	s0 =	sadd.s32 $0x8000, s31;
	[tilespmem:s28+$0x9100] =	vst v2;
	s1 =	sadd.s32 s5, s1  }
0x185: {  	[tilespmem:s0], [sflag:$0x5] =	stream.linear.gather [hbm4b:s1+s10], $0x200, $0x38;
	[tilespmem:$0x9180] =	vst v63  }
0x186: {  	s0 =	simm.s32 $0x5  }
0x187: {  	_ =	swait.ge [sflag:s0], $0x800  }
0x188: {  	[sflag:s0] =	ssyncset.done $0x0  }
0x189: {  	[sflag:s0] =	ssyncadd.s32 $0xFFFFF800  }
0x18a: {  	s29 =	simm.s32 $0x8020;
	v1 =	vld [tilespmem:$0x9080]  }
0x18b: {  	v2 =	vld [tilespmem:s29+$0xFFFFFFE0];
	_ =	sdelay $0x2  }
0x18c: {  	v3 =	vimm.s32 $0x100000;
	s1 =	simm.s32 $0x0;
	v4 =	vld [tilespmem:s29+$0xFFFFFFF0]  }
0x18d: {  	vm15 =	vlt.s32 v3, s1  }
0x18e: {  	vm0 =	veq.f32 v2, v1;
	v2 =	vnsel vm15, s1, v3  }
0x18f: {  	s30 =	simm.s32 $0x1;
	v2 =	vsel vm0, v2, v3;
	v3 =	vld [tilespmem:s29+$0x0]  }
0x190: {  	vm0 =	vlt.s32 v2, s30  }
0x191: {  	vm15 =	veq.f32 v4, v1;
	v4 =	vnsel vm0, s30, v2  }
0x192: {  	s31 =	simm.s32 $0x2;
	v4 =	vsel vm15, v4, v2;
	v2 =	vld [tilespmem:s29+$0x10]  }
0x193: {  	vm0 =	vlt.s32 v4, s31  }
0x194: {  	s1 =	simm.s32 $0x8060;
	vm15 =	veq.f32 v3, v1;
	v5 =	vnsel vm0, s31, v4  }
0x195: {  	s2 =	simm.s32 $0x8;
	s3 =	simm.s32 $0x3;
	s0 =	simm.s32 $0x4;
	v3 =	vld [tilespmem:s1+$0xFFFFFFE0];
	v4 =	vsel vm15, v5, v4  }
.LBB2_12:
0x196: {  	p0 =	sne.s32 s2, $0x1C;
	vm0 =	vlt.s32 v4, s3  }
0x197: {  	vm15 =	veq.f32 v2, v1;
	v2 =	vnsel vm0, s3, v4  }
0x198: {  	v5 =	vld [tilespmem:s1+$0xFFFFFFF0];
	v2 =	vsel vm15, v2, v4  }
0x199: {  	vm0 =	vlt.s32 v2, s0  }
0x19a: {  	vm15 =	veq.f32 v3, v1;
	v3 =	vnsel vm0, s0, v2  }
0x19b: {  	s3 =	sadd.s32 $0x1, s0;
	v2 =	vsel vm15, v3, v2;
	v3 =	vld [tilespmem:s1+$0x0]  }
0x19c: {  	vm0 =	vlt.s32 v2, s3  }
.Ltmp5:
0x19d: {  	vm15 =	veq.f32 v5, v1;
	v4 =	vnsel vm0, s3, v2;
	(pc) =	sbr.rel @p0 .LBB2_12-.Ltmp5, $4  }
0x19e: {  	s3 =	sadd.s32 $0x2, s0;
	v4 =	vsel vm15, v4, v2;
	v2 =	vld [tilespmem:s1+$0x10]  }
0x19f: {  	vm0 =	vlt.s32 v4, s3  }
0x1a0: {  	s1 =	sadd.s32 $0x40, s1;
	vm15 =	veq.f32 v3, v1;
	v5 =	vnsel vm0, s3, v4  }
0x1a1: {  	s3 =	sadd.s32 $0x3, s0;
	s0 =	smov.u32 s2;
	s2 =	sadd.s32 $0x4, s2;
	v3 =	vld [tilespmem:s1+$0xFFFFFFE0];
	v4 =	vsel vm15, v5, v4  }
0x1a2: {  	vm0 =	vlt.s32 v4, s3  }
0x1a3: {  	vm15 =	veq.f32 v2, v1;
	v2 =	vnsel vm0, s3, v4  }
0x1a4: {  	v5 =	vld [tilespmem:s1+$0xFFFFFFF0];
	v2 =	vsel vm15, v2, v4  }
0x1a5: {  	vm0 =	vlt.s32 v2, s0  }
0x1a6: {  	vm15 =	veq.f32 v3, v1;
	v3 =	vnsel vm0, s0, v2  }
0x1a7: {  	s2 =	sadd.s32 $0x1, s0;
	v2 =	vsel vm15, v3, v2;
	v3 =	vld [tilespmem:s1+$0x0]  }
0x1a8: {  	vm0 =	vlt.s32 v2, s2  }
0x1a9: {  	vm15 =	veq.f32 v5, v1;
	v4 =	vnsel vm0, s2, v2  }
0x1aa: {  	s13 =	sadd.s32 $0x2, s0;
	v2 =	vsel vm15, v4, v2;
	v4 =	vld [tilespmem:s1+$0x10]  }
0x1ab: {  	vm0 =	vlt.s32 v2, s13  }
0x1ac: {  	vm15 =	veq.f32 v3, v1;
	v3 =	vnsel vm0, s13, v2  }
0x1ad: {  	s14 =	sadd.s32 $0x3, s0;
	v2 =	vsel vm15, v3, v2  }
0x1ae: {  	vm0 =	vlt.s32 v2, s14  }
0x1af: {  	vm15 =	veq.f32 v4, v1;
	v1 =	vnsel vm0, s14, v2  }
0x1b0: {  	v1 =	vsel vm15, v1, v2  }
0x1b1: {  	v1 =	vshll.u32 v1, $0x4  }
0x1b2: {  	v1 =	vor.u32 v0, v1  }
0x1b3: {  	(v2sf) =	vpush v1, $0x0  }
0x1b4: {  	(v2sf) =	vpush v1, $0x1;
	_ =	sdelay $0x1  }
0x1b5: {  	(v2sf) =	vpush v1, $0x2;
	_ =	sdelay $0x1  }
0x1b6: {  	(v2sf) =	vpush v1, $0x3;
	_ =	sdelay $0x1  }
0x1b7: {  	(v2sf) =	vpush v1, $0x4;
	_ =	sdelay $0x1  }
0x1b8: {  	(v2sf) =	vpush v1, $0x5;
	_ =	sdelay $0x1  }
0x1b9: {  	(v2sf) =	vpush v1, $0x6;
	_ =	sdelay $0x1  }
0x1ba: {  	(v2sf) =	vpush v1, $0x7;
	_ =	sdelay $0x1  }
0x1bb: {  	s0 =	spop (v2sf);
	(v2sf) =	vpush v1, $0x8  }
0x1bc: {  	s1 =	spop (v2sf)  }
0x1bd: {  	(v2sf) =	vpush v1, $0x9;
	p0 =	slt.s32 s0, s1  }
0x1be: {  	s1 =	smov.u32 @p0 s0;
	s0 =	spop (v2sf)  }
0x1bf: {  	(v2sf) =	vpush v1, $0xA;
	p0 =	slt.s32 s1, s0  }
0x1c0: {  	s0 =	smov.u32 @p0 s1;
	s1 =	spop (v2sf)  }
0x1c1: {  	(v2sf) =	vpush v1, $0xB;
	p0 =	slt.s32 s0, s1  }
0x1c2: {  	s1 =	smov.u32 @p0 s0;
	s0 =	spop (v2sf)  }
0x1c3: {  	(v2sf) =	vpush v1, $0xC;
	p0 =	slt.s32 s1, s0  }
0x1c4: {  	s0 =	smov.u32 @p0 s1;
	s1 =	spop (v2sf)  }
0x1c5: {  	(v2sf) =	vpush v1, $0xD;
	p0 =	slt.s32 s0, s1  }
0x1c6: {  	s1 =	smov.u32 @p0 s0;
	s0 =	spop (v2sf)  }
0x1c7: {  	(v2sf) =	vpush v1, $0xE;
	p0 =	slt.s32 s1, s0  }
0x1c8: {  	v2 =	vld [tilespmem:$0x9100];
	s0 =	smov.u32 @p0 s1;
	s1 =	spop (v2sf)  }
0x1c9: {  	(v2sf) =	vpush v1, $0xF;
	p0 =	slt.s32 s0, s1  }
0x1ca: {  	s2 =	spop (v2sf);
	s1 =	smov.u32 @p0 s0  }
0x1cb: {  	p0 =	slt.s32 s1, s2  }
0x1cc: {  	s0 =	spop (v2sf);
	s2 =	smov.u32 @p0 s1  }
0x1cd: {  	(v2sf) =	vpush v2, $0x0;
	p0 =	slt.s32 s2, s0  }
0x1ce: {  	s1 =	spop (v2sf);
	s0 =	smov.u32 @p0 s2  }
0x1cf: {  	p0 =	slt.s32 s0, s1  }
0x1d0: {  	s2 =	spop (v2sf);
	s1 =	smov.u32 @p0 s0  }
0x1d1: {  	p0 =	slt.s32 s1, s2  }
0x1d2: {  	s0 =	spop (v2sf);
	s2 =	smov.u32 @p0 s1  }
0x1d3: {  	p0 =	slt.s32 s2, s0  }
0x1d4: {  	s1 =	spop (v2sf);
	s0 =	smov.u32 @p0 s2  }
0x1d5: {  	p0 =	slt.s32 s0, s1  }
0x1d6: {  	s2 =	spop (v2sf);
	s1 =	smov.u32 @p0 s0  }
0x1d7: {  	p0 =	slt.s32 s1, s2  }
0x1d8: {  	s29 =	spop (v2sf);
	s2 =	smov.u32 @p0 s1  }
0x1d9: {  	p0 =	slt.s32 s2, s29  }
0x1da: {  	s29 =	smov.u32 @p0 s2  }
0x1db: {  	p0 =	slt.s32 s29, $0x2000000  }
0x1dc: {  	s15 =	spop (v2sf);
	s29 =	simm.s32 @!p0 $0x2000000  }
0x1dd: {  	s0 =	sshll.u32 s15, $0xB;
	s16 =	sshll.u32 s29, $0x2  }
0x1de: {  	s0 =	sadd.s32 s16, s0  }
0x1df: {  	s17 =	rddreg [dreg:$0xb];
	s0 =	sand.u32 $0xFFFFFE00, s0  }
0x1e0: {  	s0 =	sadd.s32 s17, s0  }
0x1e1: {  	s0 =	sshrl.u32 s0, $0x3  }
0x1e2: {  	s18 =	simm.s32 $0x0;
	s19 =	simm.s32 $0x8800;
	s0 =	sadd.s32 s9, s0  }
0x1e3: {  	[tilespmem:s19], [sflag:$0x6] =	stream.linear.gather [hbm4b:s0+s18], $0x200, $0x38;
	[tilespmem:$0x9180] =	vst v63  }
0x1e4: {  	s20 =	sand.u32 $0x1C0, s18;
	v1 =	vld [tilespmem:$0x9090]  }
0x1e5: {  	v2 =	vld [tilespmem:s20+$0x8200]  }
0x1e6: {  	s21 =	simm.s32 $0x10  }
0x1e7: {  	s0 =	sand.u32 $0x1D0, s21  }
0x1e8: {  	s22 =	simm.s32 $0x0;
	v3 =	vimm.s32 $0x100000;
	v4 =	vld [tilespmem:s0+$0x8200]  }
0x1e9: {  	s23 =	simm.s32 $0x20;
	vm0 =	vlt.s32 v3, s22  }
0x1ea: {  	s0 =	sand.u32 $0x1E0, s23;
	vm15 =	veq.f32 v2, v1;
	v2 =	vnsel vm0, s22, v3  }
0x1eb: {  	s28 =	simm.s32 $0x1;
	v5 =	vld [tilespmem:s0+$0x8200];
	v2 =	vsel vm15, v2, v3  }
0x1ec: {  	s30 =	simm.s32 $0x30;
	vm0 =	vlt.s32 v2, s28  }
0x1ed: {  	s31 =	sand.u32 $0x1F0, s30;
	vm15 =	veq.f32 v4, v1;
	v3 =	vnsel vm0, s28, v2  }
0x1ee: {  	s4 =	simm.s32 $0x2;
	v3 =	vsel vm15, v3, v2;
	v2 =	vld [tilespmem:s31+$0x8200]  }
0x1ef: {  	s0 =	simm.s32 $0x40;
	vm0 =	vlt.s32 v3, s4  }
0x1f0: {  	s1 =	simm.s32 $0x3;
	s2 =	simm.s32 $0x80;
	s3 =	sand.u32 $0x1C0, s0;
	vm15 =	veq.f32 v5, v1;
	v4 =	vnsel vm0, s4, v3  }
.LBB2_14:
0x1f1: {  	p0 =	sne.s32 s2, $0x1C0;
	v5 =	vld [tilespmem:s3+$0x8200];
	v3 =	vsel vm15, v4, v3  }
0x1f2: {  	s3 =	sadd.s32 $0x10, s0;
	vm0 =	vlt.s32 v3, s1  }
0x1f3: {  	s3 =	sand.u32 $0x1D0, s3;
	vm15 =	veq.f32 v2, v1;
	v2 =	vnsel vm0, s1, v3;
	s1 =	sadd.s32 $0x4, s1  }
0x1f4: {  	s4 =	sadd.s32 $0xFFFFFFFD, s1;
	v4 =	vld [tilespmem:s3+$0x8200];
	v2 =	vsel vm15, v2, v3  }
0x1f5: {  	s3 =	sadd.s32 $0x20, s0;
	vm0 =	vlt.s32 v2, s4  }
0x1f6: {  	s3 =	sand.u32 $0x1E0, s3;
	vm15 =	veq.f32 v5, v1;
	v3 =	vnsel vm0, s4, v2  }
0x1f7: {  	s4 =	sadd.s32 $0xFFFFFFFE, s1;
	v2 =	vsel vm15, v3, v2;
	v5 =	vld [tilespmem:s3+$0x8200]  }
.Ltmp6:
0x1f8: {  	s3 =	sadd.s32 $0x30, s0;
	s0 =	smov.u32 s2;
	vm0 =	vlt.s32 v2, s4;
	(pc) =	sbr.rel @p0 .LBB2_14-.Ltmp6, $4  }
0x1f9: {  	s3 =	sand.u32 $0x1F0, s3;
	vm15 =	veq.f32 v4, v1;
	v3 =	vnsel vm0, s4, v2  }
0x1fa: {  	s4 =	sadd.s32 $0xFFFFFFFF, s1;
	v3 =	vsel vm15, v3, v2;
	v2 =	vld [tilespmem:s3+$0x8200]  }
0x1fb: {  	vm0 =	vlt.s32 v3, s4  }
0x1fc: {  	s2 =	sadd.s32 $0x40, s2;
	s3 =	sand.u32 $0x1C0, s0;
	vm15 =	veq.f32 v5, v1;
	v4 =	vnsel vm0, s4, v3  }
0x1fd: {  	v5 =	vld [tilespmem:s3+$0x8200];
	v3 =	vsel vm15, v4, v3  }
0x1fe: {  	s2 =	sadd.s32 $0x10, s0;
	vm0 =	vlt.s32 v3, s1  }
0x1ff: {  	s5 =	sadd.s32 $0x4, s1;
	s2 =	sand.u32 $0x1D0, s2;
	vm15 =	veq.f32 v2, v1;
	v2 =	vnsel vm0, s1, v3  }
0x200: {  	s7 =	sadd.s32 $0xFFFFFFFD, s5;
	v4 =	vld [tilespmem:s2+$0x8200];
	v2 =	vsel vm15, v2, v3  }
0x201: {  	s8 =	sadd.s32 $0x20, s0;
	vm0 =	vlt.s32 v2, s7  }
0x202: {  	s2 =	sand.u32 $0x1E0, s8;
	vm15 =	veq.f32 v5, v1;
	v3 =	vnsel vm0, s7, v2  }
0x203: {  	s11 =	sadd.s32 $0xFFFFFFFE, s5;
	v2 =	vsel vm15, v3, v2;
	v3 =	vld [tilespmem:s2+$0x8200]  }
0x204: {  	s12 =	sadd.s32 $0x30, s0;
	vm0 =	vlt.s32 v2, s11  }
0x205: {  	s0 =	sand.u32 $0x1F0, s12;
	vm15 =	veq.f32 v4, v1;
	v4 =	vnsel vm0, s11, v2  }
0x206: {  	s13 =	sadd.s32 $0xFFFFFFFF, s5;
	v2 =	vsel vm15, v4, v2;
	v4 =	vld [tilespmem:s0+$0x8200]  }
0x207: {  	vm0 =	vlt.s32 v2, s13  }
0x208: {  	vm15 =	veq.f32 v3, v1;
	v3 =	vnsel vm0, s13, v2  }
0x209: {  	v2 =	vsel vm15, v3, v2  }
0x20a: {  	vm0 =	vlt.s32 v2, s5  }
0x20b: {  	vm15 =	veq.f32 v4, v1;
	v1 =	vnsel vm0, s5, v2  }
0x20c: {  	v1 =	vsel vm15, v1, v2  }
0x20d: {  	v1 =	vshll.u32 v1, $0x4  }
0x20e: {  	v1 =	vor.u32 v0, v1  }
0x20f: {  	(v2sf) =	vpush v1, $0x0  }
0x210: {  	(v2sf) =	vpush v1, $0x1;
	_ =	sdelay $0x1  }
0x211: {  	(v2sf) =	vpush v1, $0x2;
	_ =	sdelay $0x1  }
0x212: {  	(v2sf) =	vpush v1, $0x3;
	_ =	sdelay $0x1  }
0x213: {  	(v2sf) =	vpush v1, $0x4;
	_ =	sdelay $0x1  }
0x214: {  	(v2sf) =	vpush v1, $0x5;
	_ =	sdelay $0x1  }
0x215: {  	(v2sf) =	vpush v1, $0x6;
	_ =	sdelay $0x1  }
0x216: {  	(v2sf) =	vpush v1, $0x7;
	_ =	sdelay $0x1  }
0x217: {  	s0 =	spop (v2sf);
	(v2sf) =	vpush v1, $0x8  }
0x218: {  	s1 =	spop (v2sf)  }
0x219: {  	(v2sf) =	vpush v1, $0x9;
	p0 =	slt.s32 s0, s1  }
0x21a: {  	s1 =	smov.u32 @p0 s0;
	s0 =	spop (v2sf)  }
0x21b: {  	(v2sf) =	vpush v1, $0xA;
	p0 =	slt.s32 s1, s0  }
0x21c: {  	s0 =	smov.u32 @p0 s1;
	s1 =	spop (v2sf)  }
0x21d: {  	(v2sf) =	vpush v1, $0xB;
	p0 =	slt.s32 s0, s1  }
0x21e: {  	s1 =	smov.u32 @p0 s0;
	s0 =	spop (v2sf)  }
0x21f: {  	(v2sf) =	vpush v1, $0xC;
	p0 =	slt.s32 s1, s0  }
0x220: {  	s0 =	smov.u32 @p0 s1;
	s1 =	spop (v2sf)  }
0x221: {  	(v2sf) =	vpush v1, $0xD;
	p0 =	slt.s32 s0, s1  }
0x222: {  	s1 =	smov.u32 @p0 s0;
	s0 =	spop (v2sf)  }
0x223: {  	(v2sf) =	vpush v1, $0xE;
	p0 =	slt.s32 s1, s0  }
0x224: {  	v2 =	vld [tilespmem:$0x9110];
	s0 =	smov.u32 @p0 s1;
	s1 =	spop (v2sf)  }
0x225: {  	(v2sf) =	vpush v1, $0xF;
	p0 =	slt.s32 s0, s1  }
0x226: {  	s2 =	spop (v2sf);
	s1 =	smov.u32 @p0 s0  }
0x227: {  	p0 =	slt.s32 s1, s2  }
0x228: {  	s0 =	spop (v2sf);
	s2 =	smov.u32 @p0 s1  }
0x229: {  	(v2sf) =	vpush v2, $0x0;
	p0 =	slt.s32 s2, s0  }
0x22a: {  	s1 =	spop (v2sf);
	s0 =	smov.u32 @p0 s2  }
0x22b: {  	p0 =	slt.s32 s0, s1  }
0x22c: {  	s2 =	spop (v2sf);
	s1 =	smov.u32 @p0 s0  }
0x22d: {  	p0 =	slt.s32 s1, s2  }
0x22e: {  	s0 =	spop (v2sf);
	s2 =	smov.u32 @p0 s1  }
0x22f: {  	p0 =	slt.s32 s2, s0  }
0x230: {  	s1 =	spop (v2sf);
	s0 =	smov.u32 @p0 s2  }
0x231: {  	p0 =	slt.s32 s0, s1  }
0x232: {  	s2 =	spop (v2sf);
	s1 =	smov.u32 @p0 s0  }
0x233: {  	p0 =	slt.s32 s1, s2  }
0x234: {  	s30 =	spop (v2sf);
	s2 =	smov.u32 @p0 s1  }
0x235: {  	p0 =	slt.s32 s2, s30  }
0x236: {  	s30 =	smov.u32 @p0 s2  }
0x237: {  	p0 =	slt.s32 s30, $0x2000000  }
0x238: {  	s14 =	spop (v2sf);
	s30 =	simm.s32 @!p0 $0x2000000  }
0x239: {  	s0 =	sshll.u32 s14, $0xB;
	s15 =	sshll.u32 s30, $0x2  }
0x23a: {  	s0 =	sadd.s32 s15, s0  }
0x23b: {  	s16 =	rddreg [dreg:$0xe];
	s0 =	sand.u32 $0xFFFFFE00, s0  }
0x23c: {  	s0 =	sadd.s32 s0, s16  }
0x23d: {  	s0 =	sshrl.u32 s0, $0x3  }
0x23e: {  	s17 =	simm.s32 $0x0;
	s18 =	simm.s32 $0x8A00;
	s0 =	sadd.s32 s9, s0  }
0x23f: {  	[tilespmem:s18], [sflag:$0x6] =	stream.linear.gather [hbm4b:s0+s17], $0x200, $0x38;
	[tilespmem:$0x9180] =	vst v63  }
0x240: {  	s19 =	sand.u32 $0x1C0, s17;
	v1 =	vld [tilespmem:$0x90A0]  }
0x241: {  	v2 =	vld [tilespmem:s19+$0x8400]  }
0x242: {  	s20 =	simm.s32 $0x10  }
0x243: {  	s0 =	sand.u32 $0x1D0, s20  }
0x244: {  	s21 =	simm.s32 $0x0;
	v3 =	vimm.s32 $0x100000;
	v4 =	vld [tilespmem:s0+$0x8400]  }
0x245: {  	s22 =	simm.s32 $0x20;
	vm0 =	vlt.s32 v3, s21  }
0x246: {  	s0 =	sand.u32 $0x1E0, s22;
	vm15 =	veq.f32 v2, v1;
	v2 =	vnsel vm0, s21, v3  }
0x247: {  	s23 =	simm.s32 $0x1;
	v5 =	vld [tilespmem:s0+$0x8400];
	v2 =	vsel vm15, v2, v3  }
0x248: {  	s28 =	simm.s32 $0x30;
	vm0 =	vlt.s32 v2, s23  }
0x249: {  	s31 =	sand.u32 $0x1F0, s28;
	vm15 =	veq.f32 v4, v1;
	v3 =	vnsel vm0, s23, v2  }
0x24a: {  	s4 =	simm.s32 $0x2;
	v3 =	vsel vm15, v3, v2;
	v2 =	vld [tilespmem:s31+$0x8400]  }
0x24b: {  	s0 =	simm.s32 $0x40;
	vm0 =	vlt.s32 v3, s4  }
0x24c: {  	s1 =	simm.s32 $0x3;
	s2 =	simm.s32 $0x80;
	s3 =	sand.u32 $0x1C0, s0;
	vm15 =	veq.f32 v5, v1;
	v4 =	vnsel vm0, s4, v3  }
.LBB2_16:
0x24d: {  	p0 =	sne.s32 s2, $0x1C0;
	v5 =	vld [tilespmem:s3+$0x8400];
	v3 =	vsel vm15, v4, v3  }
0x24e: {  	s3 =	sadd.s32 $0x10, s0;
	vm0 =	vlt.s32 v3, s1  }
0x24f: {  	s3 =	sand.u32 $0x1D0, s3;
	vm15 =	veq.f32 v2, v1;
	v2 =	vnsel vm0, s1, v3;
	s1 =	sadd.s32 $0x4, s1  }
0x250: {  	s4 =	sadd.s32 $0xFFFFFFFD, s1;
	v4 =	vld [tilespmem:s3+$0x8400];
	v2 =	vsel vm15, v2, v3  }
0x251: {  	s3 =	sadd.s32 $0x20, s0;
	vm0 =	vlt.s32 v2, s4  }
0x252: {  	s3 =	sand.u32 $0x1E0, s3;
	vm15 =	veq.f32 v5, v1;
	v3 =	vnsel vm0, s4, v2  }
0x253: {  	s4 =	sadd.s32 $0xFFFFFFFE, s1;
	v2 =	vsel vm15, v3, v2;
	v5 =	vld [tilespmem:s3+$0x8400]  }
.Ltmp7:
0x254: {  	s3 =	sadd.s32 $0x30, s0;
	s0 =	smov.u32 s2;
	vm0 =	vlt.s32 v2, s4;
	(pc) =	sbr.rel @p0 .LBB2_16-.Ltmp7, $4  }
0x255: {  	s3 =	sand.u32 $0x1F0, s3;
	vm15 =	veq.f32 v4, v1;
	v3 =	vnsel vm0, s4, v2  }
0x256: {  	s4 =	sadd.s32 $0xFFFFFFFF, s1;
	v3 =	vsel vm15, v3, v2;
	v2 =	vld [tilespmem:s3+$0x8400]  }
0x257: {  	vm0 =	vlt.s32 v3, s4  }
0x258: {  	s2 =	sadd.s32 $0x40, s2;
	s3 =	sand.u32 $0x1C0, s0;
	vm15 =	veq.f32 v5, v1;
	v4 =	vnsel vm0, s4, v3  }
0x259: {  	v5 =	vld [tilespmem:s3+$0x8400];
	v3 =	vsel vm15, v4, v3  }
0x25a: {  	s2 =	sadd.s32 $0x10, s0;
	vm0 =	vlt.s32 v3, s1  }
0x25b: {  	s5 =	sadd.s32 $0x4, s1;
	s2 =	sand.u32 $0x1D0, s2;
	vm15 =	veq.f32 v2, v1;
	v2 =	vnsel vm0, s1, v3  }
0x25c: {  	s7 =	sadd.s32 $0xFFFFFFFD, s5;
	v4 =	vld [tilespmem:s2+$0x8400];
	v2 =	vsel vm15, v2, v3  }
0x25d: {  	s8 =	sadd.s32 $0x20, s0;
	vm0 =	vlt.s32 v2, s7  }
0x25e: {  	s2 =	sand.u32 $0x1E0, s8;
	vm15 =	veq.f32 v5, v1;
	v3 =	vnsel vm0, s7, v2  }
0x25f: {  	s11 =	sadd.s32 $0xFFFFFFFE, s5;
	v2 =	vsel vm15, v3, v2;
	v3 =	vld [tilespmem:s2+$0x8400]  }
0x260: {  	s12 =	sadd.s32 $0x30, s0;
	vm0 =	vlt.s32 v2, s11  }
0x261: {  	s0 =	sand.u32 $0x1F0, s12;
	vm15 =	veq.f32 v4, v1;
	v4 =	vnsel vm0, s11, v2  }
0x262: {  	s13 =	sadd.s32 $0xFFFFFFFF, s5;
	v2 =	vsel vm15, v4, v2;
	v4 =	vld [tilespmem:s0+$0x8400]  }
0x263: {  	vm0 =	vlt.s32 v2, s13  }
0x264: {  	vm15 =	veq.f32 v3, v1;
	v3 =	vnsel vm0, s13, v2  }
0x265: {  	v2 =	vsel vm15, v3, v2  }
0x266: {  	vm0 =	vlt.s32 v2, s5  }
0x267: {  	vm15 =	veq.f32 v4, v1;
	v1 =	vnsel vm0, s5, v2  }
0x268: {  	v1 =	vsel vm15, v1, v2  }
0x269: {  	v1 =	vshll.u32 v1, $0x4  }
0x26a: {  	v1 =	vor.u32 v0, v1  }
0x26b: {  	(v2sf) =	vpush v1, $0x0  }
0x26c: {  	(v2sf) =	vpush v1, $0x1;
	_ =	sdelay $0x1  }
0x26d: {  	(v2sf) =	vpush v1, $0x2;
	_ =	sdelay $0x1  }
0x26e: {  	(v2sf) =	vpush v1, $0x3;
	_ =	sdelay $0x1  }
0x26f: {  	(v2sf) =	vpush v1, $0x4;
	_ =	sdelay $0x1  }
0x270: {  	(v2sf) =	vpush v1, $0x5;
	_ =	sdelay $0x1  }
0x271: {  	(v2sf) =	vpush v1, $0x6;
	_ =	sdelay $0x1  }
0x272: {  	(v2sf) =	vpush v1, $0x7;
	_ =	sdelay $0x1  }
0x273: {  	s0 =	spop (v2sf);
	(v2sf) =	vpush v1, $0x8  }
0x274: {  	s1 =	spop (v2sf)  }
0x275: {  	(v2sf) =	vpush v1, $0x9;
	p0 =	slt.s32 s0, s1  }
0x276: {  	s1 =	smov.u32 @p0 s0;
	s0 =	spop (v2sf)  }
0x277: {  	(v2sf) =	vpush v1, $0xA;
	p0 =	slt.s32 s1, s0  }
0x278: {  	s0 =	smov.u32 @p0 s1;
	s1 =	spop (v2sf)  }
0x279: {  	(v2sf) =	vpush v1, $0xB;
	p0 =	slt.s32 s0, s1  }
0x27a: {  	s1 =	smov.u32 @p0 s0;
	s0 =	spop (v2sf)  }
0x27b: {  	(v2sf) =	vpush v1, $0xC;
	p0 =	slt.s32 s1, s0  }
0x27c: {  	s0 =	smov.u32 @p0 s1;
	s1 =	spop (v2sf)  }
0x27d: {  	(v2sf) =	vpush v1, $0xD;
	p0 =	slt.s32 s0, s1  }
0x27e: {  	s1 =	smov.u32 @p0 s0;
	s0 =	spop (v2sf)  }
0x27f: {  	(v2sf) =	vpush v1, $0xE;
	p0 =	slt.s32 s1, s0  }
0x280: {  	v2 =	vld [tilespmem:$0x9120];
	s0 =	smov.u32 @p0 s1;
	s1 =	spop (v2sf)  }
0x281: {  	(v2sf) =	vpush v1, $0xF;
	p0 =	slt.s32 s0, s1  }
0x282: {  	s2 =	spop (v2sf);
	s1 =	smov.u32 @p0 s0  }
0x283: {  	p0 =	slt.s32 s1, s2  }
0x284: {  	s0 =	spop (v2sf);
	s2 =	smov.u32 @p0 s1  }
0x285: {  	(v2sf) =	vpush v2, $0x0;
	p0 =	slt.s32 s2, s0  }
0x286: {  	s1 =	spop (v2sf);
	s0 =	smov.u32 @p0 s2  }
0x287: {  	p0 =	slt.s32 s0, s1  }
0x288: {  	s2 =	spop (v2sf);
	s1 =	smov.u32 @p0 s0  }
0x289: {  	p0 =	slt.s32 s1, s2  }
0x28a: {  	s0 =	spop (v2sf);
	s2 =	smov.u32 @p0 s1  }
0x28b: {  	p0 =	slt.s32 s2, s0  }
0x28c: {  	s1 =	spop (v2sf);
	s0 =	smov.u32 @p0 s2  }
0x28d: {  	p0 =	slt.s32 s0, s1  }
0x28e: {  	s2 =	spop (v2sf);
	s1 =	smov.u32 @p0 s0  }
0x28f: {  	p0 =	slt.s32 s1, s2  }
0x290: {  	s8 =	spop (v2sf);
	s2 =	smov.u32 @p0 s1  }
0x291: {  	p0 =	slt.s32 s2, s8  }
0x292: {  	s8 =	smov.u32 @p0 s2  }
0x293: {  	p0 =	slt.s32 s8, $0x2000000  }
0x294: {  	s14 =	spop (v2sf);
	s8 =	simm.s32 @!p0 $0x2000000  }
0x295: {  	s0 =	sshll.u32 s14, $0xB;
	s15 =	sshll.u32 s8, $0x2  }
0x296: {  	s0 =	sadd.s32 s15, s0  }
0x297: {  	s16 =	rddreg [dreg:$0xf];
	s0 =	sand.u32 $0xFFFFFE00, s0  }
0x298: {  	s0 =	sadd.s32 s0, s16  }
0x299: {  	s0 =	sshrl.u32 s0, $0x3  }
0x29a: {  	s17 =	simm.s32 $0x0;
	s18 =	simm.s32 $0x8C00;
	s0 =	sadd.s32 s9, s0  }
0x29b: {  	[tilespmem:s18], [sflag:$0x6] =	stream.linear.gather [hbm4b:s0+s17], $0x200, $0x38;
	[tilespmem:$0x9180] =	vst v63  }
0x29c: {  	s19 =	sand.u32 $0x1C0, s17;
	v1 =	vld [tilespmem:$0x90B0]  }
0x29d: {  	v2 =	vld [tilespmem:s19+$0x8600]  }
0x29e: {  	s20 =	simm.s32 $0x10  }
0x29f: {  	s0 =	sand.u32 $0x1D0, s20  }
0x2a0: {  	s21 =	simm.s32 $0x0;
	v3 =	vimm.s32 $0x100000;
	v4 =	vld [tilespmem:s0+$0x8600]  }
0x2a1: {  	s22 =	simm.s32 $0x20;
	vm0 =	vlt.s32 v3, s21  }
0x2a2: {  	s0 =	sand.u32 $0x1E0, s22;
	vm15 =	veq.f32 v2, v1;
	v2 =	vnsel vm0, s21, v3  }
0x2a3: {  	s23 =	simm.s32 $0x1;
	v5 =	vld [tilespmem:s0+$0x8600];
	v2 =	vsel vm15, v2, v3  }
0x2a4: {  	s28 =	simm.s32 $0x30;
	vm0 =	vlt.s32 v2, s23  }
0x2a5: {  	s31 =	sand.u32 $0x1F0, s28;
	vm15 =	veq.f32 v4, v1;
	v3 =	vnsel vm0, s23, v2  }
0x2a6: {  	s4 =	simm.s32 $0x2;
	v3 =	vsel vm15, v3, v2;
	v2 =	vld [tilespmem:s31+$0x8600]  }
0x2a7: {  	s0 =	simm.s32 $0x40;
	vm0 =	vlt.s32 v3, s4  }
0x2a8: {  	s1 =	simm.s32 $0x3;
	s2 =	simm.s32 $0x80;
	s3 =	sand.u32 $0x1C0, s0;
	vm15 =	veq.f32 v5, v1;
	v4 =	vnsel vm0, s4, v3  }
.LBB2_18:
0x2a9: {  	p0 =	sne.s32 s2, $0x1C0;
	v5 =	vld [tilespmem:s3+$0x8600];
	v3 =	vsel vm15, v4, v3  }
0x2aa: {  	s3 =	sadd.s32 $0x10, s0;
	vm0 =	vlt.s32 v3, s1  }
0x2ab: {  	s3 =	sand.u32 $0x1D0, s3;
	vm15 =	veq.f32 v2, v1;
	v2 =	vnsel vm0, s1, v3;
	s1 =	sadd.s32 $0x4, s1  }
0x2ac: {  	s4 =	sadd.s32 $0xFFFFFFFD, s1;
	v4 =	vld [tilespmem:s3+$0x8600];
	v2 =	vsel vm15, v2, v3  }
0x2ad: {  	s3 =	sadd.s32 $0x20, s0;
	vm0 =	vlt.s32 v2, s4  }
0x2ae: {  	s3 =	sand.u32 $0x1E0, s3;
	vm15 =	veq.f32 v5, v1;
	v3 =	vnsel vm0, s4, v2  }
0x2af: {  	s4 =	sadd.s32 $0xFFFFFFFE, s1;
	v2 =	vsel vm15, v3, v2;
	v5 =	vld [tilespmem:s3+$0x8600]  }
.Ltmp8:
0x2b0: {  	s3 =	sadd.s32 $0x30, s0;
	s0 =	smov.u32 s2;
	vm0 =	vlt.s32 v2, s4;
	(pc) =	sbr.rel @p0 .LBB2_18-.Ltmp8, $4  }
0x2b1: {  	s3 =	sand.u32 $0x1F0, s3;
	vm15 =	veq.f32 v4, v1;
	v3 =	vnsel vm0, s4, v2  }
0x2b2: {  	s4 =	sadd.s32 $0xFFFFFFFF, s1;
	v3 =	vsel vm15, v3, v2;
	v2 =	vld [tilespmem:s3+$0x8600]  }
0x2b3: {  	vm0 =	vlt.s32 v3, s4  }
0x2b4: {  	s2 =	sadd.s32 $0x40, s2;
	s3 =	sand.u32 $0x1C0, s0;
	vm15 =	veq.f32 v5, v1;
	v4 =	vnsel vm0, s4, v3  }
0x2b5: {  	v5 =	vld [tilespmem:s3+$0x8600];
	v3 =	vsel vm15, v4, v3  }
0x2b6: {  	s2 =	sadd.s32 $0x10, s0;
	vm0 =	vlt.s32 v3, s1  }
0x2b7: {  	s5 =	sadd.s32 $0x4, s1;
	s2 =	sand.u32 $0x1D0, s2;
	v4 =	vnsel vm0, s1, v3;
	vm0 =	veq.f32 v2, v1  }
0x2b8: {  	s7 =	sadd.s32 $0xFFFFFFFD, s5;
	v2 =	vld [tilespmem:s2+$0x8600];
	v3 =	vsel vm0, v4, v3  }
0x2b9: {  	s11 =	sadd.s32 $0x20, s0;
	vm0 =	vlt.s32 v3, s7  }
0x2ba: {  	s2 =	sand.u32 $0x1E0, s11;
	v4 =	vnsel vm0, s7, v3;
	vm0 =	veq.f32 v5, v1  }
0x2bb: {  	s12 =	sadd.s32 $0xFFFFFFFE, s5;
	v61 =	vld [tilespmem:s2+$0x8600];
	v3 =	vsel vm0, v4, v3  }
0x2bc: {  	s13 =	sadd.s32 $0x30, s0;
	vm0 =	vlt.s32 v3, s12  }
0x2bd: {  	s0 =	sand.u32 $0x1F0, s13;
	v62 =	vnsel vm0, s12, v3;
	vm0 =	veq.f32 v2, v1  }
0x2be: {  	s14 =	sadd.s32 $0xFFFFFFFF, s5;
	v2 =	vsel vm0, v62, v3;
	v3 =	vld [tilespmem:s0+$0x8600]  }
0x2bf: {  	vm0 =	vlt.s32 v2, s14  }
0x2c0: {  	v5 =	vnsel vm0, s14, v2;
	vm0 =	veq.f32 v61, v1  }
0x2c1: {  	v63 =	vld [tilespmem:$0x9130];
	v2 =	vsel vm0, v5, v2  }
0x2c2: {  	vm0 =	vlt.s32 v2, s5  }
0x2c3: {  	v5 =	vnsel vm0, s5, v2;
	vm0 =	veq.f32 v3, v1  }
0x2c4: {  	v1 =	vsel vm0, v5, v2  }
0x2c5: {  	v1 =	vshll.u32 v1, $0x4  }
0x2c6: {  	(v2sf) =	vpush v63, $0x0;
	v1 =	vor.u32 v0, v1  }
0x2c7: {  	(v2sf) =	vpush v1, $0x0  }
0x2c8: {  	(v2sf) =	vpush v1, $0x1;
	_ =	sdelay $0x1  }
0x2c9: {  	(v2sf) =	vpush v1, $0x2;
	_ =	sdelay $0x1  }
0x2ca: {  	(v2sf) =	vpush v1, $0x3;
	_ =	sdelay $0x1  }
0x2cb: {  	(v2sf) =	vpush v1, $0x4;
	_ =	sdelay $0x1  }
0x2cc: {  	(v2sf) =	vpush v1, $0x5;
	_ =	sdelay $0x1  }
0x2cd: {  	(v2sf) =	vpush v1, $0x6;
	_ =	sdelay $0x1  }
0x2ce: {  	(v2sf) =	vpush v1, $0x7  }
0x2cf: {  	s15 =	spop (v2sf)  }
0x2d0: {  	s1 =	spop (v2sf);
	(v2sf) =	vpush v1, $0x8  }
0x2d1: {  	s2 =	spop (v2sf)  }
0x2d2: {  	(v2sf) =	vpush v1, $0x9;
	p0 =	slt.s32 s1, s2  }
0x2d3: {  	s2 =	smov.u32 @p0 s1;
	s1 =	spop (v2sf)  }
0x2d4: {  	(v2sf) =	vpush v1, $0xA;
	p0 =	slt.s32 s2, s1  }
0x2d5: {  	s1 =	smov.u32 @p0 s2;
	s2 =	spop (v2sf)  }
0x2d6: {  	(v2sf) =	vpush v1, $0xB;
	p0 =	slt.s32 s1, s2  }
0x2d7: {  	s2 =	smov.u32 @p0 s1;
	s1 =	spop (v2sf)  }
0x2d8: {  	(v2sf) =	vpush v1, $0xC;
	p0 =	slt.s32 s2, s1  }
0x2d9: {  	s1 =	smov.u32 @p0 s2;
	s2 =	spop (v2sf)  }
0x2da: {  	(v2sf) =	vpush v1, $0xD;
	p0 =	slt.s32 s1, s2  }
0x2db: {  	s2 =	smov.u32 @p0 s1;
	s1 =	spop (v2sf)  }
0x2dc: {  	(v2sf) =	vpush v1, $0xE;
	p0 =	slt.s32 s2, s1  }
0x2dd: {  	s1 =	smov.u32 @p0 s2;
	s2 =	spop (v2sf)  }
0x2de: {  	(v2sf) =	vpush v1, $0xF;
	p0 =	slt.s32 s1, s2  }
0x2df: {  	s2 =	smov.u32 @p0 s1;
	s1 =	spop (v2sf)  }
0x2e0: {  	p0 =	slt.s32 s2, s1  }
0x2e1: {  	s1 =	smov.u32 @p0 s2;
	s2 =	spop (v2sf)  }
0x2e2: {  	p0 =	slt.s32 s1, s2  }
0x2e3: {  	s2 =	smov.u32 @p0 s1;
	s1 =	spop (v2sf)  }
0x2e4: {  	p0 =	slt.s32 s2, s1  }
0x2e5: {  	s1 =	smov.u32 @p0 s2;
	s2 =	spop (v2sf)  }
0x2e6: {  	p0 =	slt.s32 s1, s2  }
0x2e7: {  	s2 =	smov.u32 @p0 s1;
	s1 =	spop (v2sf)  }
0x2e8: {  	p0 =	slt.s32 s2, s1  }
0x2e9: {  	s1 =	smov.u32 @p0 s2;
	s2 =	spop (v2sf)  }
0x2ea: {  	p0 =	slt.s32 s1, s2  }
0x2eb: {  	s2 =	smov.u32 @p0 s1;
	s1 =	spop (v2sf)  }
0x2ec: {  	p0 =	slt.s32 s2, s1  }
0x2ed: {  	s13 =	spop (v2sf);
	s1 =	smov.u32 @p0 s2  }
0x2ee: {  	p0 =	slt.s32 s1, s13  }
0x2ef: {  	s13 =	smov.u32 @p0 s1  }
0x2f0: {  	p0 =	slt.s32 s13, $0x2000000  }
0x2f1: {  	s13 =	simm.s32 @!p0 $0x2000000  }
0x2f2: {  	s0 =	sshll.u32 s15, $0xB;
	s16 =	sshll.u32 s13, $0x2  }
0x2f3: {  	s0 =	sadd.s32 s16, s0  }
0x2f4: {  	s17 =	rddreg [dreg:$0x10];
	s0 =	sand.u32 $0xFFFFFE00, s0  }
0x2f5: {  	s0 =	sadd.s32 s0, s17  }
0x2f6: {  	s0 =	sshrl.u32 s0, $0x3  }
0x2f7: {  	s18 =	simm.s32 $0x8E00;
	s19 =	simm.s32 $0x6;
	s0 =	sadd.s32 s9, s0  }
0x2f8: {  	[tilespmem:s18], [sflag:$0x6] =	stream.linear.gather [hbm4b:s0+s10], $0x200, $0x38;
	[tilespmem:$0x9180] =	vst v63  }
0x2f9: {  	_ =	swait.ge [sflag:s19], $0x800  }
0x2fa: {  	[sflag:s19] =	ssyncset.done $0x0  }
0x2fb: {  	s20 =	sand.u32 $0x78, s29;
	[sflag:s19] =	ssyncadd.s32 $0xFFFFF800  }
0x2fc: {  	v1 =	vld [tilespmem:s20+$0x8800];
	_ =	sdelay $0x4  }
0x2fd: {  	(v2sf) =	vpush v1, $0x7  }
0x2fe: {  	(v2sf) =	vpush v1, $0x6  }
0x2ff: {  	(v2sf) =	vpush v1, $0x5  }
0x300: {  	v2 =	vld [tilespmem:s20+$0x8880];
	(v2sf) =	vpush v1, $0x4  }
0x301: {  	(v2sf) =	vpush v1, $0x3  }
0x302: {  	(v2sf) =	vpush v1, $0x2  }
0x303: {  	(v2sf) =	vpush v1, $0x1  }
0x304: {  	(v2sf) =	vpush v1, $0x0  }
0x305: {  	(v2sf) =	vpush v2, $0x7  }
0x306: {  	(v2sf) =	vpush v2, $0x6  }
0x307: {  	(v2sf) =	vpush v2, $0x5  }
0x308: {  	v1 =	vld [tilespmem:s20+$0x8900];
	(v2sf) =	vpush v2, $0x4  }
0x309: {  	(v2sf) =	vpush v2, $0x3  }
0x30a: {  	(v2sf) =	vpush v2, $0x2  }
0x30b: {  	(v2sf) =	vpush v2, $0x1  }
0x30c: {  	s31 =	spop (v2sf);
	(v2sf) =	vpush v2, $0x0  }
0x30d: {  	s15 =	spop (v2sf);
	(v2sf) =	vpush v1, $0x7  }
0x30e: {  	s1 =	spop (v2sf);
	(v2sf) =	vpush v1, $0x6  }
0x30f: {  	s2 =	spop (v2sf);
	(v2sf) =	vpush v1, $0x5  }
0x310: {  	v2 =	vld [tilespmem:s20+$0x8980];
	s4 =	spop (v2sf);
	(v2sf) =	vpush v1, $0x4  }
0x311: {  	s5 =	spop (v2sf);
	(v2sf) =	vpush v1, $0x3  }
0x312: {  	s10 =	spop (v2sf);
	(v2sf) =	vpush v1, $0x2  }
0x313: {  	s12 =	spop (v2sf);
	(v2sf) =	vpush v1, $0x1  }
0x314: {  	s0 =	spop (v2sf);
	(v2sf) =	vpush v1, $0x0  }
0x315: {  	s21 =	sand.u32 $0x7F, s30;
	s16 =	spop (v2sf);
	(v2sf) =	vpush v2, $0x7  }
0x316: {  	s3 =	sor.u32 $0x200, s21;
	s17 =	sand.u32 $0x7, s30;
	s11 =	spop (v2sf);
	(v2sf) =	vpush v2, $0x6  }
0x317: {  	s3 =	ssub.s32 s3, s17;
	s21 =	spop (v2sf);
	(v2sf) =	vpush v2, $0x5  }
0x318: {  	v1 =	vld [tilespmem:s3+$0x8800];
	s18 =	spop (v2sf);
	(v2sf) =	vpush v2, $0x4  }
0x319: {  	s19 =	spop (v2sf);
	(v2sf) =	vpush v2, $0x3  }
0x31a: {  	s7 =	spop (v2sf);
	(v2sf) =	vpush v2, $0x2  }
0x31b: {  	s22 =	spop (v2sf);
	(v2sf) =	vpush v2, $0x1  }
0x31c: {  	s30 =	spop (v2sf);
	(v2sf) =	vpush v2, $0x0  }
0x31d: {  	s28 =	sadd.s32 $0x80, s3;
	s9 =	sand.u32 $0x78, s3;
	s23 =	spop (v2sf);
	(v2sf) =	vpush v1, $0x7  }
0x31e: {  	[smem:$0x7B8] =	sst s7;
	s7 =	sand.u32 $0x780, s28;
	s14 =	spop (v2sf);
	(v2sf) =	vpush v1, $0x6  }
0x31f: {  	s7 =	sor.u32 s9, s7;
	[smem:$0x7BB] =	sst s14;
	(v2sf) =	vpush v1, $0x5;
	s14 =	spop (v2sf)  }
0x320: {  	v2 =	vld [tilespmem:s7+$0x8800];
	(v2sf) =	vpush v1, $0x4;
	s20 =	spop (v2sf)  }
0x321: {  	[smem:$0x7B9] =	sst s22;
	(v2sf) =	vpush v1, $0x3;
	s22 =	spop (v2sf)  }
0x322: {  	[smem:$0x7BA] =	sst s23;
	(v2sf) =	vpush v1, $0x2;
	s23 =	spop (v2sf)  }
0x323: {  	[smem:$0x7BC] =	sst s14;
	(v2sf) =	vpush v1, $0x1;
	s28 =	spop (v2sf)  }
0x324: {  	[smem:$0x7BD] =	sst s20;
	(v2sf) =	vpush v1, $0x0;
	s20 =	spop (v2sf)  }
0x325: {  	[smem:$0x7BE] =	sst s22;
	s22 =	sadd.s32 $0x100, s3;
	(v2sf) =	vpush v2, $0x7;
	s14 =	spop (v2sf)  }
0x326: {  	[smem:$0x7BF] =	sst s23;
	s7 =	sand.u32 $0x780, s22;
	(v2sf) =	vpush v2, $0x6;
	s23 =	spop (v2sf)  }
0x327: {  	[smem:$0x7C0] =	sst s28;
	s7 =	sor.u32 s9, s7;
	(v2sf) =	vpush v2, $0x5;
	s28 =	spop (v2sf)  }
0x328: {  	v1 =	vld [tilespmem:s7+$0x8800];
	[smem:$0x7C1] =	sst s14;
	(v2sf) =	vpush v2, $0x4;
	s22 =	spop (v2sf)  }
0x329: {  	[smem:$0x7C2] =	sst s23;
	(v2sf) =	vpush v2, $0x3;
	s23 =	spop (v2sf)  }
0x32a: {  	[smem:$0x7C3] =	sst s28;
	(v2sf) =	vpush v2, $0x2;
	s28 =	spop (v2sf)  }
0x32b: {  	[smem:$0x7C4] =	sst s22;
	(v2sf) =	vpush v2, $0x1;
	s14 =	spop (v2sf)  }
0x32c: {  	[smem:$0x7C5] =	sst s23;
	(v2sf) =	vpush v2, $0x0;
	s7 =	spop (v2sf)  }
0x32d: {  	[smem:$0x7C6] =	sst s28;
	(v2sf) =	vpush v1, $0x7;
	s22 =	spop (v2sf)  }
0x32e: {  	s3 =	sadd.s32 $0x180, s3;
	[smem:$0x7C7] =	sst s14;
	(v2sf) =	vpush v1, $0x6;
	s23 =	spop (v2sf)  }
0x32f: {  	s3 =	sand.u32 $0x780, s3;
	[smem:$0x7C8] =	sst s22;
	(v2sf) =	vpush v1, $0x5;
	s28 =	spop (v2sf)  }
0x330: {  	s3 =	sor.u32 s9, s3;
	[smem:$0x7C9] =	sst s23;
	(v2sf) =	vpush v1, $0x4;
	s9 =	spop (v2sf)  }
0x331: {  	s23 =	sand.u32 $0x7F, s8;
	[dreg:$0x19] =	wrdreg s28;
	(v2sf) =	vpush v1, $0x3;
	s14 =	spop (v2sf)  }
0x332: {  	v2 =	vld [tilespmem:s3+$0x8800];
	s3 =	sor.u32 $0x400, s23;
	[dreg:$0x18] =	wrdreg s9;
	(v2sf) =	vpush v1, $0x2;
	s28 =	spop (v2sf)  }
0x333: {  	s9 =	sand.u32 $0x7, s29;
	[dreg:$0x16] =	wrdreg s14;
	(v2sf) =	vpush v1, $0x1;
	s14 =	spop (v2sf)  }
0x334: {  	p0 =	seq.s32 s9, $0x6;
	p1 =	seq.s32 s9, $0x5;
	(v2sf) =	vpush v1, $0x0;
	s29 =	spop (v2sf)  }
0x335: {  	p2 =	seq.s32 s9, $0x4;
	p3 =	seq.s32 s9, $0x3;
	s22 =	spop (v2sf)  }
0x336: {  	p4 =	seq.s32 s9, $0x2;
	[dreg:$0x17] =	wrdreg s22;
	s22 =	spop (v2sf)  }
0x337: {  	p5 =	seq.s32 s9, $0x1;
	s31 =	smov.u32 @p0 s15;
	s23 =	spop (v2sf)  }
0x338: {  	s15 =	sand.u32 $0x7, s8;
	s31 =	smov.u32 @p1 s1;
	s8 =	spop (v2sf)  }
0x339: {  	s31 =	smov.u32 @p2 s2;
	[dreg:$0x14] =	wrdreg s8;
	s8 =	spop (v2sf)  }
0x33a: {  	p6 =	seq.s32 s9, $0x0;
	s31 =	smov.u32 @p3 s4;
	s4 =	spop (v2sf)  }
0x33b: {  	s3 =	ssub.s32 s3, s15;
	(v2sf) =	vpush v2, $0x7;
	s31 =	smov.u32 @p4 s5;
	s5 =	spop (v2sf)  }
0x33c: {  	(v2sf) =	vpush v2, $0x6;
	s31 =	smov.u32 @p5 s10;
	[dreg:$0x15] =	wrdreg s8;
	s8 =	spop (v2sf)  }
0x33d: {  	(v2sf) =	vpush v2, $0x5;
	s31 =	smov.u32 @p6 s12;
	s12 =	sadd.s32 $0x80, s3;
	s9 =	spop (v2sf)  }
0x33e: {  	(v2sf) =	vpush v2, $0x4;
	s1 =	sand.u32 $0xF80, s12;
	s12 =	spop (v2sf)  }
0x33f: {  	s0 =	smov.u32 @p0 s16;
	(v2sf) =	vpush v2, $0x3;
	s16 =	spop (v2sf)  }
0x340: {  	s0 =	smov.u32 @p1 s11;
	v1 =	vld [tilespmem:s3+$0x8800];
	s2 =	sand.u32 $0x78, s3;
	(v2sf) =	vpush v2, $0x2;
	s11 =	spop (v2sf)  }
0x341: {  	(v2sf) =	vpush v2, $0x1;
	s1 =	sor.u32 s2, s1;
	[dreg:$0x1c] =	wrdreg s11;
	s11 =	spop (v2sf)  }
0x342: {  	s0 =	smov.u32 @p2 s21;
	(v2sf) =	vpush v2, $0x0;
	v2 =	vld [tilespmem:s1+$0x8800];
	s1 =	sld [smem:$0x7B8];
	s21 =	spop (v2sf)  }
0x343: {  	[dreg:$0x1b] =	wrdreg s16;
	s16 =	spop (v2sf)  }
0x344: {  	[dreg:$0x1a] =	wrdreg s16  }
0x345: {  	s0 =	smov.u32 @p3 s18;
	(v2sf) =	vpush v1, $0x7;
	s16 =	sld [smem:$0x7BA]  }
0x346: {  	s0 =	smov.u32 @p4 s19;
	(v2sf) =	vpush v1, $0x6  }
0x347: {  	(v2sf) =	vpush v1, $0x5;
	s0 =	smov.u32 @p5 s1;
	s1 =	sld [smem:$0x7B9]  }
0x348: {  	(v2sf) =	vpush v1, $0x4;
	s30 =	smov.u32 @p0 s16;
	s16 =	sld [smem:$0x7BB]  }
0x349: {  	s19 =	sadd.s32 $0x100, s3;
	(v2sf) =	vpush v1, $0x3  }
0x34a: {  	(v2sf) =	vpush v1, $0x2;
	s0 =	smov.u32 @p6 s1;
	s1 =	sand.u32 $0xF80, s19  }
0x34b: {  	(v2sf) =	vpush v1, $0x1;
	s1 =	sor.u32 s2, s1;
	s30 =	smov.u32 @p1 s16;
	s16 =	sld [smem:$0x7BC]  }
0x34c: {  	(v2sf) =	vpush v1, $0x0;
	v1 =	vld [tilespmem:s1+$0x8800];
	s1 =	sld [smem:$0x7BD];
	_ =	sdelay $0x1  }
0x34d: {  	s30 =	smov.u32 @p2 s16  }
0x34e: {  	s10 =	spop (v2sf);
	s30 =	smov.u32 @p3 s1;
	s1 =	sld [smem:$0x7BE]  }
0x34f: {  	s18 =	spop (v2sf)  }
0x350: {  	[dreg:$0x1d] =	wrdreg s18  }
0x351: {  	s18 =	spop (v2sf);
	s30 =	smov.u32 @p4 s1;
	s1 =	sld [smem:$0x7BF]  }
0x352: {  	[smem:$0x7CA] =	sst s18;
	s19 =	spop (v2sf)  }
0x353: {  	[smem:$0x7CB] =	sst s19  }
0x354: {  	s16 =	spop (v2sf);
	s30 =	smov.u32 @p5 s1;
	s1 =	sld [smem:$0x7C0]  }
0x355: {  	[smem:$0x7CC] =	sst s16;
	s18 =	spop (v2sf)  }
0x356: {  	(v2sf) =	vpush v2, $0x7;
	[smem:$0x7CD] =	sst s18  }
0x357: {  	(v2sf) =	vpush v2, $0x6;
	s30 =	smov.u32 @p6 s1;
	s1 =	sld [smem:$0x7C1]  }
0x358: {  	(v2sf) =	vpush v2, $0x5;
	s19 =	spop (v2sf);
	s18 =	sadd.s32 $0x180, s3;
	s3 =	sld [smem:$0x7C2]  }
0x359: {  	(v2sf) =	vpush v2, $0x4;
	[dreg:$0x1e] =	wrdreg s19;
	s16 =	spop (v2sf)  }
0x35a: {  	(v2sf) =	vpush v2, $0x3;
	[dreg:$0x1f] =	wrdreg s16;
	s20 =	smov.u32 @p0 s1  }
0x35b: {  	(v2sf) =	vpush v2, $0x2;
	s1 =	sand.u32 $0xF80, s18;
	s20 =	smov.u32 @p1 s3;
	s3 =	sld [smem:$0x7C3]  }
0x35c: {  	(v2sf) =	vpush v2, $0x1;
	s16 =	spop (v2sf);
	s1 =	sor.u32 s2, s1;
	s2 =	sld [smem:$0x7C4]  }
0x35d: {  	(v2sf) =	vpush v2, $0x0;
	s19 =	spop (v2sf);
	v2 =	vld [tilespmem:s1+$0x8800];
	s1 =	sld [smem:$0x7C5]  }
0x35e: {  	[smem:$0x7CE] =	sst s19;
	s18 =	spop (v2sf);
	s20 =	smov.u32 @p2 s3  }
0x35f: {  	[smem:$0x7CF] =	sst s18;
	s20 =	smov.u32 @p3 s2  }
0x360: {  	s19 =	spop (v2sf);
	s20 =	smov.u32 @p4 s1;
	s1 =	sld [smem:$0x7C6]  }
0x361: {  	[smem:$0x7D0] =	sst s19;
	s2 =	spop (v2sf)  }
0x362: {  	[smem:$0x7D1] =	sst s2  }
0x363: {  	s3 =	spop (v2sf);
	s20 =	smov.u32 @p5 s1;
	s1 =	sld [smem:$0x7C7]  }
0x364: {  	[smem:$0x7D2] =	sst s3;
	s18 =	spop (v2sf)  }
0x365: {  	(v2sf) =	vpush v1, $0x7;
	[smem:$0x7D3] =	sst s18;
	s19 =	spop (v2sf)  }
0x366: {  	(v2sf) =	vpush v1, $0x6;
	s18 =	spop (v2sf);
	s20 =	smov.u32 @p6 s1;
	s1 =	sld [smem:$0x7C8]  }
0x367: {  	(v2sf) =	vpush v1, $0x5;
	[smem:$0x7D4] =	sst s19;
	s2 =	spop (v2sf)  }
0x368: {  	p0 =	seq.s32 s17, $0x6;
	(v2sf) =	vpush v1, $0x4;
	[smem:$0x7D5] =	sst s2  }
0x369: {  	(v2sf) =	vpush v1, $0x3;
	s3 =	sand.u32 $0x7F, s13;
	s7 =	smov.u32 @p0 s1;
	s1 =	sld [smem:$0x7C9]  }
0x36a: {  	(v2sf) =	vpush v1, $0x2;
	s19 =	sand.u32 $0x7, s13;
	s13 =	spop (v2sf);
	s2 =	rddreg [dreg:$0x19]  }
0x36b: {  	p1 =	seq.s32 s17, $0x5;
	(v2sf) =	vpush v1, $0x1;
	[smem:$0x7D6] =	sst s13  }
0x36c: {  	(v2sf) =	vpush v1, $0x0;
	s7 =	smov.u32 @p1 s1;
	s1 =	sor.u32 $0x600, s3;
	s3 =	spop (v2sf)  }
0x36d: {  	p2 =	seq.s32 s17, $0x4;
	p3 =	seq.s32 s17, $0x3;
	[smem:$0x7D7] =	sst s3  }
0x36e: {  	s7 =	smov.u32 @p2 s2;
	s13 =	spop (v2sf);
	s2 =	rddreg [dreg:$0x18]  }
0x36f: {  	p4 =	seq.s32 s17, $0x2;
	p5 =	seq.s32 s17, $0x1;
	[smem:$0x7D8] =	sst s13  }
0x370: {  	s7 =	smov.u32 @p3 s2;
	s3 =	spop (v2sf);
	s2 =	rddreg [dreg:$0x16]  }
0x371: {  	(v2sf) =	vpush v2, $0x7;
	p6 =	seq.s32 s17, $0x0;
	s1 =	ssub.s32 s1, s19;
	[smem:$0x7D9] =	sst s3  }
0x372: {  	(v2sf) =	vpush v2, $0x6;
	s7 =	smov.u32 @p4 s2;
	s13 =	spop (v2sf);
	s2 =	rddreg [dreg:$0x17]  }
0x373: {  	(v2sf) =	vpush v2, $0x5;
	s3 =	sadd.s32 $0x80, s1;
	[smem:$0x7DA] =	sst s13;
	s17 =	spop (v2sf)  }
0x374: {  	(v2sf) =	vpush v2, $0x4;
	s7 =	smov.u32 @p5 s28;
	s29 =	smov.u32 @p0 s2;
	s13 =	spop (v2sf)  }
0x375: {  	(v2sf) =	vpush v2, $0x3;
	v1 =	vld [tilespmem:s1+$0x8800];
	s2 =	sand.u32 $0xF80, s3;
	s3 =	sand.u32 $0x78, s1;
	s28 =	spop (v2sf)  }
0x376: {  	(v2sf) =	vpush v2, $0x2;
	[smem:$0x7DB] =	sst s17;
	s7 =	smov.u32 @p6 s14;
	s14 =	spop (v2sf)  }
0x377: {  	(v2sf) =	vpush v2, $0x1;
	s29 =	smov.u32 @p1 s22;
	s2 =	sor.u32 s3, s2;
	s22 =	spop (v2sf)  }
0x378: {  	(v2sf) =	vpush v2, $0x0;
	s29 =	smov.u32 @p2 s23;
	v2 =	vld [tilespmem:s2+$0x8800];
	s2 =	rddreg [dreg:$0x14];
	s17 =	spop (v2sf)  }
0x379: {  	s29 =	smov.u32 @p3 s2;
	s2 =	rddreg [dreg:$0x15];
	s23 =	spop (v2sf)  }
0x37a: {  	(v2sf) =	vpush v1, $0x7;
	[smem:$0x7DC] =	sst s28;
	s29 =	smov.u32 @p4 s2;
	s28 =	spop (v2sf)  }
0x37b: {  	(v2sf) =	vpush v1, $0x6;
	s29 =	smov.u32 @p5 s4;
	[smem:$0x7DF] =	sst s23;
	s4 =	spop (v2sf)  }
0x37c: {  	s8 =	smov.u32 @p0 s9;
	(v2sf) =	vpush v1, $0x5;
	[smem:$0x7E1] =	sst s4  }
0x37d: {  	s8 =	smov.u32 @p1 s12;
	(v2sf) =	vpush v1, $0x4;
	s4 =	rddreg [dreg:$0x1b]  }
0x37e: {  	(v2sf) =	vpush v1, $0x3;
	s23 =	sadd.s32 $0x100, s1;
	s8 =	smov.u32 @p2 s4;
	s4 =	rddreg [dreg:$0x1c]  }
0x37f: {  	(v2sf) =	vpush v1, $0x2;
	s2 =	sand.u32 $0xF80, s23;
	s8 =	smov.u32 @p3 s4  }
0x380: {  	(v2sf) =	vpush v1, $0x1;
	s2 =	sor.u32 s3, s2;
	s8 =	smov.u32 @p4 s11  }
0x381: {  	(v2sf) =	vpush v1, $0x0;
	v1 =	vld [tilespmem:s2+$0x8800];
	s2 =	rddreg [dreg:$0x1a];
	s8 =	smov.u32 @p5 s21  }
0x382: {  	s8 =	smov.u32 @p6 s2;
	s2 =	rddreg [dreg:$0x1d]  }
0x383: {  	s10 =	smov.u32 @p0 s2;
	s2 =	sld [smem:$0x7CA];
	_ =	sdelay $0x2  }
0x384: {  	s10 =	smov.u32 @p1 s2;
	s2 =	sld [smem:$0x7CB]  }
0x385: {  	[smem:$0x7DD] =	sst s14  }
0x386: {  	[smem:$0x7DE] =	sst s17;
	s17 =	spop (v2sf);
	(v2sf) =	vpush v2, $0x7  }
0x387: {  	s14 =	spop (v2sf);
	(v2sf) =	vpush v2, $0x6;
	s10 =	smov.u32 @p2 s2;
	s2 =	sld [smem:$0x7CC]  }
0x388: {  	[smem:$0x7E0] =	sst s28;
	s28 =	spop (v2sf);
	(v2sf) =	vpush v2, $0x5  }
0x389: {  	s29 =	smov.u32 @p6 s5;
	s1 =	sadd.s32 $0x180, s1;
	s5 =	spop (v2sf);
	(v2sf) =	vpush v2, $0x4  }
0x38a: {  	s9 =	spop (v2sf);
	(v2sf) =	vpush v2, $0x3;
	s10 =	smov.u32 @p3 s2;
	s2 =	sld [smem:$0x7CD]  }
0x38b: {  	s1 =	sand.u32 $0xF80, s1;
	s11 =	spop (v2sf);
	(v2sf) =	vpush v2, $0x2  }
0x38c: {  	s1 =	sor.u32 s3, s1;
	[smem:$0x7E2] =	sst s14;
	s12 =	spop (v2sf);
	(v2sf) =	vpush v2, $0x1  }
0x38d: {  	s14 =	spop (v2sf);
	(v2sf) =	vpush v2, $0x0;
	v2 =	vld [tilespmem:s1+$0x8800];
	s1 =	rddreg [dreg:$0x1e];
	s10 =	smov.u32 @p4 s2  }
0x38e: {  	s10 =	smov.u32 @p5 s1;
	s1 =	rddreg [dreg:$0x1f]  }
0x38f: {  	s10 =	smov.u32 @p6 s1;
	s1 =	sld [smem:$0x7CE];
	_ =	sdelay $0x1  }
0x390: {  	p1 =	seq.s32 s15, $0x6  }
0x391: {  	s16 =	smov.u32 @p1 s1;
	s1 =	sld [smem:$0x7CF];
	_ =	sdelay $0x1  }
0x392: {  	[smem:$0x7E5] =	sst s28;
	p2 =	seq.s32 s15, $0x5  }
0x393: {  	s16 =	smov.u32 @p2 s1;
	s1 =	sld [smem:$0x7D0]  }
0x394: {  	[smem:$0x7E8] =	sst s5  }
0x395: {  	[smem:$0x7EB] =	sst s9;
	p3 =	seq.s32 s15, $0x4  }
0x396: {  	s16 =	smov.u32 @p3 s1;
	s1 =	sld [smem:$0x7D1]  }
0x397: {  	[smem:$0x7EE] =	sst s11  }
0x398: {  	[smem:$0x7F1] =	sst s12;
	p4 =	seq.s32 s15, $0x3  }
0x399: {  	s12 =	spop (v2sf);
	s16 =	smov.u32 @p4 s1;
	s1 =	sld [smem:$0x7D2]  }
0x39a: {  	[smem:$0x7F4] =	sst s14;
	s21 =	spop (v2sf)  }
0x39b: {  	[smem:$0x7E7] =	sst s21;
	p5 =	seq.s32 s15, $0x2  }
0x39c: {  	s23 =	spop (v2sf);
	s16 =	smov.u32 @p5 s1;
	s1 =	sld [smem:$0x7D3]  }
0x39d: {  	[smem:$0x7EA] =	sst s23;
	s28 =	spop (v2sf)  }
0x39e: {  	[smem:$0x7ED] =	sst s28;
	p6 =	seq.s32 s15, $0x1  }
0x39f: {  	s2 =	spop (v2sf);
	s16 =	smov.u32 @p6 s1;
	s1 =	simm.s32 @!p6 $0x0  }
0x3a0: {  	[smem:$0x7F0] =	sst s2;
	s1 =	simm.s32 @p6 $0x1  }
0x3a1: {  	[smem:$0x7F2] =	sst s1  }
0x3a2: {  	s3 =	spop (v2sf);
	s1 =	sld [smem:$0x7D4]  }
0x3a3: {  	p0 =	seq.s32 s15, $0x0;
	s2 =	simm.s32 @!p1 $0x0;
	[smem:$0x7F3] =	sst s3  }
0x3a4: {  	s4 =	spop (v2sf);
	s2 =	simm.s32 @p1 $0x1;
	s3 =	sld [smem:$0x7DC]  }
0x3a5: {  	[smem:$0x7F6] =	sst s4;
	s16 =	smov.u32 @p0 s1;
	s1 =	simm.s32 @!p0 $0x0  }
0x3a6: {  	[smem:$0x7E4] =	sst s2;
	s1 =	simm.s32 @p0 $0x1  }
0x3a7: {  	[smem:$0x7F5] =	sst s1  }
0x3a8: {  	(v2sf) =	vpush v1, $0x7;
	s2 =	simm.s32 @!p2 $0x0;
	s1 =	sld [smem:$0x7D5]  }
0x3a9: {  	(v2sf) =	vpush v1, $0x6;
	s5 =	spop (v2sf);
	s4 =	sld [smem:$0x7DD];
	s2 =	simm.s32 @p2 $0x1  }
0x3aa: {  	(v2sf) =	vpush v1, $0x5;
	s21 =	spop (v2sf);
	[smem:$0x7E6] =	sst s2  }
0x3ab: {  	(v2sf) =	vpush v1, $0x4;
	s9 =	spop (v2sf);
	s18 =	smov.u32 @p1 s1;
	s1 =	sld [smem:$0x7D6]  }
0x3ac: {  	(v2sf) =	vpush v1, $0x3;
	[smem:$0x7F8] =	sst s9  }
0x3ad: {  	(v2sf) =	vpush v1, $0x2;
	s2 =	simm.s32 @!p3 $0x0;
	s9 =	sld [smem:$0x7DE]  }
0x3ae: {  	(v2sf) =	vpush v1, $0x1;
	s11 =	spop (v2sf);
	s18 =	smov.u32 @p2 s1;
	s1 =	sld [smem:$0x7D7]  }
0x3af: {  	(v2sf) =	vpush v1, $0x0;
	s2 =	simm.s32 @p3 $0x1;
	[smem:$0x7FA] =	sst s11  }
0x3b0: {  	(v2sf) =	vpush v2, $0x7;
	s14 =	spop (v2sf);
	[smem:$0x7E9] =	sst s2  }
0x3b1: {  	(v2sf) =	vpush v2, $0x6;
	s2 =	simm.s32 @!p4 $0x0;
	s18 =	smov.u32 @p3 s1;
	s1 =	sld [smem:$0x7D8]  }
0x3b2: {  	(v2sf) =	vpush v2, $0x5;
	[smem:$0x7FB] =	sst s14;
	s14 =	spop (v2sf);
	s2 =	simm.s32 @p4 $0x1  }
0x3b3: {  	(v2sf) =	vpush v2, $0x4;
	s23 =	spop (v2sf);
	[smem:$0x7EC] =	sst s2;
	s2 =	simm.s32 @!p5 $0x0  }
0x3b4: {  	(v2sf) =	vpush v2, $0x3;
	s28 =	spop (v2sf);
	s18 =	smov.u32 @p4 s1;
	s1 =	sld [smem:$0x7D9]  }
0x3b5: {  	(v2sf) =	vpush v2, $0x2;
	s2 =	simm.s32 @p5 $0x1;
	[smem:$0x7FD] =	sst s28  }
0x3b6: {  	s13 =	smov.u32 @p1 s3;
	(v2sf) =	vpush v2, $0x1;
	s11 =	spop (v2sf);
	[smem:$0x7EF] =	sst s2  }
0x3b7: {  	(v2sf) =	vpush v2, $0x0;
	s15 =	spop (v2sf);
	s18 =	smov.u32 @p5 s1;
	s1 =	sld [smem:$0x7DA]  }
0x3b8: {  	s13 =	smov.u32 @p2 s4;
	s2 =	sld [smem:$0x7DB];
	s28 =	spop (v2sf)  }
0x3b9: {  	s13 =	smov.u32 @p3 s22;
	[smem:$0x7FC] =	sst s23;
	s23 =	spop (v2sf)  }
0x3ba: {  	s13 =	smov.u32 @p4 s9;
	s18 =	smov.u32 @p6 s1;
	s1 =	spop (v2sf)  }
0x3bb: {  	s9 =	sld [smem:$0x7DF];
	s18 =	smov.u32 @p0 s2;
	s2 =	spop (v2sf)  }
0x3bc: {  	s3 =	spop (v2sf)  }
0x3bd: {  	[smem:$0x7F7] =	sst s5;
	p0 =	seq.s32 s19, $0x6;
	s5 =	spop (v2sf)  }
0x3be: {  	s13 =	smov.u32 @p5 s9;
	s9 =	simm.s32 @!p0 $0x0;
	s4 =	spop (v2sf)  }
0x3bf: {  	p1 =	seq.s32 s19, $0x5;
	s9 =	simm.s32 @p0 $0x1;
	s22 =	spop (v2sf)  }
0x3c0: {  	p2 =	seq.s32 s19, $0x4;
	[smem:$0x7F9] =	sst s9;
	s9 =	spop (v2sf)  }
0x3c1: {  	p3 =	seq.s32 s19, $0x3;
	s22 =	smov.u32 @p0 s9;
	s9 =	spop (v2sf)  }
0x3c2: {  	p4 =	seq.s32 s19, $0x2;
	s22 =	smov.u32 @p1 s9;
	s9 =	spop (v2sf)  }
0x3c3: {  	p5 =	seq.s32 s19, $0x1;
	s22 =	smov.u32 @p2 s9;
	s9 =	spop (v2sf)  }
0x3c4: {  	p6 =	seq.s32 s19, $0x0;
	s22 =	smov.u32 @p3 s9;
	s9 =	spop (v2sf)  }
0x3c5: {  	s19 =	sld [smem:$0x7E0];
	s22 =	smov.u32 @p4 s9;
	s9 =	spop (v2sf)  }
0x3c6: {  	s22 =	smov.u32 @p5 s9;
	s9 =	spop (v2sf);
	[smem:$0x7E3] =	sst s0  }
0x3c7: {  	s0 =	sld [smem:$0x7F2];
	_ =	sdelay $0x2  }
0x3c8: {  	p0 =	seq.s32 s0, $0x1;
	s0 =	sld [smem:$0x7E3]  }
0x3c9: {  	s22 =	smov.u32 @p6 s9;
	s9 =	rddreg [dreg:$0x1]  }
0x3ca: {  	s13 =	smov.u32 @p0 s19;
	s19 =	sld [smem:$0x7E1]  }
0x3cb: {  	[smem:$0x7E3] =	sst s0  }
0x3cc: {  	s0 =	sld [smem:$0x7F5];
	_ =	sdelay $0x2  }
0x3cd: {  	p0 =	seq.s32 s0, $0x1;
	s0 =	sld [smem:$0x7E3];
	_ =	sdelay $0x1  }
0x3ce: {  	s13 =	smov.u32 @p0 s19;
	s19 =	sld [smem:$0x7E2]  }
0x3cf: {  	[smem:$0x7E3] =	sst s0  }
0x3d0: {  	s0 =	sld [smem:$0x7E4];
	_ =	sdelay $0x2  }
0x3d1: {  	p0 =	seq.s32 s0, $0x1;
	s0 =	sld [smem:$0x7E3]  }
0x3d2: {  	v1 =	vmov s22;
	s22 =	sld [smem:$0x7E6]  }
0x3d3: {  	s17 =	smov.u32 @p0 s19;
	s19 =	sld [smem:$0x7E5];
	_ =	sdelay $0x1  }
0x3d4: {  	p0 =	seq.s32 s22, $0x1;
	s22 =	sld [smem:$0x7F9]  }
0x3d5: {  	vm0 =	vcmask $0x300;
	s17 =	smov.u32 @p0 s19;
	s19 =	sld [smem:$0x7E7]  }
0x3d6: {  	v1 =	vsel vm0, s31, v1;
	s31 =	sld [smem:$0x7E9]  }
0x3d7: {  	p0 =	seq.s32 s22, $0x1;
	s22 =	sld [smem:$0x7EC]  }
0x3d8: {  	s12 =	smov.u32 @p0 s19;
	s19 =	sld [smem:$0x7E8]  }
0x3d9: {  	v1 =	vsel vm1, s0, v1;
	s0 =	sld [smem:$0x7EB]  }
0x3da: {  	p0 =	seq.s32 s31, $0x1  }
0x3db: {  	s17 =	smov.u32 @p0 s19;
	s19 =	sld [smem:$0x7EA];
	p0 =	seq.s32 s22, $0x1  }
0x3dc: {  	s17 =	smov.u32 @p0 s0;
	s0 =	sld [smem:$0x7ED];
	_ =	sdelay $0x1  }
0x3dd: {  	v1 =	vsel vm2, s30, v1;
	s30 =	sld [smem:$0x7EF];
	s12 =	smov.u32 @p1 s19  }
0x3de: {  	s12 =	smov.u32 @p2 s0;
	s0 =	sld [smem:$0x7EE];
	_ =	sdelay $0x1  }
0x3df: {  	p0 =	seq.s32 s30, $0x1  }
0x3e0: {  	s17 =	smov.u32 @p0 s0;
	s0 =	sld [smem:$0x7F0];
	_ =	sdelay $0x1  }
0x3e1: {  	s31 =	sld [smem:$0x7F2]  }
0x3e2: {  	s12 =	smov.u32 @p3 s0;
	s0 =	sld [smem:$0x7F1];
	_ =	sdelay $0x1  }
0x3e3: {  	p0 =	seq.s32 s31, $0x1  }
0x3e4: {  	s17 =	smov.u32 @p0 s0;
	s0 =	sld [smem:$0x7F3];
	_ =	sdelay $0x1  }
0x3e5: {  	v1 =	vsel vm3, s20, v1;
	s20 =	sld [smem:$0x7F5]  }
0x3e6: {  	s12 =	smov.u32 @p4 s0;
	s0 =	sld [smem:$0x7F4];
	_ =	sdelay $0x1  }
0x3e7: {  	p0 =	seq.s32 s20, $0x1  }
0x3e8: {  	s17 =	smov.u32 @p0 s0;
	s0 =	sld [smem:$0x7F6];
	_ =	sdelay $0x2  }
0x3e9: {  	s12 =	smov.u32 @p5 s0;
	s0 =	sld [smem:$0x7F7];
	_ =	sdelay $0x1  }
0x3ea: {  	s22 =	sld [smem:$0x7F9]  }
0x3eb: {  	s12 =	smov.u32 @p6 s0;
	s0 =	sld [smem:$0x7F8];
	_ =	sdelay $0x1  }
0x3ec: {  	p0 =	seq.s32 s22, $0x1  }
0x3ed: {  	s21 =	smov.u32 @p0 s0;
	s0 =	sld [smem:$0x7FA];
	_ =	sdelay $0x2  }
0x3ee: {  	s21 =	smov.u32 @p1 s0;
	s0 =	sld [smem:$0x7FB];
	_ =	sdelay $0x1  }
0x3ef: {  	v1 =	vsel vm4, s7, v1  }
0x3f0: {  	v1 =	vsel vm5, s29, v1;
	s21 =	smov.u32 @p2 s0;
	s0 =	sld [smem:$0x7FC]  }
0x3f1: {  	v1 =	vsel vm6, s8, v1  }
0x3f2: {  	v1 =	vsel vm7, s10, v1;
	s15 =	smov.u32 @p0 s28;
	s21 =	smov.u32 @p3 s14  }
0x3f3: {  	v1 =	vsel vm8, s16, v1;
	s15 =	smov.u32 @p1 s23;
	s21 =	smov.u32 @p4 s0;
	s0 =	sld [smem:$0x7FD]  }
0x3f4: {  	v1 =	vsel vm9, s18, v1;
	s15 =	smov.u32 @p2 s1  }
0x3f5: {  	v1 =	vsel vm10, s13, v1;
	s15 =	smov.u32 @p3 s2  }
0x3f6: {  	v1 =	vsel vm11, s17, v1;
	s15 =	smov.u32 @p4 s3;
	s21 =	smov.u32 @p5 s0  }
0x3f7: {  	s15 =	smov.u32 @p5 s5;
	v1 =	vsel vm12, s12, v1;
	s21 =	smov.u32 @p6 s11  }
0x3f8: {  	s15 =	smov.u32 @p6 s4;
	v1 =	vsel vm13, s21, v1  }
0x3f9: {  	s29 =	simm.s32 $0x7;
	v1 =	vsel vm14, s15, v1  }
0x3fa: {  	s10 =	simm.s32 $0x0;
	s28 =	simm.s32 $0x9000;
	s23 =	rddreg [dreg:$0x11];
	[tilespmem:$0x9000] =	vst v1  }
0x3fb: {  	[hbm4b:s23+s10] =	stream.linear.scatter [tilespmem:s28], [sflag:$0x7], $0x10, $0x38;
	[tilespmem:$0x9180] =	vst v63  }
0x3fc: {  	_ =	swait.ge [sflag:s29], $0x10  }
0x3fd: {  	s30 =	rddreg [dreg:$0x13]  }
0x3fe: {  	s31 =	rddreg [dreg:$0x12];
	s2 =	sadd.s32 $0x1, s30  }
0x3ff: {  	s4 =	rddreg [dreg:$0x4];
	p0 =	sne.s32 s2, s31  }
.Ltmp9:
0x400: {  	s8 =	rddreg [dreg:$0x5];
	(pc) =	sbr.rel @p0 .LBB2_1-.Ltmp9, $4  }
0x401: {  	s11 =	rddreg [dreg:$0x8]  }
0x402: {  	[sflag:s29] =	ssyncset.done $0x0;
	s12 =	rddreg [dreg:$0xa]  }
0x403: {  	s13 =	rddreg [dreg:$0xd];
	[sflag:s29] =	ssyncadd.s32 $0xFFFFFFF0  }
0x404: {  	s5 =	rddreg [dreg:$0x0]  }
0x405: {  	_ =	sfence.sel $0x180000  }
0x406: {  	[bflag:$0x0] =	sbarrier.arrive $0xFFFF  }
0x407: {  	_ =	strace $0x90000047  }
0x408: {  	s0 =	stileid.u32;
	[bflag:$0x2] =	sbarrier.arrive $0xFFFF  }
0x409: {  	p0 =	sne.s32 s0, $0x0;
	s0 =	rddreg [dreg:$0x3]  }
0x40a: {  	s0 =	sadd.s32 @!p0 $0x100000, s0  }
0x40b: {  	[sflag:s0] =	ssyncadd.tile.s32 @!p0 $0x1;
	_ =	shalt  }
.Lfunc_end2:
_tile_overlayer_lowered:
.L_overlay_start_2:
0x40c: {  	(tag) =	ssettag $0x2  }
0x40d: {  	s0 =	rddreg [dreg:$0x0];
	s2 =	stileid.u32  }
0x40e: {  	s1 =	rddreg [dreg:$0x1];
	p0 =	sne.s32 s2, $0x0  }
0x40f: {  	s3 =	rddreg [dreg:$0x2];
	[bflag:$0x3] =	sbarrier.arrive $0xFFFF;
	s2 =	simm.s32 @!p0 $0x1C07  }
0x410: {  	[timem:s3], [sflag:s2] =	dma.local @!p0 [hbm:s0], s1  }
0x411: {  	s0 =	simm.s32 @!p0 $0x7  }
0x412: {  	_ =	swait.ge @!p0 [sflag:s0], s1  }
0x413: {  	s1 =	ssub.s32 @!p0 $0x0, s1;
	[sflag:s0] =	ssyncset.done @!p0 $0x0  }
0x414: {  	[sflag:s0] =	ssyncadd.s32 @!p0 s1  }
0x415: {  	[bflag:$0x3] =	sbarrier.arrive $0xFFFF  }
0x416: {  	_ =	shalt  }

</sc_bundles>
